<compile_context>
chip_gen: v7x
topology: tpu7x:2x2x1
jax: 0.10.2.dev20260603
libtpu: 0.0.44.dev20260713+nightly
codegen_flags: <defaults>
</compile_context>

<pallas_src>
import functools

import jax
import jax.numpy as jnp
from jax import lax
from jax.experimental import pallas as pl
from jax.experimental.pallas import tpu as pltpu
from jax.experimental.pallas import tpu_sc as plsc

N, D, G = 10000, 128, 16
NC, NS = 2, 16
NW = NC * NS
CHUNK = -(-N // NW // 16) * 16
LASTC = N - (NW - 1) * CHUNK
NGRP = CHUNK // 16
LGRP = LASTC // 16
NJ = D // 16


def _sc_partial_segsum(xf, ids):
    mesh = plsc.VectorSubcoreMesh(core_axis_name="c", subcore_axis_name="s",
                                  num_cores=NC, num_subcores=NS)

    @functools.partial(
        pl.kernel,
        out_type=(
            jax.ShapeDtypeStruct((NW, G * D), jnp.float32),
            jax.ShapeDtypeStruct((NW, G), jnp.float32),
        ),
        mesh=mesh,
        scratch_types=[
            pltpu.VMEM((CHUNK * D,), jnp.float32),
            pltpu.VMEM((CHUNK,), jnp.int32),
            pltpu.VMEM((G * D,), jnp.float32),
            pltpu.VMEM((G,), jnp.float32),
        ],
    )
    def k(x_hbm, ids_hbm, pacc_hbm, pcnt_hbm, x_v, ids_v, acc_v, cnt_v):
        wid = lax.axis_index("s") * NC + lax.axis_index("c")
        base = wid * CHUNK
        is_last = wid == NW - 1

        PIECE = 320 * D

        @pl.when(jnp.logical_not(is_last))
        def _():
            for p in range(0, CHUNK * D, PIECE):
                sz = min(PIECE, CHUNK * D - p)
                pltpu.sync_copy(x_hbm.at[pl.ds(base * D + p, sz)],
                                x_v.at[pl.ds(p, sz)])
            pltpu.sync_copy(ids_hbm.at[pl.ds(base, CHUNK)],
                            ids_v.at[pl.ds(0, CHUNK)])

        @pl.when(is_last)
        def _():
            for p in range(0, LASTC * D, PIECE):
                sz = min(PIECE, LASTC * D - p)
                pltpu.sync_copy(x_hbm.at[pl.ds((NW - 1) * CHUNK * D + p, sz)],
                                x_v.at[pl.ds(p, sz)])
            pltpu.sync_copy(ids_hbm.at[pl.ds((NW - 1) * CHUNK, LASTC)],
                            ids_v.at[pl.ds(0, LASTC)])

        zero16 = jnp.zeros((16,), jnp.float32)
        for s in range(G * NJ):
            acc_v[pl.ds(16 * s, 16)] = zero16

        ngroups = jnp.where(is_last, LGRP, NGRP)
        lane = lax.iota(jnp.int32, 16)

        def body(g, cntvec):
            idvec = ids_v[pl.ds(16 * g, 16)]
            rowbase = g * (16 * D)
            for l in range(16):
                sid = idvec[l]
                for j in range(NJ):
                    plsc.addupdate(acc_v.at[pl.ds(sid * D + 16 * j, 16)],
                                   x_v[pl.ds(rowbase + l * D + 16 * j, 16)])
                cntvec = cntvec + jnp.where(lane == sid, 1.0, 0.0)
            return cntvec

        cnt_v[...] = lax.fori_loop(0, ngroups, body, zero16)

        pltpu.sync_copy(acc_v, pacc_hbm.at[wid])
        pltpu.sync_copy(cnt_v, pcnt_hbm.at[wid])

    return k(xf, ids)


def _tc_finalize(pacc, pcnt, Wc, bc):
    def k(pacc_ref, pcnt_ref, wc_ref, bc_ref, o_ref):
        acc = pacc_ref[0]
        for i in range(1, NW):
            acc = acc + pacc_ref[i]
        ones = jnp.ones((NW, 1), jnp.float32)
        cnt = lax.dot_general(pcnt_ref[...], ones,
                              (((0,), (0,)), ((), ())),
                              preferred_element_type=jnp.float32)
        pooled = acc / jnp.maximum(cnt, 1.0)
        out = jnp.dot(pooled, wc_ref[...],
                      preferred_element_type=jnp.float32)
        o_ref[...] = out + bc_ref[...]

    return pl.pallas_call(
        k,
        out_shape=jax.ShapeDtypeStruct((G, Wc.shape[1]), jnp.float32),
    )(pacc, pcnt, Wc, bc)


def kernel(x, edge_index, edge_attr, batch_size, W1, b1, W2, b2, Wc, bc):
    pacc, pcnt = _sc_partial_segsum(x.reshape(-1), batch_size)
    pacc = pacc.reshape(NW, G, D)
    return _tc_finalize(pacc, pcnt, Wc, bc.reshape(1, -1))

# --- scband reference (transcript-rebuilt; emitter-appended) ---
"""Pipeline reference for scband-mo-gnn-26036091748364 (READ-ONLY COPY).

The authoritative reference and input builder live on the scoring server;
editing this copy changes nothing except your own understanding.
"""

import jax, jax.numpy as jnp
import numpy as np

N, E, D, DE, G = 10000, 320000, 128, 7, 16

def setup_inputs(seed: int = 0) -> dict:
    key = jax.random.key(seed)
    ks = jax.random.split(key, 10)
    x = jax.random.normal(ks[0], (N, D), dtype=jnp.float32)
    edge_index = jax.random.randint(ks[1], (2, E), 0, N, dtype=jnp.int32)
    edge_attr = jax.random.normal(ks[2], (E, DE), dtype=jnp.float32)
    batch_size = jnp.sort(jax.random.randint(ks[3], (N,), 0, G, dtype=jnp.int32))
    # MoConv1: Linear(D+7 -> D); MoConv2: Linear(D -> D); classifier: Linear(D -> 7)
    W1 = jax.random.normal(ks[4], (D + DE, D), dtype=jnp.float32) * (1.0 / np.sqrt(D + DE))
    b1 = jnp.zeros((D,), dtype=jnp.float32)
    W2 = jax.random.normal(ks[5], (D, D), dtype=jnp.float32) * (1.0 / np.sqrt(D))
    b2 = jnp.zeros((D,), dtype=jnp.float32)
    Wc = jax.random.normal(ks[6], (D, 7), dtype=jnp.float32) * (1.0 / np.sqrt(D))
    bc = jnp.zeros((7,), dtype=jnp.float32)
    return {"x": x, "edge_index": edge_index, "edge_attr": edge_attr,
            "batch_size": batch_size, "W1": W1, "b1": b1, "W2": W2, "b2": b2,
            "Wc": Wc, "bc": bc}

def _segment_mean(vals, ids, num_segments):
    s = jax.ops.segment_sum(vals, ids, num_segments=num_segments)
    c = jax.ops.segment_sum(jnp.ones((vals.shape[0], 1), vals.dtype), ids, num_segments=num_segments)
    return s / jnp.maximum(c, 1.0)

def reference(x, edge_index, edge_attr, batch_size, W1, b1, W2, b2, Wc, bc):
    src = edge_index[0]
    dst = edge_index[1]
    # conv1: message = Linear([x_src || edge_attr]), mean-aggregate at dst
    m1 = jnp.concatenate([x[src], edge_attr], axis=1) @ W1 + b1
    h = jax.nn.relu(_segment_mean(m1, dst, N))
    # conv2 (note: original code re-uses x, discarding conv1 output)
    m2 = x[src] @ W2 + b2
    h = jax.nn.relu(_segment_mean(m2, dst, N))
    # global mean pool over batch assignment, then classifier (dropout is identity in eval)
    pooled = _segment_mean(x, batch_size, G)
    out = pooled @ Wc + bc
    return out

if __name__ == "__main__":
    import jax
    _d = setup_inputs()
    print(jax.jit(kernel)(*tuple(_d.values())))

</pallas_src>

<mosaic_0001>
#map = affine_map<(d0, d1) -> (0)>
#map1 = affine_map<(d0, d1) -> (0, 0)>
module attributes {stable_mosaic.version = 14 : i64} {
  func.func @k(%arg0: i32, %arg1: i32, %arg2: memref<1280000xf32, #tpu.memory_space<hbm>>, %arg3: memref<10000xi32, #tpu.memory_space<hbm>>, %arg4: memref<32x2048xf32, #tpu.memory_space<hbm>>, %arg5: memref<32x16xf32, #tpu.memory_space<hbm>>, %arg6: memref<40960xf32, #tpu.memory_space<vmem>>, %arg7: memref<320xi32, #tpu.memory_space<vmem>>, %arg8: memref<2048xf32, #tpu.memory_space<vmem>>, %arg9: memref<16xf32, #tpu.memory_space<vmem>>) attributes {dimension_semantics = [#tpu.dimension_semantics<core_parallel>, #tpu.dimension_semantics<subcore_parallel>], iteration_bounds = array<i64: 2, 16>, scalar_prefetch = 0 : i64, scratch_operands = 4 : i64, tpu.core_type = #tpu.core_type<sc_vector_subcore>, window_params = [{transform_indices = #map}, {transform_indices = #map}, {transform_indices = #map1}, {transform_indices = #map1}]} {
    %mul3A = arith.constant 2 : i32
    %mul3A_0 = arith.muli %arg1, %mul3A : i32
    %add3A = arith.addi %mul3A_0, %arg0 : i32
    %mul3A_1 = arith.constant 320 : i32
    %mul3A_2 = arith.muli %add3A, %mul3A_1 : i32
    %eq3A = arith.constant 31 : i32
    %eq3A_3 = arith.cmpi eq, %add3A, %eq3A : i32
    %not3A = arith.constant true
    %not3A_4 = arith.xori %eq3A_3, %not3A : i1
    %convert_element_type3A = arith.extui %not3A_4 : i1 to i32
    %cond3A = arith.constant 0 : i32
    %cond3A_5 = arith.cmpi ne, %convert_element_type3A, %cond3A : i32
    scf.if %cond3A_5 {
      %mul3A_536 = arith.constant 128 : i32
      %mul3A_537 = arith.muli %mul3A_2, %mul3A_536 : i32
      %add3A_538 = arith.constant 0 : i32
      %add3A_539 = arith.addi %mul3A_537, %add3A_538 : i32
      "tpu.region"() ({
        %run_scoped3A = tpu.sem_alloc : memref<!tpu.dma_semaphore, #tpu.memory_space<semaphore_mem>>
        %dma_start3A = arith.constant 0 : i32
        %dma_start3A_540 = tpu.memref_slice %arg6[%dma_start3A] : memref<40960xf32, #tpu.memory_space<vmem>> -> memref<40960xf32, #tpu.memory_space<vmem>>
        %dma_start3A_541 = tpu.memref_slice %arg2[%add3A_539] : memref<1280000xf32, #tpu.memory_space<hbm>> -> memref<40960xf32, #tpu.memory_space<hbm>>
        %dma_start3A_542 = arith.constant 0 : i32
        %dma_start3A_543 = tpu.memref_slice %arg6[%dma_start3A_542] : memref<40960xf32, #tpu.memory_space<vmem>> -> memref<40960xf32, #tpu.memory_space<vmem>>
        %dma_start3A_544 = tpu.memref_slice %arg2[%add3A_539] : memref<1280000xf32, #tpu.memory_space<hbm>> -> memref<40960xf32, #tpu.memory_space<hbm>>
        tpu.enqueue_dma source(%dma_start3A_544 : memref<40960xf32, #tpu.memory_space<hbm>>) target(%dma_start3A_543 : memref<40960xf32, #tpu.memory_space<vmem>>) target_semaphore(%run_scoped3A : memref<!tpu.dma_semaphore, #tpu.memory_space<semaphore_mem>>)
        %dma_wait3A = arith.constant 0 : i32
        %dma_wait3A_545 = tpu.memref_slice %arg6[%dma_wait3A] : memref<40960xf32, #tpu.memory_space<vmem>> -> memref<40960xf32, #tpu.memory_space<vmem>>
        %dma_wait3A_546 = tpu.memref_slice %arg2[%add3A_539] : memref<1280000xf32, #tpu.memory_space<hbm>> -> memref<40960xf32, #tpu.memory_space<hbm>>
        %dma_wait3A_547 = arith.constant 0 : i32
        %dma_wait3A_548 = tpu.memref_slice %arg6[%dma_wait3A_547] : memref<40960xf32, #tpu.memory_space<vmem>> -> memref<40960xf32, #tpu.memory_space<vmem>>
        %dma_wait3A_549 = tpu.memref_slice %arg2[%add3A_539] : memref<1280000xf32, #tpu.memory_space<hbm>> -> memref<40960xf32, #tpu.memory_space<hbm>>
        tpu.wait_dma2 semaphore(%run_scoped3A : memref<!tpu.dma_semaphore, #tpu.memory_space<semaphore_mem>>) src(%dma_wait3A_549 : memref<40960xf32, #tpu.memory_space<hbm>>) dst(%dma_wait3A_548 : memref<40960xf32, #tpu.memory_space<vmem>>)
        tpu.yield
      }) : () -> ()
      "tpu.region"() ({
        %run_scoped3A = tpu.sem_alloc : memref<!tpu.dma_semaphore, #tpu.memory_space<semaphore_mem>>
        %dma_start3A = arith.constant 0 : i32
        %dma_start3A_540 = tpu.memref_slice %arg7[%dma_start3A] : memref<320xi32, #tpu.memory_space<vmem>> -> memref<320xi32, #tpu.memory_space<vmem>>
        %dma_start3A_541 = tpu.memref_slice %arg3[%mul3A_2] : memref<10000xi32, #tpu.memory_space<hbm>> -> memref<320xi32, #tpu.memory_space<hbm>>
        %dma_start3A_542 = arith.constant 0 : i32
        %dma_start3A_543 = tpu.memref_slice %arg7[%dma_start3A_542] : memref<320xi32, #tpu.memory_space<vmem>> -> memref<320xi32, #tpu.memory_space<vmem>>
        %dma_start3A_544 = tpu.memref_slice %arg3[%mul3A_2] : memref<10000xi32, #tpu.memory_space<hbm>> -> memref<320xi32, #tpu.memory_space<hbm>>
        tpu.enqueue_dma source(%dma_start3A_544 : memref<320xi32, #tpu.memory_space<hbm>>) target(%dma_start3A_543 : memref<320xi32, #tpu.memory_space<vmem>>) target_semaphore(%run_scoped3A : memref<!tpu.dma_semaphore, #tpu.memory_space<semaphore_mem>>)
        %dma_wait3A = arith.constant 0 : i32
        %dma_wait3A_545 = tpu.memref_slice %arg7[%dma_wait3A] : memref<320xi32, #tpu.memory_space<vmem>> -> memref<320xi32, #tpu.memory_space<vmem>>
        %dma_wait3A_546 = tpu.memref_slice %arg3[%mul3A_2] : memref<10000xi32, #tpu.memory_space<hbm>> -> memref<320xi32, #tpu.memory_space<hbm>>
        %dma_wait3A_547 = arith.constant 0 : i32
        %dma_wait3A_548 = tpu.memref_slice %arg7[%dma_wait3A_547] : memref<320xi32, #tpu.memory_space<vmem>> -> memref<320xi32, #tpu.memory_space<vmem>>
        %dma_wait3A_549 = tpu.memref_slice %arg3[%mul3A_2] : memref<10000xi32, #tpu.memory_space<hbm>> -> memref<320xi32, #tpu.memory_space<hbm>>
        tpu.wait_dma2 semaphore(%run_scoped3A : memref<!tpu.dma_semaphore, #tpu.memory_space<semaphore_mem>>) src(%dma_wait3A_549 : memref<320xi32, #tpu.memory_space<hbm>>) dst(%dma_wait3A_548 : memref<320xi32, #tpu.memory_space<vmem>>)
        tpu.yield
      }) : () -> ()
    } else {
    }
    %convert_element_type3A_6 = arith.extui %eq3A_3 : i1 to i32
    %cond3A_7 = arith.constant 0 : i32
    %cond3A_8 = arith.cmpi ne, %convert_element_type3A_6, %cond3A_7 : i32
    scf.if %cond3A_8 {
      "tpu.region"() ({
        %run_scoped3A = tpu.sem_alloc : memref<!tpu.dma_semaphore, #tpu.memory_space<semaphore_mem>>
        %dma_start3A = arith.constant 0 : i32
        %dma_start3A_536 = tpu.memref_slice %arg6[%dma_start3A] : memref<40960xf32, #tpu.memory_space<vmem>> -> memref<10240xf32, #tpu.memory_space<vmem>>
        %dma_start3A_537 = arith.constant 1269760 : i32
        %dma_start3A_538 = tpu.memref_slice %arg2[%dma_start3A_537] : memref<1280000xf32, #tpu.memory_space<hbm>> -> memref<10240xf32, #tpu.memory_space<hbm>>
        %dma_start3A_539 = arith.constant 0 : i32
        %dma_start3A_540 = tpu.memref_slice %arg6[%dma_start3A_539] : memref<40960xf32, #tpu.memory_space<vmem>> -> memref<10240xf32, #tpu.memory_space<vmem>>
        %dma_start3A_541 = arith.constant 1269760 : i32
        %dma_start3A_542 = tpu.memref_slice %arg2[%dma_start3A_541] : memref<1280000xf32, #tpu.memory_space<hbm>> -> memref<10240xf32, #tpu.memory_space<hbm>>
        tpu.enqueue_dma source(%dma_start3A_542 : memref<10240xf32, #tpu.memory_space<hbm>>) target(%dma_start3A_540 : memref<10240xf32, #tpu.memory_space<vmem>>) target_semaphore(%run_scoped3A : memref<!tpu.dma_semaphore, #tpu.memory_space<semaphore_mem>>)
        %dma_wait3A = arith.constant 0 : i32
        %dma_wait3A_543 = tpu.memref_slice %arg6[%dma_wait3A] : memref<40960xf32, #tpu.memory_space<vmem>> -> memref<10240xf32, #tpu.memory_space<vmem>>
        %dma_wait3A_544 = arith.constant 1269760 : i32
        %dma_wait3A_545 = tpu.memref_slice %arg2[%dma_wait3A_544] : memref<1280000xf32, #tpu.memory_space<hbm>> -> memref<10240xf32, #tpu.memory_space<hbm>>
        %dma_wait3A_546 = arith.constant 0 : i32
        %dma_wait3A_547 = tpu.memref_slice %arg6[%dma_wait3A_546] : memref<40960xf32, #tpu.memory_space<vmem>> -> memref<10240xf32, #tpu.memory_space<vmem>>
        %dma_wait3A_548 = arith.constant 1269760 : i32
        %dma_wait3A_549 = tpu.memref_slice %arg2[%dma_wait3A_548] : memref<1280000xf32, #tpu.memory_space<hbm>> -> memref<10240xf32, #tpu.memory_space<hbm>>
        tpu.wait_dma2 semaphore(%run_scoped3A : memref<!tpu.dma_semaphore, #tpu.memory_space<semaphore_mem>>) src(%dma_wait3A_549 : memref<10240xf32, #tpu.memory_space<hbm>>) dst(%dma_wait3A_547 : memref<10240xf32, #tpu.memory_space<vmem>>)
        tpu.yield
      }) : () -> ()
      "tpu.region"() ({
        %run_scoped3A = tpu.sem_alloc : memref<!tpu.dma_semaphore, #tpu.memory_space<semaphore_mem>>
        %dma_start3A = arith.constant 0 : i32
        %dma_start3A_536 = tpu.memref_slice %arg7[%dma_start3A] : memref<320xi32, #tpu.memory_space<vmem>> -> memref<80xi32, #tpu.memory_space<vmem>>
        %dma_start3A_537 = arith.constant 9920 : i32
        %dma_start3A_538 = tpu.memref_slice %arg3[%dma_start3A_537] : memref<10000xi32, #tpu.memory_space<hbm>> -> memref<80xi32, #tpu.memory_space<hbm>>
        %dma_start3A_539 = arith.constant 0 : i32
        %dma_start3A_540 = tpu.memref_slice %arg7[%dma_start3A_539] : memref<320xi32, #tpu.memory_space<vmem>> -> memref<80xi32, #tpu.memory_space<vmem>>
        %dma_start3A_541 = arith.constant 9920 : i32
        %dma_start3A_542 = tpu.memref_slice %arg3[%dma_start3A_541] : memref<10000xi32, #tpu.memory_space<hbm>> -> memref<80xi32, #tpu.memory_space<hbm>>
        tpu.enqueue_dma source(%dma_start3A_542 : memref<80xi32, #tpu.memory_space<hbm>>) target(%dma_start3A_540 : memref<80xi32, #tpu.memory_space<vmem>>) target_semaphore(%run_scoped3A : memref<!tpu.dma_semaphore, #tpu.memory_space<semaphore_mem>>)
        %dma_wait3A = arith.constant 0 : i32
        %dma_wait3A_543 = tpu.memref_slice %arg7[%dma_wait3A] : memref<320xi32, #tpu.memory_space<vmem>> -> memref<80xi32, #tpu.memory_space<vmem>>
        %dma_wait3A_544 = arith.constant 9920 : i32
        %dma_wait3A_545 = tpu.memref_slice %arg3[%dma_wait3A_544] : memref<10000xi32, #tpu.memory_space<hbm>> -> memref<80xi32, #tpu.memory_space<hbm>>
        %dma_wait3A_546 = arith.constant 0 : i32
        %dma_wait3A_547 = tpu.memref_slice %arg7[%dma_wait3A_546] : memref<320xi32, #tpu.memory_space<vmem>> -> memref<80xi32, #tpu.memory_space<vmem>>
        %dma_wait3A_548 = arith.constant 9920 : i32
        %dma_wait3A_549 = tpu.memref_slice %arg3[%dma_wait3A_548] : memref<10000xi32, #tpu.memory_space<hbm>> -> memref<80xi32, #tpu.memory_space<hbm>>
        tpu.wait_dma2 semaphore(%run_scoped3A : memref<!tpu.dma_semaphore, #tpu.memory_space<semaphore_mem>>) src(%dma_wait3A_549 : memref<80xi32, #tpu.memory_space<hbm>>) dst(%dma_wait3A_547 : memref<80xi32, #tpu.memory_space<vmem>>)
        tpu.yield
      }) : () -> ()
    } else {
    }
    %broadcast_in_dim3A = arith.constant 0.000000e+00 : f32
    %broadcast_in_dim3A_9 = vector.broadcast %broadcast_in_dim3A : f32 to vector<16xf32>
    %swap3A = arith.constant 0 : index
    %swap3A_10 = tpu.vector_load %arg8[%swap3A] {strides = array<i32>} : memref<2048xf32, #tpu.memory_space<vmem>>, vector<16xf32>,
    %swap3A_11 = vector.shape_cast %swap3A_10 : vector<16xf32> to vector<16xf32>
    %swap3A_12 = vector.shape_cast %broadcast_in_dim3A_9 : vector<16xf32> to vector<16xf32>
    tpu.vector_store %arg8[%swap3A], %swap3A_12 {strides = array<i32>} : memref<2048xf32, #tpu.memory_space<vmem>>, vector<16xf32>,
    %swap3A_13 = arith.constant 16 : index
    %swap3A_14 = tpu.vector_load %arg8[%swap3A_13] {strides = array<i32>} : memref<2048xf32, #tpu.memory_space<vmem>>, vector<16xf32>,
    %swap3A_15 = vector.shape_cast %swap3A_14 : vector<16xf32> to vector<16xf32>
    %swap3A_16 = vector.shape_cast %broadcast_in_dim3A_9 : vector<16xf32> to vector<16xf32>
    tpu.vector_store %arg8[%swap3A_13], %swap3A_16 {strides = array<i32>} : memref<2048xf32, #tpu.memory_space<vmem>>, vector<16xf32>,
    %swap3A_17 = arith.constant 32 : index
    %swap3A_18 = tpu.vector_load %arg8[%swap3A_17] {strides = array<i32>} : memref<2048xf32, #tpu.memory_space<vmem>>, vector<16xf32>,
    %swap3A_19 = vector.shape_cast %swap3A_18 : vector<16xf32> to vector<16xf32>
    %swap3A_20 = vector.shape_cast %broadcast_in_dim3A_9 : vector<16xf32> to vector<16xf32>
    tpu.vector_store %arg8[%swap3A_17], %swap3A_20 {strides = array<i32>} : memref<2048xf32, #tpu.memory_space<vmem>>, vector<16xf32>,
    %swap3A_21 = arith.constant 48 : index
    %swap3A_22 = tpu.vector_load %arg8[%swap3A_21] {strides = array<i32>} : memref<2048xf32, #tpu.memory_space<vmem>>, vector<16xf32>,
    %swap3A_23 = vector.shape_cast %swap3A_22 : vector<16xf32> to vector<16xf32>
    %swap3A_24 = vector.shape_cast %broadcast_in_dim3A_9 : vector<16xf32> to vector<16xf32>
    tpu.vector_store %arg8[%swap3A_21], %swap3A_24 {strides = array<i32>} : memref<2048xf32, #tpu.memory_space<vmem>>, vector<16xf32>,
    %swap3A_25 = arith.constant 64 : index
    %swap3A_26 = tpu.vector_load %arg8[%swap3A_25] {strides = array<i32>} : memref<2048xf32, #tpu.memory_space<vmem>>, vector<16xf32>,
    %swap3A_27 = vector.shape_cast %swap3A_26 : vector<16xf32> to vector<16xf32>
    %swap3A_28 = vector.shape_cast %broadcast_in_dim3A_9 : vector<16xf32> to vector<16xf32>
    tpu.vector_store %arg8[%swap3A_25], %swap3A_28 {strides = array<i32>} : memref<2048xf32, #tpu.memory_space<vmem>>, vector<16xf32>,
    %swap3A_29 = arith.constant 80 : index
    %swap3A_30 = tpu.vector_load %arg8[%swap3A_29] {strides = array<i32>} : memref<2048xf32, #tpu.memory_space<vmem>>, vector<16xf32>,
    %swap3A_31 = vector.shape_cast %swap3A_30 : vector<16xf32> to vector<16xf32>
    %swap3A_32 = vector.shape_cast %broadcast_in_dim3A_9 : vector<16xf32> to vector<16xf32>
    tpu.vector_store %arg8[%swap3A_29], %swap3A_32 {strides = array<i32>} : memref<2048xf32, #tpu.memory_space<vmem>>, vector<16xf32>,
    %swap3A_33 = arith.constant 96 : index
    %swap3A_34 = tpu.vector_load %arg8[%swap3A_33] {strides = array<i32>} : memref<2048xf32, #tpu.memory_space<vmem>>, vector<16xf32>,
    %swap3A_35 = vector.shape_cast %swap3A_34 : vector<16xf32> to vector<16xf32>
    %swap3A_36 = vector.shape_cast %broadcast_in_dim3A_9 : vector<16xf32> to vector<16xf32>
    tpu.vector_store %arg8[%swap3A_33], %swap3A_36 {strides = array<i32>} : memref<2048xf32, #tpu.memory_space<vmem>>, vector<16xf32>,
    %swap3A_37 = arith.constant 112 : index
    %swap3A_38 = tpu.vector_load %arg8[%swap3A_37] {strides = array<i32>} : memref<2048xf32, #tpu.memory_space<vmem>>, vector<16xf32>,
    %swap3A_39 = vector.shape_cast %swap3A_38 : vector<16xf32> to vector<16xf32>
    %swap3A_40 = vector.shape_cast %broadcast_in_dim3A_9 : vector<16xf32> to vector<16xf32>
    tpu.vector_store %arg8[%swap3A_37], %swap3A_40 {strides = array<i32>} : memref<2048xf32, #tpu.memory_space<vmem>>, vector<16xf32>,
    %swap3A_41 = arith.constant 128 : index
    %swap3A_42 = tpu.vector_load %arg8[%swap3A_41] {strides = array<i32>} : memref<2048xf32, #tpu.memory_space<vmem>>, vector<16xf32>,
    %swap3A_43 = vector.shape_cast %swap3A_42 : vector<16xf32> to vector<16xf32>
    %swap3A_44 = vector.shape_cast %broadcast_in_dim3A_9 : vector<16xf32> to vector<16xf32>
    tpu.vector_store %arg8[%swap3A_41], %swap3A_44 {strides = array<i32>} : memref<2048xf32, #tpu.memory_space<vmem>>, vector<16xf32>,
    %swap3A_45 = arith.constant 144 : index
    %swap3A_46 = tpu.vector_load %arg8[%swap3A_45] {strides = array<i32>} : memref<2048xf32, #tpu.memory_space<vmem>>, vector<16xf32>,
    %swap3A_47 = vector.shape_cast %swap3A_46 : vector<16xf32> to vector<16xf32>
    %swap3A_48 = vector.shape_cast %broadcast_in_dim3A_9 : vector<16xf32> to vector<16xf32>
    tpu.vector_store %arg8[%swap3A_45], %swap3A_48 {strides = array<i32>} : memref<2048xf32, #tpu.memory_space<vmem>>, vector<16xf32>,
    %swap3A_49 = arith.constant 160 : index
    %swap3A_50 = tpu.vector_load %arg8[%swap3A_49] {strides = array<i32>} : memref<2048xf32, #tpu.memory_space<vmem>>, vector<16xf32>,
    %swap3A_51 = vector.shape_cast %swap3A_50 : vector<16xf32> to vector<16xf32>
    %swap3A_52 = vector.shape_cast %broadcast_in_dim3A_9 : vector<16xf32> to vector<16xf32>
    tpu.vector_store %arg8[%swap3A_49], %swap3A_52 {strides = array<i32>} : memref<2048xf32, #tpu.memory_space<vmem>>, vector<16xf32>,
    %swap3A_53 = arith.constant 176 : index
    %swap3A_54 = tpu.vector_load %arg8[%swap3A_53] {strides = array<i32>} : memref<2048xf32, #tpu.memory_space<vmem>>, vector<16xf32>,
    %swap3A_55 = vector.shape_cast %swap3A_54 : vector<16xf32> to vector<16xf32>
    %swap3A_56 = vector.shape_cast %broadcast_in_dim3A_9 : vector<16xf32> to vector<16xf32>
    tpu.vector_store %arg8[%swap3A_53], %swap3A_56 {strides = array<i32>} : memref<2048xf32, #tpu.memory_space<vmem>>, vector<16xf32>,
    %swap3A_57 = arith.constant 192 : index
    %swap3A_58 = tpu.vector_load %arg8[%swap3A_57] {strides = array<i32>} : memref<2048xf32, #tpu.memory_space<vmem>>, vector<16xf32>,
    %swap3A_59 = vector.shape_cast %swap3A_58 : vector<16xf32> to vector<16xf32>
    %swap3A_60 = vector.shape_cast %broadcast_in_dim3A_9 : vector<16xf32> to vector<16xf32>
    tpu.vector_store %arg8[%swap3A_57], %swap3A_60 {strides = array<i32>} : memref<2048xf32, #tpu.memory_space<vmem>>, vector<16xf32>,
    %swap3A_61 = arith.constant 208 : index
    %swap3A_62 = tpu.vector_load %arg8[%swap3A_61] {strides = array<i32>} : memref<2048xf32, #tpu.memory_space<vmem>>, vector<16xf32>,
    %swap3A_63 = vector.shape_cast %swap3A_62 : vector<16xf32> to vector<16xf32>
    %swap3A_64 = vector.shape_cast %broadcast_in_dim3A_9 : vector<16xf32> to vector<16xf32>
    tpu.vector_store %arg8[%swap3A_61], %swap3A_64 {strides = array<i32>} : memref<2048xf32, #tpu.memory_space<vmem>>, vector<16xf32>,
    %swap3A_65 = arith.constant 224 : index
    %swap3A_66 = tpu.vector_load %arg8[%swap3A_65] {strides = array<i32>} : memref<2048xf32, #tpu.memory_space<vmem>>, vector<16xf32>,
    %swap3A_67 = vector.shape_cast %swap3A_66 : vector<16xf32> to vector<16xf32>
    %swap3A_68 = vector.shape_cast %broadcast_in_dim3A_9 : vector<16xf32> to vector<16xf32>
    tpu.vector_store %arg8[%swap3A_65], %swap3A_68 {strides = array<i32>} : memref<2048xf32, #tpu.memory_space<vmem>>, vector<16xf32>,
    %swap3A_69 = arith.constant 240 : index
    %swap3A_70 = tpu.vector_load %arg8[%swap3A_69] {strides = array<i32>} : memref<2048xf32, #tpu.memory_space<vmem>>, vector<16xf32>,
    %swap3A_71 = vector.shape_cast %swap3A_70 : vector<16xf32> to vector<16xf32>
    %swap3A_72 = vector.shape_cast %broadcast_in_dim3A_9 : vector<16xf32> to vector<16xf32>
    tpu.vector_store %arg8[%swap3A_69], %swap3A_72 {strides = array<i32>} : memref<2048xf32, #tpu.memory_space<vmem>>, vector<16xf32>,
    %swap3A_73 = arith.constant 256 : index
    %swap3A_74 = tpu.vector_load %arg8[%swap3A_73] {strides = array<i32>} : memref<2048xf32, #tpu.memory_space<vmem>>, vector<16xf32>,
    %swap3A_75 = vector.shape_cast %swap3A_74 : vector<16xf32> to vector<16xf32>
    %swap3A_76 = vector.shape_cast %broadcast_in_dim3A_9 : vector<16xf32> to vector<16xf32>
    tpu.vector_store %arg8[%swap3A_73], %swap3A_76 {strides = array<i32>} : memref<2048xf32, #tpu.memory_space<vmem>>, vector<16xf32>,
    %swap3A_77 = arith.constant 272 : index
    %swap3A_78 = tpu.vector_load %arg8[%swap3A_77] {strides = array<i32>} : memref<2048xf32, #tpu.memory_space<vmem>>, vector<16xf32>,
    %swap3A_79 = vector.shape_cast %swap3A_78 : vector<16xf32> to vector<16xf32>
    %swap3A_80 = vector.shape_cast %broadcast_in_dim3A_9 : vector<16xf32> to vector<16xf32>
    tpu.vector_store %arg8[%swap3A_77], %swap3A_80 {strides = array<i32>} : memref<2048xf32, #tpu.memory_space<vmem>>, vector<16xf32>,
    %swap3A_81 = arith.constant 288 : index
    %swap3A_82 = tpu.vector_load %arg8[%swap3A_81] {strides = array<i32>} : memref<2048xf32, #tpu.memory_space<vmem>>, vector<16xf32>,
    %swap3A_83 = vector.shape_cast %swap3A_82 : vector<16xf32> to vector<16xf32>
    %swap3A_84 = vector.shape_cast %broadcast_in_dim3A_9 : vector<16xf32> to vector<16xf32>
    tpu.vector_store %arg8[%swap3A_81], %swap3A_84 {strides = array<i32>} : memref<2048xf32, #tpu.memory_space<vmem>>, vector<16xf32>,
    %swap3A_85 = arith.constant 304 : index
    %swap3A_86 = tpu.vector_load %arg8[%swap3A_85] {strides = array<i32>} : memref<2048xf32, #tpu.memory_space<vmem>>, vector<16xf32>,
    %swap3A_87 = vector.shape_cast %swap3A_86 : vector<16xf32> to vector<16xf32>
    %swap3A_88 = vector.shape_cast %broadcast_in_dim3A_9 : vector<16xf32> to vector<16xf32>
    tpu.vector_store %arg8[%swap3A_85], %swap3A_88 {strides = array<i32>} : memref<2048xf32, #tpu.memory_space<vmem>>, vector<16xf32>,
    %swap3A_89 = arith.constant 320 : index
    %swap3A_90 = tpu.vector_load %arg8[%swap3A_89] {strides = array<i32>} : memref<2048xf32, #tpu.memory_space<vmem>>, vector<16xf32>,
    %swap3A_91 = vector.shape_cast %swap3A_90 : vector<16xf32> to vector<16xf32>
    %swap3A_92 = vector.shape_cast %broadcast_in_dim3A_9 : vector<16xf32> to vector<16xf32>
    tpu.vector_store %arg8[%swap3A_89], %swap3A_92 {strides = array<i32>} : memref<2048xf32, #tpu.memory_space<vmem>>, vector<16xf32>,
    %swap3A_93 = arith.constant 336 : index
    %swap3A_94 = tpu.vector_load %arg8[%swap3A_93] {strides = array<i32>} : memref<2048xf32, #tpu.memory_space<vmem>>, vector<16xf32>,
    %swap3A_95 = vector.shape_cast %swap3A_94 : vector<16xf32> to vector<16xf32>
    %swap3A_96 = vector.shape_cast %broadcast_in_dim3A_9 : vector<16xf32> to vector<16xf32>
    tpu.vector_store %arg8[%swap3A_93], %swap3A_96 {strides = array<i32>} : memref<2048xf32, #tpu.memory_space<vmem>>, vector<16xf32>,
    %swap3A_97 = arith.constant 352 : index
    %swap3A_98 = tpu.vector_load %arg8[%swap3A_97] {strides = array<i32>} : memref<2048xf32, #tpu.memory_space<vmem>>, vector<16xf32>,
    %swap3A_99 = vector.shape_cast %swap3A_98 : vector<16xf32> to vector<16xf32>
    %swap3A_100 = vector.shape_cast %broadcast_in_dim3A_9 : vector<16xf32> to vector<16xf32>
    tpu.vector_store %arg8[%swap3A_97], %swap3A_100 {strides = array<i32>} : memref<2048xf32, #tpu.memory_space<vmem>>, vector<16xf32>,
    %swap3A_101 = arith.constant 368 : index
    %swap3A_102 = tpu.vector_load %arg8[%swap3A_101] {strides = array<i32>} : memref<2048xf32, #tpu.memory_space<vmem>>, vector<16xf32>,
    %swap3A_103 = vector.shape_cast %swap3A_102 : vector<16xf32> to vector<16xf32>
    %swap3A_104 = vector.shape_cast %broadcast_in_dim3A_9 : vector<16xf32> to vector<16xf32>
    tpu.vector_store %arg8[%swap3A_101], %swap3A_104 {strides = array<i32>} : memref<2048xf32, #tpu.memory_space<vmem>>, vector<16xf32>,
    %swap3A_105 = arith.constant 384 : index
    %swap3A_106 = tpu.vector_load %arg8[%swap3A_105] {strides = array<i32>} : memref<2048xf32, #tpu.memory_space<vmem>>, vector<16xf32>,
    %swap3A_107 = vector.shape_cast %swap3A_106 : vector<16xf32> to vector<16xf32>
    %swap3A_108 = vector.shape_cast %broadcast_in_dim3A_9 : vector<16xf32> to vector<16xf32>
    tpu.vector_store %arg8[%swap3A_105], %swap3A_108 {strides = array<i32>} : memref<2048xf32, #tpu.memory_space<vmem>>, vector<16xf32>,
    %swap3A_109 = arith.constant 400 : index
    %swap3A_110 = tpu.vector_load %arg8[%swap3A_109] {strides = array<i32>} : memref<2048xf32, #tpu.memory_space<vmem>>, vector<16xf32>,
    %swap3A_111 = vector.shape_cast %swap3A_110 : vector<16xf32> to vector<16xf32>
    %swap3A_112 = vector.shape_cast %broadcast_in_dim3A_9 : vector<16xf32> to vector<16xf32>
    tpu.vector_store %arg8[%swap3A_109], %swap3A_112 {strides = array<i32>} : memref<2048xf32, #tpu.memory_space<vmem>>, vector<16xf32>,
    %swap3A_113 = arith.constant 416 : index
    %swap3A_114 = tpu.vector_load %arg8[%swap3A_113] {strides = array<i32>} : memref<2048xf32, #tpu.memory_space<vmem>>, vector<16xf32>,
    %swap3A_115 = vector.shape_cast %swap3A_114 : vector<16xf32> to vector<16xf32>
    %swap3A_116 = vector.shape_cast %broadcast_in_dim3A_9 : vector<16xf32> to vector<16xf32>
    tpu.vector_store %arg8[%swap3A_113], %swap3A_116 {strides = array<i32>} : memref<2048xf32, #tpu.memory_space<vmem>>, vector<16xf32>,
    %swap3A_117 = arith.constant 432 : index
    %swap3A_118 = tpu.vector_load %arg8[%swap3A_117] {strides = array<i32>} : memref<2048xf32, #tpu.memory_space<vmem>>, vector<16xf32>,
    %swap3A_119 = vector.shape_cast %swap3A_118 : vector<16xf32> to vector<16xf32>
    %swap3A_120 = vector.shape_cast %broadcast_in_dim3A_9 : vector<16xf32> to vector<16xf32>
    tpu.vector_store %arg8[%swap3A_117], %swap3A_120 {strides = array<i32>} : memref<2048xf32, #tpu.memory_space<vmem>>, vector<16xf32>,
    %swap3A_121 = arith.constant 448 : index
    %swap3A_122 = tpu.vector_load %arg8[%swap3A_121] {strides = array<i32>} : memref<2048xf32, #tpu.memory_space<vmem>>, vector<16xf32>,
    %swap3A_123 = vector.shape_cast %swap3A_122 : vector<16xf32> to vector<16xf32>
    %swap3A_124 = vector.shape_cast %broadcast_in_dim3A_9 : vector<16xf32> to vector<16xf32>
    tpu.vector_store %arg8[%swap3A_121], %swap3A_124 {strides = array<i32>} : memref<2048xf32, #tpu.memory_space<vmem>>, vector<16xf32>,
    %swap3A_125 = arith.constant 464 : index
    %swap3A_126 = tpu.vector_load %arg8[%swap3A_125] {strides = array<i32>} : memref<2048xf32, #tpu.memory_space<vmem>>, vector<16xf32>,
    %swap3A_127 = vector.shape_cast %swap3A_126 : vector<16xf32> to vector<16xf32>
    %swap3A_128 = vector.shape_cast %broadcast_in_dim3A_9 : vector<16xf32> to vector<16xf32>
    tpu.vector_store %arg8[%swap3A_125], %swap3A_128 {strides = array<i32>} : memref<2048xf32, #tpu.memory_space<vmem>>, vector<16xf32>,
    %swap3A_129 = arith.constant 480 : index
    %swap3A_130 = tpu.vector_load %arg8[%swap3A_129] {strides = array<i32>} : memref<2048xf32, #tpu.memory_space<vmem>>, vector<16xf32>,
    %swap3A_131 = vector.shape_cast %swap3A_130 : vector<16xf32> to vector<16xf32>
    %swap3A_132 = vector.shape_cast %broadcast_in_dim3A_9 : vector<16xf32> to vector<16xf32>
    tpu.vector_store %arg8[%swap3A_129], %swap3A_132 {strides = array<i32>} : memref<2048xf32, #tpu.memory_space<vmem>>, vector<16xf32>,
    %swap3A_133 = arith.constant 496 : index
    %swap3A_134 = tpu.vector_load %arg8[%swap3A_133] {strides = array<i32>} : memref<2048xf32, #tpu.memory_space<vmem>>, vector<16xf32>,
    %swap3A_135 = vector.shape_cast %swap3A_134 : vector<16xf32> to vector<16xf32>
    %swap3A_136 = vector.shape_cast %broadcast_in_dim3A_9 : vector<16xf32> to vector<16xf32>
    tpu.vector_store %arg8[%swap3A_133], %swap3A_136 {strides = array<i32>} : memref<2048xf32, #tpu.memory_space<vmem>>, vector<16xf32>,
    %swap3A_137 = arith.constant 512 : index
    %swap3A_138 = tpu.vector_load %arg8[%swap3A_137] {strides = array<i32>} : memref<2048xf32, #tpu.memory_space<vmem>>, vector<16xf32>,
    %swap3A_139 = vector.shape_cast %swap3A_138 : vector<16xf32> to vector<16xf32>
    %swap3A_140 = vector.shape_cast %broadcast_in_dim3A_9 : vector<16xf32> to vector<16xf32>
    tpu.vector_store %arg8[%swap3A_137], %swap3A_140 {strides = array<i32>} : memref<2048xf32, #tpu.memory_space<vmem>>, vector<16xf32>,
    %swap3A_141 = arith.constant 528 : index
    %swap3A_142 = tpu.vector_load %arg8[%swap3A_141] {strides = array<i32>} : memref<2048xf32, #tpu.memory_space<vmem>>, vector<16xf32>,
    %swap3A_143 = vector.shape_cast %swap3A_142 : vector<16xf32> to vector<16xf32>
    %swap3A_144 = vector.shape_cast %broadcast_in_dim3A_9 : vector<16xf32> to vector<16xf32>
    tpu.vector_store %arg8[%swap3A_141], %swap3A_144 {strides = array<i32>} : memref<2048xf32, #tpu.memory_space<vmem>>, vector<16xf32>,
    %swap3A_145 = arith.constant 544 : index
    %swap3A_146 = tpu.vector_load %arg8[%swap3A_145] {strides = array<i32>} : memref<2048xf32, #tpu.memory_space<vmem>>, vector<16xf32>,
    %swap3A_147 = vector.shape_cast %swap3A_146 : vector<16xf32> to vector<16xf32>
    %swap3A_148 = vector.shape_cast %broadcast_in_dim3A_9 : vector<16xf32> to vector<16xf32>
    tpu.vector_store %arg8[%swap3A_145], %swap3A_148 {strides = array<i32>} : memref<2048xf32, #tpu.memory_space<vmem>>, vector<16xf32>,
    %swap3A_149 = arith.constant 560 : index
    %swap3A_150 = tpu.vector_load %arg8[%swap3A_149] {strides = array<i32>} : memref<2048xf32, #tpu.memory_space<vmem>>, vector<16xf32>,
    %swap3A_151 = vector.shape_cast %swap3A_150 : vector<16xf32> to vector<16xf32>
    %swap3A_152 = vector.shape_cast %broadcast_in_dim3A_9 : vector<16xf32> to vector<16xf32>
    tpu.vector_store %arg8[%swap3A_149], %swap3A_152 {strides = array<i32>} : memref<2048xf32, #tpu.memory_space<vmem>>, vector<16xf32>,
    %swap3A_153 = arith.constant 576 : index
    %swap3A_154 = tpu.vector_load %arg8[%swap3A_153] {strides = array<i32>} : memref<2048xf32, #tpu.memory_space<vmem>>, vector<16xf32>,
    %swap3A_155 = vector.shape_cast %swap3A_154 : vector<16xf32> to vector<16xf32>
    %swap3A_156 = vector.shape_cast %broadcast_in_dim3A_9 : vector<16xf32> to vector<16xf32>
    tpu.vector_store %arg8[%swap3A_153], %swap3A_156 {strides = array<i32>} : memref<2048xf32, #tpu.memory_space<vmem>>, vector<16xf32>,
    %swap3A_157 = arith.constant 592 : index
    %swap3A_158 = tpu.vector_load %arg8[%swap3A_157] {strides = array<i32>} : memref<2048xf32, #tpu.memory_space<vmem>>, vector<16xf32>,
    %swap3A_159 = vector.shape_cast %swap3A_158 : vector<16xf32> to vector<16xf32>
    %swap3A_160 = vector.shape_cast %broadcast_in_dim3A_9 : vector<16xf32> to vector<16xf32>
    tpu.vector_store %arg8[%swap3A_157], %swap3A_160 {strides = array<i32>} : memref<2048xf32, #tpu.memory_space<vmem>>, vector<16xf32>,
    %swap3A_161 = arith.constant 608 : index
    %swap3A_162 = tpu.vector_load %arg8[%swap3A_161] {strides = array<i32>} : memref<2048xf32, #tpu.memory_space<vmem>>, vector<16xf32>,
    %swap3A_163 = vector.shape_cast %swap3A_162 : vector<16xf32> to vector<16xf32>
    %swap3A_164 = vector.shape_cast %broadcast_in_dim3A_9 : vector<16xf32> to vector<16xf32>
    tpu.vector_store %arg8[%swap3A_161], %swap3A_164 {strides = array<i32>} : memref<2048xf32, #tpu.memory_space<vmem>>, vector<16xf32>,
    %swap3A_165 = arith.constant 624 : index
    %swap3A_166 = tpu.vector_load %arg8[%swap3A_165] {strides = array<i32>} : memref<2048xf32, #tpu.memory_space<vmem>>, vector<16xf32>,
    %swap3A_167 = vector.shape_cast %swap3A_166 : vector<16xf32> to vector<16xf32>
    %swap3A_168 = vector.shape_cast %broadcast_in_dim3A_9 : vector<16xf32> to vector<16xf32>
    tpu.vector_store %arg8[%swap3A_165], %swap3A_168 {strides = array<i32>} : memref<2048xf32, #tpu.memory_space<vmem>>, vector<16xf32>,
    %swap3A_169 = arith.constant 640 : index
    %swap3A_170 = tpu.vector_load %arg8[%swap3A_169] {strides = array<i32>} : memref<2048xf32, #tpu.memory_space<vmem>>, vector<16xf32>,
    %swap3A_171 = vector.shape_cast %swap3A_170 : vector<16xf32> to vector<16xf32>
    %swap3A_172 = vector.shape_cast %broadcast_in_dim3A_9 : vector<16xf32> to vector<16xf32>
    tpu.vector_store %arg8[%swap3A_169], %swap3A_172 {strides = array<i32>} : memref<2048xf32, #tpu.memory_space<vmem>>, vector<16xf32>,
    %swap3A_173 = arith.constant 656 : index
    %swap3A_174 = tpu.vector_load %arg8[%swap3A_173] {strides = array<i32>} : memref<2048xf32, #tpu.memory_space<vmem>>, vector<16xf32>,
    %swap3A_175 = vector.shape_cast %swap3A_174 : vector<16xf32> to vector<16xf32>
    %swap3A_176 = vector.shape_cast %broadcast_in_dim3A_9 : vector<16xf32> to vector<16xf32>
    tpu.vector_store %arg8[%swap3A_173], %swap3A_176 {strides = array<i32>} : memref<2048xf32, #tpu.memory_space<vmem>>, vector<16xf32>,
    %swap3A_177 = arith.constant 672 : index
    %swap3A_178 = tpu.vector_load %arg8[%swap3A_177] {strides = array<i32>} : memref<2048xf32, #tpu.memory_space<vmem>>, vector<16xf32>,
    %swap3A_179 = vector.shape_cast %swap3A_178 : vector<16xf32> to vector<16xf32>
    %swap3A_180 = vector.shape_cast %broadcast_in_dim3A_9 : vector<16xf32> to vector<16xf32>
    tpu.vector_store %arg8[%swap3A_177], %swap3A_180 {strides = array<i32>} : memref<2048xf32, #tpu.memory_space<vmem>>, vector<16xf32>,
    %swap3A_181 = arith.constant 688 : index
    %swap3A_182 = tpu.vector_load %arg8[%swap3A_181] {strides = array<i32>} : memref<2048xf32, #tpu.memory_space<vmem>>, vector<16xf32>,
    %swap3A_183 = vector.shape_cast %swap3A_182 : vector<16xf32> to vector<16xf32>
    %swap3A_184 = vector.shape_cast %broadcast_in_dim3A_9 : vector<16xf32> to vector<16xf32>
    tpu.vector_store %arg8[%swap3A_181], %swap3A_184 {strides = array<i32>} : memref<2048xf32, #tpu.memory_space<vmem>>, vector<16xf32>,
    %swap3A_185 = arith.constant 704 : index
    %swap3A_186 = tpu.vector_load %arg8[%swap3A_185] {strides = array<i32>} : memref<2048xf32, #tpu.memory_space<vmem>>, vector<16xf32>,
    %swap3A_187 = vector.shape_cast %swap3A_186 : vector<16xf32> to vector<16xf32>
    %swap3A_188 = vector.shape_cast %broadcast_in_dim3A_9 : vector<16xf32> to vector<16xf32>
    tpu.vector_store %arg8[%swap3A_185], %swap3A_188 {strides = array<i32>} : memref<2048xf32, #tpu.memory_space<vmem>>, vector<16xf32>,
    %swap3A_189 = arith.constant 720 : index
    %swap3A_190 = tpu.vector_load %arg8[%swap3A_189] {strides = array<i32>} : memref<2048xf32, #tpu.memory_space<vmem>>, vector<16xf32>,
    %swap3A_191 = vector.shape_cast %swap3A_190 : vector<16xf32> to vector<16xf32>
    %swap3A_192 = vector.shape_cast %broadcast_in_dim3A_9 : vector<16xf32> to vector<16xf32>
    tpu.vector_store %arg8[%swap3A_189], %swap3A_192 {strides = array<i32>} : memref<2048xf32, #tpu.memory_space<vmem>>, vector<16xf32>,
    %swap3A_193 = arith.constant 736 : index
    %swap3A_194 = tpu.vector_load %arg8[%swap3A_193] {strides = array<i32>} : memref<2048xf32, #tpu.memory_space<vmem>>, vector<16xf32>,
    %swap3A_195 = vector.shape_cast %swap3A_194 : vector<16xf32> to vector<16xf32>
    %swap3A_196 = vector.shape_cast %broadcast_in_dim3A_9 : vector<16xf32> to vector<16xf32>
    tpu.vector_store %arg8[%swap3A_193], %swap3A_196 {strides = array<i32>} : memref<2048xf32, #tpu.memory_space<vmem>>, vector<16xf32>,
    %swap3A_197 = arith.constant 752 : index
    %swap3A_198 = tpu.vector_load %arg8[%swap3A_197] {strides = array<i32>} : memref<2048xf32, #tpu.memory_space<vmem>>, vector<16xf32>,
    %swap3A_199 = vector.shape_cast %swap3A_198 : vector<16xf32> to vector<16xf32>
    %swap3A_200 = vector.shape_cast %broadcast_in_dim3A_9 : vector<16xf32> to vector<16xf32>
    tpu.vector_store %arg8[%swap3A_197], %swap3A_200 {strides = array<i32>} : memref<2048xf32, #tpu.memory_space<vmem>>, vector<16xf32>,
    %swap3A_201 = arith.constant 768 : index
    %swap3A_202 = tpu.vector_load %arg8[%swap3A_201] {strides = array<i32>} : memref<2048xf32, #tpu.memory_space<vmem>>, vector<16xf32>,
    %swap3A_203 = vector.shape_cast %swap3A_202 : vector<16xf32> to vector<16xf32>
    %swap3A_204 = vector.shape_cast %broadcast_in_dim3A_9 : vector<16xf32> to vector<16xf32>
    tpu.vector_store %arg8[%swap3A_201], %swap3A_204 {strides = array<i32>} : memref<2048xf32, #tpu.memory_space<vmem>>, vector<16xf32>,
    %swap3A_205 = arith.constant 784 : index
    %swap3A_206 = tpu.vector_load %arg8[%swap3A_205] {strides = array<i32>} : memref<2048xf32, #tpu.memory_space<vmem>>, vector<16xf32>,
    %swap3A_207 = vector.shape_cast %swap3A_206 : vector<16xf32> to vector<16xf32>
    %swap3A_208 = vector.shape_cast %broadcast_in_dim3A_9 : vector<16xf32> to vector<16xf32>
    tpu.vector_store %arg8[%swap3A_205], %swap3A_208 {strides = array<i32>} : memref<2048xf32, #tpu.memory_space<vmem>>, vector<16xf32>,
    %swap3A_209 = arith.constant 800 : index
    %swap3A_210 = tpu.vector_load %arg8[%swap3A_209] {strides = array<i32>} : memref<2048xf32, #tpu.memory_space<vmem>>, vector<16xf32>,
    %swap3A_211 = vector.shape_cast %swap3A_210 : vector<16xf32> to vector<16xf32>
    %swap3A_212 = vector.shape_cast %broadcast_in_dim3A_9 : vector<16xf32> to vector<16xf32>
    tpu.vector_store %arg8[%swap3A_209], %swap3A_212 {strides = array<i32>} : memref<2048xf32, #tpu.memory_space<vmem>>, vector<16xf32>,
    %swap3A_213 = arith.constant 816 : index
    %swap3A_214 = tpu.vector_load %arg8[%swap3A_213] {strides = array<i32>} : memref<2048xf32, #tpu.memory_space<vmem>>, vector<16xf32>,
    %swap3A_215 = vector.shape_cast %swap3A_214 : vector<16xf32> to vector<16xf32>
    %swap3A_216 = vector.shape_cast %broadcast_in_dim3A_9 : vector<16xf32> to vector<16xf32>
    tpu.vector_store %arg8[%swap3A_213], %swap3A_216 {strides = array<i32>} : memref<2048xf32, #tpu.memory_space<vmem>>, vector<16xf32>,
    %swap3A_217 = arith.constant 832 : index
    %swap3A_218 = tpu.vector_load %arg8[%swap3A_217] {strides = array<i32>} : memref<2048xf32, #tpu.memory_space<vmem>>, vector<16xf32>,
    %swap3A_219 = vector.shape_cast %swap3A_218 : vector<16xf32> to vector<16xf32>
    %swap3A_220 = vector.shape_cast %broadcast_in_dim3A_9 : vector<16xf32> to vector<16xf32>
    tpu.vector_store %arg8[%swap3A_217], %swap3A_220 {strides = array<i32>} : memref<2048xf32, #tpu.memory_space<vmem>>, vector<16xf32>,
    %swap3A_221 = arith.constant 848 : index
    %swap3A_222 = tpu.vector_load %arg8[%swap3A_221] {strides = array<i32>} : memref<2048xf32, #tpu.memory_space<vmem>>, vector<16xf32>,
    %swap3A_223 = vector.shape_cast %swap3A_222 : vector<16xf32> to vector<16xf32>
    %swap3A_224 = vector.shape_cast %broadcast_in_dim3A_9 : vector<16xf32> to vector<16xf32>
    tpu.vector_store %arg8[%swap3A_221], %swap3A_224 {strides = array<i32>} : memref<2048xf32, #tpu.memory_space<vmem>>, vector<16xf32>,
    %swap3A_225 = arith.constant 864 : index
    %swap3A_226 = tpu.vector_load %arg8[%swap3A_225] {strides = array<i32>} : memref<2048xf32, #tpu.memory_space<vmem>>, vector<16xf32>,
    %swap3A_227 = vector.shape_cast %swap3A_226 : vector<16xf32> to vector<16xf32>
    %swap3A_228 = vector.shape_cast %broadcast_in_dim3A_9 : vector<16xf32> to vector<16xf32>
    tpu.vector_store %arg8[%swap3A_225], %swap3A_228 {strides = array<i32>} : memref<2048xf32, #tpu.memory_space<vmem>>, vector<16xf32>,
    %swap3A_229 = arith.constant 880 : index
    %swap3A_230 = tpu.vector_load %arg8[%swap3A_229] {strides = array<i32>} : memref<2048xf32, #tpu.memory_space<vmem>>, vector<16xf32>,
    %swap3A_231 = vector.shape_cast %swap3A_230 : vector<16xf32> to vector<16xf32>
    %swap3A_232 = vector.shape_cast %broadcast_in_dim3A_9 : vector<16xf32> to vector<16xf32>
    tpu.vector_store %arg8[%swap3A_229], %swap3A_232 {strides = array<i32>} : memref<2048xf32, #tpu.memory_space<vmem>>, vector<16xf32>,
    %swap3A_233 = arith.constant 896 : index
    %swap3A_234 = tpu.vector_load %arg8[%swap3A_233] {strides = array<i32>} : memref<2048xf32, #tpu.memory_space<vmem>>, vector<16xf32>,
    %swap3A_235 = vector.shape_cast %swap3A_234 : vector<16xf32> to vector<16xf32>
    %swap3A_236 = vector.shape_cast %broadcast_in_dim3A_9 : vector<16xf32> to vector<16xf32>
    tpu.vector_store %arg8[%swap3A_233], %swap3A_236 {strides = array<i32>} : memref<2048xf32, #tpu.memory_space<vmem>>, vector<16xf32>,
    %swap3A_237 = arith.constant 912 : index
    %swap3A_238 = tpu.vector_load %arg8[%swap3A_237] {strides = array<i32>} : memref<2048xf32, #tpu.memory_space<vmem>>, vector<16xf32>,
    %swap3A_239 = vector.shape_cast %swap3A_238 : vector<16xf32> to vector<16xf32>
    %swap3A_240 = vector.shape_cast %broadcast_in_dim3A_9 : vector<16xf32> to vector<16xf32>
    tpu.vector_store %arg8[%swap3A_237], %swap3A_240 {strides = array<i32>} : memref<2048xf32, #tpu.memory_space<vmem>>, vector<16xf32>,
    %swap3A_241 = arith.constant 928 : index
    %swap3A_242 = tpu.vector_load %arg8[%swap3A_241] {strides = array<i32>} : memref<2048xf32, #tpu.memory_space<vmem>>, vector<16xf32>,
    %swap3A_243 = vector.shape_cast %swap3A_242 : vector<16xf32> to vector<16xf32>
    %swap3A_244 = vector.shape_cast %broadcast_in_dim3A_9 : vector<16xf32> to vector<16xf32>
    tpu.vector_store %arg8[%swap3A_241], %swap3A_244 {strides = array<i32>} : memref<2048xf32, #tpu.memory_space<vmem>>, vector<16xf32>,
    %swap3A_245 = arith.constant 944 : index
    %swap3A_246 = tpu.vector_load %arg8[%swap3A_245] {strides = array<i32>} : memref<2048xf32, #tpu.memory_space<vmem>>, vector<16xf32>,
    %swap3A_247 = vector.shape_cast %swap3A_246 : vector<16xf32> to vector<16xf32>
    %swap3A_248 = vector.shape_cast %broadcast_in_dim3A_9 : vector<16xf32> to vector<16xf32>
    tpu.vector_store %arg8[%swap3A_245], %swap3A_248 {strides = array<i32>} : memref<2048xf32, #tpu.memory_space<vmem>>, vector<16xf32>,
    %swap3A_249 = arith.constant 960 : index
    %swap3A_250 = tpu.vector_load %arg8[%swap3A_249] {strides = array<i32>} : memref<2048xf32, #tpu.memory_space<vmem>>, vector<16xf32>,
    %swap3A_251 = vector.shape_cast %swap3A_250 : vector<16xf32> to vector<16xf32>
    %swap3A_252 = vector.shape_cast %broadcast_in_dim3A_9 : vector<16xf32> to vector<16xf32>
    tpu.vector_store %arg8[%swap3A_249], %swap3A_252 {strides = array<i32>} : memref<2048xf32, #tpu.memory_space<vmem>>, vector<16xf32>,
    %swap3A_253 = arith.constant 976 : index
    %swap3A_254 = tpu.vector_load %arg8[%swap3A_253] {strides = array<i32>} : memref<2048xf32, #tpu.memory_space<vmem>>, vector<16xf32>,
    %swap3A_255 = vector.shape_cast %swap3A_254 : vector<16xf32> to vector<16xf32>
    %swap3A_256 = vector.shape_cast %broadcast_in_dim3A_9 : vector<16xf32> to vector<16xf32>
    tpu.vector_store %arg8[%swap3A_253], %swap3A_256 {strides = array<i32>} : memref<2048xf32, #tpu.memory_space<vmem>>, vector<16xf32>,
    %swap3A_257 = arith.constant 992 : index
    %swap3A_258 = tpu.vector_load %arg8[%swap3A_257] {strides = array<i32>} : memref<2048xf32, #tpu.memory_space<vmem>>, vector<16xf32>,
    %swap3A_259 = vector.shape_cast %swap3A_258 : vector<16xf32> to vector<16xf32>
    %swap3A_260 = vector.shape_cast %broadcast_in_dim3A_9 : vector<16xf32> to vector<16xf32>
    tpu.vector_store %arg8[%swap3A_257], %swap3A_260 {strides = array<i32>} : memref<2048xf32, #tpu.memory_space<vmem>>, vector<16xf32>,
    %swap3A_261 = arith.constant 1008 : index
    %swap3A_262 = tpu.vector_load %arg8[%swap3A_261] {strides = array<i32>} : memref<2048xf32, #tpu.memory_space<vmem>>, vector<16xf32>,
    %swap3A_263 = vector.shape_cast %swap3A_262 : vector<16xf32> to vector<16xf32>
    %swap3A_264 = vector.shape_cast %broadcast_in_dim3A_9 : vector<16xf32> to vector<16xf32>
    tpu.vector_store %arg8[%swap3A_261], %swap3A_264 {strides = array<i32>} : memref<2048xf32, #tpu.memory_space<vmem>>, vector<16xf32>,
    %swap3A_265 = arith.constant 1024 : index
    %swap3A_266 = tpu.vector_load %arg8[%swap3A_265] {strides = array<i32>} : memref<2048xf32, #tpu.memory_space<vmem>>, vector<16xf32>,
    %swap3A_267 = vector.shape_cast %swap3A_266 : vector<16xf32> to vector<16xf32>
    %swap3A_268 = vector.shape_cast %broadcast_in_dim3A_9 : vector<16xf32> to vector<16xf32>
    tpu.vector_store %arg8[%swap3A_265], %swap3A_268 {strides = array<i32>} : memref<2048xf32, #tpu.memory_space<vmem>>, vector<16xf32>,
    %swap3A_269 = arith.constant 1040 : index
    %swap3A_270 = tpu.vector_load %arg8[%swap3A_269] {strides = array<i32>} : memref<2048xf32, #tpu.memory_space<vmem>>, vector<16xf32>,
    %swap3A_271 = vector.shape_cast %swap3A_270 : vector<16xf32> to vector<16xf32>
    %swap3A_272 = vector.shape_cast %broadcast_in_dim3A_9 : vector<16xf32> to vector<16xf32>
    tpu.vector_store %arg8[%swap3A_269], %swap3A_272 {strides = array<i32>} : memref<2048xf32, #tpu.memory_space<vmem>>, vector<16xf32>,
    %swap3A_273 = arith.constant 1056 : index
    %swap3A_274 = tpu.vector_load %arg8[%swap3A_273] {strides = array<i32>} : memref<2048xf32, #tpu.memory_space<vmem>>, vector<16xf32>,
    %swap3A_275 = vector.shape_cast %swap3A_274 : vector<16xf32> to vector<16xf32>
    %swap3A_276 = vector.shape_cast %broadcast_in_dim3A_9 : vector<16xf32> to vector<16xf32>
    tpu.vector_store %arg8[%swap3A_273], %swap3A_276 {strides = array<i32>} : memref<2048xf32, #tpu.memory_space<vmem>>, vector<16xf32>,
    %swap3A_277 = arith.constant 1072 : index
    %swap3A_278 = tpu.vector_load %arg8[%swap3A_277] {strides = array<i32>} : memref<2048xf32, #tpu.memory_space<vmem>>, vector<16xf32>,
    %swap3A_279 = vector.shape_cast %swap3A_278 : vector<16xf32> to vector<16xf32>
    %swap3A_280 = vector.shape_cast %broadcast_in_dim3A_9 : vector<16xf32> to vector<16xf32>
    tpu.vector_store %arg8[%swap3A_277], %swap3A_280 {strides = array<i32>} : memref<2048xf32, #tpu.memory_space<vmem>>, vector<16xf32>,
    %swap3A_281 = arith.constant 1088 : index
    %swap3A_282 = tpu.vector_load %arg8[%swap3A_281] {strides = array<i32>} : memref<2048xf32, #tpu.memory_space<vmem>>, vector<16xf32>,
    %swap3A_283 = vector.shape_cast %swap3A_282 : vector<16xf32> to vector<16xf32>
    %swap3A_284 = vector.shape_cast %broadcast_in_dim3A_9 : vector<16xf32> to vector<16xf32>
    tpu.vector_store %arg8[%swap3A_281], %swap3A_284 {strides = array<i32>} : memref<2048xf32, #tpu.memory_space<vmem>>, vector<16xf32>,
    %swap3A_285 = arith.constant 1104 : index
    %swap3A_286 = tpu.vector_load %arg8[%swap3A_285] {strides = array<i32>} : memref<2048xf32, #tpu.memory_space<vmem>>, vector<16xf32>,
    %swap3A_287 = vector.shape_cast %swap3A_286 : vector<16xf32> to vector<16xf32>
    %swap3A_288 = vector.shape_cast %broadcast_in_dim3A_9 : vector<16xf32> to vector<16xf32>
    tpu.vector_store %arg8[%swap3A_285], %swap3A_288 {strides = array<i32>} : memref<2048xf32, #tpu.memory_space<vmem>>, vector<16xf32>,
    %swap3A_289 = arith.constant 1120 : index
    %swap3A_290 = tpu.vector_load %arg8[%swap3A_289] {strides = array<i32>} : memref<2048xf32, #tpu.memory_space<vmem>>, vector<16xf32>,
    %swap3A_291 = vector.shape_cast %swap3A_290 : vector<16xf32> to vector<16xf32>
    %swap3A_292 = vector.shape_cast %broadcast_in_dim3A_9 : vector<16xf32> to vector<16xf32>
    tpu.vector_store %arg8[%swap3A_289], %swap3A_292 {strides = array<i32>} : memref<2048xf32, #tpu.memory_space<vmem>>, vector<16xf32>,
    %swap3A_293 = arith.constant 1136 : index
    %swap3A_294 = tpu.vector_load %arg8[%swap3A_293] {strides = array<i32>} : memref<2048xf32, #tpu.memory_space<vmem>>, vector<16xf32>,
    %swap3A_295 = vector.shape_cast %swap3A_294 : vector<16xf32> to vector<16xf32>
    %swap3A_296 = vector.shape_cast %broadcast_in_dim3A_9 : vector<16xf32> to vector<16xf32>
    tpu.vector_store %arg8[%swap3A_293], %swap3A_296 {strides = array<i32>} : memref<2048xf32, #tpu.memory_space<vmem>>, vector<16xf32>,
    %swap3A_297 = arith.constant 1152 : index
    %swap3A_298 = tpu.vector_load %arg8[%swap3A_297] {strides = array<i32>} : memref<2048xf32, #tpu.memory_space<vmem>>, vector<16xf32>,
    %swap3A_299 = vector.shape_cast %swap3A_298 : vector<16xf32> to vector<16xf32>
    %swap3A_300 = vector.shape_cast %broadcast_in_dim3A_9 : vector<16xf32> to vector<16xf32>
    tpu.vector_store %arg8[%swap3A_297], %swap3A_300 {strides = array<i32>} : memref<2048xf32, #tpu.memory_space<vmem>>, vector<16xf32>,
    %swap3A_301 = arith.constant 1168 : index
    %swap3A_302 = tpu.vector_load %arg8[%swap3A_301] {strides = array<i32>} : memref<2048xf32, #tpu.memory_space<vmem>>, vector<16xf32>,
    %swap3A_303 = vector.shape_cast %swap3A_302 : vector<16xf32> to vector<16xf32>
    %swap3A_304 = vector.shape_cast %broadcast_in_dim3A_9 : vector<16xf32> to vector<16xf32>
    tpu.vector_store %arg8[%swap3A_301], %swap3A_304 {strides = array<i32>} : memref<2048xf32, #tpu.memory_space<vmem>>, vector<16xf32>,
    %swap3A_305 = arith.constant 1184 : index
    %swap3A_306 = tpu.vector_load %arg8[%swap3A_305] {strides = array<i32>} : memref<2048xf32, #tpu.memory_space<vmem>>, vector<16xf32>,
    %swap3A_307 = vector.shape_cast %swap3A_306 : vector<16xf32> to vector<16xf32>
    %swap3A_308 = vector.shape_cast %broadcast_in_dim3A_9 : vector<16xf32> to vector<16xf32>
    tpu.vector_store %arg8[%swap3A_305], %swap3A_308 {strides = array<i32>} : memref<2048xf32, #tpu.memory_space<vmem>>, vector<16xf32>,
    %swap3A_309 = arith.constant 1200 : index
    %swap3A_310 = tpu.vector_load %arg8[%swap3A_309] {strides = array<i32>} : memref<2048xf32, #tpu.memory_space<vmem>>, vector<16xf32>,
    %swap3A_311 = vector.shape_cast %swap3A_310 : vector<16xf32> to vector<16xf32>
    %swap3A_312 = vector.shape_cast %broadcast_in_dim3A_9 : vector<16xf32> to vector<16xf32>
    tpu.vector_store %arg8[%swap3A_309], %swap3A_312 {strides = array<i32>} : memref<2048xf32, #tpu.memory_space<vmem>>, vector<16xf32>,
    %swap3A_313 = arith.constant 1216 : index
    %swap3A_314 = tpu.vector_load %arg8[%swap3A_313] {strides = array<i32>} : memref<2048xf32, #tpu.memory_space<vmem>>, vector<16xf32>,
    %swap3A_315 = vector.shape_cast %swap3A_314 : vector<16xf32> to vector<16xf32>
    %swap3A_316 = vector.shape_cast %broadcast_in_dim3A_9 : vector<16xf32> to vector<16xf32>
    tpu.vector_store %arg8[%swap3A_313], %swap3A_316 {strides = array<i32>} : memref<2048xf32, #tpu.memory_space<vmem>>, vector<16xf32>,
    %swap3A_317 = arith.constant 1232 : index
    %swap3A_318 = tpu.vector_load %arg8[%swap3A_317] {strides = array<i32>} : memref<2048xf32, #tpu.memory_space<vmem>>, vector<16xf32>,
    %swap3A_319 = vector.shape_cast %swap3A_318 : vector<16xf32> to vector<16xf32>
    %swap3A_320 = vector.shape_cast %broadcast_in_dim3A_9 : vector<16xf32> to vector<16xf32>
    tpu.vector_store %arg8[%swap3A_317], %swap3A_320 {strides = array<i32>} : memref<2048xf32, #tpu.memory_space<vmem>>, vector<16xf32>,
    %swap3A_321 = arith.constant 1248 : index
    %swap3A_322 = tpu.vector_load %arg8[%swap3A_321] {strides = array<i32>} : memref<2048xf32, #tpu.memory_space<vmem>>, vector<16xf32>,
    %swap3A_323 = vector.shape_cast %swap3A_322 : vector<16xf32> to vector<16xf32>
    %swap3A_324 = vector.shape_cast %broadcast_in_dim3A_9 : vector<16xf32> to vector<16xf32>
    tpu.vector_store %arg8[%swap3A_321], %swap3A_324 {strides = array<i32>} : memref<2048xf32, #tpu.memory_space<vmem>>, vector<16xf32>,
    %swap3A_325 = arith.constant 1264 : index
    %swap3A_326 = tpu.vector_load %arg8[%swap3A_325] {strides = array<i32>} : memref<2048xf32, #tpu.memory_space<vmem>>, vector<16xf32>,
    %swap3A_327 = vector.shape_cast %swap3A_326 : vector<16xf32> to vector<16xf32>
    %swap3A_328 = vector.shape_cast %broadcast_in_dim3A_9 : vector<16xf32> to vector<16xf32>
    tpu.vector_store %arg8[%swap3A_325], %swap3A_328 {strides = array<i32>} : memref<2048xf32, #tpu.memory_space<vmem>>, vector<16xf32>,
    %swap3A_329 = arith.constant 1280 : index
    %swap3A_330 = tpu.vector_load %arg8[%swap3A_329] {strides = array<i32>} : memref<2048xf32, #tpu.memory_space<vmem>>, vector<16xf32>,
    %swap3A_331 = vector.shape_cast %swap3A_330 : vector<16xf32> to vector<16xf32>
    %swap3A_332 = vector.shape_cast %broadcast_in_dim3A_9 : vector<16xf32> to vector<16xf32>
    tpu.vector_store %arg8[%swap3A_329], %swap3A_332 {strides = array<i32>} : memref<2048xf32, #tpu.memory_space<vmem>>, vector<16xf32>,
    %swap3A_333 = arith.constant 1296 : index
    %swap3A_334 = tpu.vector_load %arg8[%swap3A_333] {strides = array<i32>} : memref<2048xf32, #tpu.memory_space<vmem>>, vector<16xf32>,
    %swap3A_335 = vector.shape_cast %swap3A_334 : vector<16xf32> to vector<16xf32>
    %swap3A_336 = vector.shape_cast %broadcast_in_dim3A_9 : vector<16xf32> to vector<16xf32>
    tpu.vector_store %arg8[%swap3A_333], %swap3A_336 {strides = array<i32>} : memref<2048xf32, #tpu.memory_space<vmem>>, vector<16xf32>,
    %swap3A_337 = arith.constant 1312 : index
    %swap3A_338 = tpu.vector_load %arg8[%swap3A_337] {strides = array<i32>} : memref<2048xf32, #tpu.memory_space<vmem>>, vector<16xf32>,
    %swap3A_339 = vector.shape_cast %swap3A_338 : vector<16xf32> to vector<16xf32>
    %swap3A_340 = vector.shape_cast %broadcast_in_dim3A_9 : vector<16xf32> to vector<16xf32>
    tpu.vector_store %arg8[%swap3A_337], %swap3A_340 {strides = array<i32>} : memref<2048xf32, #tpu.memory_space<vmem>>, vector<16xf32>,
    %swap3A_341 = arith.constant 1328 : index
    %swap3A_342 = tpu.vector_load %arg8[%swap3A_341] {strides = array<i32>} : memref<2048xf32, #tpu.memory_space<vmem>>, vector<16xf32>,
    %swap3A_343 = vector.shape_cast %swap3A_342 : vector<16xf32> to vector<16xf32>
    %swap3A_344 = vector.shape_cast %broadcast_in_dim3A_9 : vector<16xf32> to vector<16xf32>
    tpu.vector_store %arg8[%swap3A_341], %swap3A_344 {strides = array<i32>} : memref<2048xf32, #tpu.memory_space<vmem>>, vector<16xf32>,
    %swap3A_345 = arith.constant 1344 : index
    %swap3A_346 = tpu.vector_load %arg8[%swap3A_345] {strides = array<i32>} : memref<2048xf32, #tpu.memory_space<vmem>>, vector<16xf32>,
    %swap3A_347 = vector.shape_cast %swap3A_346 : vector<16xf32> to vector<16xf32>
    %swap3A_348 = vector.shape_cast %broadcast_in_dim3A_9 : vector<16xf32> to vector<16xf32>
    tpu.vector_store %arg8[%swap3A_345], %swap3A_348 {strides = array<i32>} : memref<2048xf32, #tpu.memory_space<vmem>>, vector<16xf32>,
    %swap3A_349 = arith.constant 1360 : index
    %swap3A_350 = tpu.vector_load %arg8[%swap3A_349] {strides = array<i32>} : memref<2048xf32, #tpu.memory_space<vmem>>, vector<16xf32>,
    %swap3A_351 = vector.shape_cast %swap3A_350 : vector<16xf32> to vector<16xf32>
    %swap3A_352 = vector.shape_cast %broadcast_in_dim3A_9 : vector<16xf32> to vector<16xf32>
    tpu.vector_store %arg8[%swap3A_349], %swap3A_352 {strides = array<i32>} : memref<2048xf32, #tpu.memory_space<vmem>>, vector<16xf32>,
    %swap3A_353 = arith.constant 1376 : index
    %swap3A_354 = tpu.vector_load %arg8[%swap3A_353] {strides = array<i32>} : memref<2048xf32, #tpu.memory_space<vmem>>, vector<16xf32>,
    %swap3A_355 = vector.shape_cast %swap3A_354 : vector<16xf32> to vector<16xf32>
    %swap3A_356 = vector.shape_cast %broadcast_in_dim3A_9 : vector<16xf32> to vector<16xf32>
    tpu.vector_store %arg8[%swap3A_353], %swap3A_356 {strides = array<i32>} : memref<2048xf32, #tpu.memory_space<vmem>>, vector<16xf32>,
    %swap3A_357 = arith.constant 1392 : index
    %swap3A_358 = tpu.vector_load %arg8[%swap3A_357] {strides = array<i32>} : memref<2048xf32, #tpu.memory_space<vmem>>, vector<16xf32>,
    %swap3A_359 = vector.shape_cast %swap3A_358 : vector<16xf32> to vector<16xf32>
    %swap3A_360 = vector.shape_cast %broadcast_in_dim3A_9 : vector<16xf32> to vector<16xf32>
    tpu.vector_store %arg8[%swap3A_357], %swap3A_360 {strides = array<i32>} : memref<2048xf32, #tpu.memory_space<vmem>>, vector<16xf32>,
    %swap3A_361 = arith.constant 1408 : index
    %swap3A_362 = tpu.vector_load %arg8[%swap3A_361] {strides = array<i32>} : memref<2048xf32, #tpu.memory_space<vmem>>, vector<16xf32>,
    %swap3A_363 = vector.shape_cast %swap3A_362 : vector<16xf32> to vector<16xf32>
    %swap3A_364 = vector.shape_cast %broadcast_in_dim3A_9 : vector<16xf32> to vector<16xf32>
    tpu.vector_store %arg8[%swap3A_361], %swap3A_364 {strides = array<i32>} : memref<2048xf32, #tpu.memory_space<vmem>>, vector<16xf32>,
    %swap3A_365 = arith.constant 1424 : index
    %swap3A_366 = tpu.vector_load %arg8[%swap3A_365] {strides = array<i32>} : memref<2048xf32, #tpu.memory_space<vmem>>, vector<16xf32>,
    %swap3A_367 = vector.shape_cast %swap3A_366 : vector<16xf32> to vector<16xf32>
    %swap3A_368 = vector.shape_cast %broadcast_in_dim3A_9 : vector<16xf32> to vector<16xf32>
    tpu.vector_store %arg8[%swap3A_365], %swap3A_368 {strides = array<i32>} : memref<2048xf32, #tpu.memory_space<vmem>>, vector<16xf32>,
    %swap3A_369 = arith.constant 1440 : index
    %swap3A_370 = tpu.vector_load %arg8[%swap3A_369] {strides = array<i32>} : memref<2048xf32, #tpu.memory_space<vmem>>, vector<16xf32>,
    %swap3A_371 = vector.shape_cast %swap3A_370 : vector<16xf32> to vector<16xf32>
    %swap3A_372 = vector.shape_cast %broadcast_in_dim3A_9 : vector<16xf32> to vector<16xf32>
    tpu.vector_store %arg8[%swap3A_369], %swap3A_372 {strides = array<i32>} : memref<2048xf32, #tpu.memory_space<vmem>>, vector<16xf32>,
    %swap3A_373 = arith.constant 1456 : index
    %swap3A_374 = tpu.vector_load %arg8[%swap3A_373] {strides = array<i32>} : memref<2048xf32, #tpu.memory_space<vmem>>, vector<16xf32>,
    %swap3A_375 = vector.shape_cast %swap3A_374 : vector<16xf32> to vector<16xf32>
    %swap3A_376 = vector.shape_cast %broadcast_in_dim3A_9 : vector<16xf32> to vector<16xf32>
    tpu.vector_store %arg8[%swap3A_373], %swap3A_376 {strides = array<i32>} : memref<2048xf32, #tpu.memory_space<vmem>>, vector<16xf32>,
    %swap3A_377 = arith.constant 1472 : index
    %swap3A_378 = tpu.vector_load %arg8[%swap3A_377] {strides = array<i32>} : memref<2048xf32, #tpu.memory_space<vmem>>, vector<16xf32>,
    %swap3A_379 = vector.shape_cast %swap3A_378 : vector<16xf32> to vector<16xf32>
    %swap3A_380 = vector.shape_cast %broadcast_in_dim3A_9 : vector<16xf32> to vector<16xf32>
    tpu.vector_store %arg8[%swap3A_377], %swap3A_380 {strides = array<i32>} : memref<2048xf32, #tpu.memory_space<vmem>>, vector<16xf32>,
    %swap3A_381 = arith.constant 1488 : index
    %swap3A_382 = tpu.vector_load %arg8[%swap3A_381] {strides = array<i32>} : memref<2048xf32, #tpu.memory_space<vmem>>, vector<16xf32>,
    %swap3A_383 = vector.shape_cast %swap3A_382 : vector<16xf32> to vector<16xf32>
    %swap3A_384 = vector.shape_cast %broadcast_in_dim3A_9 : vector<16xf32> to vector<16xf32>
    tpu.vector_store %arg8[%swap3A_381], %swap3A_384 {strides = array<i32>} : memref<2048xf32, #tpu.memory_space<vmem>>, vector<16xf32>,
    %swap3A_385 = arith.constant 1504 : index
    %swap3A_386 = tpu.vector_load %arg8[%swap3A_385] {strides = array<i32>} : memref<2048xf32, #tpu.memory_space<vmem>>, vector<16xf32>,
    %swap3A_387 = vector.shape_cast %swap3A_386 : vector<16xf32> to vector<16xf32>
    %swap3A_388 = vector.shape_cast %broadcast_in_dim3A_9 : vector<16xf32> to vector<16xf32>
    tpu.vector_store %arg8[%swap3A_385], %swap3A_388 {strides = array<i32>} : memref<2048xf32, #tpu.memory_space<vmem>>, vector<16xf32>,
    %swap3A_389 = arith.constant 1520 : index
    %swap3A_390 = tpu.vector_load %arg8[%swap3A_389] {strides = array<i32>} : memref<2048xf32, #tpu.memory_space<vmem>>, vector<16xf32>,
    %swap3A_391 = vector.shape_cast %swap3A_390 : vector<16xf32> to vector<16xf32>
    %swap3A_392 = vector.shape_cast %broadcast_in_dim3A_9 : vector<16xf32> to vector<16xf32>
    tpu.vector_store %arg8[%swap3A_389], %swap3A_392 {strides = array<i32>} : memref<2048xf32, #tpu.memory_space<vmem>>, vector<16xf32>,
    %swap3A_393 = arith.constant 1536 : index
    %swap3A_394 = tpu.vector_load %arg8[%swap3A_393] {strides = array<i32>} : memref<2048xf32, #tpu.memory_space<vmem>>, vector<16xf32>,
    %swap3A_395 = vector.shape_cast %swap3A_394 : vector<16xf32> to vector<16xf32>
    %swap3A_396 = vector.shape_cast %broadcast_in_dim3A_9 : vector<16xf32> to vector<16xf32>
    tpu.vector_store %arg8[%swap3A_393], %swap3A_396 {strides = array<i32>} : memref<2048xf32, #tpu.memory_space<vmem>>, vector<16xf32>,
    %swap3A_397 = arith.constant 1552 : index
    %swap3A_398 = tpu.vector_load %arg8[%swap3A_397] {strides = array<i32>} : memref<2048xf32, #tpu.memory_space<vmem>>, vector<16xf32>,
    %swap3A_399 = vector.shape_cast %swap3A_398 : vector<16xf32> to vector<16xf32>
    %swap3A_400 = vector.shape_cast %broadcast_in_dim3A_9 : vector<16xf32> to vector<16xf32>
    tpu.vector_store %arg8[%swap3A_397], %swap3A_400 {strides = array<i32>} : memref<2048xf32, #tpu.memory_space<vmem>>, vector<16xf32>,
    %swap3A_401 = arith.constant 1568 : index
    %swap3A_402 = tpu.vector_load %arg8[%swap3A_401] {strides = array<i32>} : memref<2048xf32, #tpu.memory_space<vmem>>, vector<16xf32>,
    %swap3A_403 = vector.shape_cast %swap3A_402 : vector<16xf32> to vector<16xf32>
    %swap3A_404 = vector.shape_cast %broadcast_in_dim3A_9 : vector<16xf32> to vector<16xf32>
    tpu.vector_store %arg8[%swap3A_401], %swap3A_404 {strides = array<i32>} : memref<2048xf32, #tpu.memory_space<vmem>>, vector<16xf32>,
    %swap3A_405 = arith.constant 1584 : index
    %swap3A_406 = tpu.vector_load %arg8[%swap3A_405] {strides = array<i32>} : memref<2048xf32, #tpu.memory_space<vmem>>, vector<16xf32>,
    %swap3A_407 = vector.shape_cast %swap3A_406 : vector<16xf32> to vector<16xf32>
    %swap3A_408 = vector.shape_cast %broadcast_in_dim3A_9 : vector<16xf32> to vector<16xf32>
    tpu.vector_store %arg8[%swap3A_405], %swap3A_408 {strides = array<i32>} : memref<2048xf32, #tpu.memory_space<vmem>>, vector<16xf32>,
    %swap3A_409 = arith.constant 1600 : index
    %swap3A_410 = tpu.vector_load %arg8[%swap3A_409] {strides = array<i32>} : memref<2048xf32, #tpu.memory_space<vmem>>, vector<16xf32>,
    %swap3A_411 = vector.shape_cast %swap3A_410 : vector<16xf32> to vector<16xf32>
    %swap3A_412 = vector.shape_cast %broadcast_in_dim3A_9 : vector<16xf32> to vector<16xf32>
    tpu.vector_store %arg8[%swap3A_409], %swap3A_412 {strides = array<i32>} : memref<2048xf32, #tpu.memory_space<vmem>>, vector<16xf32>,
    %swap3A_413 = arith.constant 1616 : index
    %swap3A_414 = tpu.vector_load %arg8[%swap3A_413] {strides = array<i32>} : memref<2048xf32, #tpu.memory_space<vmem>>, vector<16xf32>,
    %swap3A_415 = vector.shape_cast %swap3A_414 : vector<16xf32> to vector<16xf32>
    %swap3A_416 = vector.shape_cast %broadcast_in_dim3A_9 : vector<16xf32> to vector<16xf32>
    tpu.vector_store %arg8[%swap3A_413], %swap3A_416 {strides = array<i32>} : memref<2048xf32, #tpu.memory_space<vmem>>, vector<16xf32>,
    %swap3A_417 = arith.constant 1632 : index
    %swap3A_418 = tpu.vector_load %arg8[%swap3A_417] {strides = array<i32>} : memref<2048xf32, #tpu.memory_space<vmem>>, vector<16xf32>,
    %swap3A_419 = vector.shape_cast %swap3A_418 : vector<16xf32> to vector<16xf32>
    %swap3A_420 = vector.shape_cast %broadcast_in_dim3A_9 : vector<16xf32> to vector<16xf32>
    tpu.vector_store %arg8[%swap3A_417], %swap3A_420 {strides = array<i32>} : memref<2048xf32, #tpu.memory_space<vmem>>, vector<16xf32>,
    %swap3A_421 = arith.constant 1648 : index
    %swap3A_422 = tpu.vector_load %arg8[%swap3A_421] {strides = array<i32>} : memref<2048xf32, #tpu.memory_space<vmem>>, vector<16xf32>,
    %swap3A_423 = vector.shape_cast %swap3A_422 : vector<16xf32> to vector<16xf32>
    %swap3A_424 = vector.shape_cast %broadcast_in_dim3A_9 : vector<16xf32> to vector<16xf32>
    tpu.vector_store %arg8[%swap3A_421], %swap3A_424 {strides = array<i32>} : memref<2048xf32, #tpu.memory_space<vmem>>, vector<16xf32>,
    %swap3A_425 = arith.constant 1664 : index
    %swap3A_426 = tpu.vector_load %arg8[%swap3A_425] {strides = array<i32>} : memref<2048xf32, #tpu.memory_space<vmem>>, vector<16xf32>,
    %swap3A_427 = vector.shape_cast %swap3A_426 : vector<16xf32> to vector<16xf32>
    %swap3A_428 = vector.shape_cast %broadcast_in_dim3A_9 : vector<16xf32> to vector<16xf32>
    tpu.vector_store %arg8[%swap3A_425], %swap3A_428 {strides = array<i32>} : memref<2048xf32, #tpu.memory_space<vmem>>, vector<16xf32>,
    %swap3A_429 = arith.constant 1680 : index
    %swap3A_430 = tpu.vector_load %arg8[%swap3A_429] {strides = array<i32>} : memref<2048xf32, #tpu.memory_space<vmem>>, vector<16xf32>,
    %swap3A_431 = vector.shape_cast %swap3A_430 : vector<16xf32> to vector<16xf32>
    %swap3A_432 = vector.shape_cast %broadcast_in_dim3A_9 : vector<16xf32> to vector<16xf32>
    tpu.vector_store %arg8[%swap3A_429], %swap3A_432 {strides = array<i32>} : memref<2048xf32, #tpu.memory_space<vmem>>, vector<16xf32>,
    %swap3A_433 = arith.constant 1696 : index
    %swap3A_434 = tpu.vector_load %arg8[%swap3A_433] {strides = array<i32>} : memref<2048xf32, #tpu.memory_space<vmem>>, vector<16xf32>,
    %swap3A_435 = vector.shape_cast %swap3A_434 : vector<16xf32> to vector<16xf32>
    %swap3A_436 = vector.shape_cast %broadcast_in_dim3A_9 : vector<16xf32> to vector<16xf32>
    tpu.vector_store %arg8[%swap3A_433], %swap3A_436 {strides = array<i32>} : memref<2048xf32, #tpu.memory_space<vmem>>, vector<16xf32>,
    %swap3A_437 = arith.constant 1712 : index
    %swap3A_438 = tpu.vector_load %arg8[%swap3A_437] {strides = array<i32>} : memref<2048xf32, #tpu.memory_space<vmem>>, vector<16xf32>,
    %swap3A_439 = vector.shape_cast %swap3A_438 : vector<16xf32> to vector<16xf32>
    %swap3A_440 = vector.shape_cast %broadcast_in_dim3A_9 : vector<16xf32> to vector<16xf32>
    tpu.vector_store %arg8[%swap3A_437], %swap3A_440 {strides = array<i32>} : memref<2048xf32, #tpu.memory_space<vmem>>, vector<16xf32>,
    %swap3A_441 = arith.constant 1728 : index
    %swap3A_442 = tpu.vector_load %arg8[%swap3A_441] {strides = array<i32>} : memref<2048xf32, #tpu.memory_space<vmem>>, vector<16xf32>,
    %swap3A_443 = vector.shape_cast %swap3A_442 : vector<16xf32> to vector<16xf32>
    %swap3A_444 = vector.shape_cast %broadcast_in_dim3A_9 : vector<16xf32> to vector<16xf32>
    tpu.vector_store %arg8[%swap3A_441], %swap3A_444 {strides = array<i32>} : memref<2048xf32, #tpu.memory_space<vmem>>, vector<16xf32>,
    %swap3A_445 = arith.constant 1744 : index
    %swap3A_446 = tpu.vector_load %arg8[%swap3A_445] {strides = array<i32>} : memref<2048xf32, #tpu.memory_space<vmem>>, vector<16xf32>,
    %swap3A_447 = vector.shape_cast %swap3A_446 : vector<16xf32> to vector<16xf32>
    %swap3A_448 = vector.shape_cast %broadcast_in_dim3A_9 : vector<16xf32> to vector<16xf32>
    tpu.vector_store %arg8[%swap3A_445], %swap3A_448 {strides = array<i32>} : memref<2048xf32, #tpu.memory_space<vmem>>, vector<16xf32>,
    %swap3A_449 = arith.constant 1760 : index
    %swap3A_450 = tpu.vector_load %arg8[%swap3A_449] {strides = array<i32>} : memref<2048xf32, #tpu.memory_space<vmem>>, vector<16xf32>,
    %swap3A_451 = vector.shape_cast %swap3A_450 : vector<16xf32> to vector<16xf32>
    %swap3A_452 = vector.shape_cast %broadcast_in_dim3A_9 : vector<16xf32> to vector<16xf32>
    tpu.vector_store %arg8[%swap3A_449], %swap3A_452 {strides = array<i32>} : memref<2048xf32, #tpu.memory_space<vmem>>, vector<16xf32>,
    %swap3A_453 = arith.constant 1776 : index
    %swap3A_454 = tpu.vector_load %arg8[%swap3A_453] {strides = array<i32>} : memref<2048xf32, #tpu.memory_space<vmem>>, vector<16xf32>,
    %swap3A_455 = vector.shape_cast %swap3A_454 : vector<16xf32> to vector<16xf32>
    %swap3A_456 = vector.shape_cast %broadcast_in_dim3A_9 : vector<16xf32> to vector<16xf32>
    tpu.vector_store %arg8[%swap3A_453], %swap3A_456 {strides = array<i32>} : memref<2048xf32, #tpu.memory_space<vmem>>, vector<16xf32>,
    %swap3A_457 = arith.constant 1792 : index
    %swap3A_458 = tpu.vector_load %arg8[%swap3A_457] {strides = array<i32>} : memref<2048xf32, #tpu.memory_space<vmem>>, vector<16xf32>,
    %swap3A_459 = vector.shape_cast %swap3A_458 : vector<16xf32> to vector<16xf32>
    %swap3A_460 = vector.shape_cast %broadcast_in_dim3A_9 : vector<16xf32> to vector<16xf32>
    tpu.vector_store %arg8[%swap3A_457], %swap3A_460 {strides = array<i32>} : memref<2048xf32, #tpu.memory_space<vmem>>, vector<16xf32>,
    %swap3A_461 = arith.constant 1808 : index
    %swap3A_462 = tpu.vector_load %arg8[%swap3A_461] {strides = array<i32>} : memref<2048xf32, #tpu.memory_space<vmem>>, vector<16xf32>,
    %swap3A_463 = vector.shape_cast %swap3A_462 : vector<16xf32> to vector<16xf32>
    %swap3A_464 = vector.shape_cast %broadcast_in_dim3A_9 : vector<16xf32> to vector<16xf32>
    tpu.vector_store %arg8[%swap3A_461], %swap3A_464 {strides = array<i32>} : memref<2048xf32, #tpu.memory_space<vmem>>, vector<16xf32>,
    %swap3A_465 = arith.constant 1824 : index
    %swap3A_466 = tpu.vector_load %arg8[%swap3A_465] {strides = array<i32>} : memref<2048xf32, #tpu.memory_space<vmem>>, vector<16xf32>,
    %swap3A_467 = vector.shape_cast %swap3A_466 : vector<16xf32> to vector<16xf32>
    %swap3A_468 = vector.shape_cast %broadcast_in_dim3A_9 : vector<16xf32> to vector<16xf32>
    tpu.vector_store %arg8[%swap3A_465], %swap3A_468 {strides = array<i32>} : memref<2048xf32, #tpu.memory_space<vmem>>, vector<16xf32>,
    %swap3A_469 = arith.constant 1840 : index
    %swap3A_470 = tpu.vector_load %arg8[%swap3A_469] {strides = array<i32>} : memref<2048xf32, #tpu.memory_space<vmem>>, vector<16xf32>,
    %swap3A_471 = vector.shape_cast %swap3A_470 : vector<16xf32> to vector<16xf32>
    %swap3A_472 = vector.shape_cast %broadcast_in_dim3A_9 : vector<16xf32> to vector<16xf32>
    tpu.vector_store %arg8[%swap3A_469], %swap3A_472 {strides = array<i32>} : memref<2048xf32, #tpu.memory_space<vmem>>, vector<16xf32>,
    %swap3A_473 = arith.constant 1856 : index
    %swap3A_474 = tpu.vector_load %arg8[%swap3A_473] {strides = array<i32>} : memref<2048xf32, #tpu.memory_space<vmem>>, vector<16xf32>,
    %swap3A_475 = vector.shape_cast %swap3A_474 : vector<16xf32> to vector<16xf32>
    %swap3A_476 = vector.shape_cast %broadcast_in_dim3A_9 : vector<16xf32> to vector<16xf32>
    tpu.vector_store %arg8[%swap3A_473], %swap3A_476 {strides = array<i32>} : memref<2048xf32, #tpu.memory_space<vmem>>, vector<16xf32>,
    %swap3A_477 = arith.constant 1872 : index
    %swap3A_478 = tpu.vector_load %arg8[%swap3A_477] {strides = array<i32>} : memref<2048xf32, #tpu.memory_space<vmem>>, vector<16xf32>,
    %swap3A_479 = vector.shape_cast %swap3A_478 : vector<16xf32> to vector<16xf32>
    %swap3A_480 = vector.shape_cast %broadcast_in_dim3A_9 : vector<16xf32> to vector<16xf32>
    tpu.vector_store %arg8[%swap3A_477], %swap3A_480 {strides = array<i32>} : memref<2048xf32, #tpu.memory_space<vmem>>, vector<16xf32>,
    %swap3A_481 = arith.constant 1888 : index
    %swap3A_482 = tpu.vector_load %arg8[%swap3A_481] {strides = array<i32>} : memref<2048xf32, #tpu.memory_space<vmem>>, vector<16xf32>,
    %swap3A_483 = vector.shape_cast %swap3A_482 : vector<16xf32> to vector<16xf32>
    %swap3A_484 = vector.shape_cast %broadcast_in_dim3A_9 : vector<16xf32> to vector<16xf32>
    tpu.vector_store %arg8[%swap3A_481], %swap3A_484 {strides = array<i32>} : memref<2048xf32, #tpu.memory_space<vmem>>, vector<16xf32>,
    %swap3A_485 = arith.constant 1904 : index
    %swap3A_486 = tpu.vector_load %arg8[%swap3A_485] {strides = array<i32>} : memref<2048xf32, #tpu.memory_space<vmem>>, vector<16xf32>,
    %swap3A_487 = vector.shape_cast %swap3A_486 : vector<16xf32> to vector<16xf32>
    %swap3A_488 = vector.shape_cast %broadcast_in_dim3A_9 : vector<16xf32> to vector<16xf32>
    tpu.vector_store %arg8[%swap3A_485], %swap3A_488 {strides = array<i32>} : memref<2048xf32, #tpu.memory_space<vmem>>, vector<16xf32>,
    %swap3A_489 = arith.constant 1920 : index
    %swap3A_490 = tpu.vector_load %arg8[%swap3A_489] {strides = array<i32>} : memref<2048xf32, #tpu.memory_space<vmem>>, vector<16xf32>,
    %swap3A_491 = vector.shape_cast %swap3A_490 : vector<16xf32> to vector<16xf32>
    %swap3A_492 = vector.shape_cast %broadcast_in_dim3A_9 : vector<16xf32> to vector<16xf32>
    tpu.vector_store %arg8[%swap3A_489], %swap3A_492 {strides = array<i32>} : memref<2048xf32, #tpu.memory_space<vmem>>, vector<16xf32>,
    %swap3A_493 = arith.constant 1936 : index
    %swap3A_494 = tpu.vector_load %arg8[%swap3A_493] {strides = array<i32>} : memref<2048xf32, #tpu.memory_space<vmem>>, vector<16xf32>,
    %swap3A_495 = vector.shape_cast %swap3A_494 : vector<16xf32> to vector<16xf32>
    %swap3A_496 = vector.shape_cast %broadcast_in_dim3A_9 : vector<16xf32> to vector<16xf32>
    tpu.vector_store %arg8[%swap3A_493], %swap3A_496 {strides = array<i32>} : memref<2048xf32, #tpu.memory_space<vmem>>, vector<16xf32>,
    %swap3A_497 = arith.constant 1952 : index
    %swap3A_498 = tpu.vector_load %arg8[%swap3A_497] {strides = array<i32>} : memref<2048xf32, #tpu.memory_space<vmem>>, vector<16xf32>,
    %swap3A_499 = vector.shape_cast %swap3A_498 : vector<16xf32> to vector<16xf32>
    %swap3A_500 = vector.shape_cast %broadcast_in_dim3A_9 : vector<16xf32> to vector<16xf32>
    tpu.vector_store %arg8[%swap3A_497], %swap3A_500 {strides = array<i32>} : memref<2048xf32, #tpu.memory_space<vmem>>, vector<16xf32>,
    %swap3A_501 = arith.constant 1968 : index
    %swap3A_502 = tpu.vector_load %arg8[%swap3A_501] {strides = array<i32>} : memref<2048xf32, #tpu.memory_space<vmem>>, vector<16xf32>,
    %swap3A_503 = vector.shape_cast %swap3A_502 : vector<16xf32> to vector<16xf32>
    %swap3A_504 = vector.shape_cast %broadcast_in_dim3A_9 : vector<16xf32> to vector<16xf32>
    tpu.vector_store %arg8[%swap3A_501], %swap3A_504 {strides = array<i32>} : memref<2048xf32, #tpu.memory_space<vmem>>, vector<16xf32>,
    %swap3A_505 = arith.constant 1984 : index
    %swap3A_506 = tpu.vector_load %arg8[%swap3A_505] {strides = array<i32>} : memref<2048xf32, #tpu.memory_space<vmem>>, vector<16xf32>,
    %swap3A_507 = vector.shape_cast %swap3A_506 : vector<16xf32> to vector<16xf32>
    %swap3A_508 = vector.shape_cast %broadcast_in_dim3A_9 : vector<16xf32> to vector<16xf32>
    tpu.vector_store %arg8[%swap3A_505], %swap3A_508 {strides = array<i32>} : memref<2048xf32, #tpu.memory_space<vmem>>, vector<16xf32>,
    %swap3A_509 = arith.constant 2000 : index
    %swap3A_510 = tpu.vector_load %arg8[%swap3A_509] {strides = array<i32>} : memref<2048xf32, #tpu.memory_space<vmem>>, vector<16xf32>,
    %swap3A_511 = vector.shape_cast %swap3A_510 : vector<16xf32> to vector<16xf32>
    %swap3A_512 = vector.shape_cast %broadcast_in_dim3A_9 : vector<16xf32> to vector<16xf32>
    tpu.vector_store %arg8[%swap3A_509], %swap3A_512 {strides = array<i32>} : memref<2048xf32, #tpu.memory_space<vmem>>, vector<16xf32>,
    %swap3A_513 = arith.constant 2016 : index
    %swap3A_514 = tpu.vector_load %arg8[%swap3A_513] {strides = array<i32>} : memref<2048xf32, #tpu.memory_space<vmem>>, vector<16xf32>,
    %swap3A_515 = vector.shape_cast %swap3A_514 : vector<16xf32> to vector<16xf32>
    %swap3A_516 = vector.shape_cast %broadcast_in_dim3A_9 : vector<16xf32> to vector<16xf32>
    tpu.vector_store %arg8[%swap3A_513], %swap3A_516 {strides = array<i32>} : memref<2048xf32, #tpu.memory_space<vmem>>, vector<16xf32>,
    %swap3A_517 = arith.constant 2032 : index
    %swap3A_518 = tpu.vector_load %arg8[%swap3A_517] {strides = array<i32>} : memref<2048xf32, #tpu.memory_space<vmem>>, vector<16xf32>,
    %swap3A_519 = vector.shape_cast %swap3A_518 : vector<16xf32> to vector<16xf32>
    %swap3A_520 = vector.shape_cast %broadcast_in_dim3A_9 : vector<16xf32> to vector<16xf32>
    tpu.vector_store %arg8[%swap3A_517], %swap3A_520 {strides = array<i32>} : memref<2048xf32, #tpu.memory_space<vmem>>, vector<16xf32>,
    %jit3A = arith.constant 5 : i32
    %jit3A_521 = arith.constant 20 : i32
    %select_n3A = arith.select %eq3A_3, %jit3A, %jit3A_521 : i32
    %iota3A = tpu.iota {dimensions = array<i32: 0>} : vector<16xi32>
    %while3A = arith.constant 0 : i32
    %while3A_522 = arith.subi %select_n3A, %while3A : i32
    %while3A_523 = arith.addi %while3A, %while3A_522 : i32
    %while3A_524 = arith.constant 1 : i32
    %while3A_525 = arith.divsi %while3A_522, %while3A_524 : i32
    %while3A_526 = arith.muli %while3A_525, %while3A_524 : i32
    %while3A_527 = arith.addi %while3A, %while3A_526 : i32
    %while3A_528 = arith.constant 1 : i32
    %while3A_529 = scf.for %while3A_536 = %while3A to %while3A_527 step %while3A_528 iter_args(%while3A_537 = %broadcast_in_dim3A_9) -> (vector<16xf32>)  : i32 {
      %mul3A_538 = arith.constant 16 : i32
      %mul3A_539 = arith.muli %mul3A_538, %while3A_536 : i32
      %get3A = arith.index_cast %mul3A_539 : i32 to index
      %get3A_540 = tpu.vector_load %arg7[%get3A] {strides = array<i32>} : memref<320xi32, #tpu.memory_space<vmem>>, vector<16xi32>,
      %get3A_541 = vector.shape_cast %get3A_540 : vector<16xi32> to vector<16xi32>
      %mul3A_542 = arith.constant 2048 : i32
      %mul3A_543 = arith.muli %while3A_536, %mul3A_542 : i32
      %slice3A = vector.extract_strided_slice %get3A_541 {offsets = [0], sizes = [1], strides = [1]} : vector<16xi32> to vector<1xi32>
      %squeeze3A = vector.extract %slice3A[0] : i32 from vector<1xi32>
      %mul3A_544 = arith.constant 128 : i32
      %mul3A_545 = arith.muli %squeeze3A, %mul3A_544 : i32
      %add3A_546 = arith.constant 0 : i32
      %add3A_547 = arith.addi %mul3A_545, %add3A_546 : i32
      %add3A_548 = arith.constant 0 : i32
      %add3A_549 = arith.addi %mul3A_543, %add3A_548 : i32
      %add3A_550 = arith.constant 0 : i32
      %add3A_551 = arith.addi %add3A_549, %add3A_550 : i32
      %get3A_552 = arith.index_cast %add3A_551 : i32 to index
      %get3A_553 = tpu.vector_load %arg6[%get3A_552] {strides = array<i32>} : memref<40960xf32, #tpu.memory_space<vmem>>, vector<16xf32>,
      %get3A_554 = vector.shape_cast %get3A_553 : vector<16xf32> to vector<16xf32>
      %swap3A_555 = arith.index_cast %add3A_547 : i32 to index
      %swap3A_556 = tpu.vector_load %arg8[%swap3A_555] {strides = array<i32>} : memref<2048xf32, #tpu.memory_space<vmem>>, vector<16xf32>,
      %swap3A_557 = vector.shape_cast %swap3A_556 : vector<16xf32> to vector<16xf32>
      %swap3A_558 = vector.shape_cast %get3A_554 : vector<16xf32> to vector<16xf32>
      tpu.vector_store %arg8[%swap3A_555], %swap3A_558 {add = true, strides = array<i32>} : memref<2048xf32, #tpu.memory_space<vmem>>, vector<16xf32>,
      %mul3A_559 = arith.constant 128 : i32
      %mul3A_560 = arith.muli %squeeze3A, %mul3A_559 : i32
      %add3A_561 = arith.constant 16 : i32
      %add3A_562 = arith.addi %mul3A_560, %add3A_561 : i32
      %add3A_563 = arith.constant 0 : i32
      %add3A_564 = arith.addi %mul3A_543, %add3A_563 : i32
      %add3A_565 = arith.constant 16 : i32
      %add3A_566 = arith.addi %add3A_564, %add3A_565 : i32
      %get3A_567 = arith.index_cast %add3A_566 : i32 to index
      %get3A_568 = tpu.vector_load %arg6[%get3A_567] {strides = array<i32>} : memref<40960xf32, #tpu.memory_space<vmem>>, vector<16xf32>,
      %get3A_569 = vector.shape_cast %get3A_568 : vector<16xf32> to vector<16xf32>
      %swap3A_570 = arith.index_cast %add3A_562 : i32 to index
      %swap3A_571 = tpu.vector_load %arg8[%swap3A_570] {strides = array<i32>} : memref<2048xf32, #tpu.memory_space<vmem>>, vector<16xf32>,
      %swap3A_572 = vector.shape_cast %swap3A_571 : vector<16xf32> to vector<16xf32>
      %swap3A_573 = vector.shape_cast %get3A_569 : vector<16xf32> to vector<16xf32>
      tpu.vector_store %arg8[%swap3A_570], %swap3A_573 {add = true, strides = array<i32>} : memref<2048xf32, #tpu.memory_space<vmem>>, vector<16xf32>,
      %mul3A_574 = arith.constant 128 : i32
      %mul3A_575 = arith.muli %squeeze3A, %mul3A_574 : i32
      %add3A_576 = arith.constant 32 : i32
      %add3A_577 = arith.addi %mul3A_575, %add3A_576 : i32
      %add3A_578 = arith.constant 0 : i32
      %add3A_579 = arith.addi %mul3A_543, %add3A_578 : i32
      %add3A_580 = arith.constant 32 : i32
      %add3A_581 = arith.addi %add3A_579, %add3A_580 : i32
      %get3A_582 = arith.index_cast %add3A_581 : i32 to index
      %get3A_583 = tpu.vector_load %arg6[%get3A_582] {strides = array<i32>} : memref<40960xf32, #tpu.memory_space<vmem>>, vector<16xf32>,
      %get3A_584 = vector.shape_cast %get3A_583 : vector<16xf32> to vector<16xf32>
      %swap3A_585 = arith.index_cast %add3A_577 : i32 to index
      %swap3A_586 = tpu.vector_load %arg8[%swap3A_585] {strides = array<i32>} : memref<2048xf32, #tpu.memory_space<vmem>>, vector<16xf32>,
      %swap3A_587 = vector.shape_cast %swap3A_586 : vector<16xf32> to vector<16xf32>
      %swap3A_588 = vector.shape_cast %get3A_584 : vector<16xf32> to vector<16xf32>
      tpu.vector_store %arg8[%swap3A_585], %swap3A_588 {add = true, strides = array<i32>} : memref<2048xf32, #tpu.memory_space<vmem>>, vector<16xf32>,
      %mul3A_589 = arith.constant 128 : i32
      %mul3A_590 = arith.muli %squeeze3A, %mul3A_589 : i32
      %add3A_591 = arith.constant 48 : i32
      %add3A_592 = arith.addi %mul3A_590, %add3A_591 : i32
      %add3A_593 = arith.constant 0 : i32
      %add3A_594 = arith.addi %mul3A_543, %add3A_593 : i32
      %add3A_595 = arith.constant 48 : i32
      %add3A_596 = arith.addi %add3A_594, %add3A_595 : i32
      %get3A_597 = arith.index_cast %add3A_596 : i32 to index
      %get3A_598 = tpu.vector_load %arg6[%get3A_597] {strides = array<i32>} : memref<40960xf32, #tpu.memory_space<vmem>>, vector<16xf32>,
      %get3A_599 = vector.shape_cast %get3A_598 : vector<16xf32> to vector<16xf32>
      %swap3A_600 = arith.index_cast %add3A_592 : i32 to index
      %swap3A_601 = tpu.vector_load %arg8[%swap3A_600] {strides = array<i32>} : memref<2048xf32, #tpu.memory_space<vmem>>, vector<16xf32>,
      %swap3A_602 = vector.shape_cast %swap3A_601 : vector<16xf32> to vector<16xf32>
      %swap3A_603 = vector.shape_cast %get3A_599 : vector<16xf32> to vector<16xf32>
      tpu.vector_store %arg8[%swap3A_600], %swap3A_603 {add = true, strides = array<i32>} : memref<2048xf32, #tpu.memory_space<vmem>>, vector<16xf32>,
      %mul3A_604 = arith.constant 128 : i32
      %mul3A_605 = arith.muli %squeeze3A, %mul3A_604 : i32
      %add3A_606 = arith.constant 64 : i32
      %add3A_607 = arith.addi %mul3A_605, %add3A_606 : i32
      %add3A_608 = arith.constant 0 : i32
      %add3A_609 = arith.addi %mul3A_543, %add3A_608 : i32
      %add3A_610 = arith.constant 64 : i32
      %add3A_611 = arith.addi %add3A_609, %add3A_610 : i32
      %get3A_612 = arith.index_cast %add3A_611 : i32 to index
      %get3A_613 = tpu.vector_load %arg6[%get3A_612] {strides = array<i32>} : memref<40960xf32, #tpu.memory_space<vmem>>, vector<16xf32>,
      %get3A_614 = vector.shape_cast %get3A_613 : vector<16xf32> to vector<16xf32>
      %swap3A_615 = arith.index_cast %add3A_607 : i32 to index
      %swap3A_616 = tpu.vector_load %arg8[%swap3A_615] {strides = array<i32>} : memref<2048xf32, #tpu.memory_space<vmem>>, vector<16xf32>,
      %swap3A_617 = vector.shape_cast %swap3A_616 : vector<16xf32> to vector<16xf32>
      %swap3A_618 = vector.shape_cast %get3A_614 : vector<16xf32> to vector<16xf32>
      tpu.vector_store %arg8[%swap3A_615], %swap3A_618 {add = true, strides = array<i32>} : memref<2048xf32, #tpu.memory_space<vmem>>, vector<16xf32>,
      %mul3A_619 = arith.constant 128 : i32
      %mul3A_620 = arith.muli %squeeze3A, %mul3A_619 : i32
      %add3A_621 = arith.constant 80 : i32
      %add3A_622 = arith.addi %mul3A_620, %add3A_621 : i32
      %add3A_623 = arith.constant 0 : i32
      %add3A_624 = arith.addi %mul3A_543, %add3A_623 : i32
      %add3A_625 = arith.constant 80 : i32
      %add3A_626 = arith.addi %add3A_624, %add3A_625 : i32
      %get3A_627 = arith.index_cast %add3A_626 : i32 to index
      %get3A_628 = tpu.vector_load %arg6[%get3A_627] {strides = array<i32>} : memref<40960xf32, #tpu.memory_space<vmem>>, vector<16xf32>,
      %get3A_629 = vector.shape_cast %get3A_628 : vector<16xf32> to vector<16xf32>
      %swap3A_630 = arith.index_cast %add3A_622 : i32 to index
      %swap3A_631 = tpu.vector_load %arg8[%swap3A_630] {strides = array<i32>} : memref<2048xf32, #tpu.memory_space<vmem>>, vector<16xf32>,
      %swap3A_632 = vector.shape_cast %swap3A_631 : vector<16xf32> to vector<16xf32>
      %swap3A_633 = vector.shape_cast %get3A_629 : vector<16xf32> to vector<16xf32>
      tpu.vector_store %arg8[%swap3A_630], %swap3A_633 {add = true, strides = array<i32>} : memref<2048xf32, #tpu.memory_space<vmem>>, vector<16xf32>,
      %mul3A_634 = arith.constant 128 : i32
      %mul3A_635 = arith.muli %squeeze3A, %mul3A_634 : i32
      %add3A_636 = arith.constant 96 : i32
      %add3A_637 = arith.addi %mul3A_635, %add3A_636 : i32
      %add3A_638 = arith.constant 0 : i32
      %add3A_639 = arith.addi %mul3A_543, %add3A_638 : i32
      %add3A_640 = arith.constant 96 : i32
      %add3A_641 = arith.addi %add3A_639, %add3A_640 : i32
      %get3A_642 = arith.index_cast %add3A_641 : i32 to index
      %get3A_643 = tpu.vector_load %arg6[%get3A_642] {strides = array<i32>} : memref<40960xf32, #tpu.memory_space<vmem>>, vector<16xf32>,
      %get3A_644 = vector.shape_cast %get3A_643 : vector<16xf32> to vector<16xf32>
      %swap3A_645 = arith.index_cast %add3A_637 : i32 to index
      %swap3A_646 = tpu.vector_load %arg8[%swap3A_645] {strides = array<i32>} : memref<2048xf32, #tpu.memory_space<vmem>>, vector<16xf32>,
      %swap3A_647 = vector.shape_cast %swap3A_646 : vector<16xf32> to vector<16xf32>
      %swap3A_648 = vector.shape_cast %get3A_644 : vector<16xf32> to vector<16xf32>
      tpu.vector_store %arg8[%swap3A_645], %swap3A_648 {add = true, strides = array<i32>} : memref<2048xf32, #tpu.memory_space<vmem>>, vector<16xf32>,
      %mul3A_649 = arith.constant 128 : i32
      %mul3A_650 = arith.muli %squeeze3A, %mul3A_649 : i32
      %add3A_651 = arith.constant 112 : i32
      %add3A_652 = arith.addi %mul3A_650, %add3A_651 : i32
      %add3A_653 = arith.constant 0 : i32
      %add3A_654 = arith.addi %mul3A_543, %add3A_653 : i32
      %add3A_655 = arith.constant 112 : i32
      %add3A_656 = arith.addi %add3A_654, %add3A_655 : i32
      %get3A_657 = arith.index_cast %add3A_656 : i32 to index
      %get3A_658 = tpu.vector_load %arg6[%get3A_657] {strides = array<i32>} : memref<40960xf32, #tpu.memory_space<vmem>>, vector<16xf32>,
      %get3A_659 = vector.shape_cast %get3A_658 : vector<16xf32> to vector<16xf32>
      %swap3A_660 = arith.index_cast %add3A_652 : i32 to index
      %swap3A_661 = tpu.vector_load %arg8[%swap3A_660] {strides = array<i32>} : memref<2048xf32, #tpu.memory_space<vmem>>, vector<16xf32>,
      %swap3A_662 = vector.shape_cast %swap3A_661 : vector<16xf32> to vector<16xf32>
      %swap3A_663 = vector.shape_cast %get3A_659 : vector<16xf32> to vector<16xf32>
      tpu.vector_store %arg8[%swap3A_660], %swap3A_663 {add = true, strides = array<i32>} : memref<2048xf32, #tpu.memory_space<vmem>>, vector<16xf32>,
      %eq3A_664 = vector.broadcast %squeeze3A : i32 to vector<16xi32>
      %eq3A_665 = arith.cmpi eq, %iota3A, %eq3A_664 : vector<16xi32>
      %jit3A_666 = arith.constant 1.000000e+00 : f32
      %jit3A_667 = arith.constant 0.000000e+00 : f32
      %broadcast_in_dim3A_668 = vector.broadcast %jit3A_666 : f32 to vector<16xf32>
      %broadcast_in_dim3A_669 = vector.broadcast %jit3A_667 : f32 to vector<16xf32>
      %select_n3A_670 = arith.select %eq3A_665, %broadcast_in_dim3A_668, %broadcast_in_dim3A_669 : vector<16xi1>, vector<16xf32>
      %add3A_671 = arith.addf %while3A_537, %select_n3A_670 : vector<16xf32>
      %slice3A_672 = vector.extract_strided_slice %get3A_541 {offsets = [1], sizes = [1], strides = [1]} : vector<16xi32> to vector<1xi32>
      %squeeze3A_673 = vector.extract %slice3A_672[0] : i32 from vector<1xi32>
      %mul3A_674 = arith.constant 128 : i32
      %mul3A_675 = arith.muli %squeeze3A_673, %mul3A_674 : i32
      %add3A_676 = arith.constant 0 : i32
      %add3A_677 = arith.addi %mul3A_675, %add3A_676 : i32
      %add3A_678 = arith.constant 128 : i32
      %add3A_679 = arith.addi %mul3A_543, %add3A_678 : i32
      %add3A_680 = arith.constant 0 : i32
      %add3A_681 = arith.addi %add3A_679, %add3A_680 : i32
      %get3A_682 = arith.index_cast %add3A_681 : i32 to index
      %get3A_683 = tpu.vector_load %arg6[%get3A_682] {strides = array<i32>} : memref<40960xf32, #tpu.memory_space<vmem>>, vector<16xf32>,
      %get3A_684 = vector.shape_cast %get3A_683 : vector<16xf32> to vector<16xf32>
      %swap3A_685 = arith.index_cast %add3A_677 : i32 to index
      %swap3A_686 = tpu.vector_load %arg8[%swap3A_685] {strides = array<i32>} : memref<2048xf32, #tpu.memory_space<vmem>>, vector<16xf32>,
      %swap3A_687 = vector.shape_cast %swap3A_686 : vector<16xf32> to vector<16xf32>
      %swap3A_688 = vector.shape_cast %get3A_684 : vector<16xf32> to vector<16xf32>
      tpu.vector_store %arg8[%swap3A_685], %swap3A_688 {add = true, strides = array<i32>} : memref<2048xf32, #tpu.memory_space<vmem>>, vector<16xf32>,
      %mul3A_689 = arith.constant 128 : i32
      %mul3A_690 = arith.muli %squeeze3A_673, %mul3A_689 : i32
      %add3A_691 = arith.constant 16 : i32
      %add3A_692 = arith.addi %mul3A_690, %add3A_691 : i32
      %add3A_693 = arith.constant 128 : i32
      %add3A_694 = arith.addi %mul3A_543, %add3A_693 : i32
      %add3A_695 = arith.constant 16 : i32
      %add3A_696 = arith.addi %add3A_694, %add3A_695 : i32
      %get3A_697 = arith.index_cast %add3A_696 : i32 to index
      %get3A_698 = tpu.vector_load %arg6[%get3A_697] {strides = array<i32>} : memref<40960xf32, #tpu.memory_space<vmem>>, vector<16xf32>,
      %get3A_699 = vector.shape_cast %get3A_698 : vector<16xf32> to vector<16xf32>
      %swap3A_700 = arith.index_cast %add3A_692 : i32 to index
      %swap3A_701 = tpu.vector_load %arg8[%swap3A_700] {strides = array<i32>} : memref<2048xf32, #tpu.memory_space<vmem>>, vector<16xf32>,
      %swap3A_702 = vector.shape_cast %swap3A_701 : vector<16xf32> to vector<16xf32>
      %swap3A_703 = vector.shape_cast %get3A_699 : vector<16xf32> to vector<16xf32>
      tpu.vector_store %arg8[%swap3A_700], %swap3A_703 {add = true, strides = array<i32>} : memref<2048xf32, #tpu.memory_space<vmem>>, vector<16xf32>,
      %mul3A_704 = arith.constant 128 : i32
      %mul3A_705 = arith.muli %squeeze3A_673, %mul3A_704 : i32
      %add3A_706 = arith.constant 32 : i32
      %add3A_707 = arith.addi %mul3A_705, %add3A_706 : i32
      %add3A_708 = arith.constant 128 : i32
      %add3A_709 = arith.addi %mul3A_543, %add3A_708 : i32
      %add3A_710 = arith.constant 32 : i32
      %add3A_711 = arith.addi %add3A_709, %add3A_710 : i32
      %get3A_712 = arith.index_cast %add3A_711 : i32 to index
      %get3A_713 = tpu.vector_load %arg6[%get3A_712] {strides = array<i32>} : memref<40960xf32, #tpu.memory_space<vmem>>, vector<16xf32>,
      %get3A_714 = vector.shape_cast %get3A_713 : vector<16xf32> to vector<16xf32>
      %swap3A_715 = arith.index_cast %add3A_707 : i32 to index
      %swap3A_716 = tpu.vector_load %arg8[%swap3A_715] {strides = array<i32>} : memref<2048xf32, #tpu.memory_space<vmem>>, vector<16xf32>,
      %swap3A_717 = vector.shape_cast %swap3A_716 : vector<16xf32> to vector<16xf32>
      %swap3A_718 = vector.shape_cast %get3A_714 : vector<16xf32> to vector<16xf32>
      tpu.vector_store %arg8[%swap3A_715], %swap3A_718 {add = true, strides = array<i32>} : memref<2048xf32, #tpu.memory_space<vmem>>, vector<16xf32>,
      %mul3A_719 = arith.constant 128 : i32
      %mul3A_720 = arith.muli %squeeze3A_673, %mul3A_719 : i32
      %add3A_721 = arith.constant 48 : i32
      %add3A_722 = arith.addi %mul3A_720, %add3A_721 : i32
      %add3A_723 = arith.constant 128 : i32
      %add3A_724 = arith.addi %mul3A_543, %add3A_723 : i32
      %add3A_725 = arith.constant 48 : i32
      %add3A_726 = arith.addi %add3A_724, %add3A_725 : i32
      %get3A_727 = arith.index_cast %add3A_726 : i32 to index
      %get3A_728 = tpu.vector_load %arg6[%get3A_727] {strides = array<i32>} : memref<40960xf32, #tpu.memory_space<vmem>>, vector<16xf32>,
      %get3A_729 = vector.shape_cast %get3A_728 : vector<16xf32> to vector<16xf32>
      %swap3A_730 = arith.index_cast %add3A_722 : i32 to index
      %swap3A_731 = tpu.vector_load %arg8[%swap3A_730] {strides = array<i32>} : memref<2048xf32, #tpu.memory_space<vmem>>, vector<16xf32>,
      %swap3A_732 = vector.shape_cast %swap3A_731 : vector<16xf32> to vector<16xf32>
      %swap3A_733 = vector.shape_cast %get3A_729 : vector<16xf32> to vector<16xf32>
      tpu.vector_store %arg8[%swap3A_730], %swap3A_733 {add = true, strides = array<i32>} : memref<2048xf32, #tpu.memory_space<vmem>>, vector<16xf32>,
      %mul3A_734 = arith.constant 128 : i32
      %mul3A_735 = arith.muli %squeeze3A_673, %mul3A_734 : i32
      %add3A_736 = arith.constant 64 : i32
      %add3A_737 = arith.addi %mul3A_735, %add3A_736 : i32
      %add3A_738 = arith.constant 128 : i32
      %add3A_739 = arith.addi %mul3A_543, %add3A_738 : i32
      %add3A_740 = arith.constant 64 : i32
      %add3A_741 = arith.addi %add3A_739, %add3A_740 : i32
      %get3A_742 = arith.index_cast %add3A_741 : i32 to index
      %get3A_743 = tpu.vector_load %arg6[%get3A_742] {strides = array<i32>} : memref<40960xf32, #tpu.memory_space<vmem>>, vector<16xf32>,
      %get3A_744 = vector.shape_cast %get3A_743 : vector<16xf32> to vector<16xf32>
      %swap3A_745 = arith.index_cast %add3A_737 : i32 to index
      %swap3A_746 = tpu.vector_load %arg8[%swap3A_745] {strides = array<i32>} : memref<2048xf32, #tpu.memory_space<vmem>>, vector<16xf32>,
      %swap3A_747 = vector.shape_cast %swap3A_746 : vector<16xf32> to vector<16xf32>
      %swap3A_748 = vector.shape_cast %get3A_744 : vector<16xf32> to vector<16xf32>
      tpu.vector_store %arg8[%swap3A_745], %swap3A_748 {add = true, strides = array<i32>} : memref<2048xf32, #tpu.memory_space<vmem>>, vector<16xf32>,
      %mul3A_749 = arith.constant 128 : i32
      %mul3A_750 = arith.muli %squeeze3A_673, %mul3A_749 : i32
      %add3A_751 = arith.constant 80 : i32
      %add3A_752 = arith.addi %mul3A_750, %add3A_751 : i32
      %add3A_753 = arith.constant 128 : i32
      %add3A_754 = arith.addi %mul3A_543, %add3A_753 : i32
      %add3A_755 = arith.constant 80 : i32
      %add3A_756 = arith.addi %add3A_754, %add3A_755 : i32
      %get3A_757 = arith.index_cast %add3A_756 : i32 to index
      %get3A_758 = tpu.vector_load %arg6[%get3A_757] {strides = array<i32>} : memref<40960xf32, #tpu.memory_space<vmem>>, vector<16xf32>,
      %get3A_759 = vector.shape_cast %get3A_758 : vector<16xf32> to vector<16xf32>
      %swap3A_760 = arith.index_cast %add3A_752 : i32 to index
      %swap3A_761 = tpu.vector_load %arg8[%swap3A_760] {strides = array<i32>} : memref<2048xf32, #tpu.memory_space<vmem>>, vector<16xf32>,
      %swap3A_762 = vector.shape_cast %swap3A_761 : vector<16xf32> to vector<16xf32>
      %swap3A_763 = vector.shape_cast %get3A_759 : vector<16xf32> to vector<16xf32>
      tpu.vector_store %arg8[%swap3A_760], %swap3A_763 {add = true, strides = array<i32>} : memref<2048xf32, #tpu.memory_space<vmem>>, vector<16xf32>,
      %mul3A_764 = arith.constant 128 : i32
      %mul3A_765 = arith.muli %squeeze3A_673, %mul3A_764 : i32
      %add3A_766 = arith.constant 96 : i32
      %add3A_767 = arith.addi %mul3A_765, %add3A_766 : i32
      %add3A_768 = arith.constant 128 : i32
      %add3A_769 = arith.addi %mul3A_543, %add3A_768 : i32
      %add3A_770 = arith.constant 96 : i32
      %add3A_771 = arith.addi %add3A_769, %add3A_770 : i32
      %get3A_772 = arith.index_cast %add3A_771 : i32 to index
      %get3A_773 = tpu.vector_load %arg6[%get3A_772] {strides = array<i32>} : memref<40960xf32, #tpu.memory_space<vmem>>, vector<16xf32>,
      %get3A_774 = vector.shape_cast %get3A_773 : vector<16xf32> to vector<16xf32>
      %swap3A_775 = arith.index_cast %add3A_767 : i32 to index
      %swap3A_776 = tpu.vector_load %arg8[%swap3A_775] {strides = array<i32>} : memref<2048xf32, #tpu.memory_space<vmem>>, vector<16xf32>,
      %swap3A_777 = vector.shape_cast %swap3A_776 : vector<16xf32> to vector<16xf32>
      %swap3A_778 = vector.shape_cast %get3A_774 : vector<16xf32> to vector<16xf32>
      tpu.vector_store %arg8[%swap3A_775], %swap3A_778 {add = true, strides = array<i32>} : memref<2048xf32, #tpu.memory_space<vmem>>, vector<16xf32>,
      %mul3A_779 = arith.constant 128 : i32
      %mul3A_780 = arith.muli %squeeze3A_673, %mul3A_779 : i32
      %add3A_781 = arith.constant 112 : i32
      %add3A_782 = arith.addi %mul3A_780, %add3A_781 : i32
      %add3A_783 = arith.constant 128 : i32
      %add3A_784 = arith.addi %mul3A_543, %add3A_783 : i32
      %add3A_785 = arith.constant 112 : i32
      %add3A_786 = arith.addi %add3A_784, %add3A_785 : i32
      %get3A_787 = arith.index_cast %add3A_786 : i32 to index
      %get3A_788 = tpu.vector_load %arg6[%get3A_787] {strides = array<i32>} : memref<40960xf32, #tpu.memory_space<vmem>>, vector<16xf32>,
      %get3A_789 = vector.shape_cast %get3A_788 : vector<16xf32> to vector<16xf32>
      %swap3A_790 = arith.index_cast %add3A_782 : i32 to index
      %swap3A_791 = tpu.vector_load %arg8[%swap3A_790] {strides = array<i32>} : memref<2048xf32, #tpu.memory_space<vmem>>, vector<16xf32>,
      %swap3A_792 = vector.shape_cast %swap3A_791 : vector<16xf32> to vector<16xf32>
      %swap3A_793 = vector.shape_cast %get3A_789 : vector<16xf32> to vector<16xf32>
      tpu.vector_store %arg8[%swap3A_790], %swap3A_793 {add = true, strides = array<i32>} : memref<2048xf32, #tpu.memory_space<vmem>>, vector<16xf32>,
      %eq3A_794 = vector.broadcast %squeeze3A_673 : i32 to vector<16xi32>
      %eq3A_795 = arith.cmpi eq, %iota3A, %eq3A_794 : vector<16xi32>
      %jit3A_796 = arith.constant 1.000000e+00 : f32
      %jit3A_797 = arith.constant 0.000000e+00 : f32
      %broadcast_in_dim3A_798 = vector.broadcast %jit3A_796 : f32 to vector<16xf32>
      %broadcast_in_dim3A_799 = vector.broadcast %jit3A_797 : f32 to vector<16xf32>
      %select_n3A_800 = arith.select %eq3A_795, %broadcast_in_dim3A_798, %broadcast_in_dim3A_799 : vector<16xi1>, vector<16xf32>
      %add3A_801 = arith.addf %add3A_671, %select_n3A_800 : vector<16xf32>
      %slice3A_802 = vector.extract_strided_slice %get3A_541 {offsets = [2], sizes = [1], strides = [1]} : vector<16xi32> to vector<1xi32>
      %squeeze3A_803 = vector.extract %slice3A_802[0] : i32 from vector<1xi32>
      %mul3A_804 = arith.constant 128 : i32
      %mul3A_805 = arith.muli %squeeze3A_803, %mul3A_804 : i32
      %add3A_806 = arith.constant 0 : i32
      %add3A_807 = arith.addi %mul3A_805, %add3A_806 : i32
      %add3A_808 = arith.constant 256 : i32
      %add3A_809 = arith.addi %mul3A_543, %add3A_808 : i32
      %add3A_810 = arith.constant 0 : i32
      %add3A_811 = arith.addi %add3A_809, %add3A_810 : i32
      %get3A_812 = arith.index_cast %add3A_811 : i32 to index
      %get3A_813 = tpu.vector_load %arg6[%get3A_812] {strides = array<i32>} : memref<40960xf32, #tpu.memory_space<vmem>>, vector<16xf32>,
      %get3A_814 = vector.shape_cast %get3A_813 : vector<16xf32> to vector<16xf32>
      %swap3A_815 = arith.index_cast %add3A_807 : i32 to index
      %swap3A_816 = tpu.vector_load %arg8[%swap3A_815] {strides = array<i32>} : memref<2048xf32, #tpu.memory_space<vmem>>, vector<16xf32>,
      %swap3A_817 = vector.shape_cast %swap3A_816 : vector<16xf32> to vector<16xf32>
      %swap3A_818 = vector.shape_cast %get3A_814 : vector<16xf32> to vector<16xf32>
      tpu.vector_store %arg8[%swap3A_815], %swap3A_818 {add = true, strides = array<i32>} : memref<2048xf32, #tpu.memory_space<vmem>>, vector<16xf32>,
      %mul3A_819 = arith.constant 128 : i32
      %mul3A_820 = arith.muli %squeeze3A_803, %mul3A_819 : i32
      %add3A_821 = arith.constant 16 : i32
      %add3A_822 = arith.addi %mul3A_820, %add3A_821 : i32
      %add3A_823 = arith.constant 256 : i32
      %add3A_824 = arith.addi %mul3A_543, %add3A_823 : i32
      %add3A_825 = arith.constant 16 : i32
      %add3A_826 = arith.addi %add3A_824, %add3A_825 : i32
      %get3A_827 = arith.index_cast %add3A_826 : i32 to index
      %get3A_828 = tpu.vector_load %arg6[%get3A_827] {strides = array<i32>} : memref<40960xf32, #tpu.memory_space<vmem>>, vector<16xf32>,
      %get3A_829 = vector.shape_cast %get3A_828 : vector<16xf32> to vector<16xf32>
      %swap3A_830 = arith.index_cast %add3A_822 : i32 to index
      %swap3A_831 = tpu.vector_load %arg8[%swap3A_830] {strides = array<i32>} : memref<2048xf32, #tpu.memory_space<vmem>>, vector<16xf32>,
      %swap3A_832 = vector.shape_cast %swap3A_831 : vector<16xf32> to vector<16xf32>
      %swap3A_833 = vector.shape_cast %get3A_829 : vector<16xf32> to vector<16xf32>
      tpu.vector_store %arg8[%swap3A_830], %swap3A_833 {add = true, strides = array<i32>} : memref<2048xf32, #tpu.memory_space<vmem>>, vector<16xf32>,
      %mul3A_834 = arith.constant 128 : i32
      %mul3A_835 = arith.muli %squeeze3A_803, %mul3A_834 : i32
      %add3A_836 = arith.constant 32 : i32
      %add3A_837 = arith.addi %mul3A_835, %add3A_836 : i32
      %add3A_838 = arith.constant 256 : i32
      %add3A_839 = arith.addi %mul3A_543, %add3A_838 : i32
      %add3A_840 = arith.constant 32 : i32
      %add3A_841 = arith.addi %add3A_839, %add3A_840 : i32
      %get3A_842 = arith.index_cast %add3A_841 : i32 to index
      %get3A_843 = tpu.vector_load %arg6[%get3A_842] {strides = array<i32>} : memref<40960xf32, #tpu.memory_space<vmem>>, vector<16xf32>,
      %get3A_844 = vector.shape_cast %get3A_843 : vector<16xf32> to vector<16xf32>
      %swap3A_845 = arith.index_cast %add3A_837 : i32 to index
      %swap3A_846 = tpu.vector_load %arg8[%swap3A_845] {strides = array<i32>} : memref<2048xf32, #tpu.memory_space<vmem>>, vector<16xf32>,
      %swap3A_847 = vector.shape_cast %swap3A_846 : vector<16xf32> to vector<16xf32>
      %swap3A_848 = vector.shape_cast %get3A_844 : vector<16xf32> to vector<16xf32>
      tpu.vector_store %arg8[%swap3A_845], %swap3A_848 {add = true, strides = array<i32>} : memref<2048xf32, #tpu.memory_space<vmem>>, vector<16xf32>,
      %mul3A_849 = arith.constant 128 : i32
      %mul3A_850 = arith.muli %squeeze3A_803, %mul3A_849 : i32
      %add3A_851 = arith.constant 48 : i32
      %add3A_852 = arith.addi %mul3A_850, %add3A_851 : i32
      %add3A_853 = arith.constant 256 : i32
      %add3A_854 = arith.addi %mul3A_543, %add3A_853 : i32
      %add3A_855 = arith.constant 48 : i32
      %add3A_856 = arith.addi %add3A_854, %add3A_855 : i32
      %get3A_857 = arith.index_cast %add3A_856 : i32 to index
      %get3A_858 = tpu.vector_load %arg6[%get3A_857] {strides = array<i32>} : memref<40960xf32, #tpu.memory_space<vmem>>, vector<16xf32>,
      %get3A_859 = vector.shape_cast %get3A_858 : vector<16xf32> to vector<16xf32>
      %swap3A_860 = arith.index_cast %add3A_852 : i32 to index
      %swap3A_861 = tpu.vector_load %arg8[%swap3A_860] {strides = array<i32>} : memref<2048xf32, #tpu.memory_space<vmem>>, vector<16xf32>,
      %swap3A_862 = vector.shape_cast %swap3A_861 : vector<16xf32> to vector<16xf32>
      %swap3A_863 = vector.shape_cast %get3A_859 : vector<16xf32> to vector<16xf32>
      tpu.vector_store %arg8[%swap3A_860], %swap3A_863 {add = true, strides = array<i32>} : memref<2048xf32, #tpu.memory_space<vmem>>, vector<16xf32>,
      %mul3A_864 = arith.constant 128 : i32
      %mul3A_865 = arith.muli %squeeze3A_803, %mul3A_864 : i32
      %add3A_866 = arith.constant 64 : i32
      %add3A_867 = arith.addi %mul3A_865, %add3A_866 : i32
      %add3A_868 = arith.constant 256 : i32
      %add3A_869 = arith.addi %mul3A_543, %add3A_868 : i32
      %add3A_870 = arith.constant 64 : i32
      %add3A_871 = arith.addi %add3A_869, %add3A_870 : i32
      %get3A_872 = arith.index_cast %add3A_871 : i32 to index
      %get3A_873 = tpu.vector_load %arg6[%get3A_872] {strides = array<i32>} : memref<40960xf32, #tpu.memory_space<vmem>>, vector<16xf32>,
      %get3A_874 = vector.shape_cast %get3A_873 : vector<16xf32> to vector<16xf32>
      %swap3A_875 = arith.index_cast %add3A_867 : i32 to index
      %swap3A_876 = tpu.vector_load %arg8[%swap3A_875] {strides = array<i32>} : memref<2048xf32, #tpu.memory_space<vmem>>, vector<16xf32>,
      %swap3A_877 = vector.shape_cast %swap3A_876 : vector<16xf32> to vector<16xf32>
      %swap3A_878 = vector.shape_cast %get3A_874 : vector<16xf32> to vector<16xf32>
      tpu.vector_store %arg8[%swap3A_875], %swap3A_878 {add = true, strides = array<i32>} : memref<2048xf32, #tpu.memory_space<vmem>>, vector<16xf32>,
      %mul3A_879 = arith.constant 128 : i32
      %mul3A_880 = arith.muli %squeeze3A_803, %mul3A_879 : i32
      %add3A_881 = arith.constant 80 : i32
      %add3A_882 = arith.addi %mul3A_880, %add3A_881 : i32
      %add3A_883 = arith.constant 256 : i32
      %add3A_884 = arith.addi %mul3A_543, %add3A_883 : i32
      %add3A_885 = arith.constant 80 : i32
      %add3A_886 = arith.addi %add3A_884, %add3A_885 : i32
      %get3A_887 = arith.index_cast %add3A_886 : i32 to index
      %get3A_888 = tpu.vector_load %arg6[%get3A_887] {strides = array<i32>} : memref<40960xf32, #tpu.memory_space<vmem>>, vector<16xf32>,
      %get3A_889 = vector.shape_cast %get3A_888 : vector<16xf32> to vector<16xf32>
      %swap3A_890 = arith.index_cast %add3A_882 : i32 to index
      %swap3A_891 = tpu.vector_load %arg8[%swap3A_890] {strides = array<i32>} : memref<2048xf32, #tpu.memory_space<vmem>>, vector<16xf32>,
      %swap3A_892 = vector.shape_cast %swap3A_891 : vector<16xf32> to vector<16xf32>
      %swap3A_893 = vector.shape_cast %get3A_889 : vector<16xf32> to vector<16xf32>
      tpu.vector_store %arg8[%swap3A_890], %swap3A_893 {add = true, strides = array<i32>} : memref<2048xf32, #tpu.memory_space<vmem>>, vector<16xf32>,
      %mul3A_894 = arith.constant 128 : i32
      %mul3A_895 = arith.muli %squeeze3A_803, %mul3A_894 : i32
      %add3A_896 = arith.constant 96 : i32
      %add3A_897 = arith.addi %mul3A_895, %add3A_896 : i32
      %add3A_898 = arith.constant 256 : i32
      %add3A_899 = arith.addi %mul3A_543, %add3A_898 : i32
      %add3A_900 = arith.constant 96 : i32
      %add3A_901 = arith.addi %add3A_899, %add3A_900 : i32
      %get3A_902 = arith.index_cast %add3A_901 : i32 to index
      %get3A_903 = tpu.vector_load %arg6[%get3A_902] {strides = array<i32>} : memref<40960xf32, #tpu.memory_space<vmem>>, vector<16xf32>,
      %get3A_904 = vector.shape_cast %get3A_903 : vector<16xf32> to vector<16xf32>
      %swap3A_905 = arith.index_cast %add3A_897 : i32 to index
      %swap3A_906 = tpu.vector_load %arg8[%swap3A_905] {strides = array<i32>} : memref<2048xf32, #tpu.memory_space<vmem>>, vector<16xf32>,
      %swap3A_907 = vector.shape_cast %swap3A_906 : vector<16xf32> to vector<16xf32>
      %swap3A_908 = vector.shape_cast %get3A_904 : vector<16xf32> to vector<16xf32>
      tpu.vector_store %arg8[%swap3A_905], %swap3A_908 {add = true, strides = array<i32>} : memref<2048xf32, #tpu.memory_space<vmem>>, vector<16xf32>,
      %mul3A_909 = arith.constant 128 : i32
      %mul3A_910 = arith.muli %squeeze3A_803, %mul3A_909 : i32
      %add3A_911 = arith.constant 112 : i32
      %add3A_912 = arith.addi %mul3A_910, %add3A_911 : i32
      %add3A_913 = arith.constant 256 : i32
      %add3A_914 = arith.addi %mul3A_543, %add3A_913 : i32
      %add3A_915 = arith.constant 112 : i32
      %add3A_916 = arith.addi %add3A_914, %add3A_915 : i32
      %get3A_917 = arith.index_cast %add3A_916 : i32 to index
      %get3A_918 = tpu.vector_load %arg6[%get3A_917] {strides = array<i32>} : memref<40960xf32, #tpu.memory_space<vmem>>, vector<16xf32>,
      %get3A_919 = vector.shape_cast %get3A_918 : vector<16xf32> to vector<16xf32>
      %swap3A_920 = arith.index_cast %add3A_912 : i32 to index
      %swap3A_921 = tpu.vector_load %arg8[%swap3A_920] {strides = array<i32>} : memref<2048xf32, #tpu.memory_space<vmem>>, vector<16xf32>,
      %swap3A_922 = vector.shape_cast %swap3A_921 : vector<16xf32> to vector<16xf32>
      %swap3A_923 = vector.shape_cast %get3A_919 : vector<16xf32> to vector<16xf32>
      tpu.vector_store %arg8[%swap3A_920], %swap3A_923 {add = true, strides = array<i32>} : memref<2048xf32, #tpu.memory_space<vmem>>, vector<16xf32>,
      %eq3A_924 = vector.broadcast %squeeze3A_803 : i32 to vector<16xi32>
      %eq3A_925 = arith.cmpi eq, %iota3A, %eq3A_924 : vector<16xi32>
      %jit3A_926 = arith.constant 1.000000e+00 : f32
      %jit3A_927 = arith.constant 0.000000e+00 : f32
      %broadcast_in_dim3A_928 = vector.broadcast %jit3A_926 : f32 to vector<16xf32>
      %broadcast_in_dim3A_929 = vector.broadcast %jit3A_927 : f32 to vector<16xf32>
      %select_n3A_930 = arith.select %eq3A_925, %broadcast_in_dim3A_928, %broadcast_in_dim3A_929 : vector<16xi1>, vector<16xf32>
      %add3A_931 = arith.addf %add3A_801, %select_n3A_930 : vector<16xf32>
      %slice3A_932 = vector.extract_strided_slice %get3A_541 {offsets = [3], sizes = [1], strides = [1]} : vector<16xi32> to vector<1xi32>
      %squeeze3A_933 = vector.extract %slice3A_932[0] : i32 from vector<1xi32>
      %mul3A_934 = arith.constant 128 : i32
      %mul3A_935 = arith.muli %squeeze3A_933, %mul3A_934 : i32
      %add3A_936 = arith.constant 0 : i32
      %add3A_937 = arith.addi %mul3A_935, %add3A_936 : i32
      %add3A_938 = arith.constant 384 : i32
      %add3A_939 = arith.addi %mul3A_543, %add3A_938 : i32
      %add3A_940 = arith.constant 0 : i32
      %add3A_941 = arith.addi %add3A_939, %add3A_940 : i32
      %get3A_942 = arith.index_cast %add3A_941 : i32 to index
      %get3A_943 = tpu.vector_load %arg6[%get3A_942] {strides = array<i32>} : memref<40960xf32, #tpu.memory_space<vmem>>, vector<16xf32>,
      %get3A_944 = vector.shape_cast %get3A_943 : vector<16xf32> to vector<16xf32>
      %swap3A_945 = arith.index_cast %add3A_937 : i32 to index
      %swap3A_946 = tpu.vector_load %arg8[%swap3A_945] {strides = array<i32>} : memref<2048xf32, #tpu.memory_space<vmem>>, vector<16xf32>,
      %swap3A_947 = vector.shape_cast %swap3A_946 : vector<16xf32> to vector<16xf32>
      %swap3A_948 = vector.shape_cast %get3A_944 : vector<16xf32> to vector<16xf32>
      tpu.vector_store %arg8[%swap3A_945], %swap3A_948 {add = true, strides = array<i32>} : memref<2048xf32, #tpu.memory_space<vmem>>, vector<16xf32>,
      %mul3A_949 = arith.constant 128 : i32
      %mul3A_950 = arith.muli %squeeze3A_933, %mul3A_949 : i32
      %add3A_951 = arith.constant 16 : i32
      %add3A_952 = arith.addi %mul3A_950, %add3A_951 : i32
      %add3A_953 = arith.constant 384 : i32
      %add3A_954 = arith.addi %mul3A_543, %add3A_953 : i32
      %add3A_955 = arith.constant 16 : i32
      %add3A_956 = arith.addi %add3A_954, %add3A_955 : i32
      %get3A_957 = arith.index_cast %add3A_956 : i32 to index
      %get3A_958 = tpu.vector_load %arg6[%get3A_957] {strides = array<i32>} : memref<40960xf32, #tpu.memory_space<vmem>>, vector<16xf32>,
      %get3A_959 = vector.shape_cast %get3A_958 : vector<16xf32> to vector<16xf32>
      %swap3A_960 = arith.index_cast %add3A_952 : i32 to index
      %swap3A_961 = tpu.vector_load %arg8[%swap3A_960] {strides = array<i32>} : memref<2048xf32, #tpu.memory_space<vmem>>, vector<16xf32>,
      %swap3A_962 = vector.shape_cast %swap3A_961 : vector<16xf32> to vector<16xf32>
      %swap3A_963 = vector.shape_cast %get3A_959 : vector<16xf32> to vector<16xf32>
      tpu.vector_store %arg8[%swap3A_960], %swap3A_963 {add = true, strides = array<i32>} : memref<2048xf32, #tpu.memory_space<vmem>>, vector<16xf32>,
      %mul3A_964 = arith.constant 128 : i32
      %mul3A_965 = arith.muli %squeeze3A_933, %mul3A_964 : i32
      %add3A_966 = arith.constant 32 : i32
      %add3A_967 = arith.addi %mul3A_965, %add3A_966 : i32
      %add3A_968 = arith.constant 384 : i32
      %add3A_969 = arith.addi %mul3A_543, %add3A_968 : i32
      %add3A_970 = arith.constant 32 : i32
      %add3A_971 = arith.addi %add3A_969, %add3A_970 : i32
      %get3A_972 = arith.index_cast %add3A_971 : i32 to index
      %get3A_973 = tpu.vector_load %arg6[%get3A_972] {strides = array<i32>} : memref<40960xf32, #tpu.memory_space<vmem>>, vector<16xf32>,
      %get3A_974 = vector.shape_cast %get3A_973 : vector<16xf32> to vector<16xf32>
      %swap3A_975 = arith.index_cast %add3A_967 : i32 to index
      %swap3A_976 = tpu.vector_load %arg8[%swap3A_975] {strides = array<i32>} : memref<2048xf32, #tpu.memory_space<vmem>>, vector<16xf32>,
      %swap3A_977 = vector.shape_cast %swap3A_976 : vector<16xf32> to vector<16xf32>
      %swap3A_978 = vector.shape_cast %get3A_974 : vector<16xf32> to vector<16xf32>
      tpu.vector_store %arg8[%swap3A_975], %swap3A_978 {add = true, strides = array<i32>} : memref<2048xf32, #tpu.memory_space<vmem>>, vector<16xf32>,
      %mul3A_979 = arith.constant 128 : i32
      %mul3A_980 = arith.muli %squeeze3A_933, %mul3A_979 : i32
      %add3A_981 = arith.constant 48 : i32
      %add3A_982 = arith.addi %mul3A_980, %add3A_981 : i32
      %add3A_983 = arith.constant 384 : i32
      %add3A_984 = arith.addi %mul3A_543, %add3A_983 : i32
      %add3A_985 = arith.constant 48 : i32
      %add3A_986 = arith.addi %add3A_984, %add3A_985 : i32
      %get3A_987 = arith.index_cast %add3A_986 : i32 to index
      %get3A_988 = tpu.vector_load %arg6[%get3A_987] {strides = array<i32>} : memref<40960xf32, #tpu.memory_space<vmem>>, vector<16xf32>,
      %get3A_989 = vector.shape_cast %get3A_988 : vector<16xf32> to vector<16xf32>
      %swap3A_990 = arith.index_cast %add3A_982 : i32 to index
      %swap3A_991 = tpu.vector_load %arg8[%swap3A_990] {strides = array<i32>} : memref<2048xf32, #tpu.memory_space<vmem>>, vector<16xf32>,
      %swap3A_992 = vector.shape_cast %swap3A_991 : vector<16xf32> to vector<16xf32>
      %swap3A_993 = vector.shape_cast %get3A_989 : vector<16xf32> to vector<16xf32>
      tpu.vector_store %arg8[%swap3A_990], %swap3A_993 {add = true, strides = array<i32>} : memref<2048xf32, #tpu.memory_space<vmem>>, vector<16xf32>,
      %mul3A_994 = arith.constant 128 : i32
      %mul3A_995 = arith.muli %squeeze3A_933, %mul3A_994 : i32
      %add3A_996 = arith.constant 64 : i32
      %add3A_997 = arith.addi %mul3A_995, %add3A_996 : i32
      %add3A_998 = arith.constant 384 : i32
      %add3A_999 = arith.addi %mul3A_543, %add3A_998 : i32
      %add3A_1000 = arith.constant 64 : i32
      %add3A_1001 = arith.addi %add3A_999, %add3A_1000 : i32
      %get3A_1002 = arith.index_cast %add3A_1001 : i32 to index
      %get3A_1003 = tpu.vector_load %arg6[%get3A_1002] {strides = array<i32>} : memref<40960xf32, #tpu.memory_space<vmem>>, vector<16xf32>,
      %get3A_1004 = vector.shape_cast %get3A_1003 : vector<16xf32> to vector<16xf32>
      %swap3A_1005 = arith.index_cast %add3A_997 : i32 to index
      %swap3A_1006 = tpu.vector_load %arg8[%swap3A_1005] {strides = array<i32>} : memref<2048xf32, #tpu.memory_space<vmem>>, vector<16xf32>,
      %swap3A_1007 = vector.shape_cast %swap3A_1006 : vector<16xf32> to vector<16xf32>
      %swap3A_1008 = vector.shape_cast %get3A_1004 : vector<16xf32> to vector<16xf32>
      tpu.vector_store %arg8[%swap3A_1005], %swap3A_1008 {add = true, strides = array<i32>} : memref<2048xf32, #tpu.memory_space<vmem>>, vector<16xf32>,
      %mul3A_1009 = arith.constant 128 : i32
      %mul3A_1010 = arith.muli %squeeze3A_933, %mul3A_1009 : i32
      %add3A_1011 = arith.constant 80 : i32
      %add3A_1012 = arith.addi %mul3A_1010, %add3A_1011 : i32
      %add3A_1013 = arith.constant 384 : i32
      %add3A_1014 = arith.addi %mul3A_543, %add3A_1013 : i32
      %add3A_1015 = arith.constant 80 : i32
      %add3A_1016 = arith.addi %add3A_1014, %add3A_1015 : i32
      %get3A_1017 = arith.index_cast %add3A_1016 : i32 to index
      %get3A_1018 = tpu.vector_load %arg6[%get3A_1017] {strides = array<i32>} : memref<40960xf32, #tpu.memory_space<vmem>>, vector<16xf32>,
      %get3A_1019 = vector.shape_cast %get3A_1018 : vector<16xf32> to vector<16xf32>
      %swap3A_1020 = arith.index_cast %add3A_1012 : i32 to index
      %swap3A_1021 = tpu.vector_load %arg8[%swap3A_1020] {strides = array<i32>} : memref<2048xf32, #tpu.memory_space<vmem>>, vector<16xf32>,
      %swap3A_1022 = vector.shape_cast %swap3A_1021 : vector<16xf32> to vector<16xf32>
      %swap3A_1023 = vector.shape_cast %get3A_1019 : vector<16xf32> to vector<16xf32>
      tpu.vector_store %arg8[%swap3A_1020], %swap3A_1023 {add = true, strides = array<i32>} : memref<2048xf32, #tpu.memory_space<vmem>>, vector<16xf32>,
      %mul3A_1024 = arith.constant 128 : i32
      %mul3A_1025 = arith.muli %squeeze3A_933, %mul3A_1024 : i32
      %add3A_1026 = arith.constant 96 : i32
      %add3A_1027 = arith.addi %mul3A_1025, %add3A_1026 : i32
      %add3A_1028 = arith.constant 384 : i32
      %add3A_1029 = arith.addi %mul3A_543, %add3A_1028 : i32
      %add3A_1030 = arith.constant 96 : i32
      %add3A_1031 = arith.addi %add3A_1029, %add3A_1030 : i32
      %get3A_1032 = arith.index_cast %add3A_1031 : i32 to index
      %get3A_1033 = tpu.vector_load %arg6[%get3A_1032] {strides = array<i32>} : memref<40960xf32, #tpu.memory_space<vmem>>, vector<16xf32>,
      %get3A_1034 = vector.shape_cast %get3A_1033 : vector<16xf32> to vector<16xf32>
      %swap3A_1035 = arith.index_cast %add3A_1027 : i32 to index
      %swap3A_1036 = tpu.vector_load %arg8[%swap3A_1035] {strides = array<i32>} : memref<2048xf32, #tpu.memory_space<vmem>>, vector<16xf32>,
      %swap3A_1037 = vector.shape_cast %swap3A_1036 : vector<16xf32> to vector<16xf32>
      %swap3A_1038 = vector.shape_cast %get3A_1034 : vector<16xf32> to vector<16xf32>
      tpu.vector_store %arg8[%swap3A_1035], %swap3A_1038 {add = true, strides = array<i32>} : memref<2048xf32, #tpu.memory_space<vmem>>, vector<16xf32>,
      %mul3A_1039 = arith.constant 128 : i32
      %mul3A_1040 = arith.muli %squeeze3A_933, %mul3A_1039 : i32
      %add3A_1041 = arith.constant 112 : i32
      %add3A_1042 = arith.addi %mul3A_1040, %add3A_1041 : i32
      %add3A_1043 = arith.constant 384 : i32
      %add3A_1044 = arith.addi %mul3A_543, %add3A_1043 : i32
      %add3A_1045 = arith.constant 112 : i32
      %add3A_1046 = arith.addi %add3A_1044, %add3A_1045 : i32
      %get3A_1047 = arith.index_cast %add3A_1046 : i32 to index
      %get3A_1048 = tpu.vector_load %arg6[%get3A_1047] {strides = array<i32>} : memref<40960xf32, #tpu.memory_space<vmem>>, vector<16xf32>,
      %get3A_1049 = vector.shape_cast %get3A_1048 : vector<16xf32> to vector<16xf32>
      %swap3A_1050 = arith.index_cast %add3A_1042 : i32 to index
      %swap3A_1051 = tpu.vector_load %arg8[%swap3A_1050] {strides = array<i32>} : memref<2048xf32, #tpu.memory_space<vmem>>, vector<16xf32>,
      %swap3A_1052 = vector.shape_cast %swap3A_1051 : vector<16xf32> to vector<16xf32>
      %swap3A_1053 = vector.shape_cast %get3A_1049 : vector<16xf32> to vector<16xf32>
      tpu.vector_store %arg8[%swap3A_1050], %swap3A_1053 {add = true, strides = array<i32>} : memref<2048xf32, #tpu.memory_space<vmem>>, vector<16xf32>,
      %eq3A_1054 = vector.broadcast %squeeze3A_933 : i32 to vector<16xi32>
      %eq3A_1055 = arith.cmpi eq, %iota3A, %eq3A_1054 : vector<16xi32>
      %jit3A_1056 = arith.constant 1.000000e+00 : f32
      %jit3A_1057 = arith.constant 0.000000e+00 : f32
      %broadcast_in_dim3A_1058 = vector.broadcast %jit3A_1056 : f32 to vector<16xf32>
      %broadcast_in_dim3A_1059 = vector.broadcast %jit3A_1057 : f32 to vector<16xf32>
      %select_n3A_1060 = arith.select %eq3A_1055, %broadcast_in_dim3A_1058, %broadcast_in_dim3A_1059 : vector<16xi1>, vector<16xf32>
      %add3A_1061 = arith.addf %add3A_931, %select_n3A_1060 : vector<16xf32>
      %slice3A_1062 = vector.extract_strided_slice %get3A_541 {offsets = [4], sizes = [1], strides = [1]} : vector<16xi32> to vector<1xi32>
      %squeeze3A_1063 = vector.extract %slice3A_1062[0] : i32 from vector<1xi32>
      %mul3A_1064 = arith.constant 128 : i32
      %mul3A_1065 = arith.muli %squeeze3A_1063, %mul3A_1064 : i32
      %add3A_1066 = arith.constant 0 : i32
      %add3A_1067 = arith.addi %mul3A_1065, %add3A_1066 : i32
      %add3A_1068 = arith.constant 512 : i32
      %add3A_1069 = arith.addi %mul3A_543, %add3A_1068 : i32
      %add3A_1070 = arith.constant 0 : i32
      %add3A_1071 = arith.addi %add3A_1069, %add3A_1070 : i32
      %get3A_1072 = arith.index_cast %add3A_1071 : i32 to index
      %get3A_1073 = tpu.vector_load %arg6[%get3A_1072] {strides = array<i32>} : memref<40960xf32, #tpu.memory_space<vmem>>, vector<16xf32>,
      %get3A_1074 = vector.shape_cast %get3A_1073 : vector<16xf32> to vector<16xf32>
      %swap3A_1075 = arith.index_cast %add3A_1067 : i32 to index
      %swap3A_1076 = tpu.vector_load %arg8[%swap3A_1075] {strides = array<i32>} : memref<2048xf32, #tpu.memory_space<vmem>>, vector<16xf32>,
      %swap3A_1077 = vector.shape_cast %swap3A_1076 : vector<16xf32> to vector<16xf32>
      %swap3A_1078 = vector.shape_cast %get3A_1074 : vector<16xf32> to vector<16xf32>
      tpu.vector_store %arg8[%swap3A_1075], %swap3A_1078 {add = true, strides = array<i32>} : memref<2048xf32, #tpu.memory_space<vmem>>, vector<16xf32>,
      %mul3A_1079 = arith.constant 128 : i32
      %mul3A_1080 = arith.muli %squeeze3A_1063, %mul3A_1079 : i32
      %add3A_1081 = arith.constant 16 : i32
      %add3A_1082 = arith.addi %mul3A_1080, %add3A_1081 : i32
      %add3A_1083 = arith.constant 512 : i32
      %add3A_1084 = arith.addi %mul3A_543, %add3A_1083 : i32
      %add3A_1085 = arith.constant 16 : i32
      %add3A_1086 = arith.addi %add3A_1084, %add3A_1085 : i32
      %get3A_1087 = arith.index_cast %add3A_1086 : i32 to index
      %get3A_1088 = tpu.vector_load %arg6[%get3A_1087] {strides = array<i32>} : memref<40960xf32, #tpu.memory_space<vmem>>, vector<16xf32>,
      %get3A_1089 = vector.shape_cast %get3A_1088 : vector<16xf32> to vector<16xf32>
      %swap3A_1090 = arith.index_cast %add3A_1082 : i32 to index
      %swap3A_1091 = tpu.vector_load %arg8[%swap3A_1090] {strides = array<i32>} : memref<2048xf32, #tpu.memory_space<vmem>>, vector<16xf32>,
      %swap3A_1092 = vector.shape_cast %swap3A_1091 : vector<16xf32> to vector<16xf32>
      %swap3A_1093 = vector.shape_cast %get3A_1089 : vector<16xf32> to vector<16xf32>
      tpu.vector_store %arg8[%swap3A_1090], %swap3A_1093 {add = true, strides = array<i32>} : memref<2048xf32, #tpu.memory_space<vmem>>, vector<16xf32>,
      %mul3A_1094 = arith.constant 128 : i32
      %mul3A_1095 = arith.muli %squeeze3A_1063, %mul3A_1094 : i32
      %add3A_1096 = arith.constant 32 : i32
      %add3A_1097 = arith.addi %mul3A_1095, %add3A_1096 : i32
      %add3A_1098 = arith.constant 512 : i32
      %add3A_1099 = arith.addi %mul3A_543, %add3A_1098 : i32
      %add3A_1100 = arith.constant 32 : i32
      %add3A_1101 = arith.addi %add3A_1099, %add3A_1100 : i32
      %get3A_1102 = arith.index_cast %add3A_1101 : i32 to index
      %get3A_1103 = tpu.vector_load %arg6[%get3A_1102] {strides = array<i32>} : memref<40960xf32, #tpu.memory_space<vmem>>, vector<16xf32>,
      %get3A_1104 = vector.shape_cast %get3A_1103 : vector<16xf32> to vector<16xf32>
      %swap3A_1105 = arith.index_cast %add3A_1097 : i32 to index
      %swap3A_1106 = tpu.vector_load %arg8[%swap3A_1105] {strides = array<i32>} : memref<2048xf32, #tpu.memory_space<vmem>>, vector<16xf32>,
      %swap3A_1107 = vector.shape_cast %swap3A_1106 : vector<16xf32> to vector<16xf32>
      %swap3A_1108 = vector.shape_cast %get3A_1104 : vector<16xf32> to vector<16xf32>
      tpu.vector_store %arg8[%swap3A_1105], %swap3A_1108 {add = true, strides = array<i32>} : memref<2048xf32, #tpu.memory_space<vmem>>, vector<16xf32>,
      %mul3A_1109 = arith.constant 128 : i32
      %mul3A_1110 = arith.muli %squeeze3A_1063, %mul3A_1109 : i32
      %add3A_1111 = arith.constant 48 : i32
      %add3A_1112 = arith.addi %mul3A_1110, %add3A_1111 : i32
      %add3A_1113 = arith.constant 512 : i32
      %add3A_1114 = arith.addi %mul3A_543, %add3A_1113 : i32
      %add3A_1115 = arith.constant 48 : i32
      %add3A_1116 = arith.addi %add3A_1114, %add3A_1115 : i32
      %get3A_1117 = arith.index_cast %add3A_1116 : i32 to index
      %get3A_1118 = tpu.vector_load %arg6[%get3A_1117] {strides = array<i32>} : memref<40960xf32, #tpu.memory_space<vmem>>, vector<16xf32>,
      %get3A_1119 = vector.shape_cast %get3A_1118 : vector<16xf32> to vector<16xf32>
      %swap3A_1120 = arith.index_cast %add3A_1112 : i32 to index
      %swap3A_1121 = tpu.vector_load %arg8[%swap3A_1120] {strides = array<i32>} : memref<2048xf32, #tpu.memory_space<vmem>>, vector<16xf32>,
      %swap3A_1122 = vector.shape_cast %swap3A_1121 : vector<16xf32> to vector<16xf32>
      %swap3A_1123 = vector.shape_cast %get3A_1119 : vector<16xf32> to vector<16xf32>
      tpu.vector_store %arg8[%swap3A_1120], %swap3A_1123 {add = true, strides = array<i32>} : memref<2048xf32, #tpu.memory_space<vmem>>, vector<16xf32>,
      %mul3A_1124 = arith.constant 128 : i32
      %mul3A_1125 = arith.muli %squeeze3A_1063, %mul3A_1124 : i32
      %add3A_1126 = arith.constant 64 : i32
      %add3A_1127 = arith.addi %mul3A_1125, %add3A_1126 : i32
      %add3A_1128 = arith.constant 512 : i32
      %add3A_1129 = arith.addi %mul3A_543, %add3A_1128 : i32
      %add3A_1130 = arith.constant 64 : i32
      %add3A_1131 = arith.addi %add3A_1129, %add3A_1130 : i32
      %get3A_1132 = arith.index_cast %add3A_1131 : i32 to index
      %get3A_1133 = tpu.vector_load %arg6[%get3A_1132] {strides = array<i32>} : memref<40960xf32, #tpu.memory_space<vmem>>, vector<16xf32>,
      %get3A_1134 = vector.shape_cast %get3A_1133 : vector<16xf32> to vector<16xf32>
      %swap3A_1135 = arith.index_cast %add3A_1127 : i32 to index
      %swap3A_1136 = tpu.vector_load %arg8[%swap3A_1135] {strides = array<i32>} : memref<2048xf32, #tpu.memory_space<vmem>>, vector<16xf32>,
      %swap3A_1137 = vector.shape_cast %swap3A_1136 : vector<16xf32> to vector<16xf32>
      %swap3A_1138 = vector.shape_cast %get3A_1134 : vector<16xf32> to vector<16xf32>
      tpu.vector_store %arg8[%swap3A_1135], %swap3A_1138 {add = true, strides = array<i32>} : memref<2048xf32, #tpu.memory_space<vmem>>, vector<16xf32>,
      %mul3A_1139 = arith.constant 128 : i32
      %mul3A_1140 = arith.muli %squeeze3A_1063, %mul3A_1139 : i32
      %add3A_1141 = arith.constant 80 : i32
      %add3A_1142 = arith.addi %mul3A_1140, %add3A_1141 : i32
      %add3A_1143 = arith.constant 512 : i32
      %add3A_1144 = arith.addi %mul3A_543, %add3A_1143 : i32
      %add3A_1145 = arith.constant 80 : i32
      %add3A_1146 = arith.addi %add3A_1144, %add3A_1145 : i32
      %get3A_1147 = arith.index_cast %add3A_1146 : i32 to index
      %get3A_1148 = tpu.vector_load %arg6[%get3A_1147] {strides = array<i32>} : memref<40960xf32, #tpu.memory_space<vmem>>, vector<16xf32>,
      %get3A_1149 = vector.shape_cast %get3A_1148 : vector<16xf32> to vector<16xf32>
      %swap3A_1150 = arith.index_cast %add3A_1142 : i32 to index
      %swap3A_1151 = tpu.vector_load %arg8[%swap3A_1150] {strides = array<i32>} : memref<2048xf32, #tpu.memory_space<vmem>>, vector<16xf32>,
      %swap3A_1152 = vector.shape_cast %swap3A_1151 : vector<16xf32> to vector<16xf32>
      %swap3A_1153 = vector.shape_cast %get3A_1149 : vector<16xf32> to vector<16xf32>
      tpu.vector_store %arg8[%swap3A_1150], %swap3A_1153 {add = true, strides = array<i32>} : memref<2048xf32, #tpu.memory_space<vmem>>, vector<16xf32>,
      %mul3A_1154 = arith.constant 128 : i32
      %mul3A_1155 = arith.muli %squeeze3A_1063, %mul3A_1154 : i32
      %add3A_1156 = arith.constant 96 : i32
      %add3A_1157 = arith.addi %mul3A_1155, %add3A_1156 : i32
      %add3A_1158 = arith.constant 512 : i32
      %add3A_1159 = arith.addi %mul3A_543, %add3A_1158 : i32
      %add3A_1160 = arith.constant 96 : i32
      %add3A_1161 = arith.addi %add3A_1159, %add3A_1160 : i32
      %get3A_1162 = arith.index_cast %add3A_1161 : i32 to index
      %get3A_1163 = tpu.vector_load %arg6[%get3A_1162] {strides = array<i32>} : memref<40960xf32, #tpu.memory_space<vmem>>, vector<16xf32>,
      %get3A_1164 = vector.shape_cast %get3A_1163 : vector<16xf32> to vector<16xf32>
      %swap3A_1165 = arith.index_cast %add3A_1157 : i32 to index
      %swap3A_1166 = tpu.vector_load %arg8[%swap3A_1165] {strides = array<i32>} : memref<2048xf32, #tpu.memory_space<vmem>>, vector<16xf32>,
      %swap3A_1167 = vector.shape_cast %swap3A_1166 : vector<16xf32> to vector<16xf32>
      %swap3A_1168 = vector.shape_cast %get3A_1164 : vector<16xf32> to vector<16xf32>
      tpu.vector_store %arg8[%swap3A_1165], %swap3A_1168 {add = true, strides = array<i32>} : memref<2048xf32, #tpu.memory_space<vmem>>, vector<16xf32>,
      %mul3A_1169 = arith.constant 128 : i32
      %mul3A_1170 = arith.muli %squeeze3A_1063, %mul3A_1169 : i32
      %add3A_1171 = arith.constant 112 : i32
      %add3A_1172 = arith.addi %mul3A_1170, %add3A_1171 : i32
      %add3A_1173 = arith.constant 512 : i32
      %add3A_1174 = arith.addi %mul3A_543, %add3A_1173 : i32
      %add3A_1175 = arith.constant 112 : i32
      %add3A_1176 = arith.addi %add3A_1174, %add3A_1175 : i32
      %get3A_1177 = arith.index_cast %add3A_1176 : i32 to index
      %get3A_1178 = tpu.vector_load %arg6[%get3A_1177] {strides = array<i32>} : memref<40960xf32, #tpu.memory_space<vmem>>, vector<16xf32>,
      %get3A_1179 = vector.shape_cast %get3A_1178 : vector<16xf32> to vector<16xf32>
      %swap3A_1180 = arith.index_cast %add3A_1172 : i32 to index
      %swap3A_1181 = tpu.vector_load %arg8[%swap3A_1180] {strides = array<i32>} : memref<2048xf32, #tpu.memory_space<vmem>>, vector<16xf32>,
      %swap3A_1182 = vector.shape_cast %swap3A_1181 : vector<16xf32> to vector<16xf32>
      %swap3A_1183 = vector.shape_cast %get3A_1179 : vector<16xf32> to vector<16xf32>
      tpu.vector_store %arg8[%swap3A_1180], %swap3A_1183 {add = true, strides = array<i32>} : memref<2048xf32, #tpu.memory_space<vmem>>, vector<16xf32>,
      %eq3A_1184 = vector.broadcast %squeeze3A_1063 : i32 to vector<16xi32>
      %eq3A_1185 = arith.cmpi eq, %iota3A, %eq3A_1184 : vector<16xi32>
      %jit3A_1186 = arith.constant 1.000000e+00 : f32
      %jit3A_1187 = arith.constant 0.000000e+00 : f32
      %broadcast_in_dim3A_1188 = vector.broadcast %jit3A_1186 : f32 to vector<16xf32>
      %broadcast_in_dim3A_1189 = vector.broadcast %jit3A_1187 : f32 to vector<16xf32>
      %select_n3A_1190 = arith.select %eq3A_1185, %broadcast_in_dim3A_1188, %broadcast_in_dim3A_1189 : vector<16xi1>, vector<16xf32>
      %add3A_1191 = arith.addf %add3A_1061, %select_n3A_1190 : vector<16xf32>
      %slice3A_1192 = vector.extract_strided_slice %get3A_541 {offsets = [5], sizes = [1], strides = [1]} : vector<16xi32> to vector<1xi32>
      %squeeze3A_1193 = vector.extract %slice3A_1192[0] : i32 from vector<1xi32>
      %mul3A_1194 = arith.constant 128 : i32
      %mul3A_1195 = arith.muli %squeeze3A_1193, %mul3A_1194 : i32
      %add3A_1196 = arith.constant 0 : i32
      %add3A_1197 = arith.addi %mul3A_1195, %add3A_1196 : i32
      %add3A_1198 = arith.constant 640 : i32
      %add3A_1199 = arith.addi %mul3A_543, %add3A_1198 : i32
      %add3A_1200 = arith.constant 0 : i32
      %add3A_1201 = arith.addi %add3A_1199, %add3A_1200 : i32
      %get3A_1202 = arith.index_cast %add3A_1201 : i32 to index
      %get3A_1203 = tpu.vector_load %arg6[%get3A_1202] {strides = array<i32>} : memref<40960xf32, #tpu.memory_space<vmem>>, vector<16xf32>,
      %get3A_1204 = vector.shape_cast %get3A_1203 : vector<16xf32> to vector<16xf32>
      %swap3A_1205 = arith.index_cast %add3A_1197 : i32 to index
      %swap3A_1206 = tpu.vector_load %arg8[%swap3A_1205] {strides = array<i32>} : memref<2048xf32, #tpu.memory_space<vmem>>, vector<16xf32>,
      %swap3A_1207 = vector.shape_cast %swap3A_1206 : vector<16xf32> to vector<16xf32>
      %swap3A_1208 = vector.shape_cast %get3A_1204 : vector<16xf32> to vector<16xf32>
      tpu.vector_store %arg8[%swap3A_1205], %swap3A_1208 {add = true, strides = array<i32>} : memref<2048xf32, #tpu.memory_space<vmem>>, vector<16xf32>,
      %mul3A_1209 = arith.constant 128 : i32
      %mul3A_1210 = arith.muli %squeeze3A_1193, %mul3A_1209 : i32
      %add3A_1211 = arith.constant 16 : i32
      %add3A_1212 = arith.addi %mul3A_1210, %add3A_1211 : i32
      %add3A_1213 = arith.constant 640 : i32
      %add3A_1214 = arith.addi %mul3A_543, %add3A_1213 : i32
      %add3A_1215 = arith.constant 16 : i32
      %add3A_1216 = arith.addi %add3A_1214, %add3A_1215 : i32
      %get3A_1217 = arith.index_cast %add3A_1216 : i32 to index
      %get3A_1218 = tpu.vector_load %arg6[%get3A_1217] {strides = array<i32>} : memref<40960xf32, #tpu.memory_space<vmem>>, vector<16xf32>,
      %get3A_1219 = vector.shape_cast %get3A_1218 : vector<16xf32> to vector<16xf32>
      %swap3A_1220 = arith.index_cast %add3A_1212 : i32 to index
      %swap3A_1221 = tpu.vector_load %arg8[%swap3A_1220] {strides = array<i32>} : memref<2048xf32, #tpu.memory_space<vmem>>, vector<16xf32>,
      %swap3A_1222 = vector.shape_cast %swap3A_1221 : vector<16xf32> to vector<16xf32>
      %swap3A_1223 = vector.shape_cast %get3A_1219 : vector<16xf32> to vector<16xf32>
      tpu.vector_store %arg8[%swap3A_1220], %swap3A_1223 {add = true, strides = array<i32>} : memref<2048xf32, #tpu.memory_space<vmem>>, vector<16xf32>,
      %mul3A_1224 = arith.constant 128 : i32
      %mul3A_1225 = arith.muli %squeeze3A_1193, %mul3A_1224 : i32
      %add3A_1226 = arith.constant 32 : i32
      %add3A_1227 = arith.addi %mul3A_1225, %add3A_1226 : i32
      %add3A_1228 = arith.constant 640 : i32
      %add3A_1229 = arith.addi %mul3A_543, %add3A_1228 : i32
      %add3A_1230 = arith.constant 32 : i32
      %add3A_1231 = arith.addi %add3A_1229, %add3A_1230 : i32
      %get3A_1232 = arith.index_cast %add3A_1231 : i32 to index
      %get3A_1233 = tpu.vector_load %arg6[%get3A_1232] {strides = array<i32>} : memref<40960xf32, #tpu.memory_space<vmem>>, vector<16xf32>,
      %get3A_1234 = vector.shape_cast %get3A_1233 : vector<16xf32> to vector<16xf32>
      %swap3A_1235 = arith.index_cast %add3A_1227 : i32 to index
      %swap3A_1236 = tpu.vector_load %arg8[%swap3A_1235] {strides = array<i32>} : memref<2048xf32, #tpu.memory_space<vmem>>, vector<16xf32>,
      %swap3A_1237 = vector.shape_cast %swap3A_1236 : vector<16xf32> to vector<16xf32>
      %swap3A_1238 = vector.shape_cast %get3A_1234 : vector<16xf32> to vector<16xf32>
      tpu.vector_store %arg8[%swap3A_1235], %swap3A_1238 {add = true, strides = array<i32>} : memref<2048xf32, #tpu.memory_space<vmem>>, vector<16xf32>,
      %mul3A_1239 = arith.constant 128 : i32
      %mul3A_1240 = arith.muli %squeeze3A_1193, %mul3A_1239 : i32
      %add3A_1241 = arith.constant 48 : i32
      %add3A_1242 = arith.addi %mul3A_1240, %add3A_1241 : i32
      %add3A_1243 = arith.constant 640 : i32
      %add3A_1244 = arith.addi %mul3A_543, %add3A_1243 : i32
      %add3A_1245 = arith.constant 48 : i32
      %add3A_1246 = arith.addi %add3A_1244, %add3A_1245 : i32
      %get3A_1247 = arith.index_cast %add3A_1246 : i32 to index
      %get3A_1248 = tpu.vector_load %arg6[%get3A_1247] {strides = array<i32>} : memref<40960xf32, #tpu.memory_space<vmem>>, vector<16xf32>,
      %get3A_1249 = vector.shape_cast %get3A_1248 : vector<16xf32> to vector<16xf32>
      %swap3A_1250 = arith.index_cast %add3A_1242 : i32 to index
      %swap3A_1251 = tpu.vector_load %arg8[%swap3A_1250] {strides = array<i32>} : memref<2048xf32, #tpu.memory_space<vmem>>, vector<16xf32>,
      %swap3A_1252 = vector.shape_cast %swap3A_1251 : vector<16xf32> to vector<16xf32>
      %swap3A_1253 = vector.shape_cast %get3A_1249 : vector<16xf32> to vector<16xf32>
      tpu.vector_store %arg8[%swap3A_1250], %swap3A_1253 {add = true, strides = array<i32>} : memref<2048xf32, #tpu.memory_space<vmem>>, vector<16xf32>,
      %mul3A_1254 = arith.constant 128 : i32
      %mul3A_1255 = arith.muli %squeeze3A_1193, %mul3A_1254 : i32
      %add3A_1256 = arith.constant 64 : i32
      %add3A_1257 = arith.addi %mul3A_1255, %add3A_1256 : i32
      %add3A_1258 = arith.constant 640 : i32
      %add3A_1259 = arith.addi %mul3A_543, %add3A_1258 : i32
      %add3A_1260 = arith.constant 64 : i32
      %add3A_1261 = arith.addi %add3A_1259, %add3A_1260 : i32
      %get3A_1262 = arith.index_cast %add3A_1261 : i32 to index
      %get3A_1263 = tpu.vector_load %arg6[%get3A_1262] {strides = array<i32>} : memref<40960xf32, #tpu.memory_space<vmem>>, vector<16xf32>,
      %get3A_1264 = vector.shape_cast %get3A_1263 : vector<16xf32> to vector<16xf32>
      %swap3A_1265 = arith.index_cast %add3A_1257 : i32 to index
      %swap3A_1266 = tpu.vector_load %arg8[%swap3A_1265] {strides = array<i32>} : memref<2048xf32, #tpu.memory_space<vmem>>, vector<16xf32>,
      %swap3A_1267 = vector.shape_cast %swap3A_1266 : vector<16xf32> to vector<16xf32>
      %swap3A_1268 = vector.shape_cast %get3A_1264 : vector<16xf32> to vector<16xf32>
      tpu.vector_store %arg8[%swap3A_1265], %swap3A_1268 {add = true, strides = array<i32>} : memref<2048xf32, #tpu.memory_space<vmem>>, vector<16xf32>,
      %mul3A_1269 = arith.constant 128 : i32
      %mul3A_1270 = arith.muli %squeeze3A_1193, %mul3A_1269 : i32
      %add3A_1271 = arith.constant 80 : i32
      %add3A_1272 = arith.addi %mul3A_1270, %add3A_1271 : i32
      %add3A_1273 = arith.constant 640 : i32
      %add3A_1274 = arith.addi %mul3A_543, %add3A_1273 : i32
      %add3A_1275 = arith.constant 80 : i32
      %add3A_1276 = arith.addi %add3A_1274, %add3A_1275 : i32
      %get3A_1277 = arith.index_cast %add3A_1276 : i32 to index
      %get3A_1278 = tpu.vector_load %arg6[%get3A_1277] {strides = array<i32>} : memref<40960xf32, #tpu.memory_space<vmem>>, vector<16xf32>,
      %get3A_1279 = vector.shape_cast %get3A_1278 : vector<16xf32> to vector<16xf32>
      %swap3A_1280 = arith.index_cast %add3A_1272 : i32 to index
      %swap3A_1281 = tpu.vector_load %arg8[%swap3A_1280] {strides = array<i32>} : memref<2048xf32, #tpu.memory_space<vmem>>, vector<16xf32>,
      %swap3A_1282 = vector.shape_cast %swap3A_1281 : vector<16xf32> to vector<16xf32>
      %swap3A_1283 = vector.shape_cast %get3A_1279 : vector<16xf32> to vector<16xf32>
      tpu.vector_store %arg8[%swap3A_1280], %swap3A_1283 {add = true, strides = array<i32>} : memref<2048xf32, #tpu.memory_space<vmem>>, vector<16xf32>,
      %mul3A_1284 = arith.constant 128 : i32
      %mul3A_1285 = arith.muli %squeeze3A_1193, %mul3A_1284 : i32
      %add3A_1286 = arith.constant 96 : i32
      %add3A_1287 = arith.addi %mul3A_1285, %add3A_1286 : i32
      %add3A_1288 = arith.constant 640 : i32
      %add3A_1289 = arith.addi %mul3A_543, %add3A_1288 : i32
      %add3A_1290 = arith.constant 96 : i32
      %add3A_1291 = arith.addi %add3A_1289, %add3A_1290 : i32
      %get3A_1292 = arith.index_cast %add3A_1291 : i32 to index
      %get3A_1293 = tpu.vector_load %arg6[%get3A_1292] {strides = array<i32>} : memref<40960xf32, #tpu.memory_space<vmem>>, vector<16xf32>,
      %get3A_1294 = vector.shape_cast %get3A_1293 : vector<16xf32> to vector<16xf32>
      %swap3A_1295 = arith.index_cast %add3A_1287 : i32 to index
      %swap3A_1296 = tpu.vector_load %arg8[%swap3A_1295] {strides = array<i32>} : memref<2048xf32, #tpu.memory_space<vmem>>, vector<16xf32>,
      %swap3A_1297 = vector.shape_cast %swap3A_1296 : vector<16xf32> to vector<16xf32>
      %swap3A_1298 = vector.shape_cast %get3A_1294 : vector<16xf32> to vector<16xf32>
      tpu.vector_store %arg8[%swap3A_1295], %swap3A_1298 {add = true, strides = array<i32>} : memref<2048xf32, #tpu.memory_space<vmem>>, vector<16xf32>,
      %mul3A_1299 = arith.constant 128 : i32
      %mul3A_1300 = arith.muli %squeeze3A_1193, %mul3A_1299 : i32
      %add3A_1301 = arith.constant 112 : i32
      %add3A_1302 = arith.addi %mul3A_1300, %add3A_1301 : i32
      %add3A_1303 = arith.constant 640 : i32
      %add3A_1304 = arith.addi %mul3A_543, %add3A_1303 : i32
      %add3A_1305 = arith.constant 112 : i32
      %add3A_1306 = arith.addi %add3A_1304, %add3A_1305 : i32
      %get3A_1307 = arith.index_cast %add3A_1306 : i32 to index
      %get3A_1308 = tpu.vector_load %arg6[%get3A_1307] {strides = array<i32>} : memref<40960xf32, #tpu.memory_space<vmem>>, vector<16xf32>,
      %get3A_1309 = vector.shape_cast %get3A_1308 : vector<16xf32> to vector<16xf32>
      %swap3A_1310 = arith.index_cast %add3A_1302 : i32 to index
      %swap3A_1311 = tpu.vector_load %arg8[%swap3A_1310] {strides = array<i32>} : memref<2048xf32, #tpu.memory_space<vmem>>, vector<16xf32>,
      %swap3A_1312 = vector.shape_cast %swap3A_1311 : vector<16xf32> to vector<16xf32>
      %swap3A_1313 = vector.shape_cast %get3A_1309 : vector<16xf32> to vector<16xf32>
      tpu.vector_store %arg8[%swap3A_1310], %swap3A_1313 {add = true, strides = array<i32>} : memref<2048xf32, #tpu.memory_space<vmem>>, vector<16xf32>,
      %eq3A_1314 = vector.broadcast %squeeze3A_1193 : i32 to vector<16xi32>
      %eq3A_1315 = arith.cmpi eq, %iota3A, %eq3A_1314 : vector<16xi32>
      %jit3A_1316 = arith.constant 1.000000e+00 : f32
      %jit3A_1317 = arith.constant 0.000000e+00 : f32
      %broadcast_in_dim3A_1318 = vector.broadcast %jit3A_1316 : f32 to vector<16xf32>
      %broadcast_in_dim3A_1319 = vector.broadcast %jit3A_1317 : f32 to vector<16xf32>
      %select_n3A_1320 = arith.select %eq3A_1315, %broadcast_in_dim3A_1318, %broadcast_in_dim3A_1319 : vector<16xi1>, vector<16xf32>
      %add3A_1321 = arith.addf %add3A_1191, %select_n3A_1320 : vector<16xf32>
      %slice3A_1322 = vector.extract_strided_slice %get3A_541 {offsets = [6], sizes = [1], strides = [1]} : vector<16xi32> to vector<1xi32>
      %squeeze3A_1323 = vector.extract %slice3A_1322[0] : i32 from vector<1xi32>
      %mul3A_1324 = arith.constant 128 : i32
      %mul3A_1325 = arith.muli %squeeze3A_1323, %mul3A_1324 : i32
      %add3A_1326 = arith.constant 0 : i32
      %add3A_1327 = arith.addi %mul3A_1325, %add3A_1326 : i32
      %add3A_1328 = arith.constant 768 : i32
      %add3A_1329 = arith.addi %mul3A_543, %add3A_1328 : i32
      %add3A_1330 = arith.constant 0 : i32
      %add3A_1331 = arith.addi %add3A_1329, %add3A_1330 : i32
      %get3A_1332 = arith.index_cast %add3A_1331 : i32 to index
      %get3A_1333 = tpu.vector_load %arg6[%get3A_1332] {strides = array<i32>} : memref<40960xf32, #tpu.memory_space<vmem>>, vector<16xf32>,
      %get3A_1334 = vector.shape_cast %get3A_1333 : vector<16xf32> to vector<16xf32>
      %swap3A_1335 = arith.index_cast %add3A_1327 : i32 to index
      %swap3A_1336 = tpu.vector_load %arg8[%swap3A_1335] {strides = array<i32>} : memref<2048xf32, #tpu.memory_space<vmem>>, vector<16xf32>,
      %swap3A_1337 = vector.shape_cast %swap3A_1336 : vector<16xf32> to vector<16xf32>
      %swap3A_1338 = vector.shape_cast %get3A_1334 : vector<16xf32> to vector<16xf32>
      tpu.vector_store %arg8[%swap3A_1335], %swap3A_1338 {add = true, strides = array<i32>} : memref<2048xf32, #tpu.memory_space<vmem>>, vector<16xf32>,
      %mul3A_1339 = arith.constant 128 : i32
      %mul3A_1340 = arith.muli %squeeze3A_1323, %mul3A_1339 : i32
      %add3A_1341 = arith.constant 16 : i32
      %add3A_1342 = arith.addi %mul3A_1340, %add3A_1341 : i32
      %add3A_1343 = arith.constant 768 : i32
      %add3A_1344 = arith.addi %mul3A_543, %add3A_1343 : i32
      %add3A_1345 = arith.constant 16 : i32
      %add3A_1346 = arith.addi %add3A_1344, %add3A_1345 : i32
      %get3A_1347 = arith.index_cast %add3A_1346 : i32 to index
      %get3A_1348 = tpu.vector_load %arg6[%get3A_1347] {strides = array<i32>} : memref<40960xf32, #tpu.memory_space<vmem>>, vector<16xf32>,
      %get3A_1349 = vector.shape_cast %get3A_1348 : vector<16xf32> to vector<16xf32>
      %swap3A_1350 = arith.index_cast %add3A_1342 : i32 to index
      %swap3A_1351 = tpu.vector_load %arg8[%swap3A_1350] {strides = array<i32>} : memref<2048xf32, #tpu.memory_space<vmem>>, vector<16xf32>,
      %swap3A_1352 = vector.shape_cast %swap3A_1351 : vector<16xf32> to vector<16xf32>
      %swap3A_1353 = vector.shape_cast %get3A_1349 : vector<16xf32> to vector<16xf32>
      tpu.vector_store %arg8[%swap3A_1350], %swap3A_1353 {add = true, strides = array<i32>} : memref<2048xf32, #tpu.memory_space<vmem>>, vector<16xf32>,
      %mul3A_1354 = arith.constant 128 : i32
      %mul3A_1355 = arith.muli %squeeze3A_1323, %mul3A_1354 : i32
      %add3A_1356 = arith.constant 32 : i32
      %add3A_1357 = arith.addi %mul3A_1355, %add3A_1356 : i32
      %add3A_1358 = arith.constant 768 : i32
      %add3A_1359 = arith.addi %mul3A_543, %add3A_1358 : i32
      %add3A_1360 = arith.constant 32 : i32
      %add3A_1361 = arith.addi %add3A_1359, %add3A_1360 : i32
      %get3A_1362 = arith.index_cast %add3A_1361 : i32 to index
      %get3A_1363 = tpu.vector_load %arg6[%get3A_1362] {strides = array<i32>} : memref<40960xf32, #tpu.memory_space<vmem>>, vector<16xf32>,
      %get3A_1364 = vector.shape_cast %get3A_1363 : vector<16xf32> to vector<16xf32>
      %swap3A_1365 = arith.index_cast %add3A_1357 : i32 to index
      %swap3A_1366 = tpu.vector_load %arg8[%swap3A_1365] {strides = array<i32>} : memref<2048xf32, #tpu.memory_space<vmem>>, vector<16xf32>,
      %swap3A_1367 = vector.shape_cast %swap3A_1366 : vector<16xf32> to vector<16xf32>
      %swap3A_1368 = vector.shape_cast %get3A_1364 : vector<16xf32> to vector<16xf32>
      tpu.vector_store %arg8[%swap3A_1365], %swap3A_1368 {add = true, strides = array<i32>} : memref<2048xf32, #tpu.memory_space<vmem>>, vector<16xf32>,
      %mul3A_1369 = arith.constant 128 : i32
      %mul3A_1370 = arith.muli %squeeze3A_1323, %mul3A_1369 : i32
      %add3A_1371 = arith.constant 48 : i32
      %add3A_1372 = arith.addi %mul3A_1370, %add3A_1371 : i32
      %add3A_1373 = arith.constant 768 : i32
      %add3A_1374 = arith.addi %mul3A_543, %add3A_1373 : i32
      %add3A_1375 = arith.constant 48 : i32
      %add3A_1376 = arith.addi %add3A_1374, %add3A_1375 : i32
      %get3A_1377 = arith.index_cast %add3A_1376 : i32 to index
      %get3A_1378 = tpu.vector_load %arg6[%get3A_1377] {strides = array<i32>} : memref<40960xf32, #tpu.memory_space<vmem>>, vector<16xf32>,
      %get3A_1379 = vector.shape_cast %get3A_1378 : vector<16xf32> to vector<16xf32>
      %swap3A_1380 = arith.index_cast %add3A_1372 : i32 to index
      %swap3A_1381 = tpu.vector_load %arg8[%swap3A_1380] {strides = array<i32>} : memref<2048xf32, #tpu.memory_space<vmem>>, vector<16xf32>,
      %swap3A_1382 = vector.shape_cast %swap3A_1381 : vector<16xf32> to vector<16xf32>
      %swap3A_1383 = vector.shape_cast %get3A_1379 : vector<16xf32> to vector<16xf32>
      tpu.vector_store %arg8[%swap3A_1380], %swap3A_1383 {add = true, strides = array<i32>} : memref<2048xf32, #tpu.memory_space<vmem>>, vector<16xf32>,
      %mul3A_1384 = arith.constant 128 : i32
      %mul3A_1385 = arith.muli %squeeze3A_1323, %mul3A_1384 : i32
      %add3A_1386 = arith.constant 64 : i32
      %add3A_1387 = arith.addi %mul3A_1385, %add3A_1386 : i32
      %add3A_1388 = arith.constant 768 : i32
      %add3A_1389 = arith.addi %mul3A_543, %add3A_1388 : i32
      %add3A_1390 = arith.constant 64 : i32
      %add3A_1391 = arith.addi %add3A_1389, %add3A_1390 : i32
      %get3A_1392 = arith.index_cast %add3A_1391 : i32 to index
      %get3A_1393 = tpu.vector_load %arg6[%get3A_1392] {strides = array<i32>} : memref<40960xf32, #tpu.memory_space<vmem>>, vector<16xf32>,
      %get3A_1394 = vector.shape_cast %get3A_1393 : vector<16xf32> to vector<16xf32>
      %swap3A_1395 = arith.index_cast %add3A_1387 : i32 to index
      %swap3A_1396 = tpu.vector_load %arg8[%swap3A_1395] {strides = array<i32>} : memref<2048xf32, #tpu.memory_space<vmem>>, vector<16xf32>,
      %swap3A_1397 = vector.shape_cast %swap3A_1396 : vector<16xf32> to vector<16xf32>
      %swap3A_1398 = vector.shape_cast %get3A_1394 : vector<16xf32> to vector<16xf32>
      tpu.vector_store %arg8[%swap3A_1395], %swap3A_1398 {add = true, strides = array<i32>} : memref<2048xf32, #tpu.memory_space<vmem>>, vector<16xf32>,
      %mul3A_1399 = arith.constant 128 : i32
      %mul3A_1400 = arith.muli %squeeze3A_1323, %mul3A_1399 : i32
      %add3A_1401 = arith.constant 80 : i32
      %add3A_1402 = arith.addi %mul3A_1400, %add3A_1401 : i32
      %add3A_1403 = arith.constant 768 : i32
      %add3A_1404 = arith.addi %mul3A_543, %add3A_1403 : i32
      %add3A_1405 = arith.constant 80 : i32
      %add3A_1406 = arith.addi %add3A_1404, %add3A_1405 : i32
      %get3A_1407 = arith.index_cast %add3A_1406 : i32 to index
      %get3A_1408 = tpu.vector_load %arg6[%get3A_1407] {strides = array<i32>} : memref<40960xf32, #tpu.memory_space<vmem>>, vector<16xf32>,
      %get3A_1409 = vector.shape_cast %get3A_1408 : vector<16xf32> to vector<16xf32>
      %swap3A_1410 = arith.index_cast %add3A_1402 : i32 to index
      %swap3A_1411 = tpu.vector_load %arg8[%swap3A_1410] {strides = array<i32>} : memref<2048xf32, #tpu.memory_space<vmem>>, vector<16xf32>,
      %swap3A_1412 = vector.shape_cast %swap3A_1411 : vector<16xf32> to vector<16xf32>
      %swap3A_1413 = vector.shape_cast %get3A_1409 : vector<16xf32> to vector<16xf32>
      tpu.vector_store %arg8[%swap3A_1410], %swap3A_1413 {add = true, strides = array<i32>} : memref<2048xf32, #tpu.memory_space<vmem>>, vector<16xf32>,
      %mul3A_1414 = arith.constant 128 : i32
      %mul3A_1415 = arith.muli %squeeze3A_1323, %mul3A_1414 : i32
      %add3A_1416 = arith.constant 96 : i32
      %add3A_1417 = arith.addi %mul3A_1415, %add3A_1416 : i32
      %add3A_1418 = arith.constant 768 : i32
      %add3A_1419 = arith.addi %mul3A_543, %add3A_1418 : i32
      %add3A_1420 = arith.constant 96 : i32
      %add3A_1421 = arith.addi %add3A_1419, %add3A_1420 : i32
      %get3A_1422 = arith.index_cast %add3A_1421 : i32 to index
      %get3A_1423 = tpu.vector_load %arg6[%get3A_1422] {strides = array<i32>} : memref<40960xf32, #tpu.memory_space<vmem>>, vector<16xf32>,
      %get3A_1424 = vector.shape_cast %get3A_1423 : vector<16xf32> to vector<16xf32>
      %swap3A_1425 = arith.index_cast %add3A_1417 : i32 to index
      %swap3A_1426 = tpu.vector_load %arg8[%swap3A_1425] {strides = array<i32>} : memref<2048xf32, #tpu.memory_space<vmem>>, vector<16xf32>,
      %swap3A_1427 = vector.shape_cast %swap3A_1426 : vector<16xf32> to vector<16xf32>
      %swap3A_1428 = vector.shape_cast %get3A_1424 : vector<16xf32> to vector<16xf32>
      tpu.vector_store %arg8[%swap3A_1425], %swap3A_1428 {add = true, strides = array<i32>} : memref<2048xf32, #tpu.memory_space<vmem>>, vector<16xf32>,
      %mul3A_1429 = arith.constant 128 : i32
      %mul3A_1430 = arith.muli %squeeze3A_1323, %mul3A_1429 : i32
      %add3A_1431 = arith.constant 112 : i32
      %add3A_1432 = arith.addi %mul3A_1430, %add3A_1431 : i32
      %add3A_1433 = arith.constant 768 : i32
      %add3A_1434 = arith.addi %mul3A_543, %add3A_1433 : i32
      %add3A_1435 = arith.constant 112 : i32
      %add3A_1436 = arith.addi %add3A_1434, %add3A_1435 : i32
      %get3A_1437 = arith.index_cast %add3A_1436 : i32 to index
      %get3A_1438 = tpu.vector_load %arg6[%get3A_1437] {strides = array<i32>} : memref<40960xf32, #tpu.memory_space<vmem>>, vector<16xf32>,
      %get3A_1439 = vector.shape_cast %get3A_1438 : vector<16xf32> to vector<16xf32>
      %swap3A_1440 = arith.index_cast %add3A_1432 : i32 to index
      %swap3A_1441 = tpu.vector_load %arg8[%swap3A_1440] {strides = array<i32>} : memref<2048xf32, #tpu.memory_space<vmem>>, vector<16xf32>,
      %swap3A_1442 = vector.shape_cast %swap3A_1441 : vector<16xf32> to vector<16xf32>
      %swap3A_1443 = vector.shape_cast %get3A_1439 : vector<16xf32> to vector<16xf32>
      tpu.vector_store %arg8[%swap3A_1440], %swap3A_1443 {add = true, strides = array<i32>} : memref<2048xf32, #tpu.memory_space<vmem>>, vector<16xf32>,
      %eq3A_1444 = vector.broadcast %squeeze3A_1323 : i32 to vector<16xi32>
      %eq3A_1445 = arith.cmpi eq, %iota3A, %eq3A_1444 : vector<16xi32>
      %jit3A_1446 = arith.constant 1.000000e+00 : f32
      %jit3A_1447 = arith.constant 0.000000e+00 : f32
      %broadcast_in_dim3A_1448 = vector.broadcast %jit3A_1446 : f32 to vector<16xf32>
      %broadcast_in_dim3A_1449 = vector.broadcast %jit3A_1447 : f32 to vector<16xf32>
      %select_n3A_1450 = arith.select %eq3A_1445, %broadcast_in_dim3A_1448, %broadcast_in_dim3A_1449 : vector<16xi1>, vector<16xf32>
      %add3A_1451 = arith.addf %add3A_1321, %select_n3A_1450 : vector<16xf32>
      %slice3A_1452 = vector.extract_strided_slice %get3A_541 {offsets = [7], sizes = [1], strides = [1]} : vector<16xi32> to vector<1xi32>
      %squeeze3A_1453 = vector.extract %slice3A_1452[0] : i32 from vector<1xi32>
      %mul3A_1454 = arith.constant 128 : i32
      %mul3A_1455 = arith.muli %squeeze3A_1453, %mul3A_1454 : i32
      %add3A_1456 = arith.constant 0 : i32
      %add3A_1457 = arith.addi %mul3A_1455, %add3A_1456 : i32
      %add3A_1458 = arith.constant 896 : i32
      %add3A_1459 = arith.addi %mul3A_543, %add3A_1458 : i32
      %add3A_1460 = arith.constant 0 : i32
      %add3A_1461 = arith.addi %add3A_1459, %add3A_1460 : i32
      %get3A_1462 = arith.index_cast %add3A_1461 : i32 to index
      %get3A_1463 = tpu.vector_load %arg6[%get3A_1462] {strides = array<i32>} : memref<40960xf32, #tpu.memory_space<vmem>>, vector<16xf32>,
      %get3A_1464 = vector.shape_cast %get3A_1463 : vector<16xf32> to vector<16xf32>
      %swap3A_1465 = arith.index_cast %add3A_1457 : i32 to index
      %swap3A_1466 = tpu.vector_load %arg8[%swap3A_1465] {strides = array<i32>} : memref<2048xf32, #tpu.memory_space<vmem>>, vector<16xf32>,
      %swap3A_1467 = vector.shape_cast %swap3A_1466 : vector<16xf32> to vector<16xf32>
      %swap3A_1468 = vector.shape_cast %get3A_1464 : vector<16xf32> to vector<16xf32>
      tpu.vector_store %arg8[%swap3A_1465], %swap3A_1468 {add = true, strides = array<i32>} : memref<2048xf32, #tpu.memory_space<vmem>>, vector<16xf32>,
      %mul3A_1469 = arith.constant 128 : i32
      %mul3A_1470 = arith.muli %squeeze3A_1453, %mul3A_1469 : i32
      %add3A_1471 = arith.constant 16 : i32
      %add3A_1472 = arith.addi %mul3A_1470, %add3A_1471 : i32
      %add3A_1473 = arith.constant 896 : i32
      %add3A_1474 = arith.addi %mul3A_543, %add3A_1473 : i32
      %add3A_1475 = arith.constant 16 : i32
      %add3A_1476 = arith.addi %add3A_1474, %add3A_1475 : i32
      %get3A_1477 = arith.index_cast %add3A_1476 : i32 to index
      %get3A_1478 = tpu.vector_load %arg6[%get3A_1477] {strides = array<i32>} : memref<40960xf32, #tpu.memory_space<vmem>>, vector<16xf32>,
      %get3A_1479 = vector.shape_cast %get3A_1478 : vector<16xf32> to vector<16xf32>
      %swap3A_1480 = arith.index_cast %add3A_1472 : i32 to index
      %swap3A_1481 = tpu.vector_load %arg8[%swap3A_1480] {strides = array<i32>} : memref<2048xf32, #tpu.memory_space<vmem>>, vector<16xf32>,
      %swap3A_1482 = vector.shape_cast %swap3A_1481 : vector<16xf32> to vector<16xf32>
      %swap3A_1483 = vector.shape_cast %get3A_1479 : vector<16xf32> to vector<16xf32>
      tpu.vector_store %arg8[%swap3A_1480], %swap3A_1483 {add = true, strides = array<i32>} : memref<2048xf32, #tpu.memory_space<vmem>>, vector<16xf32>,
      %mul3A_1484 = arith.constant 128 : i32
      %mul3A_1485 = arith.muli %squeeze3A_1453, %mul3A_1484 : i32
      %add3A_1486 = arith.constant 32 : i32
      %add3A_1487 = arith.addi %mul3A_1485, %add3A_1486 : i32
      %add3A_1488 = arith.constant 896 : i32
      %add3A_1489 = arith.addi %mul3A_543, %add3A_1488 : i32
      %add3A_1490 = arith.constant 32 : i32
      %add3A_1491 = arith.addi %add3A_1489, %add3A_1490 : i32
      %get3A_1492 = arith.index_cast %add3A_1491 : i32 to index
      %get3A_1493 = tpu.vector_load %arg6[%get3A_1492] {strides = array<i32>} : memref<40960xf32, #tpu.memory_space<vmem>>, vector<16xf32>,
      %get3A_1494 = vector.shape_cast %get3A_1493 : vector<16xf32> to vector<16xf32>
      %swap3A_1495 = arith.index_cast %add3A_1487 : i32 to index
      %swap3A_1496 = tpu.vector_load %arg8[%swap3A_1495] {strides = array<i32>} : memref<2048xf32, #tpu.memory_space<vmem>>, vector<16xf32>,
      %swap3A_1497 = vector.shape_cast %swap3A_1496 : vector<16xf32> to vector<16xf32>
      %swap3A_1498 = vector.shape_cast %get3A_1494 : vector<16xf32> to vector<16xf32>
      tpu.vector_store %arg8[%swap3A_1495], %swap3A_1498 {add = true, strides = array<i32>} : memref<2048xf32, #tpu.memory_space<vmem>>, vector<16xf32>,
      %mul3A_1499 = arith.constant 128 : i32
      %mul3A_1500 = arith.muli %squeeze3A_1453, %mul3A_1499 : i32
      %add3A_1501 = arith.constant 48 : i32
      %add3A_1502 = arith.addi %mul3A_1500, %add3A_1501 : i32
      %add3A_1503 = arith.constant 896 : i32
      %add3A_1504 = arith.addi %mul3A_543, %add3A_1503 : i32
      %add3A_1505 = arith.constant 48 : i32
      %add3A_1506 = arith.addi %add3A_1504, %add3A_1505 : i32
      %get3A_1507 = arith.index_cast %add3A_1506 : i32 to index
      %get3A_1508 = tpu.vector_load %arg6[%get3A_1507] {strides = array<i32>} : memref<40960xf32, #tpu.memory_space<vmem>>, vector<16xf32>,
      %get3A_1509 = vector.shape_cast %get3A_1508 : vector<16xf32> to vector<16xf32>
      %swap3A_1510 = arith.index_cast %add3A_1502 : i32 to index
      %swap3A_1511 = tpu.vector_load %arg8[%swap3A_1510] {strides = array<i32>} : memref<2048xf32, #tpu.memory_space<vmem>>, vector<16xf32>,
      %swap3A_1512 = vector.shape_cast %swap3A_1511 : vector<16xf32> to vector<16xf32>
      %swap3A_1513 = vector.shape_cast %get3A_1509 : vector<16xf32> to vector<16xf32>
      tpu.vector_store %arg8[%swap3A_1510], %swap3A_1513 {add = true, strides = array<i32>} : memref<2048xf32, #tpu.memory_space<vmem>>, vector<16xf32>,
      %mul3A_1514 = arith.constant 128 : i32
      %mul3A_1515 = arith.muli %squeeze3A_1453, %mul3A_1514 : i32
      %add3A_1516 = arith.constant 64 : i32
      %add3A_1517 = arith.addi %mul3A_1515, %add3A_1516 : i32
      %add3A_1518 = arith.constant 896 : i32
      %add3A_1519 = arith.addi %mul3A_543, %add3A_1518 : i32
      %add3A_1520 = arith.constant 64 : i32
      %add3A_1521 = arith.addi %add3A_1519, %add3A_1520 : i32
      %get3A_1522 = arith.index_cast %add3A_1521 : i32 to index
      %get3A_1523 = tpu.vector_load %arg6[%get3A_1522] {strides = array<i32>} : memref<40960xf32, #tpu.memory_space<vmem>>, vector<16xf32>,
      %get3A_1524 = vector.shape_cast %get3A_1523 : vector<16xf32> to vector<16xf32>
      %swap3A_1525 = arith.index_cast %add3A_1517 : i32 to index
      %swap3A_1526 = tpu.vector_load %arg8[%swap3A_1525] {strides = array<i32>} : memref<2048xf32, #tpu.memory_space<vmem>>, vector<16xf32>,
      %swap3A_1527 = vector.shape_cast %swap3A_1526 : vector<16xf32> to vector<16xf32>
      %swap3A_1528 = vector.shape_cast %get3A_1524 : vector<16xf32> to vector<16xf32>
      tpu.vector_store %arg8[%swap3A_1525], %swap3A_1528 {add = true, strides = array<i32>} : memref<2048xf32, #tpu.memory_space<vmem>>, vector<16xf32>,
      %mul3A_1529 = arith.constant 128 : i32
      %mul3A_1530 = arith.muli %squeeze3A_1453, %mul3A_1529 : i32
      %add3A_1531 = arith.constant 80 : i32
      %add3A_1532 = arith.addi %mul3A_1530, %add3A_1531 : i32
      %add3A_1533 = arith.constant 896 : i32
      %add3A_1534 = arith.addi %mul3A_543, %add3A_1533 : i32
      %add3A_1535 = arith.constant 80 : i32
      %add3A_1536 = arith.addi %add3A_1534, %add3A_1535 : i32
      %get3A_1537 = arith.index_cast %add3A_1536 : i32 to index
      %get3A_1538 = tpu.vector_load %arg6[%get3A_1537] {strides = array<i32>} : memref<40960xf32, #tpu.memory_space<vmem>>, vector<16xf32>,
      %get3A_1539 = vector.shape_cast %get3A_1538 : vector<16xf32> to vector<16xf32>
      %swap3A_1540 = arith.index_cast %add3A_1532 : i32 to index
      %swap3A_1541 = tpu.vector_load %arg8[%swap3A_1540] {strides = array<i32>} : memref<2048xf32, #tpu.memory_space<vmem>>, vector<16xf32>,
      %swap3A_1542 = vector.shape_cast %swap3A_1541 : vector<16xf32> to vector<16xf32>
      %swap3A_1543 = vector.shape_cast %get3A_1539 : vector<16xf32> to vector<16xf32>
      tpu.vector_store %arg8[%swap3A_1540], %swap3A_1543 {add = true, strides = array<i32>} : memref<2048xf32, #tpu.memory_space<vmem>>, vector<16xf32>,
      %mul3A_1544 = arith.constant 128 : i32
      %mul3A_1545 = arith.muli %squeeze3A_1453, %mul3A_1544 : i32
      %add3A_1546 = arith.constant 96 : i32
      %add3A_1547 = arith.addi %mul3A_1545, %add3A_1546 : i32
      %add3A_1548 = arith.constant 896 : i32
      %add3A_1549 = arith.addi %mul3A_543, %add3A_1548 : i32
      %add3A_1550 = arith.constant 96 : i32
      %add3A_1551 = arith.addi %add3A_1549, %add3A_1550 : i32
      %get3A_1552 = arith.index_cast %add3A_1551 : i32 to index
      %get3A_1553 = tpu.vector_load %arg6[%get3A_1552] {strides = array<i32>} : memref<40960xf32, #tpu.memory_space<vmem>>, vector<16xf32>,
      %get3A_1554 = vector.shape_cast %get3A_1553 : vector<16xf32> to vector<16xf32>
      %swap3A_1555 = arith.index_cast %add3A_1547 : i32 to index
      %swap3A_1556 = tpu.vector_load %arg8[%swap3A_1555] {strides = array<i32>} : memref<2048xf32, #tpu.memory_space<vmem>>, vector<16xf32>,
      %swap3A_1557 = vector.shape_cast %swap3A_1556 : vector<16xf32> to vector<16xf32>
      %swap3A_1558 = vector.shape_cast %get3A_1554 : vector<16xf32> to vector<16xf32>
      tpu.vector_store %arg8[%swap3A_1555], %swap3A_1558 {add = true, strides = array<i32>} : memref<2048xf32, #tpu.memory_space<vmem>>, vector<16xf32>,
      %mul3A_1559 = arith.constant 128 : i32
      %mul3A_1560 = arith.muli %squeeze3A_1453, %mul3A_1559 : i32
      %add3A_1561 = arith.constant 112 : i32
      %add3A_1562 = arith.addi %mul3A_1560, %add3A_1561 : i32
      %add3A_1563 = arith.constant 896 : i32
      %add3A_1564 = arith.addi %mul3A_543, %add3A_1563 : i32
      %add3A_1565 = arith.constant 112 : i32
      %add3A_1566 = arith.addi %add3A_1564, %add3A_1565 : i32
      %get3A_1567 = arith.index_cast %add3A_1566 : i32 to index
      %get3A_1568 = tpu.vector_load %arg6[%get3A_1567] {strides = array<i32>} : memref<40960xf32, #tpu.memory_space<vmem>>, vector<16xf32>,
      %get3A_1569 = vector.shape_cast %get3A_1568 : vector<16xf32> to vector<16xf32>
      %swap3A_1570 = arith.index_cast %add3A_1562 : i32 to index
      %swap3A_1571 = tpu.vector_load %arg8[%swap3A_1570] {strides = array<i32>} : memref<2048xf32, #tpu.memory_space<vmem>>, vector<16xf32>,
      %swap3A_1572 = vector.shape_cast %swap3A_1571 : vector<16xf32> to vector<16xf32>
      %swap3A_1573 = vector.shape_cast %get3A_1569 : vector<16xf32> to vector<16xf32>
      tpu.vector_store %arg8[%swap3A_1570], %swap3A_1573 {add = true, strides = array<i32>} : memref<2048xf32, #tpu.memory_space<vmem>>, vector<16xf32>,
      %eq3A_1574 = vector.broadcast %squeeze3A_1453 : i32 to vector<16xi32>
      %eq3A_1575 = arith.cmpi eq, %iota3A, %eq3A_1574 : vector<16xi32>
      %jit3A_1576 = arith.constant 1.000000e+00 : f32
      %jit3A_1577 = arith.constant 0.000000e+00 : f32
      %broadcast_in_dim3A_1578 = vector.broadcast %jit3A_1576 : f32 to vector<16xf32>
      %broadcast_in_dim3A_1579 = vector.broadcast %jit3A_1577 : f32 to vector<16xf32>
      %select_n3A_1580 = arith.select %eq3A_1575, %broadcast_in_dim3A_1578, %broadcast_in_dim3A_1579 : vector<16xi1>, vector<16xf32>
      %add3A_1581 = arith.addf %add3A_1451, %select_n3A_1580 : vector<16xf32>
      %slice3A_1582 = vector.extract_strided_slice %get3A_541 {offsets = [8], sizes = [1], strides = [1]} : vector<16xi32> to vector<1xi32>
      %squeeze3A_1583 = vector.extract %slice3A_1582[0] : i32 from vector<1xi32>
      %mul3A_1584 = arith.constant 128 : i32
      %mul3A_1585 = arith.muli %squeeze3A_1583, %mul3A_1584 : i32
      %add3A_1586 = arith.constant 0 : i32
      %add3A_1587 = arith.addi %mul3A_1585, %add3A_1586 : i32
      %add3A_1588 = arith.constant 1024 : i32
      %add3A_1589 = arith.addi %mul3A_543, %add3A_1588 : i32
      %add3A_1590 = arith.constant 0 : i32
      %add3A_1591 = arith.addi %add3A_1589, %add3A_1590 : i32
      %get3A_1592 = arith.index_cast %add3A_1591 : i32 to index
      %get3A_1593 = tpu.vector_load %arg6[%get3A_1592] {strides = array<i32>} : memref<40960xf32, #tpu.memory_space<vmem>>, vector<16xf32>,
      %get3A_1594 = vector.shape_cast %get3A_1593 : vector<16xf32> to vector<16xf32>
      %swap3A_1595 = arith.index_cast %add3A_1587 : i32 to index
      %swap3A_1596 = tpu.vector_load %arg8[%swap3A_1595] {strides = array<i32>} : memref<2048xf32, #tpu.memory_space<vmem>>, vector<16xf32>,
      %swap3A_1597 = vector.shape_cast %swap3A_1596 : vector<16xf32> to vector<16xf32>
      %swap3A_1598 = vector.shape_cast %get3A_1594 : vector<16xf32> to vector<16xf32>
      tpu.vector_store %arg8[%swap3A_1595], %swap3A_1598 {add = true, strides = array<i32>} : memref<2048xf32, #tpu.memory_space<vmem>>, vector<16xf32>,
      %mul3A_1599 = arith.constant 128 : i32
      %mul3A_1600 = arith.muli %squeeze3A_1583, %mul3A_1599 : i32
      %add3A_1601 = arith.constant 16 : i32
      %add3A_1602 = arith.addi %mul3A_1600, %add3A_1601 : i32
      %add3A_1603 = arith.constant 1024 : i32
      %add3A_1604 = arith.addi %mul3A_543, %add3A_1603 : i32
      %add3A_1605 = arith.constant 16 : i32
      %add3A_1606 = arith.addi %add3A_1604, %add3A_1605 : i32
      %get3A_1607 = arith.index_cast %add3A_1606 : i32 to index
      %get3A_1608 = tpu.vector_load %arg6[%get3A_1607] {strides = array<i32>} : memref<40960xf32, #tpu.memory_space<vmem>>, vector<16xf32>,
      %get3A_1609 = vector.shape_cast %get3A_1608 : vector<16xf32> to vector<16xf32>
      %swap3A_1610 = arith.index_cast %add3A_1602 : i32 to index
      %swap3A_1611 = tpu.vector_load %arg8[%swap3A_1610] {strides = array<i32>} : memref<2048xf32, #tpu.memory_space<vmem>>, vector<16xf32>,
      %swap3A_1612 = vector.shape_cast %swap3A_1611 : vector<16xf32> to vector<16xf32>
      %swap3A_1613 = vector.shape_cast %get3A_1609 : vector<16xf32> to vector<16xf32>
      tpu.vector_store %arg8[%swap3A_1610], %swap3A_1613 {add = true, strides = array<i32>} : memref<2048xf32, #tpu.memory_space<vmem>>, vector<16xf32>,
      %mul3A_1614 = arith.constant 128 : i32
      %mul3A_1615 = arith.muli %squeeze3A_1583, %mul3A_1614 : i32
      %add3A_1616 = arith.constant 32 : i32
      %add3A_1617 = arith.addi %mul3A_1615, %add3A_1616 : i32
      %add3A_1618 = arith.constant 1024 : i32
      %add3A_1619 = arith.addi %mul3A_543, %add3A_1618 : i32
      %add3A_1620 = arith.constant 32 : i32
      %add3A_1621 = arith.addi %add3A_1619, %add3A_1620 : i32
      %get3A_1622 = arith.index_cast %add3A_1621 : i32 to index
      %get3A_1623 = tpu.vector_load %arg6[%get3A_1622] {strides = array<i32>} : memref<40960xf32, #tpu.memory_space<vmem>>, vector<16xf32>,
      %get3A_1624 = vector.shape_cast %get3A_1623 : vector<16xf32> to vector<16xf32>
      %swap3A_1625 = arith.index_cast %add3A_1617 : i32 to index
      %swap3A_1626 = tpu.vector_load %arg8[%swap3A_1625] {strides = array<i32>} : memref<2048xf32, #tpu.memory_space<vmem>>, vector<16xf32>,
      %swap3A_1627 = vector.shape_cast %swap3A_1626 : vector<16xf32> to vector<16xf32>
      %swap3A_1628 = vector.shape_cast %get3A_1624 : vector<16xf32> to vector<16xf32>
      tpu.vector_store %arg8[%swap3A_1625], %swap3A_1628 {add = true, strides = array<i32>} : memref<2048xf32, #tpu.memory_space<vmem>>, vector<16xf32>,
      %mul3A_1629 = arith.constant 128 : i32
      %mul3A_1630 = arith.muli %squeeze3A_1583, %mul3A_1629 : i32
      %add3A_1631 = arith.constant 48 : i32
      %add3A_1632 = arith.addi %mul3A_1630, %add3A_1631 : i32
      %add3A_1633 = arith.constant 1024 : i32
      %add3A_1634 = arith.addi %mul3A_543, %add3A_1633 : i32
      %add3A_1635 = arith.constant 48 : i32
      %add3A_1636 = arith.addi %add3A_1634, %add3A_1635 : i32
      %get3A_1637 = arith.index_cast %add3A_1636 : i32 to index
      %get3A_1638 = tpu.vector_load %arg6[%get3A_1637] {strides = array<i32>} : memref<40960xf32, #tpu.memory_space<vmem>>, vector<16xf32>,
      %get3A_1639 = vector.shape_cast %get3A_1638 : vector<16xf32> to vector<16xf32>
      %swap3A_1640 = arith.index_cast %add3A_1632 : i32 to index
      %swap3A_1641 = tpu.vector_load %arg8[%swap3A_1640] {strides = array<i32>} : memref<2048xf32, #tpu.memory_space<vmem>>, vector<16xf32>,
      %swap3A_1642 = vector.shape_cast %swap3A_1641 : vector<16xf32> to vector<16xf32>
      %swap3A_1643 = vector.shape_cast %get3A_1639 : vector<16xf32> to vector<16xf32>
      tpu.vector_store %arg8[%swap3A_1640], %swap3A_1643 {add = true, strides = array<i32>} : memref<2048xf32, #tpu.memory_space<vmem>>, vector<16xf32>,
      %mul3A_1644 = arith.constant 128 : i32
      %mul3A_1645 = arith.muli %squeeze3A_1583, %mul3A_1644 : i32
      %add3A_1646 = arith.constant 64 : i32
      %add3A_1647 = arith.addi %mul3A_1645, %add3A_1646 : i32
      %add3A_1648 = arith.constant 1024 : i32
      %add3A_1649 = arith.addi %mul3A_543, %add3A_1648 : i32
      %add3A_1650 = arith.constant 64 : i32
      %add3A_1651 = arith.addi %add3A_1649, %add3A_1650 : i32
      %get3A_1652 = arith.index_cast %add3A_1651 : i32 to index
      %get3A_1653 = tpu.vector_load %arg6[%get3A_1652] {strides = array<i32>} : memref<40960xf32, #tpu.memory_space<vmem>>, vector<16xf32>,
      %get3A_1654 = vector.shape_cast %get3A_1653 : vector<16xf32> to vector<16xf32>
      %swap3A_1655 = arith.index_cast %add3A_1647 : i32 to index
      %swap3A_1656 = tpu.vector_load %arg8[%swap3A_1655] {strides = array<i32>} : memref<2048xf32, #tpu.memory_space<vmem>>, vector<16xf32>,
      %swap3A_1657 = vector.shape_cast %swap3A_1656 : vector<16xf32> to vector<16xf32>
      %swap3A_1658 = vector.shape_cast %get3A_1654 : vector<16xf32> to vector<16xf32>
      tpu.vector_store %arg8[%swap3A_1655], %swap3A_1658 {add = true, strides = array<i32>} : memref<2048xf32, #tpu.memory_space<vmem>>, vector<16xf32>,
      %mul3A_1659 = arith.constant 128 : i32
      %mul3A_1660 = arith.muli %squeeze3A_1583, %mul3A_1659 : i32
      %add3A_1661 = arith.constant 80 : i32
      %add3A_1662 = arith.addi %mul3A_1660, %add3A_1661 : i32
      %add3A_1663 = arith.constant 1024 : i32
      %add3A_1664 = arith.addi %mul3A_543, %add3A_1663 : i32
      %add3A_1665 = arith.constant 80 : i32
      %add3A_1666 = arith.addi %add3A_1664, %add3A_1665 : i32
      %get3A_1667 = arith.index_cast %add3A_1666 : i32 to index
      %get3A_1668 = tpu.vector_load %arg6[%get3A_1667] {strides = array<i32>} : memref<40960xf32, #tpu.memory_space<vmem>>, vector<16xf32>,
      %get3A_1669 = vector.shape_cast %get3A_1668 : vector<16xf32> to vector<16xf32>
      %swap3A_1670 = arith.index_cast %add3A_1662 : i32 to index
      %swap3A_1671 = tpu.vector_load %arg8[%swap3A_1670] {strides = array<i32>} : memref<2048xf32, #tpu.memory_space<vmem>>, vector<16xf32>,
      %swap3A_1672 = vector.shape_cast %swap3A_1671 : vector<16xf32> to vector<16xf32>
      %swap3A_1673 = vector.shape_cast %get3A_1669 : vector<16xf32> to vector<16xf32>
      tpu.vector_store %arg8[%swap3A_1670], %swap3A_1673 {add = true, strides = array<i32>} : memref<2048xf32, #tpu.memory_space<vmem>>, vector<16xf32>,
      %mul3A_1674 = arith.constant 128 : i32
      %mul3A_1675 = arith.muli %squeeze3A_1583, %mul3A_1674 : i32
      %add3A_1676 = arith.constant 96 : i32
      %add3A_1677 = arith.addi %mul3A_1675, %add3A_1676 : i32
      %add3A_1678 = arith.constant 1024 : i32
      %add3A_1679 = arith.addi %mul3A_543, %add3A_1678 : i32
      %add3A_1680 = arith.constant 96 : i32
      %add3A_1681 = arith.addi %add3A_1679, %add3A_1680 : i32
      %get3A_1682 = arith.index_cast %add3A_1681 : i32 to index
      %get3A_1683 = tpu.vector_load %arg6[%get3A_1682] {strides = array<i32>} : memref<40960xf32, #tpu.memory_space<vmem>>, vector<16xf32>,
      %get3A_1684 = vector.shape_cast %get3A_1683 : vector<16xf32> to vector<16xf32>
      %swap3A_1685 = arith.index_cast %add3A_1677 : i32 to index
      %swap3A_1686 = tpu.vector_load %arg8[%swap3A_1685] {strides = array<i32>} : memref<2048xf32, #tpu.memory_space<vmem>>, vector<16xf32>,
      %swap3A_1687 = vector.shape_cast %swap3A_1686 : vector<16xf32> to vector<16xf32>
      %swap3A_1688 = vector.shape_cast %get3A_1684 : vector<16xf32> to vector<16xf32>
      tpu.vector_store %arg8[%swap3A_1685], %swap3A_1688 {add = true, strides = array<i32>} : memref<2048xf32, #tpu.memory_space<vmem>>, vector<16xf32>,
      %mul3A_1689 = arith.constant 128 : i32
      %mul3A_1690 = arith.muli %squeeze3A_1583, %mul3A_1689 : i32
      %add3A_1691 = arith.constant 112 : i32
      %add3A_1692 = arith.addi %mul3A_1690, %add3A_1691 : i32
      %add3A_1693 = arith.constant 1024 : i32
      %add3A_1694 = arith.addi %mul3A_543, %add3A_1693 : i32
      %add3A_1695 = arith.constant 112 : i32
      %add3A_1696 = arith.addi %add3A_1694, %add3A_1695 : i32
      %get3A_1697 = arith.index_cast %add3A_1696 : i32 to index
      %get3A_1698 = tpu.vector_load %arg6[%get3A_1697] {strides = array<i32>} : memref<40960xf32, #tpu.memory_space<vmem>>, vector<16xf32>,
      %get3A_1699 = vector.shape_cast %get3A_1698 : vector<16xf32> to vector<16xf32>
      %swap3A_1700 = arith.index_cast %add3A_1692 : i32 to index
      %swap3A_1701 = tpu.vector_load %arg8[%swap3A_1700] {strides = array<i32>} : memref<2048xf32, #tpu.memory_space<vmem>>, vector<16xf32>,
      %swap3A_1702 = vector.shape_cast %swap3A_1701 : vector<16xf32> to vector<16xf32>
      %swap3A_1703 = vector.shape_cast %get3A_1699 : vector<16xf32> to vector<16xf32>
      tpu.vector_store %arg8[%swap3A_1700], %swap3A_1703 {add = true, strides = array<i32>} : memref<2048xf32, #tpu.memory_space<vmem>>, vector<16xf32>,
      %eq3A_1704 = vector.broadcast %squeeze3A_1583 : i32 to vector<16xi32>
      %eq3A_1705 = arith.cmpi eq, %iota3A, %eq3A_1704 : vector<16xi32>
      %jit3A_1706 = arith.constant 1.000000e+00 : f32
      %jit3A_1707 = arith.constant 0.000000e+00 : f32
      %broadcast_in_dim3A_1708 = vector.broadcast %jit3A_1706 : f32 to vector<16xf32>
      %broadcast_in_dim3A_1709 = vector.broadcast %jit3A_1707 : f32 to vector<16xf32>
      %select_n3A_1710 = arith.select %eq3A_1705, %broadcast_in_dim3A_1708, %broadcast_in_dim3A_1709 : vector<16xi1>, vector<16xf32>
      %add3A_1711 = arith.addf %add3A_1581, %select_n3A_1710 : vector<16xf32>
      %slice3A_1712 = vector.extract_strided_slice %get3A_541 {offsets = [9], sizes = [1], strides = [1]} : vector<16xi32> to vector<1xi32>
      %squeeze3A_1713 = vector.extract %slice3A_1712[0] : i32 from vector<1xi32>
      %mul3A_1714 = arith.constant 128 : i32
      %mul3A_1715 = arith.muli %squeeze3A_1713, %mul3A_1714 : i32
      %add3A_1716 = arith.constant 0 : i32
      %add3A_1717 = arith.addi %mul3A_1715, %add3A_1716 : i32
      %add3A_1718 = arith.constant 1152 : i32
      %add3A_1719 = arith.addi %mul3A_543, %add3A_1718 : i32
      %add3A_1720 = arith.constant 0 : i32
      %add3A_1721 = arith.addi %add3A_1719, %add3A_1720 : i32
      %get3A_1722 = arith.index_cast %add3A_1721 : i32 to index
      %get3A_1723 = tpu.vector_load %arg6[%get3A_1722] {strides = array<i32>} : memref<40960xf32, #tpu.memory_space<vmem>>, vector<16xf32>,
      %get3A_1724 = vector.shape_cast %get3A_1723 : vector<16xf32> to vector<16xf32>
      %swap3A_1725 = arith.index_cast %add3A_1717 : i32 to index
      %swap3A_1726 = tpu.vector_load %arg8[%swap3A_1725] {strides = array<i32>} : memref<2048xf32, #tpu.memory_space<vmem>>, vector<16xf32>,
      %swap3A_1727 = vector.shape_cast %swap3A_1726 : vector<16xf32> to vector<16xf32>
      %swap3A_1728 = vector.shape_cast %get3A_1724 : vector<16xf32> to vector<16xf32>
      tpu.vector_store %arg8[%swap3A_1725], %swap3A_1728 {add = true, strides = array<i32>} : memref<2048xf32, #tpu.memory_space<vmem>>, vector<16xf32>,
      %mul3A_1729 = arith.constant 128 : i32
      %mul3A_1730 = arith.muli %squeeze3A_1713, %mul3A_1729 : i32
      %add3A_1731 = arith.constant 16 : i32
      %add3A_1732 = arith.addi %mul3A_1730, %add3A_1731 : i32
      %add3A_1733 = arith.constant 1152 : i32
      %add3A_1734 = arith.addi %mul3A_543, %add3A_1733 : i32
      %add3A_1735 = arith.constant 16 : i32
      %add3A_1736 = arith.addi %add3A_1734, %add3A_1735 : i32
      %get3A_1737 = arith.index_cast %add3A_1736 : i32 to index
      %get3A_1738 = tpu.vector_load %arg6[%get3A_1737] {strides = array<i32>} : memref<40960xf32, #tpu.memory_space<vmem>>, vector<16xf32>,
      %get3A_1739 = vector.shape_cast %get3A_1738 : vector<16xf32> to vector<16xf32>
      %swap3A_1740 = arith.index_cast %add3A_1732 : i32 to index
      %swap3A_1741 = tpu.vector_load %arg8[%swap3A_1740] {strides = array<i32>} : memref<2048xf32, #tpu.memory_space<vmem>>, vector<16xf32>,
      %swap3A_1742 = vector.shape_cast %swap3A_1741 : vector<16xf32> to vector<16xf32>
      %swap3A_1743 = vector.shape_cast %get3A_1739 : vector<16xf32> to vector<16xf32>
      tpu.vector_store %arg8[%swap3A_1740], %swap3A_1743 {add = true, strides = array<i32>} : memref<2048xf32, #tpu.memory_space<vmem>>, vector<16xf32>,
      %mul3A_1744 = arith.constant 128 : i32
      %mul3A_1745 = arith.muli %squeeze3A_1713, %mul3A_1744 : i32
      %add3A_1746 = arith.constant 32 : i32
      %add3A_1747 = arith.addi %mul3A_1745, %add3A_1746 : i32
      %add3A_1748 = arith.constant 1152 : i32
      %add3A_1749 = arith.addi %mul3A_543, %add3A_1748 : i32
      %add3A_1750 = arith.constant 32 : i32
      %add3A_1751 = arith.addi %add3A_1749, %add3A_1750 : i32
      %get3A_1752 = arith.index_cast %add3A_1751 : i32 to index
      %get3A_1753 = tpu.vector_load %arg6[%get3A_1752] {strides = array<i32>} : memref<40960xf32, #tpu.memory_space<vmem>>, vector<16xf32>,
      %get3A_1754 = vector.shape_cast %get3A_1753 : vector<16xf32> to vector<16xf32>
      %swap3A_1755 = arith.index_cast %add3A_1747 : i32 to index
      %swap3A_1756 = tpu.vector_load %arg8[%swap3A_1755] {strides = array<i32>} : memref<2048xf32, #tpu.memory_space<vmem>>, vector<16xf32>,
      %swap3A_1757 = vector.shape_cast %swap3A_1756 : vector<16xf32> to vector<16xf32>
      %swap3A_1758 = vector.shape_cast %get3A_1754 : vector<16xf32> to vector<16xf32>
      tpu.vector_store %arg8[%swap3A_1755], %swap3A_1758 {add = true, strides = array<i32>} : memref<2048xf32, #tpu.memory_space<vmem>>, vector<16xf32>,
      %mul3A_1759 = arith.constant 128 : i32
      %mul3A_1760 = arith.muli %squeeze3A_1713, %mul3A_1759 : i32
      %add3A_1761 = arith.constant 48 : i32
      %add3A_1762 = arith.addi %mul3A_1760, %add3A_1761 : i32
      %add3A_1763 = arith.constant 1152 : i32
      %add3A_1764 = arith.addi %mul3A_543, %add3A_1763 : i32
      %add3A_1765 = arith.constant 48 : i32
      %add3A_1766 = arith.addi %add3A_1764, %add3A_1765 : i32
      %get3A_1767 = arith.index_cast %add3A_1766 : i32 to index
      %get3A_1768 = tpu.vector_load %arg6[%get3A_1767] {strides = array<i32>} : memref<40960xf32, #tpu.memory_space<vmem>>, vector<16xf32>,
      %get3A_1769 = vector.shape_cast %get3A_1768 : vector<16xf32> to vector<16xf32>
      %swap3A_1770 = arith.index_cast %add3A_1762 : i32 to index
      %swap3A_1771 = tpu.vector_load %arg8[%swap3A_1770] {strides = array<i32>} : memref<2048xf32, #tpu.memory_space<vmem>>, vector<16xf32>,
      %swap3A_1772 = vector.shape_cast %swap3A_1771 : vector<16xf32> to vector<16xf32>
      %swap3A_1773 = vector.shape_cast %get3A_1769 : vector<16xf32> to vector<16xf32>
      tpu.vector_store %arg8[%swap3A_1770], %swap3A_1773 {add = true, strides = array<i32>} : memref<2048xf32, #tpu.memory_space<vmem>>, vector<16xf32>,
      %mul3A_1774 = arith.constant 128 : i32
      %mul3A_1775 = arith.muli %squeeze3A_1713, %mul3A_1774 : i32
      %add3A_1776 = arith.constant 64 : i32
      %add3A_1777 = arith.addi %mul3A_1775, %add3A_1776 : i32
      %add3A_1778 = arith.constant 1152 : i32
      %add3A_1779 = arith.addi %mul3A_543, %add3A_1778 : i32
      %add3A_1780 = arith.constant 64 : i32
      %add3A_1781 = arith.addi %add3A_1779, %add3A_1780 : i32
      %get3A_1782 = arith.index_cast %add3A_1781 : i32 to index
      %get3A_1783 = tpu.vector_load %arg6[%get3A_1782] {strides = array<i32>} : memref<40960xf32, #tpu.memory_space<vmem>>, vector<16xf32>,
      %get3A_1784 = vector.shape_cast %get3A_1783 : vector<16xf32> to vector<16xf32>
      %swap3A_1785 = arith.index_cast %add3A_1777 : i32 to index
      %swap3A_1786 = tpu.vector_load %arg8[%swap3A_1785] {strides = array<i32>} : memref<2048xf32, #tpu.memory_space<vmem>>, vector<16xf32>,
      %swap3A_1787 = vector.shape_cast %swap3A_1786 : vector<16xf32> to vector<16xf32>
      %swap3A_1788 = vector.shape_cast %get3A_1784 : vector<16xf32> to vector<16xf32>
      tpu.vector_store %arg8[%swap3A_1785], %swap3A_1788 {add = true, strides = array<i32>} : memref<2048xf32, #tpu.memory_space<vmem>>, vector<16xf32>,
      %mul3A_1789 = arith.constant 128 : i32
      %mul3A_1790 = arith.muli %squeeze3A_1713, %mul3A_1789 : i32
      %add3A_1791 = arith.constant 80 : i32
      %add3A_1792 = arith.addi %mul3A_1790, %add3A_1791 : i32
      %add3A_1793 = arith.constant 1152 : i32
      %add3A_1794 = arith.addi %mul3A_543, %add3A_1793 : i32
      %add3A_1795 = arith.constant 80 : i32
      %add3A_1796 = arith.addi %add3A_1794, %add3A_1795 : i32
      %get3A_1797 = arith.index_cast %add3A_1796 : i32 to index
      %get3A_1798 = tpu.vector_load %arg6[%get3A_1797] {strides = array<i32>} : memref<40960xf32, #tpu.memory_space<vmem>>, vector<16xf32>,
      %get3A_1799 = vector.shape_cast %get3A_1798 : vector<16xf32> to vector<16xf32>
      %swap3A_1800 = arith.index_cast %add3A_1792 : i32 to index
      %swap3A_1801 = tpu.vector_load %arg8[%swap3A_1800] {strides = array<i32>} : memref<2048xf32, #tpu.memory_space<vmem>>, vector<16xf32>,
      %swap3A_1802 = vector.shape_cast %swap3A_1801 : vector<16xf32> to vector<16xf32>
      %swap3A_1803 = vector.shape_cast %get3A_1799 : vector<16xf32> to vector<16xf32>
      tpu.vector_store %arg8[%swap3A_1800], %swap3A_1803 {add = true, strides = array<i32>} : memref<2048xf32, #tpu.memory_space<vmem>>, vector<16xf32>,
      %mul3A_1804 = arith.constant 128 : i32
      %mul3A_1805 = arith.muli %squeeze3A_1713, %mul3A_1804 : i32
      %add3A_1806 = arith.constant 96 : i32
      %add3A_1807 = arith.addi %mul3A_1805, %add3A_1806 : i32
      %add3A_1808 = arith.constant 1152 : i32
      %add3A_1809 = arith.addi %mul3A_543, %add3A_1808 : i32
      %add3A_1810 = arith.constant 96 : i32
      %add3A_1811 = arith.addi %add3A_1809, %add3A_1810 : i32
      %get3A_1812 = arith.index_cast %add3A_1811 : i32 to index
      %get3A_1813 = tpu.vector_load %arg6[%get3A_1812] {strides = array<i32>} : memref<40960xf32, #tpu.memory_space<vmem>>, vector<16xf32>,
      %get3A_1814 = vector.shape_cast %get3A_1813 : vector<16xf32> to vector<16xf32>
      %swap3A_1815 = arith.index_cast %add3A_1807 : i32 to index
      %swap3A_1816 = tpu.vector_load %arg8[%swap3A_1815] {strides = array<i32>} : memref<2048xf32, #tpu.memory_space<vmem>>, vector<16xf32>,
      %swap3A_1817 = vector.shape_cast %swap3A_1816 : vector<16xf32> to vector<16xf32>
      %swap3A_1818 = vector.shape_cast %get3A_1814 : vector<16xf32> to vector<16xf32>
      tpu.vector_store %arg8[%swap3A_1815], %swap3A_1818 {add = true, strides = array<i32>} : memref<2048xf32, #tpu.memory_space<vmem>>, vector<16xf32>,
      %mul3A_1819 = arith.constant 128 : i32
      %mul3A_1820 = arith.muli %squeeze3A_1713, %mul3A_1819 : i32
      %add3A_1821 = arith.constant 112 : i32
      %add3A_1822 = arith.addi %mul3A_1820, %add3A_1821 : i32
      %add3A_1823 = arith.constant 1152 : i32
      %add3A_1824 = arith.addi %mul3A_543, %add3A_1823 : i32
      %add3A_1825 = arith.constant 112 : i32
      %add3A_1826 = arith.addi %add3A_1824, %add3A_1825 : i32
      %get3A_1827 = arith.index_cast %add3A_1826 : i32 to index
      %get3A_1828 = tpu.vector_load %arg6[%get3A_1827] {strides = array<i32>} : memref<40960xf32, #tpu.memory_space<vmem>>, vector<16xf32>,
      %get3A_1829 = vector.shape_cast %get3A_1828 : vector<16xf32> to vector<16xf32>
      %swap3A_1830 = arith.index_cast %add3A_1822 : i32 to index
      %swap3A_1831 = tpu.vector_load %arg8[%swap3A_1830] {strides = array<i32>} : memref<2048xf32, #tpu.memory_space<vmem>>, vector<16xf32>,
      %swap3A_1832 = vector.shape_cast %swap3A_1831 : vector<16xf32> to vector<16xf32>
      %swap3A_1833 = vector.shape_cast %get3A_1829 : vector<16xf32> to vector<16xf32>
      tpu.vector_store %arg8[%swap3A_1830], %swap3A_1833 {add = true, strides = array<i32>} : memref<2048xf32, #tpu.memory_space<vmem>>, vector<16xf32>,
      %eq3A_1834 = vector.broadcast %squeeze3A_1713 : i32 to vector<16xi32>
      %eq3A_1835 = arith.cmpi eq, %iota3A, %eq3A_1834 : vector<16xi32>
      %jit3A_1836 = arith.constant 1.000000e+00 : f32
      %jit3A_1837 = arith.constant 0.000000e+00 : f32
      %broadcast_in_dim3A_1838 = vector.broadcast %jit3A_1836 : f32 to vector<16xf32>
      %broadcast_in_dim3A_1839 = vector.broadcast %jit3A_1837 : f32 to vector<16xf32>
      %select_n3A_1840 = arith.select %eq3A_1835, %broadcast_in_dim3A_1838, %broadcast_in_dim3A_1839 : vector<16xi1>, vector<16xf32>
      %add3A_1841 = arith.addf %add3A_1711, %select_n3A_1840 : vector<16xf32>
      %slice3A_1842 = vector.extract_strided_slice %get3A_541 {offsets = [10], sizes = [1], strides = [1]} : vector<16xi32> to vector<1xi32>
      %squeeze3A_1843 = vector.extract %slice3A_1842[0] : i32 from vector<1xi32>
      %mul3A_1844 = arith.constant 128 : i32
      %mul3A_1845 = arith.muli %squeeze3A_1843, %mul3A_1844 : i32
      %add3A_1846 = arith.constant 0 : i32
      %add3A_1847 = arith.addi %mul3A_1845, %add3A_1846 : i32
      %add3A_1848 = arith.constant 1280 : i32
      %add3A_1849 = arith.addi %mul3A_543, %add3A_1848 : i32
      %add3A_1850 = arith.constant 0 : i32
      %add3A_1851 = arith.addi %add3A_1849, %add3A_1850 : i32
      %get3A_1852 = arith.index_cast %add3A_1851 : i32 to index
      %get3A_1853 = tpu.vector_load %arg6[%get3A_1852] {strides = array<i32>} : memref<40960xf32, #tpu.memory_space<vmem>>, vector<16xf32>,
      %get3A_1854 = vector.shape_cast %get3A_1853 : vector<16xf32> to vector<16xf32>
      %swap3A_1855 = arith.index_cast %add3A_1847 : i32 to index
      %swap3A_1856 = tpu.vector_load %arg8[%swap3A_1855] {strides = array<i32>} : memref<2048xf32, #tpu.memory_space<vmem>>, vector<16xf32>,
      %swap3A_1857 = vector.shape_cast %swap3A_1856 : vector<16xf32> to vector<16xf32>
      %swap3A_1858 = vector.shape_cast %get3A_1854 : vector<16xf32> to vector<16xf32>
      tpu.vector_store %arg8[%swap3A_1855], %swap3A_1858 {add = true, strides = array<i32>} : memref<2048xf32, #tpu.memory_space<vmem>>, vector<16xf32>,
      %mul3A_1859 = arith.constant 128 : i32
      %mul3A_1860 = arith.muli %squeeze3A_1843, %mul3A_1859 : i32
      %add3A_1861 = arith.constant 16 : i32
      %add3A_1862 = arith.addi %mul3A_1860, %add3A_1861 : i32
      %add3A_1863 = arith.constant 1280 : i32
      %add3A_1864 = arith.addi %mul3A_543, %add3A_1863 : i32
      %add3A_1865 = arith.constant 16 : i32
      %add3A_1866 = arith.addi %add3A_1864, %add3A_1865 : i32
      %get3A_1867 = arith.index_cast %add3A_1866 : i32 to index
      %get3A_1868 = tpu.vector_load %arg6[%get3A_1867] {strides = array<i32>} : memref<40960xf32, #tpu.memory_space<vmem>>, vector<16xf32>,
      %get3A_1869 = vector.shape_cast %get3A_1868 : vector<16xf32> to vector<16xf32>
      %swap3A_1870 = arith.index_cast %add3A_1862 : i32 to index
      %swap3A_1871 = tpu.vector_load %arg8[%swap3A_1870] {strides = array<i32>} : memref<2048xf32, #tpu.memory_space<vmem>>, vector<16xf32>,
      %swap3A_1872 = vector.shape_cast %swap3A_1871 : vector<16xf32> to vector<16xf32>
      %swap3A_1873 = vector.shape_cast %get3A_1869 : vector<16xf32> to vector<16xf32>
      tpu.vector_store %arg8[%swap3A_1870], %swap3A_1873 {add = true, strides = array<i32>} : memref<2048xf32, #tpu.memory_space<vmem>>, vector<16xf32>,
      %mul3A_1874 = arith.constant 128 : i32
      %mul3A_1875 = arith.muli %squeeze3A_1843, %mul3A_1874 : i32
      %add3A_1876 = arith.constant 32 : i32
      %add3A_1877 = arith.addi %mul3A_1875, %add3A_1876 : i32
      %add3A_1878 = arith.constant 1280 : i32
      %add3A_1879 = arith.addi %mul3A_543, %add3A_1878 : i32
      %add3A_1880 = arith.constant 32 : i32
      %add3A_1881 = arith.addi %add3A_1879, %add3A_1880 : i32
      %get3A_1882 = arith.index_cast %add3A_1881 : i32 to index
      %get3A_1883 = tpu.vector_load %arg6[%get3A_1882] {strides = array<i32>} : memref<40960xf32, #tpu.memory_space<vmem>>, vector<16xf32>,
      %get3A_1884 = vector.shape_cast %get3A_1883 : vector<16xf32> to vector<16xf32>
      %swap3A_1885 = arith.index_cast %add3A_1877 : i32 to index
      %swap3A_1886 = tpu.vector_load %arg8[%swap3A_1885] {strides = array<i32>} : memref<2048xf32, #tpu.memory_space<vmem>>, vector<16xf32>,
      %swap3A_1887 = vector.shape_cast %swap3A_1886 : vector<16xf32> to vector<16xf32>
      %swap3A_1888 = vector.shape_cast %get3A_1884 : vector<16xf32> to vector<16xf32>
      tpu.vector_store %arg8[%swap3A_1885], %swap3A_1888 {add = true, strides = array<i32>} : memref<2048xf32, #tpu.memory_space<vmem>>, vector<16xf32>,
      %mul3A_1889 = arith.constant 128 : i32
      %mul3A_1890 = arith.muli %squeeze3A_1843, %mul3A_1889 : i32
      %add3A_1891 = arith.constant 48 : i32
      %add3A_1892 = arith.addi %mul3A_1890, %add3A_1891 : i32
      %add3A_1893 = arith.constant 1280 : i32
      %add3A_1894 = arith.addi %mul3A_543, %add3A_1893 : i32
      %add3A_1895 = arith.constant 48 : i32
      %add3A_1896 = arith.addi %add3A_1894, %add3A_1895 : i32
      %get3A_1897 = arith.index_cast %add3A_1896 : i32 to index
      %get3A_1898 = tpu.vector_load %arg6[%get3A_1897] {strides = array<i32>} : memref<40960xf32, #tpu.memory_space<vmem>>, vector<16xf32>,
      %get3A_1899 = vector.shape_cast %get3A_1898 : vector<16xf32> to vector<16xf32>
      %swap3A_1900 = arith.index_cast %add3A_1892 : i32 to index
      %swap3A_1901 = tpu.vector_load %arg8[%swap3A_1900] {strides = array<i32>} : memref<2048xf32, #tpu.memory_space<vmem>>, vector<16xf32>,
      %swap3A_1902 = vector.shape_cast %swap3A_1901 : vector<16xf32> to vector<16xf32>
      %swap3A_1903 = vector.shape_cast %get3A_1899 : vector<16xf32> to vector<16xf32>
      tpu.vector_store %arg8[%swap3A_1900], %swap3A_1903 {add = true, strides = array<i32>} : memref<2048xf32, #tpu.memory_space<vmem>>, vector<16xf32>,
      %mul3A_1904 = arith.constant 128 : i32
      %mul3A_1905 = arith.muli %squeeze3A_1843, %mul3A_1904 : i32
      %add3A_1906 = arith.constant 64 : i32
      %add3A_1907 = arith.addi %mul3A_1905, %add3A_1906 : i32
      %add3A_1908 = arith.constant 1280 : i32
      %add3A_1909 = arith.addi %mul3A_543, %add3A_1908 : i32
      %add3A_1910 = arith.constant 64 : i32
      %add3A_1911 = arith.addi %add3A_1909, %add3A_1910 : i32
      %get3A_1912 = arith.index_cast %add3A_1911 : i32 to index
      %get3A_1913 = tpu.vector_load %arg6[%get3A_1912] {strides = array<i32>} : memref<40960xf32, #tpu.memory_space<vmem>>, vector<16xf32>,
      %get3A_1914 = vector.shape_cast %get3A_1913 : vector<16xf32> to vector<16xf32>
      %swap3A_1915 = arith.index_cast %add3A_1907 : i32 to index
      %swap3A_1916 = tpu.vector_load %arg8[%swap3A_1915] {strides = array<i32>} : memref<2048xf32, #tpu.memory_space<vmem>>, vector<16xf32>,
      %swap3A_1917 = vector.shape_cast %swap3A_1916 : vector<16xf32> to vector<16xf32>
      %swap3A_1918 = vector.shape_cast %get3A_1914 : vector<16xf32> to vector<16xf32>
      tpu.vector_store %arg8[%swap3A_1915], %swap3A_1918 {add = true, strides = array<i32>} : memref<2048xf32, #tpu.memory_space<vmem>>, vector<16xf32>,
      %mul3A_1919 = arith.constant 128 : i32
      %mul3A_1920 = arith.muli %squeeze3A_1843, %mul3A_1919 : i32
      %add3A_1921 = arith.constant 80 : i32
      %add3A_1922 = arith.addi %mul3A_1920, %add3A_1921 : i32
      %add3A_1923 = arith.constant 1280 : i32
      %add3A_1924 = arith.addi %mul3A_543, %add3A_1923 : i32
      %add3A_1925 = arith.constant 80 : i32
      %add3A_1926 = arith.addi %add3A_1924, %add3A_1925 : i32
      %get3A_1927 = arith.index_cast %add3A_1926 : i32 to index
      %get3A_1928 = tpu.vector_load %arg6[%get3A_1927] {strides = array<i32>} : memref<40960xf32, #tpu.memory_space<vmem>>, vector<16xf32>,
      %get3A_1929 = vector.shape_cast %get3A_1928 : vector<16xf32> to vector<16xf32>
      %swap3A_1930 = arith.index_cast %add3A_1922 : i32 to index
      %swap3A_1931 = tpu.vector_load %arg8[%swap3A_1930] {strides = array<i32>} : memref<2048xf32, #tpu.memory_space<vmem>>, vector<16xf32>,
      %swap3A_1932 = vector.shape_cast %swap3A_1931 : vector<16xf32> to vector<16xf32>
      %swap3A_1933 = vector.shape_cast %get3A_1929 : vector<16xf32> to vector<16xf32>
      tpu.vector_store %arg8[%swap3A_1930], %swap3A_1933 {add = true, strides = array<i32>} : memref<2048xf32, #tpu.memory_space<vmem>>, vector<16xf32>,
      %mul3A_1934 = arith.constant 128 : i32
      %mul3A_1935 = arith.muli %squeeze3A_1843, %mul3A_1934 : i32
      %add3A_1936 = arith.constant 96 : i32
      %add3A_1937 = arith.addi %mul3A_1935, %add3A_1936 : i32
      %add3A_1938 = arith.constant 1280 : i32
      %add3A_1939 = arith.addi %mul3A_543, %add3A_1938 : i32
      %add3A_1940 = arith.constant 96 : i32
      %add3A_1941 = arith.addi %add3A_1939, %add3A_1940 : i32
      %get3A_1942 = arith.index_cast %add3A_1941 : i32 to index
      %get3A_1943 = tpu.vector_load %arg6[%get3A_1942] {strides = array<i32>} : memref<40960xf32, #tpu.memory_space<vmem>>, vector<16xf32>,
      %get3A_1944 = vector.shape_cast %get3A_1943 : vector<16xf32> to vector<16xf32>
      %swap3A_1945 = arith.index_cast %add3A_1937 : i32 to index
      %swap3A_1946 = tpu.vector_load %arg8[%swap3A_1945] {strides = array<i32>} : memref<2048xf32, #tpu.memory_space<vmem>>, vector<16xf32>,
      %swap3A_1947 = vector.shape_cast %swap3A_1946 : vector<16xf32> to vector<16xf32>
      %swap3A_1948 = vector.shape_cast %get3A_1944 : vector<16xf32> to vector<16xf32>
      tpu.vector_store %arg8[%swap3A_1945], %swap3A_1948 {add = true, strides = array<i32>} : memref<2048xf32, #tpu.memory_space<vmem>>, vector<16xf32>,
      %mul3A_1949 = arith.constant 128 : i32
      %mul3A_1950 = arith.muli %squeeze3A_1843, %mul3A_1949 : i32
      %add3A_1951 = arith.constant 112 : i32
      %add3A_1952 = arith.addi %mul3A_1950, %add3A_1951 : i32
      %add3A_1953 = arith.constant 1280 : i32
      %add3A_1954 = arith.addi %mul3A_543, %add3A_1953 : i32
      %add3A_1955 = arith.constant 112 : i32
      %add3A_1956 = arith.addi %add3A_1954, %add3A_1955 : i32
      %get3A_1957 = arith.index_cast %add3A_1956 : i32 to index
      %get3A_1958 = tpu.vector_load %arg6[%get3A_1957] {strides = array<i32>} : memref<40960xf32, #tpu.memory_space<vmem>>, vector<16xf32>,
      %get3A_1959 = vector.shape_cast %get3A_1958 : vector<16xf32> to vector<16xf32>
      %swap3A_1960 = arith.index_cast %add3A_1952 : i32 to index
      %swap3A_1961 = tpu.vector_load %arg8[%swap3A_1960] {strides = array<i32>} : memref<2048xf32, #tpu.memory_space<vmem>>, vector<16xf32>,
      %swap3A_1962 = vector.shape_cast %swap3A_1961 : vector<16xf32> to vector<16xf32>
      %swap3A_1963 = vector.shape_cast %get3A_1959 : vector<16xf32> to vector<16xf32>
      tpu.vector_store %arg8[%swap3A_1960], %swap3A_1963 {add = true, strides = array<i32>} : memref<2048xf32, #tpu.memory_space<vmem>>, vector<16xf32>,
      %eq3A_1964 = vector.broadcast %squeeze3A_1843 : i32 to vector<16xi32>
      %eq3A_1965 = arith.cmpi eq, %iota3A, %eq3A_1964 : vector<16xi32>
      %jit3A_1966 = arith.constant 1.000000e+00 : f32
      %jit3A_1967 = arith.constant 0.000000e+00 : f32
      %broadcast_in_dim3A_1968 = vector.broadcast %jit3A_1966 : f32 to vector<16xf32>
      %broadcast_in_dim3A_1969 = vector.broadcast %jit3A_1967 : f32 to vector<16xf32>
      %select_n3A_1970 = arith.select %eq3A_1965, %broadcast_in_dim3A_1968, %broadcast_in_dim3A_1969 : vector<16xi1>, vector<16xf32>
      %add3A_1971 = arith.addf %add3A_1841, %select_n3A_1970 : vector<16xf32>
      %slice3A_1972 = vector.extract_strided_slice %get3A_541 {offsets = [11], sizes = [1], strides = [1]} : vector<16xi32> to vector<1xi32>
      %squeeze3A_1973 = vector.extract %slice3A_1972[0] : i32 from vector<1xi32>
      %mul3A_1974 = arith.constant 128 : i32
      %mul3A_1975 = arith.muli %squeeze3A_1973, %mul3A_1974 : i32
      %add3A_1976 = arith.constant 0 : i32
      %add3A_1977 = arith.addi %mul3A_1975, %add3A_1976 : i32
      %add3A_1978 = arith.constant 1408 : i32
      %add3A_1979 = arith.addi %mul3A_543, %add3A_1978 : i32
      %add3A_1980 = arith.constant 0 : i32
      %add3A_1981 = arith.addi %add3A_1979, %add3A_1980 : i32
      %get3A_1982 = arith.index_cast %add3A_1981 : i32 to index
      %get3A_1983 = tpu.vector_load %arg6[%get3A_1982] {strides = array<i32>} : memref<40960xf32, #tpu.memory_space<vmem>>, vector<16xf32>,
      %get3A_1984 = vector.shape_cast %get3A_1983 : vector<16xf32> to vector<16xf32>
      %swap3A_1985 = arith.index_cast %add3A_1977 : i32 to index
      %swap3A_1986 = tpu.vector_load %arg8[%swap3A_1985] {strides = array<i32>} : memref<2048xf32, #tpu.memory_space<vmem>>, vector<16xf32>,
      %swap3A_1987 = vector.shape_cast %swap3A_1986 : vector<16xf32> to vector<16xf32>
      %swap3A_1988 = vector.shape_cast %get3A_1984 : vector<16xf32> to vector<16xf32>
      tpu.vector_store %arg8[%swap3A_1985], %swap3A_1988 {add = true, strides = array<i32>} : memref<2048xf32, #tpu.memory_space<vmem>>, vector<16xf32>,
      %mul3A_1989 = arith.constant 128 : i32
      %mul3A_1990 = arith.muli %squeeze3A_1973, %mul3A_1989 : i32
      %add3A_1991 = arith.constant 16 : i32
      %add3A_1992 = arith.addi %mul3A_1990, %add3A_1991 : i32
      %add3A_1993 = arith.constant 1408 : i32
      %add3A_1994 = arith.addi %mul3A_543, %add3A_1993 : i32
      %add3A_1995 = arith.constant 16 : i32
      %add3A_1996 = arith.addi %add3A_1994, %add3A_1995 : i32
      %get3A_1997 = arith.index_cast %add3A_1996 : i32 to index
      %get3A_1998 = tpu.vector_load %arg6[%get3A_1997] {strides = array<i32>} : memref<40960xf32, #tpu.memory_space<vmem>>, vector<16xf32>,
      %get3A_1999 = vector.shape_cast %get3A_1998 : vector<16xf32> to vector<16xf32>
      %swap3A_2000 = arith.index_cast %add3A_1992 : i32 to index
      %swap3A_2001 = tpu.vector_load %arg8[%swap3A_2000] {strides = array<i32>} : memref<2048xf32, #tpu.memory_space<vmem>>, vector<16xf32>,
      %swap3A_2002 = vector.shape_cast %swap3A_2001 : vector<16xf32> to vector<16xf32>
      %swap3A_2003 = vector.shape_cast %get3A_1999 : vector<16xf32> to vector<16xf32>
      tpu.vector_store %arg8[%swap3A_2000], %swap3A_2003 {add = true, strides = array<i32>} : memref<2048xf32, #tpu.memory_space<vmem>>, vector<16xf32>,
      %mul3A_2004 = arith.constant 128 : i32
      %mul3A_2005 = arith.muli %squeeze3A_1973, %mul3A_2004 : i32
      %add3A_2006 = arith.constant 32 : i32
      %add3A_2007 = arith.addi %mul3A_2005, %add3A_2006 : i32
      %add3A_2008 = arith.constant 1408 : i32
      %add3A_2009 = arith.addi %mul3A_543, %add3A_2008 : i32
      %add3A_2010 = arith.constant 32 : i32
      %add3A_2011 = arith.addi %add3A_2009, %add3A_2010 : i32
      %get3A_2012 = arith.index_cast %add3A_2011 : i32 to index
      %get3A_2013 = tpu.vector_load %arg6[%get3A_2012] {strides = array<i32>} : memref<40960xf32, #tpu.memory_space<vmem>>, vector<16xf32>,
      %get3A_2014 = vector.shape_cast %get3A_2013 : vector<16xf32> to vector<16xf32>
      %swap3A_2015 = arith.index_cast %add3A_2007 : i32 to index
      %swap3A_2016 = tpu.vector_load %arg8[%swap3A_2015] {strides = array<i32>} : memref<2048xf32, #tpu.memory_space<vmem>>, vector<16xf32>,
      %swap3A_2017 = vector.shape_cast %swap3A_2016 : vector<16xf32> to vector<16xf32>
      %swap3A_2018 = vector.shape_cast %get3A_2014 : vector<16xf32> to vector<16xf32>
      tpu.vector_store %arg8[%swap3A_2015], %swap3A_2018 {add = true, strides = array<i32>} : memref<2048xf32, #tpu.memory_space<vmem>>, vector<16xf32>,
      %mul3A_2019 = arith.constant 128 : i32
      %mul3A_2020 = arith.muli %squeeze3A_1973, %mul3A_2019 : i32
      %add3A_2021 = arith.constant 48 : i32
      %add3A_2022 = arith.addi %mul3A_2020, %add3A_2021 : i32
      %add3A_2023 = arith.constant 1408 : i32
      %add3A_2024 = arith.addi %mul3A_543, %add3A_2023 : i32
      %add3A_2025 = arith.constant 48 : i32
      %add3A_2026 = arith.addi %add3A_2024, %add3A_2025 : i32
      %get3A_2027 = arith.index_cast %add3A_2026 : i32 to index
      %get3A_2028 = tpu.vector_load %arg6[%get3A_2027] {strides = array<i32>} : memref<40960xf32, #tpu.memory_space<vmem>>, vector<16xf32>,
      %get3A_2029 = vector.shape_cast %get3A_2028 : vector<16xf32> to vector<16xf32>
      %swap3A_2030 = arith.index_cast %add3A_2022 : i32 to index
      %swap3A_2031 = tpu.vector_load %arg8[%swap3A_2030] {strides = array<i32>} : memref<2048xf32, #tpu.memory_space<vmem>>, vector<16xf32>,
      %swap3A_2032 = vector.shape_cast %swap3A_2031 : vector<16xf32> to vector<16xf32>
      %swap3A_2033 = vector.shape_cast %get3A_2029 : vector<16xf32> to vector<16xf32>
      tpu.vector_store %arg8[%swap3A_2030], %swap3A_2033 {add = true, strides = array<i32>} : memref<2048xf32, #tpu.memory_space<vmem>>, vector<16xf32>,
      %mul3A_2034 = arith.constant 128 : i32
      %mul3A_2035 = arith.muli %squeeze3A_1973, %mul3A_2034 : i32
      %add3A_2036 = arith.constant 64 : i32
      %add3A_2037 = arith.addi %mul3A_2035, %add3A_2036 : i32
      %add3A_2038 = arith.constant 1408 : i32
      %add3A_2039 = arith.addi %mul3A_543, %add3A_2038 : i32
      %add3A_2040 = arith.constant 64 : i32
      %add3A_2041 = arith.addi %add3A_2039, %add3A_2040 : i32
      %get3A_2042 = arith.index_cast %add3A_2041 : i32 to index
      %get3A_2043 = tpu.vector_load %arg6[%get3A_2042] {strides = array<i32>} : memref<40960xf32, #tpu.memory_space<vmem>>, vector<16xf32>,
      %get3A_2044 = vector.shape_cast %get3A_2043 : vector<16xf32> to vector<16xf32>
      %swap3A_2045 = arith.index_cast %add3A_2037 : i32 to index
      %swap3A_2046 = tpu.vector_load %arg8[%swap3A_2045] {strides = array<i32>} : memref<2048xf32, #tpu.memory_space<vmem>>, vector<16xf32>,
      %swap3A_2047 = vector.shape_cast %swap3A_2046 : vector<16xf32> to vector<16xf32>
      %swap3A_2048 = vector.shape_cast %get3A_2044 : vector<16xf32> to vector<16xf32>
      tpu.vector_store %arg8[%swap3A_2045], %swap3A_2048 {add = true, strides = array<i32>} : memref<2048xf32, #tpu.memory_space<vmem>>, vector<16xf32>,
      %mul3A_2049 = arith.constant 128 : i32
      %mul3A_2050 = arith.muli %squeeze3A_1973, %mul3A_2049 : i32
      %add3A_2051 = arith.constant 80 : i32
      %add3A_2052 = arith.addi %mul3A_2050, %add3A_2051 : i32
      %add3A_2053 = arith.constant 1408 : i32
      %add3A_2054 = arith.addi %mul3A_543, %add3A_2053 : i32
      %add3A_2055 = arith.constant 80 : i32
      %add3A_2056 = arith.addi %add3A_2054, %add3A_2055 : i32
      %get3A_2057 = arith.index_cast %add3A_2056 : i32 to index
      %get3A_2058 = tpu.vector_load %arg6[%get3A_2057] {strides = array<i32>} : memref<40960xf32, #tpu.memory_space<vmem>>, vector<16xf32>,
      %get3A_2059 = vector.shape_cast %get3A_2058 : vector<16xf32> to vector<16xf32>
      %swap3A_2060 = arith.index_cast %add3A_2052 : i32 to index
      %swap3A_2061 = tpu.vector_load %arg8[%swap3A_2060] {strides = array<i32>} : memref<2048xf32, #tpu.memory_space<vmem>>, vector<16xf32>,
      %swap3A_2062 = vector.shape_cast %swap3A_2061 : vector<16xf32> to vector<16xf32>
      %swap3A_2063 = vector.shape_cast %get3A_2059 : vector<16xf32> to vector<16xf32>
      tpu.vector_store %arg8[%swap3A_2060], %swap3A_2063 {add = true, strides = array<i32>} : memref<2048xf32, #tpu.memory_space<vmem>>, vector<16xf32>,
      %mul3A_2064 = arith.constant 128 : i32
      %mul3A_2065 = arith.muli %squeeze3A_1973, %mul3A_2064 : i32
      %add3A_2066 = arith.constant 96 : i32
      %add3A_2067 = arith.addi %mul3A_2065, %add3A_2066 : i32
      %add3A_2068 = arith.constant 1408 : i32
      %add3A_2069 = arith.addi %mul3A_543, %add3A_2068 : i32
      %add3A_2070 = arith.constant 96 : i32
      %add3A_2071 = arith.addi %add3A_2069, %add3A_2070 : i32
      %get3A_2072 = arith.index_cast %add3A_2071 : i32 to index
      %get3A_2073 = tpu.vector_load %arg6[%get3A_2072] {strides = array<i32>} : memref<40960xf32, #tpu.memory_space<vmem>>, vector<16xf32>,
      %get3A_2074 = vector.shape_cast %get3A_2073 : vector<16xf32> to vector<16xf32>
      %swap3A_2075 = arith.index_cast %add3A_2067 : i32 to index
      %swap3A_2076 = tpu.vector_load %arg8[%swap3A_2075] {strides = array<i32>} : memref<2048xf32, #tpu.memory_space<vmem>>, vector<16xf32>,
      %swap3A_2077 = vector.shape_cast %swap3A_2076 : vector<16xf32> to vector<16xf32>
      %swap3A_2078 = vector.shape_cast %get3A_2074 : vector<16xf32> to vector<16xf32>
      tpu.vector_store %arg8[%swap3A_2075], %swap3A_2078 {add = true, strides = array<i32>} : memref<2048xf32, #tpu.memory_space<vmem>>, vector<16xf32>,
      %mul3A_2079 = arith.constant 128 : i32
      %mul3A_2080 = arith.muli %squeeze3A_1973, %mul3A_2079 : i32
      %add3A_2081 = arith.constant 112 : i32
      %add3A_2082 = arith.addi %mul3A_2080, %add3A_2081 : i32
      %add3A_2083 = arith.constant 1408 : i32
      %add3A_2084 = arith.addi %mul3A_543, %add3A_2083 : i32
      %add3A_2085 = arith.constant 112 : i32
      %add3A_2086 = arith.addi %add3A_2084, %add3A_2085 : i32
      %get3A_2087 = arith.index_cast %add3A_2086 : i32 to index
      %get3A_2088 = tpu.vector_load %arg6[%get3A_2087] {strides = array<i32>} : memref<40960xf32, #tpu.memory_space<vmem>>, vector<16xf32>,
      %get3A_2089 = vector.shape_cast %get3A_2088 : vector<16xf32> to vector<16xf32>
      %swap3A_2090 = arith.index_cast %add3A_2082 : i32 to index
      %swap3A_2091 = tpu.vector_load %arg8[%swap3A_2090] {strides = array<i32>} : memref<2048xf32, #tpu.memory_space<vmem>>, vector<16xf32>,
      %swap3A_2092 = vector.shape_cast %swap3A_2091 : vector<16xf32> to vector<16xf32>
      %swap3A_2093 = vector.shape_cast %get3A_2089 : vector<16xf32> to vector<16xf32>
      tpu.vector_store %arg8[%swap3A_2090], %swap3A_2093 {add = true, strides = array<i32>} : memref<2048xf32, #tpu.memory_space<vmem>>, vector<16xf32>,
      %eq3A_2094 = vector.broadcast %squeeze3A_1973 : i32 to vector<16xi32>
      %eq3A_2095 = arith.cmpi eq, %iota3A, %eq3A_2094 : vector<16xi32>
      %jit3A_2096 = arith.constant 1.000000e+00 : f32
      %jit3A_2097 = arith.constant 0.000000e+00 : f32
      %broadcast_in_dim3A_2098 = vector.broadcast %jit3A_2096 : f32 to vector<16xf32>
      %broadcast_in_dim3A_2099 = vector.broadcast %jit3A_2097 : f32 to vector<16xf32>
      %select_n3A_2100 = arith.select %eq3A_2095, %broadcast_in_dim3A_2098, %broadcast_in_dim3A_2099 : vector<16xi1>, vector<16xf32>
      %add3A_2101 = arith.addf %add3A_1971, %select_n3A_2100 : vector<16xf32>
      %slice3A_2102 = vector.extract_strided_slice %get3A_541 {offsets = [12], sizes = [1], strides = [1]} : vector<16xi32> to vector<1xi32>
      %squeeze3A_2103 = vector.extract %slice3A_2102[0] : i32 from vector<1xi32>
      %mul3A_2104 = arith.constant 128 : i32
      %mul3A_2105 = arith.muli %squeeze3A_2103, %mul3A_2104 : i32
      %add3A_2106 = arith.constant 0 : i32
      %add3A_2107 = arith.addi %mul3A_2105, %add3A_2106 : i32
      %add3A_2108 = arith.constant 1536 : i32
      %add3A_2109 = arith.addi %mul3A_543, %add3A_2108 : i32
      %add3A_2110 = arith.constant 0 : i32
      %add3A_2111 = arith.addi %add3A_2109, %add3A_2110 : i32
      %get3A_2112 = arith.index_cast %add3A_2111 : i32 to index
      %get3A_2113 = tpu.vector_load %arg6[%get3A_2112] {strides = array<i32>} : memref<40960xf32, #tpu.memory_space<vmem>>, vector<16xf32>,
      %get3A_2114 = vector.shape_cast %get3A_2113 : vector<16xf32> to vector<16xf32>
      %swap3A_2115 = arith.index_cast %add3A_2107 : i32 to index
      %swap3A_2116 = tpu.vector_load %arg8[%swap3A_2115] {strides = array<i32>} : memref<2048xf32, #tpu.memory_space<vmem>>, vector<16xf32>,
      %swap3A_2117 = vector.shape_cast %swap3A_2116 : vector<16xf32> to vector<16xf32>
      %swap3A_2118 = vector.shape_cast %get3A_2114 : vector<16xf32> to vector<16xf32>
      tpu.vector_store %arg8[%swap3A_2115], %swap3A_2118 {add = true, strides = array<i32>} : memref<2048xf32, #tpu.memory_space<vmem>>, vector<16xf32>,
      %mul3A_2119 = arith.constant 128 : i32
      %mul3A_2120 = arith.muli %squeeze3A_2103, %mul3A_2119 : i32
      %add3A_2121 = arith.constant 16 : i32
      %add3A_2122 = arith.addi %mul3A_2120, %add3A_2121 : i32
      %add3A_2123 = arith.constant 1536 : i32
      %add3A_2124 = arith.addi %mul3A_543, %add3A_2123 : i32
      %add3A_2125 = arith.constant 16 : i32
      %add3A_2126 = arith.addi %add3A_2124, %add3A_2125 : i32
      %get3A_2127 = arith.index_cast %add3A_2126 : i32 to index
      %get3A_2128 = tpu.vector_load %arg6[%get3A_2127] {strides = array<i32>} : memref<40960xf32, #tpu.memory_space<vmem>>, vector<16xf32>,
      %get3A_2129 = vector.shape_cast %get3A_2128 : vector<16xf32> to vector<16xf32>
      %swap3A_2130 = arith.index_cast %add3A_2122 : i32 to index
      %swap3A_2131 = tpu.vector_load %arg8[%swap3A_2130] {strides = array<i32>} : memref<2048xf32, #tpu.memory_space<vmem>>, vector<16xf32>,
      %swap3A_2132 = vector.shape_cast %swap3A_2131 : vector<16xf32> to vector<16xf32>
      %swap3A_2133 = vector.shape_cast %get3A_2129 : vector<16xf32> to vector<16xf32>
      tpu.vector_store %arg8[%swap3A_2130], %swap3A_2133 {add = true, strides = array<i32>} : memref<2048xf32, #tpu.memory_space<vmem>>, vector<16xf32>,
      %mul3A_2134 = arith.constant 128 : i32
      %mul3A_2135 = arith.muli %squeeze3A_2103, %mul3A_2134 : i32
      %add3A_2136 = arith.constant 32 : i32
      %add3A_2137 = arith.addi %mul3A_2135, %add3A_2136 : i32
      %add3A_2138 = arith.constant 1536 : i32
      %add3A_2139 = arith.addi %mul3A_543, %add3A_2138 : i32
      %add3A_2140 = arith.constant 32 : i32
      %add3A_2141 = arith.addi %add3A_2139, %add3A_2140 : i32
      %get3A_2142 = arith.index_cast %add3A_2141 : i32 to index
      %get3A_2143 = tpu.vector_load %arg6[%get3A_2142] {strides = array<i32>} : memref<40960xf32, #tpu.memory_space<vmem>>, vector<16xf32>,
      %get3A_2144 = vector.shape_cast %get3A_2143 : vector<16xf32> to vector<16xf32>
      %swap3A_2145 = arith.index_cast %add3A_2137 : i32 to index
      %swap3A_2146 = tpu.vector_load %arg8[%swap3A_2145] {strides = array<i32>} : memref<2048xf32, #tpu.memory_space<vmem>>, vector<16xf32>,
      %swap3A_2147 = vector.shape_cast %swap3A_2146 : vector<16xf32> to vector<16xf32>
      %swap3A_2148 = vector.shape_cast %get3A_2144 : vector<16xf32> to vector<16xf32>
      tpu.vector_store %arg8[%swap3A_2145], %swap3A_2148 {add = true, strides = array<i32>} : memref<2048xf32, #tpu.memory_space<vmem>>, vector<16xf32>,
      %mul3A_2149 = arith.constant 128 : i32
      %mul3A_2150 = arith.muli %squeeze3A_2103, %mul3A_2149 : i32
      %add3A_2151 = arith.constant 48 : i32
      %add3A_2152 = arith.addi %mul3A_2150, %add3A_2151 : i32
      %add3A_2153 = arith.constant 1536 : i32
      %add3A_2154 = arith.addi %mul3A_543, %add3A_2153 : i32
      %add3A_2155 = arith.constant 48 : i32
      %add3A_2156 = arith.addi %add3A_2154, %add3A_2155 : i32
      %get3A_2157 = arith.index_cast %add3A_2156 : i32 to index
      %get3A_2158 = tpu.vector_load %arg6[%get3A_2157] {strides = array<i32>} : memref<40960xf32, #tpu.memory_space<vmem>>, vector<16xf32>,
      %get3A_2159 = vector.shape_cast %get3A_2158 : vector<16xf32> to vector<16xf32>
      %swap3A_2160 = arith.index_cast %add3A_2152 : i32 to index
      %swap3A_2161 = tpu.vector_load %arg8[%swap3A_2160] {strides = array<i32>} : memref<2048xf32, #tpu.memory_space<vmem>>, vector<16xf32>,
      %swap3A_2162 = vector.shape_cast %swap3A_2161 : vector<16xf32> to vector<16xf32>
      %swap3A_2163 = vector.shape_cast %get3A_2159 : vector<16xf32> to vector<16xf32>
      tpu.vector_store %arg8[%swap3A_2160], %swap3A_2163 {add = true, strides = array<i32>} : memref<2048xf32, #tpu.memory_space<vmem>>, vector<16xf32>,
      %mul3A_2164 = arith.constant 128 : i32
      %mul3A_2165 = arith.muli %squeeze3A_2103, %mul3A_2164 : i32
      %add3A_2166 = arith.constant 64 : i32
      %add3A_2167 = arith.addi %mul3A_2165, %add3A_2166 : i32
      %add3A_2168 = arith.constant 1536 : i32
      %add3A_2169 = arith.addi %mul3A_543, %add3A_2168 : i32
      %add3A_2170 = arith.constant 64 : i32
      %add3A_2171 = arith.addi %add3A_2169, %add3A_2170 : i32
      %get3A_2172 = arith.index_cast %add3A_2171 : i32 to index
      %get3A_2173 = tpu.vector_load %arg6[%get3A_2172] {strides = array<i32>} : memref<40960xf32, #tpu.memory_space<vmem>>, vector<16xf32>,
      %get3A_2174 = vector.shape_cast %get3A_2173 : vector<16xf32> to vector<16xf32>
      %swap3A_2175 = arith.index_cast %add3A_2167 : i32 to index
      %swap3A_2176 = tpu.vector_load %arg8[%swap3A_2175] {strides = array<i32>} : memref<2048xf32, #tpu.memory_space<vmem>>, vector<16xf32>,
      %swap3A_2177 = vector.shape_cast %swap3A_2176 : vector<16xf32> to vector<16xf32>
      %swap3A_2178 = vector.shape_cast %get3A_2174 : vector<16xf32> to vector<16xf32>
      tpu.vector_store %arg8[%swap3A_2175], %swap3A_2178 {add = true, strides = array<i32>} : memref<2048xf32, #tpu.memory_space<vmem>>, vector<16xf32>,
      %mul3A_2179 = arith.constant 128 : i32
      %mul3A_2180 = arith.muli %squeeze3A_2103, %mul3A_2179 : i32
      %add3A_2181 = arith.constant 80 : i32
      %add3A_2182 = arith.addi %mul3A_2180, %add3A_2181 : i32
      %add3A_2183 = arith.constant 1536 : i32
      %add3A_2184 = arith.addi %mul3A_543, %add3A_2183 : i32
      %add3A_2185 = arith.constant 80 : i32
      %add3A_2186 = arith.addi %add3A_2184, %add3A_2185 : i32
      %get3A_2187 = arith.index_cast %add3A_2186 : i32 to index
      %get3A_2188 = tpu.vector_load %arg6[%get3A_2187] {strides = array<i32>} : memref<40960xf32, #tpu.memory_space<vmem>>, vector<16xf32>,
      %get3A_2189 = vector.shape_cast %get3A_2188 : vector<16xf32> to vector<16xf32>
      %swap3A_2190 = arith.index_cast %add3A_2182 : i32 to index
      %swap3A_2191 = tpu.vector_load %arg8[%swap3A_2190] {strides = array<i32>} : memref<2048xf32, #tpu.memory_space<vmem>>, vector<16xf32>,
      %swap3A_2192 = vector.shape_cast %swap3A_2191 : vector<16xf32> to vector<16xf32>
      %swap3A_2193 = vector.shape_cast %get3A_2189 : vector<16xf32> to vector<16xf32>
      tpu.vector_store %arg8[%swap3A_2190], %swap3A_2193 {add = true, strides = array<i32>} : memref<2048xf32, #tpu.memory_space<vmem>>, vector<16xf32>,
      %mul3A_2194 = arith.constant 128 : i32
      %mul3A_2195 = arith.muli %squeeze3A_2103, %mul3A_2194 : i32
      %add3A_2196 = arith.constant 96 : i32
      %add3A_2197 = arith.addi %mul3A_2195, %add3A_2196 : i32
      %add3A_2198 = arith.constant 1536 : i32
      %add3A_2199 = arith.addi %mul3A_543, %add3A_2198 : i32
      %add3A_2200 = arith.constant 96 : i32
      %add3A_2201 = arith.addi %add3A_2199, %add3A_2200 : i32
      %get3A_2202 = arith.index_cast %add3A_2201 : i32 to index
      %get3A_2203 = tpu.vector_load %arg6[%get3A_2202] {strides = array<i32>} : memref<40960xf32, #tpu.memory_space<vmem>>, vector<16xf32>,
      %get3A_2204 = vector.shape_cast %get3A_2203 : vector<16xf32> to vector<16xf32>
      %swap3A_2205 = arith.index_cast %add3A_2197 : i32 to index
      %swap3A_2206 = tpu.vector_load %arg8[%swap3A_2205] {strides = array<i32>} : memref<2048xf32, #tpu.memory_space<vmem>>, vector<16xf32>,
      %swap3A_2207 = vector.shape_cast %swap3A_2206 : vector<16xf32> to vector<16xf32>
      %swap3A_2208 = vector.shape_cast %get3A_2204 : vector<16xf32> to vector<16xf32>
      tpu.vector_store %arg8[%swap3A_2205], %swap3A_2208 {add = true, strides = array<i32>} : memref<2048xf32, #tpu.memory_space<vmem>>, vector<16xf32>,
      %mul3A_2209 = arith.constant 128 : i32
      %mul3A_2210 = arith.muli %squeeze3A_2103, %mul3A_2209 : i32
      %add3A_2211 = arith.constant 112 : i32
      %add3A_2212 = arith.addi %mul3A_2210, %add3A_2211 : i32
      %add3A_2213 = arith.constant 1536 : i32
      %add3A_2214 = arith.addi %mul3A_543, %add3A_2213 : i32
      %add3A_2215 = arith.constant 112 : i32
      %add3A_2216 = arith.addi %add3A_2214, %add3A_2215 : i32
      %get3A_2217 = arith.index_cast %add3A_2216 : i32 to index
      %get3A_2218 = tpu.vector_load %arg6[%get3A_2217] {strides = array<i32>} : memref<40960xf32, #tpu.memory_space<vmem>>, vector<16xf32>,
      %get3A_2219 = vector.shape_cast %get3A_2218 : vector<16xf32> to vector<16xf32>
      %swap3A_2220 = arith.index_cast %add3A_2212 : i32 to index
      %swap3A_2221 = tpu.vector_load %arg8[%swap3A_2220] {strides = array<i32>} : memref<2048xf32, #tpu.memory_space<vmem>>, vector<16xf32>,
      %swap3A_2222 = vector.shape_cast %swap3A_2221 : vector<16xf32> to vector<16xf32>
      %swap3A_2223 = vector.shape_cast %get3A_2219 : vector<16xf32> to vector<16xf32>
      tpu.vector_store %arg8[%swap3A_2220], %swap3A_2223 {add = true, strides = array<i32>} : memref<2048xf32, #tpu.memory_space<vmem>>, vector<16xf32>,
      %eq3A_2224 = vector.broadcast %squeeze3A_2103 : i32 to vector<16xi32>
      %eq3A_2225 = arith.cmpi eq, %iota3A, %eq3A_2224 : vector<16xi32>
      %jit3A_2226 = arith.constant 1.000000e+00 : f32
      %jit3A_2227 = arith.constant 0.000000e+00 : f32
      %broadcast_in_dim3A_2228 = vector.broadcast %jit3A_2226 : f32 to vector<16xf32>
      %broadcast_in_dim3A_2229 = vector.broadcast %jit3A_2227 : f32 to vector<16xf32>
      %select_n3A_2230 = arith.select %eq3A_2225, %broadcast_in_dim3A_2228, %broadcast_in_dim3A_2229 : vector<16xi1>, vector<16xf32>
      %add3A_2231 = arith.addf %add3A_2101, %select_n3A_2230 : vector<16xf32>
      %slice3A_2232 = vector.extract_strided_slice %get3A_541 {offsets = [13], sizes = [1], strides = [1]} : vector<16xi32> to vector<1xi32>
      %squeeze3A_2233 = vector.extract %slice3A_2232[0] : i32 from vector<1xi32>
      %mul3A_2234 = arith.constant 128 : i32
      %mul3A_2235 = arith.muli %squeeze3A_2233, %mul3A_2234 : i32
      %add3A_2236 = arith.constant 0 : i32
      %add3A_2237 = arith.addi %mul3A_2235, %add3A_2236 : i32
      %add3A_2238 = arith.constant 1664 : i32
      %add3A_2239 = arith.addi %mul3A_543, %add3A_2238 : i32
      %add3A_2240 = arith.constant 0 : i32
      %add3A_2241 = arith.addi %add3A_2239, %add3A_2240 : i32
      %get3A_2242 = arith.index_cast %add3A_2241 : i32 to index
      %get3A_2243 = tpu.vector_load %arg6[%get3A_2242] {strides = array<i32>} : memref<40960xf32, #tpu.memory_space<vmem>>, vector<16xf32>,
      %get3A_2244 = vector.shape_cast %get3A_2243 : vector<16xf32> to vector<16xf32>
      %swap3A_2245 = arith.index_cast %add3A_2237 : i32 to index
      %swap3A_2246 = tpu.vector_load %arg8[%swap3A_2245] {strides = array<i32>} : memref<2048xf32, #tpu.memory_space<vmem>>, vector<16xf32>,
      %swap3A_2247 = vector.shape_cast %swap3A_2246 : vector<16xf32> to vector<16xf32>
      %swap3A_2248 = vector.shape_cast %get3A_2244 : vector<16xf32> to vector<16xf32>
      tpu.vector_store %arg8[%swap3A_2245], %swap3A_2248 {add = true, strides = array<i32>} : memref<2048xf32, #tpu.memory_space<vmem>>, vector<16xf32>,
      %mul3A_2249 = arith.constant 128 : i32
      %mul3A_2250 = arith.muli %squeeze3A_2233, %mul3A_2249 : i32
      %add3A_2251 = arith.constant 16 : i32
      %add3A_2252 = arith.addi %mul3A_2250, %add3A_2251 : i32
      %add3A_2253 = arith.constant 1664 : i32
      %add3A_2254 = arith.addi %mul3A_543, %add3A_2253 : i32
      %add3A_2255 = arith.constant 16 : i32
      %add3A_2256 = arith.addi %add3A_2254, %add3A_2255 : i32
      %get3A_2257 = arith.index_cast %add3A_2256 : i32 to index
      %get3A_2258 = tpu.vector_load %arg6[%get3A_2257] {strides = array<i32>} : memref<40960xf32, #tpu.memory_space<vmem>>, vector<16xf32>,
      %get3A_2259 = vector.shape_cast %get3A_2258 : vector<16xf32> to vector<16xf32>
      %swap3A_2260 = arith.index_cast %add3A_2252 : i32 to index
      %swap3A_2261 = tpu.vector_load %arg8[%swap3A_2260] {strides = array<i32>} : memref<2048xf32, #tpu.memory_space<vmem>>, vector<16xf32>,
      %swap3A_2262 = vector.shape_cast %swap3A_2261 : vector<16xf32> to vector<16xf32>
      %swap3A_2263 = vector.shape_cast %get3A_2259 : vector<16xf32> to vector<16xf32>
      tpu.vector_store %arg8[%swap3A_2260], %swap3A_2263 {add = true, strides = array<i32>} : memref<2048xf32, #tpu.memory_space<vmem>>, vector<16xf32>,
      %mul3A_2264 = arith.constant 128 : i32
      %mul3A_2265 = arith.muli %squeeze3A_2233, %mul3A_2264 : i32
      %add3A_2266 = arith.constant 32 : i32
      %add3A_2267 = arith.addi %mul3A_2265, %add3A_2266 : i32
      %add3A_2268 = arith.constant 1664 : i32
      %add3A_2269 = arith.addi %mul3A_543, %add3A_2268 : i32
      %add3A_2270 = arith.constant 32 : i32
      %add3A_2271 = arith.addi %add3A_2269, %add3A_2270 : i32
      %get3A_2272 = arith.index_cast %add3A_2271 : i32 to index
      %get3A_2273 = tpu.vector_load %arg6[%get3A_2272] {strides = array<i32>} : memref<40960xf32, #tpu.memory_space<vmem>>, vector<16xf32>,
      %get3A_2274 = vector.shape_cast %get3A_2273 : vector<16xf32> to vector<16xf32>
      %swap3A_2275 = arith.index_cast %add3A_2267 : i32 to index
      %swap3A_2276 = tpu.vector_load %arg8[%swap3A_2275] {strides = array<i32>} : memref<2048xf32, #tpu.memory_space<vmem>>, vector<16xf32>,
      %swap3A_2277 = vector.shape_cast %swap3A_2276 : vector<16xf32> to vector<16xf32>
      %swap3A_2278 = vector.shape_cast %get3A_2274 : vector<16xf32> to vector<16xf32>
      tpu.vector_store %arg8[%swap3A_2275], %swap3A_2278 {add = true, strides = array<i32>} : memref<2048xf32, #tpu.memory_space<vmem>>, vector<16xf32>,
      %mul3A_2279 = arith.constant 128 : i32
      %mul3A_2280 = arith.muli %squeeze3A_2233, %mul3A_2279 : i32
      %add3A_2281 = arith.constant 48 : i32
      %add3A_2282 = arith.addi %mul3A_2280, %add3A_2281 : i32
      %add3A_2283 = arith.constant 1664 : i32
      %add3A_2284 = arith.addi %mul3A_543, %add3A_2283 : i32
      %add3A_2285 = arith.constant 48 : i32
      %add3A_2286 = arith.addi %add3A_2284, %add3A_2285 : i32
      %get3A_2287 = arith.index_cast %add3A_2286 : i32 to index
      %get3A_2288 = tpu.vector_load %arg6[%get3A_2287] {strides = array<i32>} : memref<40960xf32, #tpu.memory_space<vmem>>, vector<16xf32>,
      %get3A_2289 = vector.shape_cast %get3A_2288 : vector<16xf32> to vector<16xf32>
      %swap3A_2290 = arith.index_cast %add3A_2282 : i32 to index
      %swap3A_2291 = tpu.vector_load %arg8[%swap3A_2290] {strides = array<i32>} : memref<2048xf32, #tpu.memory_space<vmem>>, vector<16xf32>,
      %swap3A_2292 = vector.shape_cast %swap3A_2291 : vector<16xf32> to vector<16xf32>
      %swap3A_2293 = vector.shape_cast %get3A_2289 : vector<16xf32> to vector<16xf32>
      tpu.vector_store %arg8[%swap3A_2290], %swap3A_2293 {add = true, strides = array<i32>} : memref<2048xf32, #tpu.memory_space<vmem>>, vector<16xf32>,
      %mul3A_2294 = arith.constant 128 : i32
      %mul3A_2295 = arith.muli %squeeze3A_2233, %mul3A_2294 : i32
      %add3A_2296 = arith.constant 64 : i32
      %add3A_2297 = arith.addi %mul3A_2295, %add3A_2296 : i32
      %add3A_2298 = arith.constant 1664 : i32
      %add3A_2299 = arith.addi %mul3A_543, %add3A_2298 : i32
      %add3A_2300 = arith.constant 64 : i32
      %add3A_2301 = arith.addi %add3A_2299, %add3A_2300 : i32
      %get3A_2302 = arith.index_cast %add3A_2301 : i32 to index
      %get3A_2303 = tpu.vector_load %arg6[%get3A_2302] {strides = array<i32>} : memref<40960xf32, #tpu.memory_space<vmem>>, vector<16xf32>,
      %get3A_2304 = vector.shape_cast %get3A_2303 : vector<16xf32> to vector<16xf32>
      %swap3A_2305 = arith.index_cast %add3A_2297 : i32 to index
      %swap3A_2306 = tpu.vector_load %arg8[%swap3A_2305] {strides = array<i32>} : memref<2048xf32, #tpu.memory_space<vmem>>, vector<16xf32>,
      %swap3A_2307 = vector.shape_cast %swap3A_2306 : vector<16xf32> to vector<16xf32>
      %swap3A_2308 = vector.shape_cast %get3A_2304 : vector<16xf32> to vector<16xf32>
      tpu.vector_store %arg8[%swap3A_2305], %swap3A_2308 {add = true, strides = array<i32>} : memref<2048xf32, #tpu.memory_space<vmem>>, vector<16xf32>,
      %mul3A_2309 = arith.constant 128 : i32
      %mul3A_2310 = arith.muli %squeeze3A_2233, %mul3A_2309 : i32
      %add3A_2311 = arith.constant 80 : i32
      %add3A_2312 = arith.addi %mul3A_2310, %add3A_2311 : i32
      %add3A_2313 = arith.constant 1664 : i32
      %add3A_2314 = arith.addi %mul3A_543, %add3A_2313 : i32
      %add3A_2315 = arith.constant 80 : i32
      %add3A_2316 = arith.addi %add3A_2314, %add3A_2315 : i32
      %get3A_2317 = arith.index_cast %add3A_2316 : i32 to index
      %get3A_2318 = tpu.vector_load %arg6[%get3A_2317] {strides = array<i32>} : memref<40960xf32, #tpu.memory_space<vmem>>, vector<16xf32>,
      %get3A_2319 = vector.shape_cast %get3A_2318 : vector<16xf32> to vector<16xf32>
      %swap3A_2320 = arith.index_cast %add3A_2312 : i32 to index
      %swap3A_2321 = tpu.vector_load %arg8[%swap3A_2320] {strides = array<i32>} : memref<2048xf32, #tpu.memory_space<vmem>>, vector<16xf32>,
      %swap3A_2322 = vector.shape_cast %swap3A_2321 : vector<16xf32> to vector<16xf32>
      %swap3A_2323 = vector.shape_cast %get3A_2319 : vector<16xf32> to vector<16xf32>
      tpu.vector_store %arg8[%swap3A_2320], %swap3A_2323 {add = true, strides = array<i32>} : memref<2048xf32, #tpu.memory_space<vmem>>, vector<16xf32>,
      %mul3A_2324 = arith.constant 128 : i32
      %mul3A_2325 = arith.muli %squeeze3A_2233, %mul3A_2324 : i32
      %add3A_2326 = arith.constant 96 : i32
      %add3A_2327 = arith.addi %mul3A_2325, %add3A_2326 : i32
      %add3A_2328 = arith.constant 1664 : i32
      %add3A_2329 = arith.addi %mul3A_543, %add3A_2328 : i32
      %add3A_2330 = arith.constant 96 : i32
      %add3A_2331 = arith.addi %add3A_2329, %add3A_2330 : i32
      %get3A_2332 = arith.index_cast %add3A_2331 : i32 to index
      %get3A_2333 = tpu.vector_load %arg6[%get3A_2332] {strides = array<i32>} : memref<40960xf32, #tpu.memory_space<vmem>>, vector<16xf32>,
      %get3A_2334 = vector.shape_cast %get3A_2333 : vector<16xf32> to vector<16xf32>
      %swap3A_2335 = arith.index_cast %add3A_2327 : i32 to index
      %swap3A_2336 = tpu.vector_load %arg8[%swap3A_2335] {strides = array<i32>} : memref<2048xf32, #tpu.memory_space<vmem>>, vector<16xf32>,
      %swap3A_2337 = vector.shape_cast %swap3A_2336 : vector<16xf32> to vector<16xf32>
      %swap3A_2338 = vector.shape_cast %get3A_2334 : vector<16xf32> to vector<16xf32>
      tpu.vector_store %arg8[%swap3A_2335], %swap3A_2338 {add = true, strides = array<i32>} : memref<2048xf32, #tpu.memory_space<vmem>>, vector<16xf32>,
      %mul3A_2339 = arith.constant 128 : i32
      %mul3A_2340 = arith.muli %squeeze3A_2233, %mul3A_2339 : i32
      %add3A_2341 = arith.constant 112 : i32
      %add3A_2342 = arith.addi %mul3A_2340, %add3A_2341 : i32
      %add3A_2343 = arith.constant 1664 : i32
      %add3A_2344 = arith.addi %mul3A_543, %add3A_2343 : i32
      %add3A_2345 = arith.constant 112 : i32
      %add3A_2346 = arith.addi %add3A_2344, %add3A_2345 : i32
      %get3A_2347 = arith.index_cast %add3A_2346 : i32 to index
      %get3A_2348 = tpu.vector_load %arg6[%get3A_2347] {strides = array<i32>} : memref<40960xf32, #tpu.memory_space<vmem>>, vector<16xf32>,
      %get3A_2349 = vector.shape_cast %get3A_2348 : vector<16xf32> to vector<16xf32>
      %swap3A_2350 = arith.index_cast %add3A_2342 : i32 to index
      %swap3A_2351 = tpu.vector_load %arg8[%swap3A_2350] {strides = array<i32>} : memref<2048xf32, #tpu.memory_space<vmem>>, vector<16xf32>,
      %swap3A_2352 = vector.shape_cast %swap3A_2351 : vector<16xf32> to vector<16xf32>
      %swap3A_2353 = vector.shape_cast %get3A_2349 : vector<16xf32> to vector<16xf32>
      tpu.vector_store %arg8[%swap3A_2350], %swap3A_2353 {add = true, strides = array<i32>} : memref<2048xf32, #tpu.memory_space<vmem>>, vector<16xf32>,
      %eq3A_2354 = vector.broadcast %squeeze3A_2233 : i32 to vector<16xi32>
      %eq3A_2355 = arith.cmpi eq, %iota3A, %eq3A_2354 : vector<16xi32>
      %jit3A_2356 = arith.constant 1.000000e+00 : f32
      %jit3A_2357 = arith.constant 0.000000e+00 : f32
      %broadcast_in_dim3A_2358 = vector.broadcast %jit3A_2356 : f32 to vector<16xf32>
      %broadcast_in_dim3A_2359 = vector.broadcast %jit3A_2357 : f32 to vector<16xf32>
      %select_n3A_2360 = arith.select %eq3A_2355, %broadcast_in_dim3A_2358, %broadcast_in_dim3A_2359 : vector<16xi1>, vector<16xf32>
      %add3A_2361 = arith.addf %add3A_2231, %select_n3A_2360 : vector<16xf32>
      %slice3A_2362 = vector.extract_strided_slice %get3A_541 {offsets = [14], sizes = [1], strides = [1]} : vector<16xi32> to vector<1xi32>
      %squeeze3A_2363 = vector.extract %slice3A_2362[0] : i32 from vector<1xi32>
      %mul3A_2364 = arith.constant 128 : i32
      %mul3A_2365 = arith.muli %squeeze3A_2363, %mul3A_2364 : i32
      %add3A_2366 = arith.constant 0 : i32
      %add3A_2367 = arith.addi %mul3A_2365, %add3A_2366 : i32
      %add3A_2368 = arith.constant 1792 : i32
      %add3A_2369 = arith.addi %mul3A_543, %add3A_2368 : i32
      %add3A_2370 = arith.constant 0 : i32
      %add3A_2371 = arith.addi %add3A_2369, %add3A_2370 : i32
      %get3A_2372 = arith.index_cast %add3A_2371 : i32 to index
      %get3A_2373 = tpu.vector_load %arg6[%get3A_2372] {strides = array<i32>} : memref<40960xf32, #tpu.memory_space<vmem>>, vector<16xf32>,
      %get3A_2374 = vector.shape_cast %get3A_2373 : vector<16xf32> to vector<16xf32>
      %swap3A_2375 = arith.index_cast %add3A_2367 : i32 to index
      %swap3A_2376 = tpu.vector_load %arg8[%swap3A_2375] {strides = array<i32>} : memref<2048xf32, #tpu.memory_space<vmem>>, vector<16xf32>,
      %swap3A_2377 = vector.shape_cast %swap3A_2376 : vector<16xf32> to vector<16xf32>
      %swap3A_2378 = vector.shape_cast %get3A_2374 : vector<16xf32> to vector<16xf32>
      tpu.vector_store %arg8[%swap3A_2375], %swap3A_2378 {add = true, strides = array<i32>} : memref<2048xf32, #tpu.memory_space<vmem>>, vector<16xf32>,
      %mul3A_2379 = arith.constant 128 : i32
      %mul3A_2380 = arith.muli %squeeze3A_2363, %mul3A_2379 : i32
      %add3A_2381 = arith.constant 16 : i32
      %add3A_2382 = arith.addi %mul3A_2380, %add3A_2381 : i32
      %add3A_2383 = arith.constant 1792 : i32
      %add3A_2384 = arith.addi %mul3A_543, %add3A_2383 : i32
      %add3A_2385 = arith.constant 16 : i32
      %add3A_2386 = arith.addi %add3A_2384, %add3A_2385 : i32
      %get3A_2387 = arith.index_cast %add3A_2386 : i32 to index
      %get3A_2388 = tpu.vector_load %arg6[%get3A_2387] {strides = array<i32>} : memref<40960xf32, #tpu.memory_space<vmem>>, vector<16xf32>,
      %get3A_2389 = vector.shape_cast %get3A_2388 : vector<16xf32> to vector<16xf32>
      %swap3A_2390 = arith.index_cast %add3A_2382 : i32 to index
      %swap3A_2391 = tpu.vector_load %arg8[%swap3A_2390] {strides = array<i32>} : memref<2048xf32, #tpu.memory_space<vmem>>, vector<16xf32>,
      %swap3A_2392 = vector.shape_cast %swap3A_2391 : vector<16xf32> to vector<16xf32>
      %swap3A_2393 = vector.shape_cast %get3A_2389 : vector<16xf32> to vector<16xf32>
      tpu.vector_store %arg8[%swap3A_2390], %swap3A_2393 {add = true, strides = array<i32>} : memref<2048xf32, #tpu.memory_space<vmem>>, vector<16xf32>,
      %mul3A_2394 = arith.constant 128 : i32
      %mul3A_2395 = arith.muli %squeeze3A_2363, %mul3A_2394 : i32
      %add3A_2396 = arith.constant 32 : i32
      %add3A_2397 = arith.addi %mul3A_2395, %add3A_2396 : i32
      %add3A_2398 = arith.constant 1792 : i32
      %add3A_2399 = arith.addi %mul3A_543, %add3A_2398 : i32
      %add3A_2400 = arith.constant 32 : i32
      %add3A_2401 = arith.addi %add3A_2399, %add3A_2400 : i32
      %get3A_2402 = arith.index_cast %add3A_2401 : i32 to index
      %get3A_2403 = tpu.vector_load %arg6[%get3A_2402] {strides = array<i32>} : memref<40960xf32, #tpu.memory_space<vmem>>, vector<16xf32>,
      %get3A_2404 = vector.shape_cast %get3A_2403 : vector<16xf32> to vector<16xf32>
      %swap3A_2405 = arith.index_cast %add3A_2397 : i32 to index
      %swap3A_2406 = tpu.vector_load %arg8[%swap3A_2405] {strides = array<i32>} : memref<2048xf32, #tpu.memory_space<vmem>>, vector<16xf32>,
      %swap3A_2407 = vector.shape_cast %swap3A_2406 : vector<16xf32> to vector<16xf32>
      %swap3A_2408 = vector.shape_cast %get3A_2404 : vector<16xf32> to vector<16xf32>
      tpu.vector_store %arg8[%swap3A_2405], %swap3A_2408 {add = true, strides = array<i32>} : memref<2048xf32, #tpu.memory_space<vmem>>, vector<16xf32>,
      %mul3A_2409 = arith.constant 128 : i32
      %mul3A_2410 = arith.muli %squeeze3A_2363, %mul3A_2409 : i32
      %add3A_2411 = arith.constant 48 : i32
      %add3A_2412 = arith.addi %mul3A_2410, %add3A_2411 : i32
      %add3A_2413 = arith.constant 1792 : i32
      %add3A_2414 = arith.addi %mul3A_543, %add3A_2413 : i32
      %add3A_2415 = arith.constant 48 : i32
      %add3A_2416 = arith.addi %add3A_2414, %add3A_2415 : i32
      %get3A_2417 = arith.index_cast %add3A_2416 : i32 to index
      %get3A_2418 = tpu.vector_load %arg6[%get3A_2417] {strides = array<i32>} : memref<40960xf32, #tpu.memory_space<vmem>>, vector<16xf32>,
      %get3A_2419 = vector.shape_cast %get3A_2418 : vector<16xf32> to vector<16xf32>
      %swap3A_2420 = arith.index_cast %add3A_2412 : i32 to index
      %swap3A_2421 = tpu.vector_load %arg8[%swap3A_2420] {strides = array<i32>} : memref<2048xf32, #tpu.memory_space<vmem>>, vector<16xf32>,
      %swap3A_2422 = vector.shape_cast %swap3A_2421 : vector<16xf32> to vector<16xf32>
      %swap3A_2423 = vector.shape_cast %get3A_2419 : vector<16xf32> to vector<16xf32>
      tpu.vector_store %arg8[%swap3A_2420], %swap3A_2423 {add = true, strides = array<i32>} : memref<2048xf32, #tpu.memory_space<vmem>>, vector<16xf32>,
      %mul3A_2424 = arith.constant 128 : i32
      %mul3A_2425 = arith.muli %squeeze3A_2363, %mul3A_2424 : i32
      %add3A_2426 = arith.constant 64 : i32
      %add3A_2427 = arith.addi %mul3A_2425, %add3A_2426 : i32
      %add3A_2428 = arith.constant 1792 : i32
      %add3A_2429 = arith.addi %mul3A_543, %add3A_2428 : i32
      %add3A_2430 = arith.constant 64 : i32
      %add3A_2431 = arith.addi %add3A_2429, %add3A_2430 : i32
      %get3A_2432 = arith.index_cast %add3A_2431 : i32 to index
      %get3A_2433 = tpu.vector_load %arg6[%get3A_2432] {strides = array<i32>} : memref<40960xf32, #tpu.memory_space<vmem>>, vector<16xf32>,
      %get3A_2434 = vector.shape_cast %get3A_2433 : vector<16xf32> to vector<16xf32>
      %swap3A_2435 = arith.index_cast %add3A_2427 : i32 to index
      %swap3A_2436 = tpu.vector_load %arg8[%swap3A_2435] {strides = array<i32>} : memref<2048xf32, #tpu.memory_space<vmem>>, vector<16xf32>,
      %swap3A_2437 = vector.shape_cast %swap3A_2436 : vector<16xf32> to vector<16xf32>
      %swap3A_2438 = vector.shape_cast %get3A_2434 : vector<16xf32> to vector<16xf32>
      tpu.vector_store %arg8[%swap3A_2435], %swap3A_2438 {add = true, strides = array<i32>} : memref<2048xf32, #tpu.memory_space<vmem>>, vector<16xf32>,
      %mul3A_2439 = arith.constant 128 : i32
      %mul3A_2440 = arith.muli %squeeze3A_2363, %mul3A_2439 : i32
      %add3A_2441 = arith.constant 80 : i32
      %add3A_2442 = arith.addi %mul3A_2440, %add3A_2441 : i32
      %add3A_2443 = arith.constant 1792 : i32
      %add3A_2444 = arith.addi %mul3A_543, %add3A_2443 : i32
      %add3A_2445 = arith.constant 80 : i32
      %add3A_2446 = arith.addi %add3A_2444, %add3A_2445 : i32
      %get3A_2447 = arith.index_cast %add3A_2446 : i32 to index
      %get3A_2448 = tpu.vector_load %arg6[%get3A_2447] {strides = array<i32>} : memref<40960xf32, #tpu.memory_space<vmem>>, vector<16xf32>,
      %get3A_2449 = vector.shape_cast %get3A_2448 : vector<16xf32> to vector<16xf32>
      %swap3A_2450 = arith.index_cast %add3A_2442 : i32 to index
      %swap3A_2451 = tpu.vector_load %arg8[%swap3A_2450] {strides = array<i32>} : memref<2048xf32, #tpu.memory_space<vmem>>, vector<16xf32>,
      %swap3A_2452 = vector.shape_cast %swap3A_2451 : vector<16xf32> to vector<16xf32>
      %swap3A_2453 = vector.shape_cast %get3A_2449 : vector<16xf32> to vector<16xf32>
      tpu.vector_store %arg8[%swap3A_2450], %swap3A_2453 {add = true, strides = array<i32>} : memref<2048xf32, #tpu.memory_space<vmem>>, vector<16xf32>,
      %mul3A_2454 = arith.constant 128 : i32
      %mul3A_2455 = arith.muli %squeeze3A_2363, %mul3A_2454 : i32
      %add3A_2456 = arith.constant 96 : i32
      %add3A_2457 = arith.addi %mul3A_2455, %add3A_2456 : i32
      %add3A_2458 = arith.constant 1792 : i32
      %add3A_2459 = arith.addi %mul3A_543, %add3A_2458 : i32
      %add3A_2460 = arith.constant 96 : i32
      %add3A_2461 = arith.addi %add3A_2459, %add3A_2460 : i32
      %get3A_2462 = arith.index_cast %add3A_2461 : i32 to index
      %get3A_2463 = tpu.vector_load %arg6[%get3A_2462] {strides = array<i32>} : memref<40960xf32, #tpu.memory_space<vmem>>, vector<16xf32>,
      %get3A_2464 = vector.shape_cast %get3A_2463 : vector<16xf32> to vector<16xf32>
      %swap3A_2465 = arith.index_cast %add3A_2457 : i32 to index
      %swap3A_2466 = tpu.vector_load %arg8[%swap3A_2465] {strides = array<i32>} : memref<2048xf32, #tpu.memory_space<vmem>>, vector<16xf32>,
      %swap3A_2467 = vector.shape_cast %swap3A_2466 : vector<16xf32> to vector<16xf32>
      %swap3A_2468 = vector.shape_cast %get3A_2464 : vector<16xf32> to vector<16xf32>
      tpu.vector_store %arg8[%swap3A_2465], %swap3A_2468 {add = true, strides = array<i32>} : memref<2048xf32, #tpu.memory_space<vmem>>, vector<16xf32>,
      %mul3A_2469 = arith.constant 128 : i32
      %mul3A_2470 = arith.muli %squeeze3A_2363, %mul3A_2469 : i32
      %add3A_2471 = arith.constant 112 : i32
      %add3A_2472 = arith.addi %mul3A_2470, %add3A_2471 : i32
      %add3A_2473 = arith.constant 1792 : i32
      %add3A_2474 = arith.addi %mul3A_543, %add3A_2473 : i32
      %add3A_2475 = arith.constant 112 : i32
      %add3A_2476 = arith.addi %add3A_2474, %add3A_2475 : i32
      %get3A_2477 = arith.index_cast %add3A_2476 : i32 to index
      %get3A_2478 = tpu.vector_load %arg6[%get3A_2477] {strides = array<i32>} : memref<40960xf32, #tpu.memory_space<vmem>>, vector<16xf32>,
      %get3A_2479 = vector.shape_cast %get3A_2478 : vector<16xf32> to vector<16xf32>
      %swap3A_2480 = arith.index_cast %add3A_2472 : i32 to index
      %swap3A_2481 = tpu.vector_load %arg8[%swap3A_2480] {strides = array<i32>} : memref<2048xf32, #tpu.memory_space<vmem>>, vector<16xf32>,
      %swap3A_2482 = vector.shape_cast %swap3A_2481 : vector<16xf32> to vector<16xf32>
      %swap3A_2483 = vector.shape_cast %get3A_2479 : vector<16xf32> to vector<16xf32>
      tpu.vector_store %arg8[%swap3A_2480], %swap3A_2483 {add = true, strides = array<i32>} : memref<2048xf32, #tpu.memory_space<vmem>>, vector<16xf32>,
      %eq3A_2484 = vector.broadcast %squeeze3A_2363 : i32 to vector<16xi32>
      %eq3A_2485 = arith.cmpi eq, %iota3A, %eq3A_2484 : vector<16xi32>
      %jit3A_2486 = arith.constant 1.000000e+00 : f32
      %jit3A_2487 = arith.constant 0.000000e+00 : f32
      %broadcast_in_dim3A_2488 = vector.broadcast %jit3A_2486 : f32 to vector<16xf32>
      %broadcast_in_dim3A_2489 = vector.broadcast %jit3A_2487 : f32 to vector<16xf32>
      %select_n3A_2490 = arith.select %eq3A_2485, %broadcast_in_dim3A_2488, %broadcast_in_dim3A_2489 : vector<16xi1>, vector<16xf32>
      %add3A_2491 = arith.addf %add3A_2361, %select_n3A_2490 : vector<16xf32>
      %slice3A_2492 = vector.extract_strided_slice %get3A_541 {offsets = [15], sizes = [1], strides = [1]} : vector<16xi32> to vector<1xi32>
      %squeeze3A_2493 = vector.extract %slice3A_2492[0] : i32 from vector<1xi32>
      %mul3A_2494 = arith.constant 128 : i32
      %mul3A_2495 = arith.muli %squeeze3A_2493, %mul3A_2494 : i32
      %add3A_2496 = arith.constant 0 : i32
      %add3A_2497 = arith.addi %mul3A_2495, %add3A_2496 : i32
      %add3A_2498 = arith.constant 1920 : i32
      %add3A_2499 = arith.addi %mul3A_543, %add3A_2498 : i32
      %add3A_2500 = arith.constant 0 : i32
      %add3A_2501 = arith.addi %add3A_2499, %add3A_2500 : i32
      %get3A_2502 = arith.index_cast %add3A_2501 : i32 to index
      %get3A_2503 = tpu.vector_load %arg6[%get3A_2502] {strides = array<i32>} : memref<40960xf32, #tpu.memory_space<vmem>>, vector<16xf32>,
      %get3A_2504 = vector.shape_cast %get3A_2503 : vector<16xf32> to vector<16xf32>
      %swap3A_2505 = arith.index_cast %add3A_2497 : i32 to index
      %swap3A_2506 = tpu.vector_load %arg8[%swap3A_2505] {strides = array<i32>} : memref<2048xf32, #tpu.memory_space<vmem>>, vector<16xf32>,
      %swap3A_2507 = vector.shape_cast %swap3A_2506 : vector<16xf32> to vector<16xf32>
      %swap3A_2508 = vector.shape_cast %get3A_2504 : vector<16xf32> to vector<16xf32>
      tpu.vector_store %arg8[%swap3A_2505], %swap3A_2508 {add = true, strides = array<i32>} : memref<2048xf32, #tpu.memory_space<vmem>>, vector<16xf32>,
      %mul3A_2509 = arith.constant 128 : i32
      %mul3A_2510 = arith.muli %squeeze3A_2493, %mul3A_2509 : i32
      %add3A_2511 = arith.constant 16 : i32
      %add3A_2512 = arith.addi %mul3A_2510, %add3A_2511 : i32
      %add3A_2513 = arith.constant 1920 : i32
      %add3A_2514 = arith.addi %mul3A_543, %add3A_2513 : i32
      %add3A_2515 = arith.constant 16 : i32
      %add3A_2516 = arith.addi %add3A_2514, %add3A_2515 : i32
      %get3A_2517 = arith.index_cast %add3A_2516 : i32 to index
      %get3A_2518 = tpu.vector_load %arg6[%get3A_2517] {strides = array<i32>} : memref<40960xf32, #tpu.memory_space<vmem>>, vector<16xf32>,
      %get3A_2519 = vector.shape_cast %get3A_2518 : vector<16xf32> to vector<16xf32>
      %swap3A_2520 = arith.index_cast %add3A_2512 : i32 to index
      %swap3A_2521 = tpu.vector_load %arg8[%swap3A_2520] {strides = array<i32>} : memref<2048xf32, #tpu.memory_space<vmem>>, vector<16xf32>,
      %swap3A_2522 = vector.shape_cast %swap3A_2521 : vector<16xf32> to vector<16xf32>
      %swap3A_2523 = vector.shape_cast %get3A_2519 : vector<16xf32> to vector<16xf32>
      tpu.vector_store %arg8[%swap3A_2520], %swap3A_2523 {add = true, strides = array<i32>} : memref<2048xf32, #tpu.memory_space<vmem>>, vector<16xf32>,
      %mul3A_2524 = arith.constant 128 : i32
      %mul3A_2525 = arith.muli %squeeze3A_2493, %mul3A_2524 : i32
      %add3A_2526 = arith.constant 32 : i32
      %add3A_2527 = arith.addi %mul3A_2525, %add3A_2526 : i32
      %add3A_2528 = arith.constant 1920 : i32
      %add3A_2529 = arith.addi %mul3A_543, %add3A_2528 : i32
      %add3A_2530 = arith.constant 32 : i32
      %add3A_2531 = arith.addi %add3A_2529, %add3A_2530 : i32
      %get3A_2532 = arith.index_cast %add3A_2531 : i32 to index
      %get3A_2533 = tpu.vector_load %arg6[%get3A_2532] {strides = array<i32>} : memref<40960xf32, #tpu.memory_space<vmem>>, vector<16xf32>,
      %get3A_2534 = vector.shape_cast %get3A_2533 : vector<16xf32> to vector<16xf32>
      %swap3A_2535 = arith.index_cast %add3A_2527 : i32 to index
      %swap3A_2536 = tpu.vector_load %arg8[%swap3A_2535] {strides = array<i32>} : memref<2048xf32, #tpu.memory_space<vmem>>, vector<16xf32>,
      %swap3A_2537 = vector.shape_cast %swap3A_2536 : vector<16xf32> to vector<16xf32>
      %swap3A_2538 = vector.shape_cast %get3A_2534 : vector<16xf32> to vector<16xf32>
      tpu.vector_store %arg8[%swap3A_2535], %swap3A_2538 {add = true, strides = array<i32>} : memref<2048xf32, #tpu.memory_space<vmem>>, vector<16xf32>,
      %mul3A_2539 = arith.constant 128 : i32
      %mul3A_2540 = arith.muli %squeeze3A_2493, %mul3A_2539 : i32
      %add3A_2541 = arith.constant 48 : i32
      %add3A_2542 = arith.addi %mul3A_2540, %add3A_2541 : i32
      %add3A_2543 = arith.constant 1920 : i32
      %add3A_2544 = arith.addi %mul3A_543, %add3A_2543 : i32
      %add3A_2545 = arith.constant 48 : i32
      %add3A_2546 = arith.addi %add3A_2544, %add3A_2545 : i32
      %get3A_2547 = arith.index_cast %add3A_2546 : i32 to index
      %get3A_2548 = tpu.vector_load %arg6[%get3A_2547] {strides = array<i32>} : memref<40960xf32, #tpu.memory_space<vmem>>, vector<16xf32>,
      %get3A_2549 = vector.shape_cast %get3A_2548 : vector<16xf32> to vector<16xf32>
      %swap3A_2550 = arith.index_cast %add3A_2542 : i32 to index
      %swap3A_2551 = tpu.vector_load %arg8[%swap3A_2550] {strides = array<i32>} : memref<2048xf32, #tpu.memory_space<vmem>>, vector<16xf32>,
      %swap3A_2552 = vector.shape_cast %swap3A_2551 : vector<16xf32> to vector<16xf32>
      %swap3A_2553 = vector.shape_cast %get3A_2549 : vector<16xf32> to vector<16xf32>
      tpu.vector_store %arg8[%swap3A_2550], %swap3A_2553 {add = true, strides = array<i32>} : memref<2048xf32, #tpu.memory_space<vmem>>, vector<16xf32>,
      %mul3A_2554 = arith.constant 128 : i32
      %mul3A_2555 = arith.muli %squeeze3A_2493, %mul3A_2554 : i32
      %add3A_2556 = arith.constant 64 : i32
      %add3A_2557 = arith.addi %mul3A_2555, %add3A_2556 : i32
      %add3A_2558 = arith.constant 1920 : i32
      %add3A_2559 = arith.addi %mul3A_543, %add3A_2558 : i32
      %add3A_2560 = arith.constant 64 : i32
      %add3A_2561 = arith.addi %add3A_2559, %add3A_2560 : i32
      %get3A_2562 = arith.index_cast %add3A_2561 : i32 to index
      %get3A_2563 = tpu.vector_load %arg6[%get3A_2562] {strides = array<i32>} : memref<40960xf32, #tpu.memory_space<vmem>>, vector<16xf32>,
      %get3A_2564 = vector.shape_cast %get3A_2563 : vector<16xf32> to vector<16xf32>
      %swap3A_2565 = arith.index_cast %add3A_2557 : i32 to index
      %swap3A_2566 = tpu.vector_load %arg8[%swap3A_2565] {strides = array<i32>} : memref<2048xf32, #tpu.memory_space<vmem>>, vector<16xf32>,
      %swap3A_2567 = vector.shape_cast %swap3A_2566 : vector<16xf32> to vector<16xf32>
      %swap3A_2568 = vector.shape_cast %get3A_2564 : vector<16xf32> to vector<16xf32>
      tpu.vector_store %arg8[%swap3A_2565], %swap3A_2568 {add = true, strides = array<i32>} : memref<2048xf32, #tpu.memory_space<vmem>>, vector<16xf32>,
      %mul3A_2569 = arith.constant 128 : i32
      %mul3A_2570 = arith.muli %squeeze3A_2493, %mul3A_2569 : i32
      %add3A_2571 = arith.constant 80 : i32
      %add3A_2572 = arith.addi %mul3A_2570, %add3A_2571 : i32
      %add3A_2573 = arith.constant 1920 : i32
      %add3A_2574 = arith.addi %mul3A_543, %add3A_2573 : i32
      %add3A_2575 = arith.constant 80 : i32
      %add3A_2576 = arith.addi %add3A_2574, %add3A_2575 : i32
      %get3A_2577 = arith.index_cast %add3A_2576 : i32 to index
      %get3A_2578 = tpu.vector_load %arg6[%get3A_2577] {strides = array<i32>} : memref<40960xf32, #tpu.memory_space<vmem>>, vector<16xf32>,
      %get3A_2579 = vector.shape_cast %get3A_2578 : vector<16xf32> to vector<16xf32>
      %swap3A_2580 = arith.index_cast %add3A_2572 : i32 to index
      %swap3A_2581 = tpu.vector_load %arg8[%swap3A_2580] {strides = array<i32>} : memref<2048xf32, #tpu.memory_space<vmem>>, vector<16xf32>,
      %swap3A_2582 = vector.shape_cast %swap3A_2581 : vector<16xf32> to vector<16xf32>
      %swap3A_2583 = vector.shape_cast %get3A_2579 : vector<16xf32> to vector<16xf32>
      tpu.vector_store %arg8[%swap3A_2580], %swap3A_2583 {add = true, strides = array<i32>} : memref<2048xf32, #tpu.memory_space<vmem>>, vector<16xf32>,
      %mul3A_2584 = arith.constant 128 : i32
      %mul3A_2585 = arith.muli %squeeze3A_2493, %mul3A_2584 : i32
      %add3A_2586 = arith.constant 96 : i32
      %add3A_2587 = arith.addi %mul3A_2585, %add3A_2586 : i32
      %add3A_2588 = arith.constant 1920 : i32
      %add3A_2589 = arith.addi %mul3A_543, %add3A_2588 : i32
      %add3A_2590 = arith.constant 96 : i32
      %add3A_2591 = arith.addi %add3A_2589, %add3A_2590 : i32
      %get3A_2592 = arith.index_cast %add3A_2591 : i32 to index
      %get3A_2593 = tpu.vector_load %arg6[%get3A_2592] {strides = array<i32>} : memref<40960xf32, #tpu.memory_space<vmem>>, vector<16xf32>,
      %get3A_2594 = vector.shape_cast %get3A_2593 : vector<16xf32> to vector<16xf32>
      %swap3A_2595 = arith.index_cast %add3A_2587 : i32 to index
      %swap3A_2596 = tpu.vector_load %arg8[%swap3A_2595] {strides = array<i32>} : memref<2048xf32, #tpu.memory_space<vmem>>, vector<16xf32>,
      %swap3A_2597 = vector.shape_cast %swap3A_2596 : vector<16xf32> to vector<16xf32>
      %swap3A_2598 = vector.shape_cast %get3A_2594 : vector<16xf32> to vector<16xf32>
      tpu.vector_store %arg8[%swap3A_2595], %swap3A_2598 {add = true, strides = array<i32>} : memref<2048xf32, #tpu.memory_space<vmem>>, vector<16xf32>,
      %mul3A_2599 = arith.constant 128 : i32
      %mul3A_2600 = arith.muli %squeeze3A_2493, %mul3A_2599 : i32
      %add3A_2601 = arith.constant 112 : i32
      %add3A_2602 = arith.addi %mul3A_2600, %add3A_2601 : i32
      %add3A_2603 = arith.constant 1920 : i32
      %add3A_2604 = arith.addi %mul3A_543, %add3A_2603 : i32
      %add3A_2605 = arith.constant 112 : i32
      %add3A_2606 = arith.addi %add3A_2604, %add3A_2605 : i32
      %get3A_2607 = arith.index_cast %add3A_2606 : i32 to index
      %get3A_2608 = tpu.vector_load %arg6[%get3A_2607] {strides = array<i32>} : memref<40960xf32, #tpu.memory_space<vmem>>, vector<16xf32>,
      %get3A_2609 = vector.shape_cast %get3A_2608 : vector<16xf32> to vector<16xf32>
      %swap3A_2610 = arith.index_cast %add3A_2602 : i32 to index
      %swap3A_2611 = tpu.vector_load %arg8[%swap3A_2610] {strides = array<i32>} : memref<2048xf32, #tpu.memory_space<vmem>>, vector<16xf32>,
      %swap3A_2612 = vector.shape_cast %swap3A_2611 : vector<16xf32> to vector<16xf32>
      %swap3A_2613 = vector.shape_cast %get3A_2609 : vector<16xf32> to vector<16xf32>
      tpu.vector_store %arg8[%swap3A_2610], %swap3A_2613 {add = true, strides = array<i32>} : memref<2048xf32, #tpu.memory_space<vmem>>, vector<16xf32>,
      %eq3A_2614 = vector.broadcast %squeeze3A_2493 : i32 to vector<16xi32>
      %eq3A_2615 = arith.cmpi eq, %iota3A, %eq3A_2614 : vector<16xi32>
      %jit3A_2616 = arith.constant 1.000000e+00 : f32
      %jit3A_2617 = arith.constant 0.000000e+00 : f32
      %broadcast_in_dim3A_2618 = vector.broadcast %jit3A_2616 : f32 to vector<16xf32>
      %broadcast_in_dim3A_2619 = vector.broadcast %jit3A_2617 : f32 to vector<16xf32>
      %select_n3A_2620 = arith.select %eq3A_2615, %broadcast_in_dim3A_2618, %broadcast_in_dim3A_2619 : vector<16xi1>, vector<16xf32>
      %add3A_2621 = arith.addf %add3A_2491, %select_n3A_2620 : vector<16xf32>
      scf.yield %add3A_2621 : vector<16xf32>
    }
    %while3A_530 = arith.constant 1 : i32
    %while3A_531 = scf.for %while3A_536 = %while3A_527 to %while3A_523 step %while3A_530 iter_args(%while3A_537 = %while3A_529) -> (vector<16xf32>)  : i32 {
      %mul3A_538 = arith.constant 16 : i32
      %mul3A_539 = arith.muli %mul3A_538, %while3A_536 : i32
      %get3A = arith.index_cast %mul3A_539 : i32 to index
      %get3A_540 = tpu.vector_load %arg7[%get3A] {strides = array<i32>} : memref<320xi32, #tpu.memory_space<vmem>>, vector<16xi32>,
      %get3A_541 = vector.shape_cast %get3A_540 : vector<16xi32> to vector<16xi32>
      %mul3A_542 = arith.constant 2048 : i32
      %mul3A_543 = arith.muli %while3A_536, %mul3A_542 : i32
      %slice3A = vector.extract_strided_slice %get3A_541 {offsets = [0], sizes = [1], strides = [1]} : vector<16xi32> to vector<1xi32>
      %squeeze3A = vector.extract %slice3A[0] : i32 from vector<1xi32>
      %mul3A_544 = arith.constant 128 : i32
      %mul3A_545 = arith.muli %squeeze3A, %mul3A_544 : i32
      %add3A_546 = arith.constant 0 : i32
      %add3A_547 = arith.addi %mul3A_545, %add3A_546 : i32
      %add3A_548 = arith.constant 0 : i32
      %add3A_549 = arith.addi %mul3A_543, %add3A_548 : i32
      %add3A_550 = arith.constant 0 : i32
      %add3A_551 = arith.addi %add3A_549, %add3A_550 : i32
      %get3A_552 = arith.index_cast %add3A_551 : i32 to index
      %get3A_553 = tpu.vector_load %arg6[%get3A_552] {strides = array<i32>} : memref<40960xf32, #tpu.memory_space<vmem>>, vector<16xf32>,
      %get3A_554 = vector.shape_cast %get3A_553 : vector<16xf32> to vector<16xf32>
      %swap3A_555 = arith.index_cast %add3A_547 : i32 to index
      %swap3A_556 = tpu.vector_load %arg8[%swap3A_555] {strides = array<i32>} : memref<2048xf32, #tpu.memory_space<vmem>>, vector<16xf32>,
      %swap3A_557 = vector.shape_cast %swap3A_556 : vector<16xf32> to vector<16xf32>
      %swap3A_558 = vector.shape_cast %get3A_554 : vector<16xf32> to vector<16xf32>
      tpu.vector_store %arg8[%swap3A_555], %swap3A_558 {add = true, strides = array<i32>} : memref<2048xf32, #tpu.memory_space<vmem>>, vector<16xf32>,
      %mul3A_559 = arith.constant 128 : i32
      %mul3A_560 = arith.muli %squeeze3A, %mul3A_559 : i32
      %add3A_561 = arith.constant 16 : i32
      %add3A_562 = arith.addi %mul3A_560, %add3A_561 : i32
      %add3A_563 = arith.constant 0 : i32
      %add3A_564 = arith.addi %mul3A_543, %add3A_563 : i32
      %add3A_565 = arith.constant 16 : i32
      %add3A_566 = arith.addi %add3A_564, %add3A_565 : i32
      %get3A_567 = arith.index_cast %add3A_566 : i32 to index
      %get3A_568 = tpu.vector_load %arg6[%get3A_567] {strides = array<i32>} : memref<40960xf32, #tpu.memory_space<vmem>>, vector<16xf32>,
      %get3A_569 = vector.shape_cast %get3A_568 : vector<16xf32> to vector<16xf32>
      %swap3A_570 = arith.index_cast %add3A_562 : i32 to index
      %swap3A_571 = tpu.vector_load %arg8[%swap3A_570] {strides = array<i32>} : memref<2048xf32, #tpu.memory_space<vmem>>, vector<16xf32>,
      %swap3A_572 = vector.shape_cast %swap3A_571 : vector<16xf32> to vector<16xf32>
      %swap3A_573 = vector.shape_cast %get3A_569 : vector<16xf32> to vector<16xf32>
      tpu.vector_store %arg8[%swap3A_570], %swap3A_573 {add = true, strides = array<i32>} : memref<2048xf32, #tpu.memory_space<vmem>>, vector<16xf32>,
      %mul3A_574 = arith.constant 128 : i32
      %mul3A_575 = arith.muli %squeeze3A, %mul3A_574 : i32
      %add3A_576 = arith.constant 32 : i32
      %add3A_577 = arith.addi %mul3A_575, %add3A_576 : i32
      %add3A_578 = arith.constant 0 : i32
      %add3A_579 = arith.addi %mul3A_543, %add3A_578 : i32
      %add3A_580 = arith.constant 32 : i32
      %add3A_581 = arith.addi %add3A_579, %add3A_580 : i32
      %get3A_582 = arith.index_cast %add3A_581 : i32 to index
      %get3A_583 = tpu.vector_load %arg6[%get3A_582] {strides = array<i32>} : memref<40960xf32, #tpu.memory_space<vmem>>, vector<16xf32>,
      %get3A_584 = vector.shape_cast %get3A_583 : vector<16xf32> to vector<16xf32>
      %swap3A_585 = arith.index_cast %add3A_577 : i32 to index
      %swap3A_586 = tpu.vector_load %arg8[%swap3A_585] {strides = array<i32>} : memref<2048xf32, #tpu.memory_space<vmem>>, vector<16xf32>,
      %swap3A_587 = vector.shape_cast %swap3A_586 : vector<16xf32> to vector<16xf32>
      %swap3A_588 = vector.shape_cast %get3A_584 : vector<16xf32> to vector<16xf32>
      tpu.vector_store %arg8[%swap3A_585], %swap3A_588 {add = true, strides = array<i32>} : memref<2048xf32, #tpu.memory_space<vmem>>, vector<16xf32>,
      %mul3A_589 = arith.constant 128 : i32
      %mul3A_590 = arith.muli %squeeze3A, %mul3A_589 : i32
      %add3A_591 = arith.constant 48 : i32
      %add3A_592 = arith.addi %mul3A_590, %add3A_591 : i32
      %add3A_593 = arith.constant 0 : i32
      %add3A_594 = arith.addi %mul3A_543, %add3A_593 : i32
      %add3A_595 = arith.constant 48 : i32
      %add3A_596 = arith.addi %add3A_594, %add3A_595 : i32
      %get3A_597 = arith.index_cast %add3A_596 : i32 to index
      %get3A_598 = tpu.vector_load %arg6[%get3A_597] {strides = array<i32>} : memref<40960xf32, #tpu.memory_space<vmem>>, vector<16xf32>,
      %get3A_599 = vector.shape_cast %get3A_598 : vector<16xf32> to vector<16xf32>
      %swap3A_600 = arith.index_cast %add3A_592 : i32 to index
      %swap3A_601 = tpu.vector_load %arg8[%swap3A_600] {strides = array<i32>} : memref<2048xf32, #tpu.memory_space<vmem>>, vector<16xf32>,
      %swap3A_602 = vector.shape_cast %swap3A_601 : vector<16xf32> to vector<16xf32>
      %swap3A_603 = vector.shape_cast %get3A_599 : vector<16xf32> to vector<16xf32>
      tpu.vector_store %arg8[%swap3A_600], %swap3A_603 {add = true, strides = array<i32>} : memref<2048xf32, #tpu.memory_space<vmem>>, vector<16xf32>,
      %mul3A_604 = arith.constant 128 : i32
      %mul3A_605 = arith.muli %squeeze3A, %mul3A_604 : i32
      %add3A_606 = arith.constant 64 : i32
      %add3A_607 = arith.addi %mul3A_605, %add3A_606 : i32
      %add3A_608 = arith.constant 0 : i32
      %add3A_609 = arith.addi %mul3A_543, %add3A_608 : i32
      %add3A_610 = arith.constant 64 : i32
      %add3A_611 = arith.addi %add3A_609, %add3A_610 : i32
      %get3A_612 = arith.index_cast %add3A_611 : i32 to index
      %get3A_613 = tpu.vector_load %arg6[%get3A_612] {strides = array<i32>} : memref<40960xf32, #tpu.memory_space<vmem>>, vector<16xf32>,
      %get3A_614 = vector.shape_cast %get3A_613 : vector<16xf32> to vector<16xf32>
      %swap3A_615 = arith.index_cast %add3A_607 : i32 to index
      %swap3A_616 = tpu.vector_load %arg8[%swap3A_615] {strides = array<i32>} : memref<2048xf32, #tpu.memory_space<vmem>>, vector<16xf32>,
      %swap3A_617 = vector.shape_cast %swap3A_616 : vector<16xf32> to vector<16xf32>
      %swap3A_618 = vector.shape_cast %get3A_614 : vector<16xf32> to vector<16xf32>
      tpu.vector_store %arg8[%swap3A_615], %swap3A_618 {add = true, strides = array<i32>} : memref<2048xf32, #tpu.memory_space<vmem>>, vector<16xf32>,
      %mul3A_619 = arith.constant 128 : i32
      %mul3A_620 = arith.muli %squeeze3A, %mul3A_619 : i32
      %add3A_621 = arith.constant 80 : i32
      %add3A_622 = arith.addi %mul3A_620, %add3A_621 : i32
      %add3A_623 = arith.constant 0 : i32
      %add3A_624 = arith.addi %mul3A_543, %add3A_623 : i32
      %add3A_625 = arith.constant 80 : i32
      %add3A_626 = arith.addi %add3A_624, %add3A_625 : i32
      %get3A_627 = arith.index_cast %add3A_626 : i32 to index
      %get3A_628 = tpu.vector_load %arg6[%get3A_627] {strides = array<i32>} : memref<40960xf32, #tpu.memory_space<vmem>>, vector<16xf32>,
      %get3A_629 = vector.shape_cast %get3A_628 : vector<16xf32> to vector<16xf32>
      %swap3A_630 = arith.index_cast %add3A_622 : i32 to index
      %swap3A_631 = tpu.vector_load %arg8[%swap3A_630] {strides = array<i32>} : memref<2048xf32, #tpu.memory_space<vmem>>, vector<16xf32>,
      %swap3A_632 = vector.shape_cast %swap3A_631 : vector<16xf32> to vector<16xf32>
      %swap3A_633 = vector.shape_cast %get3A_629 : vector<16xf32> to vector<16xf32>
      tpu.vector_store %arg8[%swap3A_630], %swap3A_633 {add = true, strides = array<i32>} : memref<2048xf32, #tpu.memory_space<vmem>>, vector<16xf32>,
      %mul3A_634 = arith.constant 128 : i32
      %mul3A_635 = arith.muli %squeeze3A, %mul3A_634 : i32
      %add3A_636 = arith.constant 96 : i32
      %add3A_637 = arith.addi %mul3A_635, %add3A_636 : i32
      %add3A_638 = arith.constant 0 : i32
      %add3A_639 = arith.addi %mul3A_543, %add3A_638 : i32
      %add3A_640 = arith.constant 96 : i32
      %add3A_641 = arith.addi %add3A_639, %add3A_640 : i32
      %get3A_642 = arith.index_cast %add3A_641 : i32 to index
      %get3A_643 = tpu.vector_load %arg6[%get3A_642] {strides = array<i32>} : memref<40960xf32, #tpu.memory_space<vmem>>, vector<16xf32>,
      %get3A_644 = vector.shape_cast %get3A_643 : vector<16xf32> to vector<16xf32>
      %swap3A_645 = arith.index_cast %add3A_637 : i32 to index
      %swap3A_646 = tpu.vector_load %arg8[%swap3A_645] {strides = array<i32>} : memref<2048xf32, #tpu.memory_space<vmem>>, vector<16xf32>,
      %swap3A_647 = vector.shape_cast %swap3A_646 : vector<16xf32> to vector<16xf32>
      %swap3A_648 = vector.shape_cast %get3A_644 : vector<16xf32> to vector<16xf32>
      tpu.vector_store %arg8[%swap3A_645], %swap3A_648 {add = true, strides = array<i32>} : memref<2048xf32, #tpu.memory_space<vmem>>, vector<16xf32>,
      %mul3A_649 = arith.constant 128 : i32
      %mul3A_650 = arith.muli %squeeze3A, %mul3A_649 : i32
      %add3A_651 = arith.constant 112 : i32
      %add3A_652 = arith.addi %mul3A_650, %add3A_651 : i32
      %add3A_653 = arith.constant 0 : i32
      %add3A_654 = arith.addi %mul3A_543, %add3A_653 : i32
      %add3A_655 = arith.constant 112 : i32
      %add3A_656 = arith.addi %add3A_654, %add3A_655 : i32
      %get3A_657 = arith.index_cast %add3A_656 : i32 to index
      %get3A_658 = tpu.vector_load %arg6[%get3A_657] {strides = array<i32>} : memref<40960xf32, #tpu.memory_space<vmem>>, vector<16xf32>,
      %get3A_659 = vector.shape_cast %get3A_658 : vector<16xf32> to vector<16xf32>
      %swap3A_660 = arith.index_cast %add3A_652 : i32 to index
      %swap3A_661 = tpu.vector_load %arg8[%swap3A_660] {strides = array<i32>} : memref<2048xf32, #tpu.memory_space<vmem>>, vector<16xf32>,
      %swap3A_662 = vector.shape_cast %swap3A_661 : vector<16xf32> to vector<16xf32>
      %swap3A_663 = vector.shape_cast %get3A_659 : vector<16xf32> to vector<16xf32>
      tpu.vector_store %arg8[%swap3A_660], %swap3A_663 {add = true, strides = array<i32>} : memref<2048xf32, #tpu.memory_space<vmem>>, vector<16xf32>,
      %eq3A_664 = vector.broadcast %squeeze3A : i32 to vector<16xi32>
      %eq3A_665 = arith.cmpi eq, %iota3A, %eq3A_664 : vector<16xi32>
      %jit3A_666 = arith.constant 1.000000e+00 : f32
      %jit3A_667 = arith.constant 0.000000e+00 : f32
      %broadcast_in_dim3A_668 = vector.broadcast %jit3A_666 : f32 to vector<16xf32>
      %broadcast_in_dim3A_669 = vector.broadcast %jit3A_667 : f32 to vector<16xf32>
      %select_n3A_670 = arith.select %eq3A_665, %broadcast_in_dim3A_668, %broadcast_in_dim3A_669 : vector<16xi1>, vector<16xf32>
      %add3A_671 = arith.addf %while3A_537, %select_n3A_670 : vector<16xf32>
      %slice3A_672 = vector.extract_strided_slice %get3A_541 {offsets = [1], sizes = [1], strides = [1]} : vector<16xi32> to vector<1xi32>
      %squeeze3A_673 = vector.extract %slice3A_672[0] : i32 from vector<1xi32>
      %mul3A_674 = arith.constant 128 : i32
      %mul3A_675 = arith.muli %squeeze3A_673, %mul3A_674 : i32
      %add3A_676 = arith.constant 0 : i32
      %add3A_677 = arith.addi %mul3A_675, %add3A_676 : i32
      %add3A_678 = arith.constant 128 : i32
      %add3A_679 = arith.addi %mul3A_543, %add3A_678 : i32
      %add3A_680 = arith.constant 0 : i32
      %add3A_681 = arith.addi %add3A_679, %add3A_680 : i32
      %get3A_682 = arith.index_cast %add3A_681 : i32 to index
      %get3A_683 = tpu.vector_load %arg6[%get3A_682] {strides = array<i32>} : memref<40960xf32, #tpu.memory_space<vmem>>, vector<16xf32>,
      %get3A_684 = vector.shape_cast %get3A_683 : vector<16xf32> to vector<16xf32>
      %swap3A_685 = arith.index_cast %add3A_677 : i32 to index
      %swap3A_686 = tpu.vector_load %arg8[%swap3A_685] {strides = array<i32>} : memref<2048xf32, #tpu.memory_space<vmem>>, vector<16xf32>,
      %swap3A_687 = vector.shape_cast %swap3A_686 : vector<16xf32> to vector<16xf32>
      %swap3A_688 = vector.shape_cast %get3A_684 : vector<16xf32> to vector<16xf32>
      tpu.vector_store %arg8[%swap3A_685], %swap3A_688 {add = true, strides = array<i32>} : memref<2048xf32, #tpu.memory_space<vmem>>, vector<16xf32>,
      %mul3A_689 = arith.constant 128 : i32
      %mul3A_690 = arith.muli %squeeze3A_673, %mul3A_689 : i32
      %add3A_691 = arith.constant 16 : i32
      %add3A_692 = arith.addi %mul3A_690, %add3A_691 : i32
      %add3A_693 = arith.constant 128 : i32
      %add3A_694 = arith.addi %mul3A_543, %add3A_693 : i32
      %add3A_695 = arith.constant 16 : i32
      %add3A_696 = arith.addi %add3A_694, %add3A_695 : i32
      %get3A_697 = arith.index_cast %add3A_696 : i32 to index
      %get3A_698 = tpu.vector_load %arg6[%get3A_697] {strides = array<i32>} : memref<40960xf32, #tpu.memory_space<vmem>>, vector<16xf32>,
      %get3A_699 = vector.shape_cast %get3A_698 : vector<16xf32> to vector<16xf32>
      %swap3A_700 = arith.index_cast %add3A_692 : i32 to index
      %swap3A_701 = tpu.vector_load %arg8[%swap3A_700] {strides = array<i32>} : memref<2048xf32, #tpu.memory_space<vmem>>, vector<16xf32>,
      %swap3A_702 = vector.shape_cast %swap3A_701 : vector<16xf32> to vector<16xf32>
      %swap3A_703 = vector.shape_cast %get3A_699 : vector<16xf32> to vector<16xf32>
      tpu.vector_store %arg8[%swap3A_700], %swap3A_703 {add = true, strides = array<i32>} : memref<2048xf32, #tpu.memory_space<vmem>>, vector<16xf32>,
      %mul3A_704 = arith.constant 128 : i32
      %mul3A_705 = arith.muli %squeeze3A_673, %mul3A_704 : i32
      %add3A_706 = arith.constant 32 : i32
      %add3A_707 = arith.addi %mul3A_705, %add3A_706 : i32
      %add3A_708 = arith.constant 128 : i32
      %add3A_709 = arith.addi %mul3A_543, %add3A_708 : i32
      %add3A_710 = arith.constant 32 : i32
      %add3A_711 = arith.addi %add3A_709, %add3A_710 : i32
      %get3A_712 = arith.index_cast %add3A_711 : i32 to index
      %get3A_713 = tpu.vector_load %arg6[%get3A_712] {strides = array<i32>} : memref<40960xf32, #tpu.memory_space<vmem>>, vector<16xf32>,
      %get3A_714 = vector.shape_cast %get3A_713 : vector<16xf32> to vector<16xf32>
      %swap3A_715 = arith.index_cast %add3A_707 : i32 to index
      %swap3A_716 = tpu.vector_load %arg8[%swap3A_715] {strides = array<i32>} : memref<2048xf32, #tpu.memory_space<vmem>>, vector<16xf32>,
      %swap3A_717 = vector.shape_cast %swap3A_716 : vector<16xf32> to vector<16xf32>
      %swap3A_718 = vector.shape_cast %get3A_714 : vector<16xf32> to vector<16xf32>
      tpu.vector_store %arg8[%swap3A_715], %swap3A_718 {add = true, strides = array<i32>} : memref<2048xf32, #tpu.memory_space<vmem>>, vector<16xf32>,
      %mul3A_719 = arith.constant 128 : i32
      %mul3A_720 = arith.muli %squeeze3A_673, %mul3A_719 : i32
      %add3A_721 = arith.constant 48 : i32
      %add3A_722 = arith.addi %mul3A_720, %add3A_721 : i32
      %add3A_723 = arith.constant 128 : i32
      %add3A_724 = arith.addi %mul3A_543, %add3A_723 : i32
      %add3A_725 = arith.constant 48 : i32
      %add3A_726 = arith.addi %add3A_724, %add3A_725 : i32
      %get3A_727 = arith.index_cast %add3A_726 : i32 to index
      %get3A_728 = tpu.vector_load %arg6[%get3A_727] {strides = array<i32>} : memref<40960xf32, #tpu.memory_space<vmem>>, vector<16xf32>,
      %get3A_729 = vector.shape_cast %get3A_728 : vector<16xf32> to vector<16xf32>
      %swap3A_730 = arith.index_cast %add3A_722 : i32 to index
      %swap3A_731 = tpu.vector_load %arg8[%swap3A_730] {strides = array<i32>} : memref<2048xf32, #tpu.memory_space<vmem>>, vector<16xf32>,
      %swap3A_732 = vector.shape_cast %swap3A_731 : vector<16xf32> to vector<16xf32>
      %swap3A_733 = vector.shape_cast %get3A_729 : vector<16xf32> to vector<16xf32>
      tpu.vector_store %arg8[%swap3A_730], %swap3A_733 {add = true, strides = array<i32>} : memref<2048xf32, #tpu.memory_space<vmem>>, vector<16xf32>,
      %mul3A_734 = arith.constant 128 : i32
      %mul3A_735 = arith.muli %squeeze3A_673, %mul3A_734 : i32
      %add3A_736 = arith.constant 64 : i32
      %add3A_737 = arith.addi %mul3A_735, %add3A_736 : i32
      %add3A_738 = arith.constant 128 : i32
      %add3A_739 = arith.addi %mul3A_543, %add3A_738 : i32
      %add3A_740 = arith.constant 64 : i32
      %add3A_741 = arith.addi %add3A_739, %add3A_740 : i32
      %get3A_742 = arith.index_cast %add3A_741 : i32 to index
      %get3A_743 = tpu.vector_load %arg6[%get3A_742] {strides = array<i32>} : memref<40960xf32, #tpu.memory_space<vmem>>, vector<16xf32>,
      %get3A_744 = vector.shape_cast %get3A_743 : vector<16xf32> to vector<16xf32>
      %swap3A_745 = arith.index_cast %add3A_737 : i32 to index
      %swap3A_746 = tpu.vector_load %arg8[%swap3A_745] {strides = array<i32>} : memref<2048xf32, #tpu.memory_space<vmem>>, vector<16xf32>,
      %swap3A_747 = vector.shape_cast %swap3A_746 : vector<16xf32> to vector<16xf32>
      %swap3A_748 = vector.shape_cast %get3A_744 : vector<16xf32> to vector<16xf32>
      tpu.vector_store %arg8[%swap3A_745], %swap3A_748 {add = true, strides = array<i32>} : memref<2048xf32, #tpu.memory_space<vmem>>, vector<16xf32>,
      %mul3A_749 = arith.constant 128 : i32
      %mul3A_750 = arith.muli %squeeze3A_673, %mul3A_749 : i32
      %add3A_751 = arith.constant 80 : i32
      %add3A_752 = arith.addi %mul3A_750, %add3A_751 : i32
      %add3A_753 = arith.constant 128 : i32
      %add3A_754 = arith.addi %mul3A_543, %add3A_753 : i32
      %add3A_755 = arith.constant 80 : i32
      %add3A_756 = arith.addi %add3A_754, %add3A_755 : i32
      %get3A_757 = arith.index_cast %add3A_756 : i32 to index
      %get3A_758 = tpu.vector_load %arg6[%get3A_757] {strides = array<i32>} : memref<40960xf32, #tpu.memory_space<vmem>>, vector<16xf32>,
      %get3A_759 = vector.shape_cast %get3A_758 : vector<16xf32> to vector<16xf32>
      %swap3A_760 = arith.index_cast %add3A_752 : i32 to index
      %swap3A_761 = tpu.vector_load %arg8[%swap3A_760] {strides = array<i32>} : memref<2048xf32, #tpu.memory_space<vmem>>, vector<16xf32>,
      %swap3A_762 = vector.shape_cast %swap3A_761 : vector<16xf32> to vector<16xf32>
      %swap3A_763 = vector.shape_cast %get3A_759 : vector<16xf32> to vector<16xf32>
      tpu.vector_store %arg8[%swap3A_760], %swap3A_763 {add = true, strides = array<i32>} : memref<2048xf32, #tpu.memory_space<vmem>>, vector<16xf32>,
      %mul3A_764 = arith.constant 128 : i32
      %mul3A_765 = arith.muli %squeeze3A_673, %mul3A_764 : i32
      %add3A_766 = arith.constant 96 : i32
      %add3A_767 = arith.addi %mul3A_765, %add3A_766 : i32
      %add3A_768 = arith.constant 128 : i32
      %add3A_769 = arith.addi %mul3A_543, %add3A_768 : i32
      %add3A_770 = arith.constant 96 : i32
      %add3A_771 = arith.addi %add3A_769, %add3A_770 : i32
      %get3A_772 = arith.index_cast %add3A_771 : i32 to index
      %get3A_773 = tpu.vector_load %arg6[%get3A_772] {strides = array<i32>} : memref<40960xf32, #tpu.memory_space<vmem>>, vector<16xf32>,
      %get3A_774 = vector.shape_cast %get3A_773 : vector<16xf32> to vector<16xf32>
      %swap3A_775 = arith.index_cast %add3A_767 : i32 to index
      %swap3A_776 = tpu.vector_load %arg8[%swap3A_775] {strides = array<i32>} : memref<2048xf32, #tpu.memory_space<vmem>>, vector<16xf32>,
      %swap3A_777 = vector.shape_cast %swap3A_776 : vector<16xf32> to vector<16xf32>
      %swap3A_778 = vector.shape_cast %get3A_774 : vector<16xf32> to vector<16xf32>
      tpu.vector_store %arg8[%swap3A_775], %swap3A_778 {add = true, strides = array<i32>} : memref<2048xf32, #tpu.memory_space<vmem>>, vector<16xf32>,
      %mul3A_779 = arith.constant 128 : i32
      %mul3A_780 = arith.muli %squeeze3A_673, %mul3A_779 : i32
      %add3A_781 = arith.constant 112 : i32
      %add3A_782 = arith.addi %mul3A_780, %add3A_781 : i32
      %add3A_783 = arith.constant 128 : i32
      %add3A_784 = arith.addi %mul3A_543, %add3A_783 : i32
      %add3A_785 = arith.constant 112 : i32
      %add3A_786 = arith.addi %add3A_784, %add3A_785 : i32
      %get3A_787 = arith.index_cast %add3A_786 : i32 to index
      %get3A_788 = tpu.vector_load %arg6[%get3A_787] {strides = array<i32>} : memref<40960xf32, #tpu.memory_space<vmem>>, vector<16xf32>,
      %get3A_789 = vector.shape_cast %get3A_788 : vector<16xf32> to vector<16xf32>
      %swap3A_790 = arith.index_cast %add3A_782 : i32 to index
      %swap3A_791 = tpu.vector_load %arg8[%swap3A_790] {strides = array<i32>} : memref<2048xf32, #tpu.memory_space<vmem>>, vector<16xf32>,
      %swap3A_792 = vector.shape_cast %swap3A_791 : vector<16xf32> to vector<16xf32>
      %swap3A_793 = vector.shape_cast %get3A_789 : vector<16xf32> to vector<16xf32>
      tpu.vector_store %arg8[%swap3A_790], %swap3A_793 {add = true, strides = array<i32>} : memref<2048xf32, #tpu.memory_space<vmem>>, vector<16xf32>,
      %eq3A_794 = vector.broadcast %squeeze3A_673 : i32 to vector<16xi32>
      %eq3A_795 = arith.cmpi eq, %iota3A, %eq3A_794 : vector<16xi32>
      %jit3A_796 = arith.constant 1.000000e+00 : f32
      %jit3A_797 = arith.constant 0.000000e+00 : f32
      %broadcast_in_dim3A_798 = vector.broadcast %jit3A_796 : f32 to vector<16xf32>
      %broadcast_in_dim3A_799 = vector.broadcast %jit3A_797 : f32 to vector<16xf32>
      %select_n3A_800 = arith.select %eq3A_795, %broadcast_in_dim3A_798, %broadcast_in_dim3A_799 : vector<16xi1>, vector<16xf32>
      %add3A_801 = arith.addf %add3A_671, %select_n3A_800 : vector<16xf32>
      %slice3A_802 = vector.extract_strided_slice %get3A_541 {offsets = [2], sizes = [1], strides = [1]} : vector<16xi32> to vector<1xi32>
      %squeeze3A_803 = vector.extract %slice3A_802[0] : i32 from vector<1xi32>
      %mul3A_804 = arith.constant 128 : i32
      %mul3A_805 = arith.muli %squeeze3A_803, %mul3A_804 : i32
      %add3A_806 = arith.constant 0 : i32
      %add3A_807 = arith.addi %mul3A_805, %add3A_806 : i32
      %add3A_808 = arith.constant 256 : i32
      %add3A_809 = arith.addi %mul3A_543, %add3A_808 : i32
      %add3A_810 = arith.constant 0 : i32
      %add3A_811 = arith.addi %add3A_809, %add3A_810 : i32
      %get3A_812 = arith.index_cast %add3A_811 : i32 to index
      %get3A_813 = tpu.vector_load %arg6[%get3A_812] {strides = array<i32>} : memref<40960xf32, #tpu.memory_space<vmem>>, vector<16xf32>,
      %get3A_814 = vector.shape_cast %get3A_813 : vector<16xf32> to vector<16xf32>
      %swap3A_815 = arith.index_cast %add3A_807 : i32 to index
      %swap3A_816 = tpu.vector_load %arg8[%swap3A_815] {strides = array<i32>} : memref<2048xf32, #tpu.memory_space<vmem>>, vector<16xf32>,
      %swap3A_817 = vector.shape_cast %swap3A_816 : vector<16xf32> to vector<16xf32>
      %swap3A_818 = vector.shape_cast %get3A_814 : vector<16xf32> to vector<16xf32>
      tpu.vector_store %arg8[%swap3A_815], %swap3A_818 {add = true, strides = array<i32>} : memref<2048xf32, #tpu.memory_space<vmem>>, vector<16xf32>,
      %mul3A_819 = arith.constant 128 : i32
      %mul3A_820 = arith.muli %squeeze3A_803, %mul3A_819 : i32
      %add3A_821 = arith.constant 16 : i32
      %add3A_822 = arith.addi %mul3A_820, %add3A_821 : i32
      %add3A_823 = arith.constant 256 : i32
      %add3A_824 = arith.addi %mul3A_543, %add3A_823 : i32
      %add3A_825 = arith.constant 16 : i32
      %add3A_826 = arith.addi %add3A_824, %add3A_825 : i32
      %get3A_827 = arith.index_cast %add3A_826 : i32 to index
      %get3A_828 = tpu.vector_load %arg6[%get3A_827] {strides = array<i32>} : memref<40960xf32, #tpu.memory_space<vmem>>, vector<16xf32>,
      %get3A_829 = vector.shape_cast %get3A_828 : vector<16xf32> to vector<16xf32>
      %swap3A_830 = arith.index_cast %add3A_822 : i32 to index
      %swap3A_831 = tpu.vector_load %arg8[%swap3A_830] {strides = array<i32>} : memref<2048xf32, #tpu.memory_space<vmem>>, vector<16xf32>,
      %swap3A_832 = vector.shape_cast %swap3A_831 : vector<16xf32> to vector<16xf32>
      %swap3A_833 = vector.shape_cast %get3A_829 : vector<16xf32> to vector<16xf32>
      tpu.vector_store %arg8[%swap3A_830], %swap3A_833 {add = true, strides = array<i32>} : memref<2048xf32, #tpu.memory_space<vmem>>, vector<16xf32>,
      %mul3A_834 = arith.constant 128 : i32
      %mul3A_835 = arith.muli %squeeze3A_803, %mul3A_834 : i32
      %add3A_836 = arith.constant 32 : i32
      %add3A_837 = arith.addi %mul3A_835, %add3A_836 : i32
      %add3A_838 = arith.constant 256 : i32
      %add3A_839 = arith.addi %mul3A_543, %add3A_838 : i32
      %add3A_840 = arith.constant 32 : i32
      %add3A_841 = arith.addi %add3A_839, %add3A_840 : i32
      %get3A_842 = arith.index_cast %add3A_841 : i32 to index
      %get3A_843 = tpu.vector_load %arg6[%get3A_842] {strides = array<i32>} : memref<40960xf32, #tpu.memory_space<vmem>>, vector<16xf32>,
      %get3A_844 = vector.shape_cast %get3A_843 : vector<16xf32> to vector<16xf32>
      %swap3A_845 = arith.index_cast %add3A_837 : i32 to index
      %swap3A_846 = tpu.vector_load %arg8[%swap3A_845] {strides = array<i32>} : memref<2048xf32, #tpu.memory_space<vmem>>, vector<16xf32>,
      %swap3A_847 = vector.shape_cast %swap3A_846 : vector<16xf32> to vector<16xf32>
      %swap3A_848 = vector.shape_cast %get3A_844 : vector<16xf32> to vector<16xf32>
      tpu.vector_store %arg8[%swap3A_845], %swap3A_848 {add = true, strides = array<i32>} : memref<2048xf32, #tpu.memory_space<vmem>>, vector<16xf32>,
      %mul3A_849 = arith.constant 128 : i32
      %mul3A_850 = arith.muli %squeeze3A_803, %mul3A_849 : i32
      %add3A_851 = arith.constant 48 : i32
      %add3A_852 = arith.addi %mul3A_850, %add3A_851 : i32
      %add3A_853 = arith.constant 256 : i32
      %add3A_854 = arith.addi %mul3A_543, %add3A_853 : i32
      %add3A_855 = arith.constant 48 : i32
      %add3A_856 = arith.addi %add3A_854, %add3A_855 : i32
      %get3A_857 = arith.index_cast %add3A_856 : i32 to index
      %get3A_858 = tpu.vector_load %arg6[%get3A_857] {strides = array<i32>} : memref<40960xf32, #tpu.memory_space<vmem>>, vector<16xf32>,
      %get3A_859 = vector.shape_cast %get3A_858 : vector<16xf32> to vector<16xf32>
      %swap3A_860 = arith.index_cast %add3A_852 : i32 to index
      %swap3A_861 = tpu.vector_load %arg8[%swap3A_860] {strides = array<i32>} : memref<2048xf32, #tpu.memory_space<vmem>>, vector<16xf32>,
      %swap3A_862 = vector.shape_cast %swap3A_861 : vector<16xf32> to vector<16xf32>
      %swap3A_863 = vector.shape_cast %get3A_859 : vector<16xf32> to vector<16xf32>
      tpu.vector_store %arg8[%swap3A_860], %swap3A_863 {add = true, strides = array<i32>} : memref<2048xf32, #tpu.memory_space<vmem>>, vector<16xf32>,
      %mul3A_864 = arith.constant 128 : i32
      %mul3A_865 = arith.muli %squeeze3A_803, %mul3A_864 : i32
      %add3A_866 = arith.constant 64 : i32
      %add3A_867 = arith.addi %mul3A_865, %add3A_866 : i32
      %add3A_868 = arith.constant 256 : i32
      %add3A_869 = arith.addi %mul3A_543, %add3A_868 : i32
      %add3A_870 = arith.constant 64 : i32
      %add3A_871 = arith.addi %add3A_869, %add3A_870 : i32
      %get3A_872 = arith.index_cast %add3A_871 : i32 to index
      %get3A_873 = tpu.vector_load %arg6[%get3A_872] {strides = array<i32>} : memref<40960xf32, #tpu.memory_space<vmem>>, vector<16xf32>,
      %get3A_874 = vector.shape_cast %get3A_873 : vector<16xf32> to vector<16xf32>
      %swap3A_875 = arith.index_cast %add3A_867 : i32 to index
      %swap3A_876 = tpu.vector_load %arg8[%swap3A_875] {strides = array<i32>} : memref<2048xf32, #tpu.memory_space<vmem>>, vector<16xf32>,
      %swap3A_877 = vector.shape_cast %swap3A_876 : vector<16xf32> to vector<16xf32>
      %swap3A_878 = vector.shape_cast %get3A_874 : vector<16xf32> to vector<16xf32>
      tpu.vector_store %arg8[%swap3A_875], %swap3A_878 {add = true, strides = array<i32>} : memref<2048xf32, #tpu.memory_space<vmem>>, vector<16xf32>,
      %mul3A_879 = arith.constant 128 : i32
      %mul3A_880 = arith.muli %squeeze3A_803, %mul3A_879 : i32
      %add3A_881 = arith.constant 80 : i32
      %add3A_882 = arith.addi %mul3A_880, %add3A_881 : i32
      %add3A_883 = arith.constant 256 : i32
      %add3A_884 = arith.addi %mul3A_543, %add3A_883 : i32
      %add3A_885 = arith.constant 80 : i32
      %add3A_886 = arith.addi %add3A_884, %add3A_885 : i32
      %get3A_887 = arith.index_cast %add3A_886 : i32 to index
      %get3A_888 = tpu.vector_load %arg6[%get3A_887] {strides = array<i32>} : memref<40960xf32, #tpu.memory_space<vmem>>, vector<16xf32>,
      %get3A_889 = vector.shape_cast %get3A_888 : vector<16xf32> to vector<16xf32>
      %swap3A_890 = arith.index_cast %add3A_882 : i32 to index
      %swap3A_891 = tpu.vector_load %arg8[%swap3A_890] {strides = array<i32>} : memref<2048xf32, #tpu.memory_space<vmem>>, vector<16xf32>,
      %swap3A_892 = vector.shape_cast %swap3A_891 : vector<16xf32> to vector<16xf32>
      %swap3A_893 = vector.shape_cast %get3A_889 : vector<16xf32> to vector<16xf32>
      tpu.vector_store %arg8[%swap3A_890], %swap3A_893 {add = true, strides = array<i32>} : memref<2048xf32, #tpu.memory_space<vmem>>, vector<16xf32>,
      %mul3A_894 = arith.constant 128 : i32
      %mul3A_895 = arith.muli %squeeze3A_803, %mul3A_894 : i32
      %add3A_896 = arith.constant 96 : i32
      %add3A_897 = arith.addi %mul3A_895, %add3A_896 : i32
      %add3A_898 = arith.constant 256 : i32
      %add3A_899 = arith.addi %mul3A_543, %add3A_898 : i32
      %add3A_900 = arith.constant 96 : i32
      %add3A_901 = arith.addi %add3A_899, %add3A_900 : i32
      %get3A_902 = arith.index_cast %add3A_901 : i32 to index
      %get3A_903 = tpu.vector_load %arg6[%get3A_902] {strides = array<i32>} : memref<40960xf32, #tpu.memory_space<vmem>>, vector<16xf32>,
      %get3A_904 = vector.shape_cast %get3A_903 : vector<16xf32> to vector<16xf32>
      %swap3A_905 = arith.index_cast %add3A_897 : i32 to index
      %swap3A_906 = tpu.vector_load %arg8[%swap3A_905] {strides = array<i32>} : memref<2048xf32, #tpu.memory_space<vmem>>, vector<16xf32>,
      %swap3A_907 = vector.shape_cast %swap3A_906 : vector<16xf32> to vector<16xf32>
      %swap3A_908 = vector.shape_cast %get3A_904 : vector<16xf32> to vector<16xf32>
      tpu.vector_store %arg8[%swap3A_905], %swap3A_908 {add = true, strides = array<i32>} : memref<2048xf32, #tpu.memory_space<vmem>>, vector<16xf32>,
      %mul3A_909 = arith.constant 128 : i32
      %mul3A_910 = arith.muli %squeeze3A_803, %mul3A_909 : i32
      %add3A_911 = arith.constant 112 : i32
      %add3A_912 = arith.addi %mul3A_910, %add3A_911 : i32
      %add3A_913 = arith.constant 256 : i32
      %add3A_914 = arith.addi %mul3A_543, %add3A_913 : i32
      %add3A_915 = arith.constant 112 : i32
      %add3A_916 = arith.addi %add3A_914, %add3A_915 : i32
      %get3A_917 = arith.index_cast %add3A_916 : i32 to index
      %get3A_918 = tpu.vector_load %arg6[%get3A_917] {strides = array<i32>} : memref<40960xf32, #tpu.memory_space<vmem>>, vector<16xf32>,
      %get3A_919 = vector.shape_cast %get3A_918 : vector<16xf32> to vector<16xf32>
      %swap3A_920 = arith.index_cast %add3A_912 : i32 to index
      %swap3A_921 = tpu.vector_load %arg8[%swap3A_920] {strides = array<i32>} : memref<2048xf32, #tpu.memory_space<vmem>>, vector<16xf32>,
      %swap3A_922 = vector.shape_cast %swap3A_921 : vector<16xf32> to vector<16xf32>
      %swap3A_923 = vector.shape_cast %get3A_919 : vector<16xf32> to vector<16xf32>
      tpu.vector_store %arg8[%swap3A_920], %swap3A_923 {add = true, strides = array<i32>} : memref<2048xf32, #tpu.memory_space<vmem>>, vector<16xf32>,
      %eq3A_924 = vector.broadcast %squeeze3A_803 : i32 to vector<16xi32>
      %eq3A_925 = arith.cmpi eq, %iota3A, %eq3A_924 : vector<16xi32>
      %jit3A_926 = arith.constant 1.000000e+00 : f32
      %jit3A_927 = arith.constant 0.000000e+00 : f32
      %broadcast_in_dim3A_928 = vector.broadcast %jit3A_926 : f32 to vector<16xf32>
      %broadcast_in_dim3A_929 = vector.broadcast %jit3A_927 : f32 to vector<16xf32>
      %select_n3A_930 = arith.select %eq3A_925, %broadcast_in_dim3A_928, %broadcast_in_dim3A_929 : vector<16xi1>, vector<16xf32>
      %add3A_931 = arith.addf %add3A_801, %select_n3A_930 : vector<16xf32>
      %slice3A_932 = vector.extract_strided_slice %get3A_541 {offsets = [3], sizes = [1], strides = [1]} : vector<16xi32> to vector<1xi32>
      %squeeze3A_933 = vector.extract %slice3A_932[0] : i32 from vector<1xi32>
      %mul3A_934 = arith.constant 128 : i32
      %mul3A_935 = arith.muli %squeeze3A_933, %mul3A_934 : i32
      %add3A_936 = arith.constant 0 : i32
      %add3A_937 = arith.addi %mul3A_935, %add3A_936 : i32
      %add3A_938 = arith.constant 384 : i32
      %add3A_939 = arith.addi %mul3A_543, %add3A_938 : i32
      %add3A_940 = arith.constant 0 : i32
      %add3A_941 = arith.addi %add3A_939, %add3A_940 : i32
      %get3A_942 = arith.index_cast %add3A_941 : i32 to index
      %get3A_943 = tpu.vector_load %arg6[%get3A_942] {strides = array<i32>} : memref<40960xf32, #tpu.memory_space<vmem>>, vector<16xf32>,
      %get3A_944 = vector.shape_cast %get3A_943 : vector<16xf32> to vector<16xf32>
      %swap3A_945 = arith.index_cast %add3A_937 : i32 to index
      %swap3A_946 = tpu.vector_load %arg8[%swap3A_945] {strides = array<i32>} : memref<2048xf32, #tpu.memory_space<vmem>>, vector<16xf32>,
      %swap3A_947 = vector.shape_cast %swap3A_946 : vector<16xf32> to vector<16xf32>
      %swap3A_948 = vector.shape_cast %get3A_944 : vector<16xf32> to vector<16xf32>
      tpu.vector_store %arg8[%swap3A_945], %swap3A_948 {add = true, strides = array<i32>} : memref<2048xf32, #tpu.memory_space<vmem>>, vector<16xf32>,
      %mul3A_949 = arith.constant 128 : i32
      %mul3A_950 = arith.muli %squeeze3A_933, %mul3A_949 : i32
      %add3A_951 = arith.constant 16 : i32
      %add3A_952 = arith.addi %mul3A_950, %add3A_951 : i32
      %add3A_953 = arith.constant 384 : i32
      %add3A_954 = arith.addi %mul3A_543, %add3A_953 : i32
      %add3A_955 = arith.constant 16 : i32
      %add3A_956 = arith.addi %add3A_954, %add3A_955 : i32
      %get3A_957 = arith.index_cast %add3A_956 : i32 to index
      %get3A_958 = tpu.vector_load %arg6[%get3A_957] {strides = array<i32>} : memref<40960xf32, #tpu.memory_space<vmem>>, vector<16xf32>,
      %get3A_959 = vector.shape_cast %get3A_958 : vector<16xf32> to vector<16xf32>
      %swap3A_960 = arith.index_cast %add3A_952 : i32 to index
      %swap3A_961 = tpu.vector_load %arg8[%swap3A_960] {strides = array<i32>} : memref<2048xf32, #tpu.memory_space<vmem>>, vector<16xf32>,
      %swap3A_962 = vector.shape_cast %swap3A_961 : vector<16xf32> to vector<16xf32>
      %swap3A_963 = vector.shape_cast %get3A_959 : vector<16xf32> to vector<16xf32>
      tpu.vector_store %arg8[%swap3A_960], %swap3A_963 {add = true, strides = array<i32>} : memref<2048xf32, #tpu.memory_space<vmem>>, vector<16xf32>,
      %mul3A_964 = arith.constant 128 : i32
      %mul3A_965 = arith.muli %squeeze3A_933, %mul3A_964 : i32
      %add3A_966 = arith.constant 32 : i32
      %add3A_967 = arith.addi %mul3A_965, %add3A_966 : i32
      %add3A_968 = arith.constant 384 : i32
      %add3A_969 = arith.addi %mul3A_543, %add3A_968 : i32
      %add3A_970 = arith.constant 32 : i32
      %add3A_971 = arith.addi %add3A_969, %add3A_970 : i32
      %get3A_972 = arith.index_cast %add3A_971 : i32 to index
      %get3A_973 = tpu.vector_load %arg6[%get3A_972] {strides = array<i32>} : memref<40960xf32, #tpu.memory_space<vmem>>, vector<16xf32>,
      %get3A_974 = vector.shape_cast %get3A_973 : vector<16xf32> to vector<16xf32>
      %swap3A_975 = arith.index_cast %add3A_967 : i32 to index
      %swap3A_976 = tpu.vector_load %arg8[%swap3A_975] {strides = array<i32>} : memref<2048xf32, #tpu.memory_space<vmem>>, vector<16xf32>,
      %swap3A_977 = vector.shape_cast %swap3A_976 : vector<16xf32> to vector<16xf32>
      %swap3A_978 = vector.shape_cast %get3A_974 : vector<16xf32> to vector<16xf32>
      tpu.vector_store %arg8[%swap3A_975], %swap3A_978 {add = true, strides = array<i32>} : memref<2048xf32, #tpu.memory_space<vmem>>, vector<16xf32>,
      %mul3A_979 = arith.constant 128 : i32
      %mul3A_980 = arith.muli %squeeze3A_933, %mul3A_979 : i32
      %add3A_981 = arith.constant 48 : i32
      %add3A_982 = arith.addi %mul3A_980, %add3A_981 : i32
      %add3A_983 = arith.constant 384 : i32
      %add3A_984 = arith.addi %mul3A_543, %add3A_983 : i32
      %add3A_985 = arith.constant 48 : i32
      %add3A_986 = arith.addi %add3A_984, %add3A_985 : i32
      %get3A_987 = arith.index_cast %add3A_986 : i32 to index
      %get3A_988 = tpu.vector_load %arg6[%get3A_987] {strides = array<i32>} : memref<40960xf32, #tpu.memory_space<vmem>>, vector<16xf32>,
      %get3A_989 = vector.shape_cast %get3A_988 : vector<16xf32> to vector<16xf32>
      %swap3A_990 = arith.index_cast %add3A_982 : i32 to index
      %swap3A_991 = tpu.vector_load %arg8[%swap3A_990] {strides = array<i32>} : memref<2048xf32, #tpu.memory_space<vmem>>, vector<16xf32>,
      %swap3A_992 = vector.shape_cast %swap3A_991 : vector<16xf32> to vector<16xf32>
      %swap3A_993 = vector.shape_cast %get3A_989 : vector<16xf32> to vector<16xf32>
      tpu.vector_store %arg8[%swap3A_990], %swap3A_993 {add = true, strides = array<i32>} : memref<2048xf32, #tpu.memory_space<vmem>>, vector<16xf32>,
      %mul3A_994 = arith.constant 128 : i32
      %mul3A_995 = arith.muli %squeeze3A_933, %mul3A_994 : i32
      %add3A_996 = arith.constant 64 : i32
      %add3A_997 = arith.addi %mul3A_995, %add3A_996 : i32
      %add3A_998 = arith.constant 384 : i32
      %add3A_999 = arith.addi %mul3A_543, %add3A_998 : i32
      %add3A_1000 = arith.constant 64 : i32
      %add3A_1001 = arith.addi %add3A_999, %add3A_1000 : i32
      %get3A_1002 = arith.index_cast %add3A_1001 : i32 to index
      %get3A_1003 = tpu.vector_load %arg6[%get3A_1002] {strides = array<i32>} : memref<40960xf32, #tpu.memory_space<vmem>>, vector<16xf32>,
      %get3A_1004 = vector.shape_cast %get3A_1003 : vector<16xf32> to vector<16xf32>
      %swap3A_1005 = arith.index_cast %add3A_997 : i32 to index
      %swap3A_1006 = tpu.vector_load %arg8[%swap3A_1005] {strides = array<i32>} : memref<2048xf32, #tpu.memory_space<vmem>>, vector<16xf32>,
      %swap3A_1007 = vector.shape_cast %swap3A_1006 : vector<16xf32> to vector<16xf32>
      %swap3A_1008 = vector.shape_cast %get3A_1004 : vector<16xf32> to vector<16xf32>
      tpu.vector_store %arg8[%swap3A_1005], %swap3A_1008 {add = true, strides = array<i32>} : memref<2048xf32, #tpu.memory_space<vmem>>, vector<16xf32>,
      %mul3A_1009 = arith.constant 128 : i32
      %mul3A_1010 = arith.muli %squeeze3A_933, %mul3A_1009 : i32
      %add3A_1011 = arith.constant 80 : i32
      %add3A_1012 = arith.addi %mul3A_1010, %add3A_1011 : i32
      %add3A_1013 = arith.constant 384 : i32
      %add3A_1014 = arith.addi %mul3A_543, %add3A_1013 : i32
      %add3A_1015 = arith.constant 80 : i32
      %add3A_1016 = arith.addi %add3A_1014, %add3A_1015 : i32
      %get3A_1017 = arith.index_cast %add3A_1016 : i32 to index
      %get3A_1018 = tpu.vector_load %arg6[%get3A_1017] {strides = array<i32>} : memref<40960xf32, #tpu.memory_space<vmem>>, vector<16xf32>,
      %get3A_1019 = vector.shape_cast %get3A_1018 : vector<16xf32> to vector<16xf32>
      %swap3A_1020 = arith.index_cast %add3A_1012 : i32 to index
      %swap3A_1021 = tpu.vector_load %arg8[%swap3A_1020] {strides = array<i32>} : memref<2048xf32, #tpu.memory_space<vmem>>, vector<16xf32>,
      %swap3A_1022 = vector.shape_cast %swap3A_1021 : vector<16xf32> to vector<16xf32>
      %swap3A_1023 = vector.shape_cast %get3A_1019 : vector<16xf32> to vector<16xf32>
      tpu.vector_store %arg8[%swap3A_1020], %swap3A_1023 {add = true, strides = array<i32>} : memref<2048xf32, #tpu.memory_space<vmem>>, vector<16xf32>,
      %mul3A_1024 = arith.constant 128 : i32
      %mul3A_1025 = arith.muli %squeeze3A_933, %mul3A_1024 : i32
      %add3A_1026 = arith.constant 96 : i32
      %add3A_1027 = arith.addi %mul3A_1025, %add3A_1026 : i32
      %add3A_1028 = arith.constant 384 : i32
      %add3A_1029 = arith.addi %mul3A_543, %add3A_1028 : i32
      %add3A_1030 = arith.constant 96 : i32
      %add3A_1031 = arith.addi %add3A_1029, %add3A_1030 : i32
      %get3A_1032 = arith.index_cast %add3A_1031 : i32 to index
      %get3A_1033 = tpu.vector_load %arg6[%get3A_1032] {strides = array<i32>} : memref<40960xf32, #tpu.memory_space<vmem>>, vector<16xf32>,
      %get3A_1034 = vector.shape_cast %get3A_1033 : vector<16xf32> to vector<16xf32>
      %swap3A_1035 = arith.index_cast %add3A_1027 : i32 to index
      %swap3A_1036 = tpu.vector_load %arg8[%swap3A_1035] {strides = array<i32>} : memref<2048xf32, #tpu.memory_space<vmem>>, vector<16xf32>,
      %swap3A_1037 = vector.shape_cast %swap3A_1036 : vector<16xf32> to vector<16xf32>
      %swap3A_1038 = vector.shape_cast %get3A_1034 : vector<16xf32> to vector<16xf32>
      tpu.vector_store %arg8[%swap3A_1035], %swap3A_1038 {add = true, strides = array<i32>} : memref<2048xf32, #tpu.memory_space<vmem>>, vector<16xf32>,
      %mul3A_1039 = arith.constant 128 : i32
      %mul3A_1040 = arith.muli %squeeze3A_933, %mul3A_1039 : i32
      %add3A_1041 = arith.constant 112 : i32
      %add3A_1042 = arith.addi %mul3A_1040, %add3A_1041 : i32
      %add3A_1043 = arith.constant 384 : i32
      %add3A_1044 = arith.addi %mul3A_543, %add3A_1043 : i32
      %add3A_1045 = arith.constant 112 : i32
      %add3A_1046 = arith.addi %add3A_1044, %add3A_1045 : i32
      %get3A_1047 = arith.index_cast %add3A_1046 : i32 to index
      %get3A_1048 = tpu.vector_load %arg6[%get3A_1047] {strides = array<i32>} : memref<40960xf32, #tpu.memory_space<vmem>>, vector<16xf32>,
      %get3A_1049 = vector.shape_cast %get3A_1048 : vector<16xf32> to vector<16xf32>
      %swap3A_1050 = arith.index_cast %add3A_1042 : i32 to index
      %swap3A_1051 = tpu.vector_load %arg8[%swap3A_1050] {strides = array<i32>} : memref<2048xf32, #tpu.memory_space<vmem>>, vector<16xf32>,
      %swap3A_1052 = vector.shape_cast %swap3A_1051 : vector<16xf32> to vector<16xf32>
      %swap3A_1053 = vector.shape_cast %get3A_1049 : vector<16xf32> to vector<16xf32>
      tpu.vector_store %arg8[%swap3A_1050], %swap3A_1053 {add = true, strides = array<i32>} : memref<2048xf32, #tpu.memory_space<vmem>>, vector<16xf32>,
      %eq3A_1054 = vector.broadcast %squeeze3A_933 : i32 to vector<16xi32>
      %eq3A_1055 = arith.cmpi eq, %iota3A, %eq3A_1054 : vector<16xi32>
      %jit3A_1056 = arith.constant 1.000000e+00 : f32
      %jit3A_1057 = arith.constant 0.000000e+00 : f32
      %broadcast_in_dim3A_1058 = vector.broadcast %jit3A_1056 : f32 to vector<16xf32>
      %broadcast_in_dim3A_1059 = vector.broadcast %jit3A_1057 : f32 to vector<16xf32>
      %select_n3A_1060 = arith.select %eq3A_1055, %broadcast_in_dim3A_1058, %broadcast_in_dim3A_1059 : vector<16xi1>, vector<16xf32>
      %add3A_1061 = arith.addf %add3A_931, %select_n3A_1060 : vector<16xf32>
      %slice3A_1062 = vector.extract_strided_slice %get3A_541 {offsets = [4], sizes = [1], strides = [1]} : vector<16xi32> to vector<1xi32>
      %squeeze3A_1063 = vector.extract %slice3A_1062[0] : i32 from vector<1xi32>
      %mul3A_1064 = arith.constant 128 : i32
      %mul3A_1065 = arith.muli %squeeze3A_1063, %mul3A_1064 : i32
      %add3A_1066 = arith.constant 0 : i32
      %add3A_1067 = arith.addi %mul3A_1065, %add3A_1066 : i32
      %add3A_1068 = arith.constant 512 : i32
      %add3A_1069 = arith.addi %mul3A_543, %add3A_1068 : i32
      %add3A_1070 = arith.constant 0 : i32
      %add3A_1071 = arith.addi %add3A_1069, %add3A_1070 : i32
      %get3A_1072 = arith.index_cast %add3A_1071 : i32 to index
      %get3A_1073 = tpu.vector_load %arg6[%get3A_1072] {strides = array<i32>} : memref<40960xf32, #tpu.memory_space<vmem>>, vector<16xf32>,
      %get3A_1074 = vector.shape_cast %get3A_1073 : vector<16xf32> to vector<16xf32>
      %swap3A_1075 = arith.index_cast %add3A_1067 : i32 to index
      %swap3A_1076 = tpu.vector_load %arg8[%swap3A_1075] {strides = array<i32>} : memref<2048xf32, #tpu.memory_space<vmem>>, vector<16xf32>,
      %swap3A_1077 = vector.shape_cast %swap3A_1076 : vector<16xf32> to vector<16xf32>
      %swap3A_1078 = vector.shape_cast %get3A_1074 : vector<16xf32> to vector<16xf32>
      tpu.vector_store %arg8[%swap3A_1075], %swap3A_1078 {add = true, strides = array<i32>} : memref<2048xf32, #tpu.memory_space<vmem>>, vector<16xf32>,
      %mul3A_1079 = arith.constant 128 : i32
      %mul3A_1080 = arith.muli %squeeze3A_1063, %mul3A_1079 : i32
      %add3A_1081 = arith.constant 16 : i32
      %add3A_1082 = arith.addi %mul3A_1080, %add3A_1081 : i32
      %add3A_1083 = arith.constant 512 : i32
      %add3A_1084 = arith.addi %mul3A_543, %add3A_1083 : i32
      %add3A_1085 = arith.constant 16 : i32
      %add3A_1086 = arith.addi %add3A_1084, %add3A_1085 : i32
      %get3A_1087 = arith.index_cast %add3A_1086 : i32 to index
      %get3A_1088 = tpu.vector_load %arg6[%get3A_1087] {strides = array<i32>} : memref<40960xf32, #tpu.memory_space<vmem>>, vector<16xf32>,
      %get3A_1089 = vector.shape_cast %get3A_1088 : vector<16xf32> to vector<16xf32>
      %swap3A_1090 = arith.index_cast %add3A_1082 : i32 to index
      %swap3A_1091 = tpu.vector_load %arg8[%swap3A_1090] {strides = array<i32>} : memref<2048xf32, #tpu.memory_space<vmem>>, vector<16xf32>,
      %swap3A_1092 = vector.shape_cast %swap3A_1091 : vector<16xf32> to vector<16xf32>
      %swap3A_1093 = vector.shape_cast %get3A_1089 : vector<16xf32> to vector<16xf32>
      tpu.vector_store %arg8[%swap3A_1090], %swap3A_1093 {add = true, strides = array<i32>} : memref<2048xf32, #tpu.memory_space<vmem>>, vector<16xf32>,
      %mul3A_1094 = arith.constant 128 : i32
      %mul3A_1095 = arith.muli %squeeze3A_1063, %mul3A_1094 : i32
      %add3A_1096 = arith.constant 32 : i32
      %add3A_1097 = arith.addi %mul3A_1095, %add3A_1096 : i32
      %add3A_1098 = arith.constant 512 : i32
      %add3A_1099 = arith.addi %mul3A_543, %add3A_1098 : i32
      %add3A_1100 = arith.constant 32 : i32
      %add3A_1101 = arith.addi %add3A_1099, %add3A_1100 : i32
      %get3A_1102 = arith.index_cast %add3A_1101 : i32 to index
      %get3A_1103 = tpu.vector_load %arg6[%get3A_1102] {strides = array<i32>} : memref<40960xf32, #tpu.memory_space<vmem>>, vector<16xf32>,
      %get3A_1104 = vector.shape_cast %get3A_1103 : vector<16xf32> to vector<16xf32>
      %swap3A_1105 = arith.index_cast %add3A_1097 : i32 to index
      %swap3A_1106 = tpu.vector_load %arg8[%swap3A_1105] {strides = array<i32>} : memref<2048xf32, #tpu.memory_space<vmem>>, vector<16xf32>,
      %swap3A_1107 = vector.shape_cast %swap3A_1106 : vector<16xf32> to vector<16xf32>
      %swap3A_1108 = vector.shape_cast %get3A_1104 : vector<16xf32> to vector<16xf32>
      tpu.vector_store %arg8[%swap3A_1105], %swap3A_1108 {add = true, strides = array<i32>} : memref<2048xf32, #tpu.memory_space<vmem>>, vector<16xf32>,
      %mul3A_1109 = arith.constant 128 : i32
      %mul3A_1110 = arith.muli %squeeze3A_1063, %mul3A_1109 : i32
      %add3A_1111 = arith.constant 48 : i32
      %add3A_1112 = arith.addi %mul3A_1110, %add3A_1111 : i32
      %add3A_1113 = arith.constant 512 : i32
      %add3A_1114 = arith.addi %mul3A_543, %add3A_1113 : i32
      %add3A_1115 = arith.constant 48 : i32
      %add3A_1116 = arith.addi %add3A_1114, %add3A_1115 : i32
      %get3A_1117 = arith.index_cast %add3A_1116 : i32 to index
      %get3A_1118 = tpu.vector_load %arg6[%get3A_1117] {strides = array<i32>} : memref<40960xf32, #tpu.memory_space<vmem>>, vector<16xf32>,
      %get3A_1119 = vector.shape_cast %get3A_1118 : vector<16xf32> to vector<16xf32>
      %swap3A_1120 = arith.index_cast %add3A_1112 : i32 to index
      %swap3A_1121 = tpu.vector_load %arg8[%swap3A_1120] {strides = array<i32>} : memref<2048xf32, #tpu.memory_space<vmem>>, vector<16xf32>,
      %swap3A_1122 = vector.shape_cast %swap3A_1121 : vector<16xf32> to vector<16xf32>
      %swap3A_1123 = vector.shape_cast %get3A_1119 : vector<16xf32> to vector<16xf32>
      tpu.vector_store %arg8[%swap3A_1120], %swap3A_1123 {add = true, strides = array<i32>} : memref<2048xf32, #tpu.memory_space<vmem>>, vector<16xf32>,
      %mul3A_1124 = arith.constant 128 : i32
      %mul3A_1125 = arith.muli %squeeze3A_1063, %mul3A_1124 : i32
      %add3A_1126 = arith.constant 64 : i32
      %add3A_1127 = arith.addi %mul3A_1125, %add3A_1126 : i32
      %add3A_1128 = arith.constant 512 : i32
      %add3A_1129 = arith.addi %mul3A_543, %add3A_1128 : i32
      %add3A_1130 = arith.constant 64 : i32
      %add3A_1131 = arith.addi %add3A_1129, %add3A_1130 : i32
      %get3A_1132 = arith.index_cast %add3A_1131 : i32 to index
      %get3A_1133 = tpu.vector_load %arg6[%get3A_1132] {strides = array<i32>} : memref<40960xf32, #tpu.memory_space<vmem>>, vector<16xf32>,
      %get3A_1134 = vector.shape_cast %get3A_1133 : vector<16xf32> to vector<16xf32>
      %swap3A_1135 = arith.index_cast %add3A_1127 : i32 to index
      %swap3A_1136 = tpu.vector_load %arg8[%swap3A_1135] {strides = array<i32>} : memref<2048xf32, #tpu.memory_space<vmem>>, vector<16xf32>,
      %swap3A_1137 = vector.shape_cast %swap3A_1136 : vector<16xf32> to vector<16xf32>
      %swap3A_1138 = vector.shape_cast %get3A_1134 : vector<16xf32> to vector<16xf32>
      tpu.vector_store %arg8[%swap3A_1135], %swap3A_1138 {add = true, strides = array<i32>} : memref<2048xf32, #tpu.memory_space<vmem>>, vector<16xf32>,
      %mul3A_1139 = arith.constant 128 : i32
      %mul3A_1140 = arith.muli %squeeze3A_1063, %mul3A_1139 : i32
      %add3A_1141 = arith.constant 80 : i32
      %add3A_1142 = arith.addi %mul3A_1140, %add3A_1141 : i32
      %add3A_1143 = arith.constant 512 : i32
      %add3A_1144 = arith.addi %mul3A_543, %add3A_1143 : i32
      %add3A_1145 = arith.constant 80 : i32
      %add3A_1146 = arith.addi %add3A_1144, %add3A_1145 : i32
      %get3A_1147 = arith.index_cast %add3A_1146 : i32 to index
      %get3A_1148 = tpu.vector_load %arg6[%get3A_1147] {strides = array<i32>} : memref<40960xf32, #tpu.memory_space<vmem>>, vector<16xf32>,
      %get3A_1149 = vector.shape_cast %get3A_1148 : vector<16xf32> to vector<16xf32>
      %swap3A_1150 = arith.index_cast %add3A_1142 : i32 to index
      %swap3A_1151 = tpu.vector_load %arg8[%swap3A_1150] {strides = array<i32>} : memref<2048xf32, #tpu.memory_space<vmem>>, vector<16xf32>,
      %swap3A_1152 = vector.shape_cast %swap3A_1151 : vector<16xf32> to vector<16xf32>
      %swap3A_1153 = vector.shape_cast %get3A_1149 : vector<16xf32> to vector<16xf32>
      tpu.vector_store %arg8[%swap3A_1150], %swap3A_1153 {add = true, strides = array<i32>} : memref<2048xf32, #tpu.memory_space<vmem>>, vector<16xf32>,
      %mul3A_1154 = arith.constant 128 : i32
      %mul3A_1155 = arith.muli %squeeze3A_1063, %mul3A_1154 : i32
      %add3A_1156 = arith.constant 96 : i32
      %add3A_1157 = arith.addi %mul3A_1155, %add3A_1156 : i32
      %add3A_1158 = arith.constant 512 : i32
      %add3A_1159 = arith.addi %mul3A_543, %add3A_1158 : i32
      %add3A_1160 = arith.constant 96 : i32
      %add3A_1161 = arith.addi %add3A_1159, %add3A_1160 : i32
      %get3A_1162 = arith.index_cast %add3A_1161 : i32 to index
      %get3A_1163 = tpu.vector_load %arg6[%get3A_1162] {strides = array<i32>} : memref<40960xf32, #tpu.memory_space<vmem>>, vector<16xf32>,
      %get3A_1164 = vector.shape_cast %get3A_1163 : vector<16xf32> to vector<16xf32>
      %swap3A_1165 = arith.index_cast %add3A_1157 : i32 to index
      %swap3A_1166 = tpu.vector_load %arg8[%swap3A_1165] {strides = array<i32>} : memref<2048xf32, #tpu.memory_space<vmem>>, vector<16xf32>,
      %swap3A_1167 = vector.shape_cast %swap3A_1166 : vector<16xf32> to vector<16xf32>
      %swap3A_1168 = vector.shape_cast %get3A_1164 : vector<16xf32> to vector<16xf32>
      tpu.vector_store %arg8[%swap3A_1165], %swap3A_1168 {add = true, strides = array<i32>} : memref<2048xf32, #tpu.memory_space<vmem>>, vector<16xf32>,
      %mul3A_1169 = arith.constant 128 : i32
      %mul3A_1170 = arith.muli %squeeze3A_1063, %mul3A_1169 : i32
      %add3A_1171 = arith.constant 112 : i32
      %add3A_1172 = arith.addi %mul3A_1170, %add3A_1171 : i32
      %add3A_1173 = arith.constant 512 : i32
      %add3A_1174 = arith.addi %mul3A_543, %add3A_1173 : i32
      %add3A_1175 = arith.constant 112 : i32
      %add3A_1176 = arith.addi %add3A_1174, %add3A_1175 : i32
      %get3A_1177 = arith.index_cast %add3A_1176 : i32 to index
      %get3A_1178 = tpu.vector_load %arg6[%get3A_1177] {strides = array<i32>} : memref<40960xf32, #tpu.memory_space<vmem>>, vector<16xf32>,
      %get3A_1179 = vector.shape_cast %get3A_1178 : vector<16xf32> to vector<16xf32>
      %swap3A_1180 = arith.index_cast %add3A_1172 : i32 to index
      %swap3A_1181 = tpu.vector_load %arg8[%swap3A_1180] {strides = array<i32>} : memref<2048xf32, #tpu.memory_space<vmem>>, vector<16xf32>,
      %swap3A_1182 = vector.shape_cast %swap3A_1181 : vector<16xf32> to vector<16xf32>
      %swap3A_1183 = vector.shape_cast %get3A_1179 : vector<16xf32> to vector<16xf32>
      tpu.vector_store %arg8[%swap3A_1180], %swap3A_1183 {add = true, strides = array<i32>} : memref<2048xf32, #tpu.memory_space<vmem>>, vector<16xf32>,
      %eq3A_1184 = vector.broadcast %squeeze3A_1063 : i32 to vector<16xi32>
      %eq3A_1185 = arith.cmpi eq, %iota3A, %eq3A_1184 : vector<16xi32>
      %jit3A_1186 = arith.constant 1.000000e+00 : f32
      %jit3A_1187 = arith.constant 0.000000e+00 : f32
      %broadcast_in_dim3A_1188 = vector.broadcast %jit3A_1186 : f32 to vector<16xf32>
      %broadcast_in_dim3A_1189 = vector.broadcast %jit3A_1187 : f32 to vector<16xf32>
      %select_n3A_1190 = arith.select %eq3A_1185, %broadcast_in_dim3A_1188, %broadcast_in_dim3A_1189 : vector<16xi1>, vector<16xf32>
      %add3A_1191 = arith.addf %add3A_1061, %select_n3A_1190 : vector<16xf32>
      %slice3A_1192 = vector.extract_strided_slice %get3A_541 {offsets = [5], sizes = [1], strides = [1]} : vector<16xi32> to vector<1xi32>
      %squeeze3A_1193 = vector.extract %slice3A_1192[0] : i32 from vector<1xi32>
      %mul3A_1194 = arith.constant 128 : i32
      %mul3A_1195 = arith.muli %squeeze3A_1193, %mul3A_1194 : i32
      %add3A_1196 = arith.constant 0 : i32
      %add3A_1197 = arith.addi %mul3A_1195, %add3A_1196 : i32
      %add3A_1198 = arith.constant 640 : i32
      %add3A_1199 = arith.addi %mul3A_543, %add3A_1198 : i32
      %add3A_1200 = arith.constant 0 : i32
      %add3A_1201 = arith.addi %add3A_1199, %add3A_1200 : i32
      %get3A_1202 = arith.index_cast %add3A_1201 : i32 to index
      %get3A_1203 = tpu.vector_load %arg6[%get3A_1202] {strides = array<i32>} : memref<40960xf32, #tpu.memory_space<vmem>>, vector<16xf32>,
      %get3A_1204 = vector.shape_cast %get3A_1203 : vector<16xf32> to vector<16xf32>
      %swap3A_1205 = arith.index_cast %add3A_1197 : i32 to index
      %swap3A_1206 = tpu.vector_load %arg8[%swap3A_1205] {strides = array<i32>} : memref<2048xf32, #tpu.memory_space<vmem>>, vector<16xf32>,
      %swap3A_1207 = vector.shape_cast %swap3A_1206 : vector<16xf32> to vector<16xf32>
      %swap3A_1208 = vector.shape_cast %get3A_1204 : vector<16xf32> to vector<16xf32>
      tpu.vector_store %arg8[%swap3A_1205], %swap3A_1208 {add = true, strides = array<i32>} : memref<2048xf32, #tpu.memory_space<vmem>>, vector<16xf32>,
      %mul3A_1209 = arith.constant 128 : i32
      %mul3A_1210 = arith.muli %squeeze3A_1193, %mul3A_1209 : i32
      %add3A_1211 = arith.constant 16 : i32
      %add3A_1212 = arith.addi %mul3A_1210, %add3A_1211 : i32
      %add3A_1213 = arith.constant 640 : i32
      %add3A_1214 = arith.addi %mul3A_543, %add3A_1213 : i32
      %add3A_1215 = arith.constant 16 : i32
      %add3A_1216 = arith.addi %add3A_1214, %add3A_1215 : i32
      %get3A_1217 = arith.index_cast %add3A_1216 : i32 to index
      %get3A_1218 = tpu.vector_load %arg6[%get3A_1217] {strides = array<i32>} : memref<40960xf32, #tpu.memory_space<vmem>>, vector<16xf32>,
      %get3A_1219 = vector.shape_cast %get3A_1218 : vector<16xf32> to vector<16xf32>
      %swap3A_1220 = arith.index_cast %add3A_1212 : i32 to index
      %swap3A_1221 = tpu.vector_load %arg8[%swap3A_1220] {strides = array<i32>} : memref<2048xf32, #tpu.memory_space<vmem>>, vector<16xf32>,
      %swap3A_1222 = vector.shape_cast %swap3A_1221 : vector<16xf32> to vector<16xf32>
      %swap3A_1223 = vector.shape_cast %get3A_1219 : vector<16xf32> to vector<16xf32>
      tpu.vector_store %arg8[%swap3A_1220], %swap3A_1223 {add = true, strides = array<i32>} : memref<2048xf32, #tpu.memory_space<vmem>>, vector<16xf32>,
      %mul3A_1224 = arith.constant 128 : i32
      %mul3A_1225 = arith.muli %squeeze3A_1193, %mul3A_1224 : i32
      %add3A_1226 = arith.constant 32 : i32
      %add3A_1227 = arith.addi %mul3A_1225, %add3A_1226 : i32
      %add3A_1228 = arith.constant 640 : i32
      %add3A_1229 = arith.addi %mul3A_543, %add3A_1228 : i32
      %add3A_1230 = arith.constant 32 : i32
      %add3A_1231 = arith.addi %add3A_1229, %add3A_1230 : i32
      %get3A_1232 = arith.index_cast %add3A_1231 : i32 to index
      %get3A_1233 = tpu.vector_load %arg6[%get3A_1232] {strides = array<i32>} : memref<40960xf32, #tpu.memory_space<vmem>>, vector<16xf32>,
      %get3A_1234 = vector.shape_cast %get3A_1233 : vector<16xf32> to vector<16xf32>
      %swap3A_1235 = arith.index_cast %add3A_1227 : i32 to index
      %swap3A_1236 = tpu.vector_load %arg8[%swap3A_1235] {strides = array<i32>} : memref<2048xf32, #tpu.memory_space<vmem>>, vector<16xf32>,
      %swap3A_1237 = vector.shape_cast %swap3A_1236 : vector<16xf32> to vector<16xf32>
      %swap3A_1238 = vector.shape_cast %get3A_1234 : vector<16xf32> to vector<16xf32>
      tpu.vector_store %arg8[%swap3A_1235], %swap3A_1238 {add = true, strides = array<i32>} : memref<2048xf32, #tpu.memory_space<vmem>>, vector<16xf32>,
      %mul3A_1239 = arith.constant 128 : i32
      %mul3A_1240 = arith.muli %squeeze3A_1193, %mul3A_1239 : i32
      %add3A_1241 = arith.constant 48 : i32
      %add3A_1242 = arith.addi %mul3A_1240, %add3A_1241 : i32
      %add3A_1243 = arith.constant 640 : i32
      %add3A_1244 = arith.addi %mul3A_543, %add3A_1243 : i32
      %add3A_1245 = arith.constant 48 : i32
      %add3A_1246 = arith.addi %add3A_1244, %add3A_1245 : i32
      %get3A_1247 = arith.index_cast %add3A_1246 : i32 to index
      %get3A_1248 = tpu.vector_load %arg6[%get3A_1247] {strides = array<i32>} : memref<40960xf32, #tpu.memory_space<vmem>>, vector<16xf32>,
      %get3A_1249 = vector.shape_cast %get3A_1248 : vector<16xf32> to vector<16xf32>
      %swap3A_1250 = arith.index_cast %add3A_1242 : i32 to index
      %swap3A_1251 = tpu.vector_load %arg8[%swap3A_1250] {strides = array<i32>} : memref<2048xf32, #tpu.memory_space<vmem>>, vector<16xf32>,
      %swap3A_1252 = vector.shape_cast %swap3A_1251 : vector<16xf32> to vector<16xf32>
      %swap3A_1253 = vector.shape_cast %get3A_1249 : vector<16xf32> to vector<16xf32>
      tpu.vector_store %arg8[%swap3A_1250], %swap3A_1253 {add = true, strides = array<i32>} : memref<2048xf32, #tpu.memory_space<vmem>>, vector<16xf32>,
      %mul3A_1254 = arith.constant 128 : i32
      %mul3A_1255 = arith.muli %squeeze3A_1193, %mul3A_1254 : i32
      %add3A_1256 = arith.constant 64 : i32
      %add3A_1257 = arith.addi %mul3A_1255, %add3A_1256 : i32
      %add3A_1258 = arith.constant 640 : i32
      %add3A_1259 = arith.addi %mul3A_543, %add3A_1258 : i32
      %add3A_1260 = arith.constant 64 : i32
      %add3A_1261 = arith.addi %add3A_1259, %add3A_1260 : i32
      %get3A_1262 = arith.index_cast %add3A_1261 : i32 to index
      %get3A_1263 = tpu.vector_load %arg6[%get3A_1262] {strides = array<i32>} : memref<40960xf32, #tpu.memory_space<vmem>>, vector<16xf32>,
      %get3A_1264 = vector.shape_cast %get3A_1263 : vector<16xf32> to vector<16xf32>
      %swap3A_1265 = arith.index_cast %add3A_1257 : i32 to index
      %swap3A_1266 = tpu.vector_load %arg8[%swap3A_1265] {strides = array<i32>} : memref<2048xf32, #tpu.memory_space<vmem>>, vector<16xf32>,
      %swap3A_1267 = vector.shape_cast %swap3A_1266 : vector<16xf32> to vector<16xf32>
      %swap3A_1268 = vector.shape_cast %get3A_1264 : vector<16xf32> to vector<16xf32>
      tpu.vector_store %arg8[%swap3A_1265], %swap3A_1268 {add = true, strides = array<i32>} : memref<2048xf32, #tpu.memory_space<vmem>>, vector<16xf32>,
      %mul3A_1269 = arith.constant 128 : i32
      %mul3A_1270 = arith.muli %squeeze3A_1193, %mul3A_1269 : i32
      %add3A_1271 = arith.constant 80 : i32
      %add3A_1272 = arith.addi %mul3A_1270, %add3A_1271 : i32
      %add3A_1273 = arith.constant 640 : i32
      %add3A_1274 = arith.addi %mul3A_543, %add3A_1273 : i32
      %add3A_1275 = arith.constant 80 : i32
      %add3A_1276 = arith.addi %add3A_1274, %add3A_1275 : i32
      %get3A_1277 = arith.index_cast %add3A_1276 : i32 to index
      %get3A_1278 = tpu.vector_load %arg6[%get3A_1277] {strides = array<i32>} : memref<40960xf32, #tpu.memory_space<vmem>>, vector<16xf32>,
      %get3A_1279 = vector.shape_cast %get3A_1278 : vector<16xf32> to vector<16xf32>
      %swap3A_1280 = arith.index_cast %add3A_1272 : i32 to index
      %swap3A_1281 = tpu.vector_load %arg8[%swap3A_1280] {strides = array<i32>} : memref<2048xf32, #tpu.memory_space<vmem>>, vector<16xf32>,
      %swap3A_1282 = vector.shape_cast %swap3A_1281 : vector<16xf32> to vector<16xf32>
      %swap3A_1283 = vector.shape_cast %get3A_1279 : vector<16xf32> to vector<16xf32>
      tpu.vector_store %arg8[%swap3A_1280], %swap3A_1283 {add = true, strides = array<i32>} : memref<2048xf32, #tpu.memory_space<vmem>>, vector<16xf32>,
      %mul3A_1284 = arith.constant 128 : i32
      %mul3A_1285 = arith.muli %squeeze3A_1193, %mul3A_1284 : i32
      %add3A_1286 = arith.constant 96 : i32
      %add3A_1287 = arith.addi %mul3A_1285, %add3A_1286 : i32
      %add3A_1288 = arith.constant 640 : i32
      %add3A_1289 = arith.addi %mul3A_543, %add3A_1288 : i32
      %add3A_1290 = arith.constant 96 : i32
      %add3A_1291 = arith.addi %add3A_1289, %add3A_1290 : i32
      %get3A_1292 = arith.index_cast %add3A_1291 : i32 to index
      %get3A_1293 = tpu.vector_load %arg6[%get3A_1292] {strides = array<i32>} : memref<40960xf32, #tpu.memory_space<vmem>>, vector<16xf32>,
      %get3A_1294 = vector.shape_cast %get3A_1293 : vector<16xf32> to vector<16xf32>
      %swap3A_1295 = arith.index_cast %add3A_1287 : i32 to index
      %swap3A_1296 = tpu.vector_load %arg8[%swap3A_1295] {strides = array<i32>} : memref<2048xf32, #tpu.memory_space<vmem>>, vector<16xf32>,
      %swap3A_1297 = vector.shape_cast %swap3A_1296 : vector<16xf32> to vector<16xf32>
      %swap3A_1298 = vector.shape_cast %get3A_1294 : vector<16xf32> to vector<16xf32>
      tpu.vector_store %arg8[%swap3A_1295], %swap3A_1298 {add = true, strides = array<i32>} : memref<2048xf32, #tpu.memory_space<vmem>>, vector<16xf32>,
      %mul3A_1299 = arith.constant 128 : i32
      %mul3A_1300 = arith.muli %squeeze3A_1193, %mul3A_1299 : i32
      %add3A_1301 = arith.constant 112 : i32
      %add3A_1302 = arith.addi %mul3A_1300, %add3A_1301 : i32
      %add3A_1303 = arith.constant 640 : i32
      %add3A_1304 = arith.addi %mul3A_543, %add3A_1303 : i32
      %add3A_1305 = arith.constant 112 : i32
      %add3A_1306 = arith.addi %add3A_1304, %add3A_1305 : i32
      %get3A_1307 = arith.index_cast %add3A_1306 : i32 to index
      %get3A_1308 = tpu.vector_load %arg6[%get3A_1307] {strides = array<i32>} : memref<40960xf32, #tpu.memory_space<vmem>>, vector<16xf32>,
      %get3A_1309 = vector.shape_cast %get3A_1308 : vector<16xf32> to vector<16xf32>
      %swap3A_1310 = arith.index_cast %add3A_1302 : i32 to index
      %swap3A_1311 = tpu.vector_load %arg8[%swap3A_1310] {strides = array<i32>} : memref<2048xf32, #tpu.memory_space<vmem>>, vector<16xf32>,
      %swap3A_1312 = vector.shape_cast %swap3A_1311 : vector<16xf32> to vector<16xf32>
      %swap3A_1313 = vector.shape_cast %get3A_1309 : vector<16xf32> to vector<16xf32>
      tpu.vector_store %arg8[%swap3A_1310], %swap3A_1313 {add = true, strides = array<i32>} : memref<2048xf32, #tpu.memory_space<vmem>>, vector<16xf32>,
      %eq3A_1314 = vector.broadcast %squeeze3A_1193 : i32 to vector<16xi32>
      %eq3A_1315 = arith.cmpi eq, %iota3A, %eq3A_1314 : vector<16xi32>
      %jit3A_1316 = arith.constant 1.000000e+00 : f32
      %jit3A_1317 = arith.constant 0.000000e+00 : f32
      %broadcast_in_dim3A_1318 = vector.broadcast %jit3A_1316 : f32 to vector<16xf32>
      %broadcast_in_dim3A_1319 = vector.broadcast %jit3A_1317 : f32 to vector<16xf32>
      %select_n3A_1320 = arith.select %eq3A_1315, %broadcast_in_dim3A_1318, %broadcast_in_dim3A_1319 : vector<16xi1>, vector<16xf32>
      %add3A_1321 = arith.addf %add3A_1191, %select_n3A_1320 : vector<16xf32>
      %slice3A_1322 = vector.extract_strided_slice %get3A_541 {offsets = [6], sizes = [1], strides = [1]} : vector<16xi32> to vector<1xi32>
      %squeeze3A_1323 = vector.extract %slice3A_1322[0] : i32 from vector<1xi32>
      %mul3A_1324 = arith.constant 128 : i32
      %mul3A_1325 = arith.muli %squeeze3A_1323, %mul3A_1324 : i32
      %add3A_1326 = arith.constant 0 : i32
      %add3A_1327 = arith.addi %mul3A_1325, %add3A_1326 : i32
      %add3A_1328 = arith.constant 768 : i32
      %add3A_1329 = arith.addi %mul3A_543, %add3A_1328 : i32
      %add3A_1330 = arith.constant 0 : i32
      %add3A_1331 = arith.addi %add3A_1329, %add3A_1330 : i32
      %get3A_1332 = arith.index_cast %add3A_1331 : i32 to index
      %get3A_1333 = tpu.vector_load %arg6[%get3A_1332] {strides = array<i32>} : memref<40960xf32, #tpu.memory_space<vmem>>, vector<16xf32>,
      %get3A_1334 = vector.shape_cast %get3A_1333 : vector<16xf32> to vector<16xf32>
      %swap3A_1335 = arith.index_cast %add3A_1327 : i32 to index
      %swap3A_1336 = tpu.vector_load %arg8[%swap3A_1335] {strides = array<i32>} : memref<2048xf32, #tpu.memory_space<vmem>>, vector<16xf32>,
      %swap3A_1337 = vector.shape_cast %swap3A_1336 : vector<16xf32> to vector<16xf32>
      %swap3A_1338 = vector.shape_cast %get3A_1334 : vector<16xf32> to vector<16xf32>
      tpu.vector_store %arg8[%swap3A_1335], %swap3A_1338 {add = true, strides = array<i32>} : memref<2048xf32, #tpu.memory_space<vmem>>, vector<16xf32>,
      %mul3A_1339 = arith.constant 128 : i32
      %mul3A_1340 = arith.muli %squeeze3A_1323, %mul3A_1339 : i32
      %add3A_1341 = arith.constant 16 : i32
      %add3A_1342 = arith.addi %mul3A_1340, %add3A_1341 : i32
      %add3A_1343 = arith.constant 768 : i32
      %add3A_1344 = arith.addi %mul3A_543, %add3A_1343 : i32
      %add3A_1345 = arith.constant 16 : i32
      %add3A_1346 = arith.addi %add3A_1344, %add3A_1345 : i32
      %get3A_1347 = arith.index_cast %add3A_1346 : i32 to index
      %get3A_1348 = tpu.vector_load %arg6[%get3A_1347] {strides = array<i32>} : memref<40960xf32, #tpu.memory_space<vmem>>, vector<16xf32>,
      %get3A_1349 = vector.shape_cast %get3A_1348 : vector<16xf32> to vector<16xf32>
      %swap3A_1350 = arith.index_cast %add3A_1342 : i32 to index
      %swap3A_1351 = tpu.vector_load %arg8[%swap3A_1350] {strides = array<i32>} : memref<2048xf32, #tpu.memory_space<vmem>>, vector<16xf32>,
      %swap3A_1352 = vector.shape_cast %swap3A_1351 : vector<16xf32> to vector<16xf32>
      %swap3A_1353 = vector.shape_cast %get3A_1349 : vector<16xf32> to vector<16xf32>
      tpu.vector_store %arg8[%swap3A_1350], %swap3A_1353 {add = true, strides = array<i32>} : memref<2048xf32, #tpu.memory_space<vmem>>, vector<16xf32>,
      %mul3A_1354 = arith.constant 128 : i32
      %mul3A_1355 = arith.muli %squeeze3A_1323, %mul3A_1354 : i32
      %add3A_1356 = arith.constant 32 : i32
      %add3A_1357 = arith.addi %mul3A_1355, %add3A_1356 : i32
      %add3A_1358 = arith.constant 768 : i32
      %add3A_1359 = arith.addi %mul3A_543, %add3A_1358 : i32
      %add3A_1360 = arith.constant 32 : i32
      %add3A_1361 = arith.addi %add3A_1359, %add3A_1360 : i32
      %get3A_1362 = arith.index_cast %add3A_1361 : i32 to index
      %get3A_1363 = tpu.vector_load %arg6[%get3A_1362] {strides = array<i32>} : memref<40960xf32, #tpu.memory_space<vmem>>, vector<16xf32>,
      %get3A_1364 = vector.shape_cast %get3A_1363 : vector<16xf32> to vector<16xf32>
      %swap3A_1365 = arith.index_cast %add3A_1357 : i32 to index
      %swap3A_1366 = tpu.vector_load %arg8[%swap3A_1365] {strides = array<i32>} : memref<2048xf32, #tpu.memory_space<vmem>>, vector<16xf32>,
      %swap3A_1367 = vector.shape_cast %swap3A_1366 : vector<16xf32> to vector<16xf32>
      %swap3A_1368 = vector.shape_cast %get3A_1364 : vector<16xf32> to vector<16xf32>
      tpu.vector_store %arg8[%swap3A_1365], %swap3A_1368 {add = true, strides = array<i32>} : memref<2048xf32, #tpu.memory_space<vmem>>, vector<16xf32>,
      %mul3A_1369 = arith.constant 128 : i32
      %mul3A_1370 = arith.muli %squeeze3A_1323, %mul3A_1369 : i32
      %add3A_1371 = arith.constant 48 : i32
      %add3A_1372 = arith.addi %mul3A_1370, %add3A_1371 : i32
      %add3A_1373 = arith.constant 768 : i32
      %add3A_1374 = arith.addi %mul3A_543, %add3A_1373 : i32
      %add3A_1375 = arith.constant 48 : i32
      %add3A_1376 = arith.addi %add3A_1374, %add3A_1375 : i32
      %get3A_1377 = arith.index_cast %add3A_1376 : i32 to index
      %get3A_1378 = tpu.vector_load %arg6[%get3A_1377] {strides = array<i32>} : memref<40960xf32, #tpu.memory_space<vmem>>, vector<16xf32>,
      %get3A_1379 = vector.shape_cast %get3A_1378 : vector<16xf32> to vector<16xf32>
      %swap3A_1380 = arith.index_cast %add3A_1372 : i32 to index
      %swap3A_1381 = tpu.vector_load %arg8[%swap3A_1380] {strides = array<i32>} : memref<2048xf32, #tpu.memory_space<vmem>>, vector<16xf32>,
      %swap3A_1382 = vector.shape_cast %swap3A_1381 : vector<16xf32> to vector<16xf32>
      %swap3A_1383 = vector.shape_cast %get3A_1379 : vector<16xf32> to vector<16xf32>
      tpu.vector_store %arg8[%swap3A_1380], %swap3A_1383 {add = true, strides = array<i32>} : memref<2048xf32, #tpu.memory_space<vmem>>, vector<16xf32>,
      %mul3A_1384 = arith.constant 128 : i32
      %mul3A_1385 = arith.muli %squeeze3A_1323, %mul3A_1384 : i32
      %add3A_1386 = arith.constant 64 : i32
      %add3A_1387 = arith.addi %mul3A_1385, %add3A_1386 : i32
      %add3A_1388 = arith.constant 768 : i32
      %add3A_1389 = arith.addi %mul3A_543, %add3A_1388 : i32
      %add3A_1390 = arith.constant 64 : i32
      %add3A_1391 = arith.addi %add3A_1389, %add3A_1390 : i32
      %get3A_1392 = arith.index_cast %add3A_1391 : i32 to index
      %get3A_1393 = tpu.vector_load %arg6[%get3A_1392] {strides = array<i32>} : memref<40960xf32, #tpu.memory_space<vmem>>, vector<16xf32>,
      %get3A_1394 = vector.shape_cast %get3A_1393 : vector<16xf32> to vector<16xf32>
      %swap3A_1395 = arith.index_cast %add3A_1387 : i32 to index
      %swap3A_1396 = tpu.vector_load %arg8[%swap3A_1395] {strides = array<i32>} : memref<2048xf32, #tpu.memory_space<vmem>>, vector<16xf32>,
      %swap3A_1397 = vector.shape_cast %swap3A_1396 : vector<16xf32> to vector<16xf32>
      %swap3A_1398 = vector.shape_cast %get3A_1394 : vector<16xf32> to vector<16xf32>
      tpu.vector_store %arg8[%swap3A_1395], %swap3A_1398 {add = true, strides = array<i32>} : memref<2048xf32, #tpu.memory_space<vmem>>, vector<16xf32>,
      %mul3A_1399 = arith.constant 128 : i32
      %mul3A_1400 = arith.muli %squeeze3A_1323, %mul3A_1399 : i32
      %add3A_1401 = arith.constant 80 : i32
      %add3A_1402 = arith.addi %mul3A_1400, %add3A_1401 : i32
      %add3A_1403 = arith.constant 768 : i32
      %add3A_1404 = arith.addi %mul3A_543, %add3A_1403 : i32
      %add3A_1405 = arith.constant 80 : i32
      %add3A_1406 = arith.addi %add3A_1404, %add3A_1405 : i32
      %get3A_1407 = arith.index_cast %add3A_1406 : i32 to index
      %get3A_1408 = tpu.vector_load %arg6[%get3A_1407] {strides = array<i32>} : memref<40960xf32, #tpu.memory_space<vmem>>, vector<16xf32>,
      %get3A_1409 = vector.shape_cast %get3A_1408 : vector<16xf32> to vector<16xf32>
      %swap3A_1410 = arith.index_cast %add3A_1402 : i32 to index
      %swap3A_1411 = tpu.vector_load %arg8[%swap3A_1410] {strides = array<i32>} : memref<2048xf32, #tpu.memory_space<vmem>>, vector<16xf32>,
      %swap3A_1412 = vector.shape_cast %swap3A_1411 : vector<16xf32> to vector<16xf32>
      %swap3A_1413 = vector.shape_cast %get3A_1409 : vector<16xf32> to vector<16xf32>
      tpu.vector_store %arg8[%swap3A_1410], %swap3A_1413 {add = true, strides = array<i32>} : memref<2048xf32, #tpu.memory_space<vmem>>, vector<16xf32>,
      %mul3A_1414 = arith.constant 128 : i32
      %mul3A_1415 = arith.muli %squeeze3A_1323, %mul3A_1414 : i32
      %add3A_1416 = arith.constant 96 : i32
      %add3A_1417 = arith.addi %mul3A_1415, %add3A_1416 : i32
      %add3A_1418 = arith.constant 768 : i32
      %add3A_1419 = arith.addi %mul3A_543, %add3A_1418 : i32
      %add3A_1420 = arith.constant 96 : i32
      %add3A_1421 = arith.addi %add3A_1419, %add3A_1420 : i32
      %get3A_1422 = arith.index_cast %add3A_1421 : i32 to index
      %get3A_1423 = tpu.vector_load %arg6[%get3A_1422] {strides = array<i32>} : memref<40960xf32, #tpu.memory_space<vmem>>, vector<16xf32>,
      %get3A_1424 = vector.shape_cast %get3A_1423 : vector<16xf32> to vector<16xf32>
      %swap3A_1425 = arith.index_cast %add3A_1417 : i32 to index
      %swap3A_1426 = tpu.vector_load %arg8[%swap3A_1425] {strides = array<i32>} : memref<2048xf32, #tpu.memory_space<vmem>>, vector<16xf32>,
      %swap3A_1427 = vector.shape_cast %swap3A_1426 : vector<16xf32> to vector<16xf32>
      %swap3A_1428 = vector.shape_cast %get3A_1424 : vector<16xf32> to vector<16xf32>
      tpu.vector_store %arg8[%swap3A_1425], %swap3A_1428 {add = true, strides = array<i32>} : memref<2048xf32, #tpu.memory_space<vmem>>, vector<16xf32>,
      %mul3A_1429 = arith.constant 128 : i32
      %mul3A_1430 = arith.muli %squeeze3A_1323, %mul3A_1429 : i32
      %add3A_1431 = arith.constant 112 : i32
      %add3A_1432 = arith.addi %mul3A_1430, %add3A_1431 : i32
      %add3A_1433 = arith.constant 768 : i32
      %add3A_1434 = arith.addi %mul3A_543, %add3A_1433 : i32
      %add3A_1435 = arith.constant 112 : i32
      %add3A_1436 = arith.addi %add3A_1434, %add3A_1435 : i32
      %get3A_1437 = arith.index_cast %add3A_1436 : i32 to index
      %get3A_1438 = tpu.vector_load %arg6[%get3A_1437] {strides = array<i32>} : memref<40960xf32, #tpu.memory_space<vmem>>, vector<16xf32>,
      %get3A_1439 = vector.shape_cast %get3A_1438 : vector<16xf32> to vector<16xf32>
      %swap3A_1440 = arith.index_cast %add3A_1432 : i32 to index
      %swap3A_1441 = tpu.vector_load %arg8[%swap3A_1440] {strides = array<i32>} : memref<2048xf32, #tpu.memory_space<vmem>>, vector<16xf32>,
      %swap3A_1442 = vector.shape_cast %swap3A_1441 : vector<16xf32> to vector<16xf32>
      %swap3A_1443 = vector.shape_cast %get3A_1439 : vector<16xf32> to vector<16xf32>
      tpu.vector_store %arg8[%swap3A_1440], %swap3A_1443 {add = true, strides = array<i32>} : memref<2048xf32, #tpu.memory_space<vmem>>, vector<16xf32>,
      %eq3A_1444 = vector.broadcast %squeeze3A_1323 : i32 to vector<16xi32>
      %eq3A_1445 = arith.cmpi eq, %iota3A, %eq3A_1444 : vector<16xi32>
      %jit3A_1446 = arith.constant 1.000000e+00 : f32
      %jit3A_1447 = arith.constant 0.000000e+00 : f32
      %broadcast_in_dim3A_1448 = vector.broadcast %jit3A_1446 : f32 to vector<16xf32>
      %broadcast_in_dim3A_1449 = vector.broadcast %jit3A_1447 : f32 to vector<16xf32>
      %select_n3A_1450 = arith.select %eq3A_1445, %broadcast_in_dim3A_1448, %broadcast_in_dim3A_1449 : vector<16xi1>, vector<16xf32>
      %add3A_1451 = arith.addf %add3A_1321, %select_n3A_1450 : vector<16xf32>
      %slice3A_1452 = vector.extract_strided_slice %get3A_541 {offsets = [7], sizes = [1], strides = [1]} : vector<16xi32> to vector<1xi32>
      %squeeze3A_1453 = vector.extract %slice3A_1452[0] : i32 from vector<1xi32>
      %mul3A_1454 = arith.constant 128 : i32
      %mul3A_1455 = arith.muli %squeeze3A_1453, %mul3A_1454 : i32
      %add3A_1456 = arith.constant 0 : i32
      %add3A_1457 = arith.addi %mul3A_1455, %add3A_1456 : i32
      %add3A_1458 = arith.constant 896 : i32
      %add3A_1459 = arith.addi %mul3A_543, %add3A_1458 : i32
      %add3A_1460 = arith.constant 0 : i32
      %add3A_1461 = arith.addi %add3A_1459, %add3A_1460 : i32
      %get3A_1462 = arith.index_cast %add3A_1461 : i32 to index
      %get3A_1463 = tpu.vector_load %arg6[%get3A_1462] {strides = array<i32>} : memref<40960xf32, #tpu.memory_space<vmem>>, vector<16xf32>,
      %get3A_1464 = vector.shape_cast %get3A_1463 : vector<16xf32> to vector<16xf32>
      %swap3A_1465 = arith.index_cast %add3A_1457 : i32 to index
      %swap3A_1466 = tpu.vector_load %arg8[%swap3A_1465] {strides = array<i32>} : memref<2048xf32, #tpu.memory_space<vmem>>, vector<16xf32>,
      %swap3A_1467 = vector.shape_cast %swap3A_1466 : vector<16xf32> to vector<16xf32>
      %swap3A_1468 = vector.shape_cast %get3A_1464 : vector<16xf32> to vector<16xf32>
      tpu.vector_store %arg8[%swap3A_1465], %swap3A_1468 {add = true, strides = array<i32>} : memref<2048xf32, #tpu.memory_space<vmem>>, vector<16xf32>,
      %mul3A_1469 = arith.constant 128 : i32
      %mul3A_1470 = arith.muli %squeeze3A_1453, %mul3A_1469 : i32
      %add3A_1471 = arith.constant 16 : i32
      %add3A_1472 = arith.addi %mul3A_1470, %add3A_1471 : i32
      %add3A_1473 = arith.constant 896 : i32
      %add3A_1474 = arith.addi %mul3A_543, %add3A_1473 : i32
      %add3A_1475 = arith.constant 16 : i32
      %add3A_1476 = arith.addi %add3A_1474, %add3A_1475 : i32
      %get3A_1477 = arith.index_cast %add3A_1476 : i32 to index
      %get3A_1478 = tpu.vector_load %arg6[%get3A_1477] {strides = array<i32>} : memref<40960xf32, #tpu.memory_space<vmem>>, vector<16xf32>,
      %get3A_1479 = vector.shape_cast %get3A_1478 : vector<16xf32> to vector<16xf32>
      %swap3A_1480 = arith.index_cast %add3A_1472 : i32 to index
      %swap3A_1481 = tpu.vector_load %arg8[%swap3A_1480] {strides = array<i32>} : memref<2048xf32, #tpu.memory_space<vmem>>, vector<16xf32>,
      %swap3A_1482 = vector.shape_cast %swap3A_1481 : vector<16xf32> to vector<16xf32>
      %swap3A_1483 = vector.shape_cast %get3A_1479 : vector<16xf32> to vector<16xf32>
      tpu.vector_store %arg8[%swap3A_1480], %swap3A_1483 {add = true, strides = array<i32>} : memref<2048xf32, #tpu.memory_space<vmem>>, vector<16xf32>,
      %mul3A_1484 = arith.constant 128 : i32
      %mul3A_1485 = arith.muli %squeeze3A_1453, %mul3A_1484 : i32
      %add3A_1486 = arith.constant 32 : i32
      %add3A_1487 = arith.addi %mul3A_1485, %add3A_1486 : i32
      %add3A_1488 = arith.constant 896 : i32
      %add3A_1489 = arith.addi %mul3A_543, %add3A_1488 : i32
      %add3A_1490 = arith.constant 32 : i32
      %add3A_1491 = arith.addi %add3A_1489, %add3A_1490 : i32
      %get3A_1492 = arith.index_cast %add3A_1491 : i32 to index
      %get3A_1493 = tpu.vector_load %arg6[%get3A_1492] {strides = array<i32>} : memref<40960xf32, #tpu.memory_space<vmem>>, vector<16xf32>,
      %get3A_1494 = vector.shape_cast %get3A_1493 : vector<16xf32> to vector<16xf32>
      %swap3A_1495 = arith.index_cast %add3A_1487 : i32 to index
      %swap3A_1496 = tpu.vector_load %arg8[%swap3A_1495] {strides = array<i32>} : memref<2048xf32, #tpu.memory_space<vmem>>, vector<16xf32>,
      %swap3A_1497 = vector.shape_cast %swap3A_1496 : vector<16xf32> to vector<16xf32>
      %swap3A_1498 = vector.shape_cast %get3A_1494 : vector<16xf32> to vector<16xf32>
      tpu.vector_store %arg8[%swap3A_1495], %swap3A_1498 {add = true, strides = array<i32>} : memref<2048xf32, #tpu.memory_space<vmem>>, vector<16xf32>,
      %mul3A_1499 = arith.constant 128 : i32
      %mul3A_1500 = arith.muli %squeeze3A_1453, %mul3A_1499 : i32
      %add3A_1501 = arith.constant 48 : i32
      %add3A_1502 = arith.addi %mul3A_1500, %add3A_1501 : i32
      %add3A_1503 = arith.constant 896 : i32
      %add3A_1504 = arith.addi %mul3A_543, %add3A_1503 : i32
      %add3A_1505 = arith.constant 48 : i32
      %add3A_1506 = arith.addi %add3A_1504, %add3A_1505 : i32
      %get3A_1507 = arith.index_cast %add3A_1506 : i32 to index
      %get3A_1508 = tpu.vector_load %arg6[%get3A_1507] {strides = array<i32>} : memref<40960xf32, #tpu.memory_space<vmem>>, vector<16xf32>,
      %get3A_1509 = vector.shape_cast %get3A_1508 : vector<16xf32> to vector<16xf32>
      %swap3A_1510 = arith.index_cast %add3A_1502 : i32 to index
      %swap3A_1511 = tpu.vector_load %arg8[%swap3A_1510] {strides = array<i32>} : memref<2048xf32, #tpu.memory_space<vmem>>, vector<16xf32>,
      %swap3A_1512 = vector.shape_cast %swap3A_1511 : vector<16xf32> to vector<16xf32>
      %swap3A_1513 = vector.shape_cast %get3A_1509 : vector<16xf32> to vector<16xf32>
      tpu.vector_store %arg8[%swap3A_1510], %swap3A_1513 {add = true, strides = array<i32>} : memref<2048xf32, #tpu.memory_space<vmem>>, vector<16xf32>,
      %mul3A_1514 = arith.constant 128 : i32
      %mul3A_1515 = arith.muli %squeeze3A_1453, %mul3A_1514 : i32
      %add3A_1516 = arith.constant 64 : i32
      %add3A_1517 = arith.addi %mul3A_1515, %add3A_1516 : i32
      %add3A_1518 = arith.constant 896 : i32
      %add3A_1519 = arith.addi %mul3A_543, %add3A_1518 : i32
      %add3A_1520 = arith.constant 64 : i32
      %add3A_1521 = arith.addi %add3A_1519, %add3A_1520 : i32
      %get3A_1522 = arith.index_cast %add3A_1521 : i32 to index
      %get3A_1523 = tpu.vector_load %arg6[%get3A_1522] {strides = array<i32>} : memref<40960xf32, #tpu.memory_space<vmem>>, vector<16xf32>,
      %get3A_1524 = vector.shape_cast %get3A_1523 : vector<16xf32> to vector<16xf32>
      %swap3A_1525 = arith.index_cast %add3A_1517 : i32 to index
      %swap3A_1526 = tpu.vector_load %arg8[%swap3A_1525] {strides = array<i32>} : memref<2048xf32, #tpu.memory_space<vmem>>, vector<16xf32>,
      %swap3A_1527 = vector.shape_cast %swap3A_1526 : vector<16xf32> to vector<16xf32>
      %swap3A_1528 = vector.shape_cast %get3A_1524 : vector<16xf32> to vector<16xf32>
      tpu.vector_store %arg8[%swap3A_1525], %swap3A_1528 {add = true, strides = array<i32>} : memref<2048xf32, #tpu.memory_space<vmem>>, vector<16xf32>,
      %mul3A_1529 = arith.constant 128 : i32
      %mul3A_1530 = arith.muli %squeeze3A_1453, %mul3A_1529 : i32
      %add3A_1531 = arith.constant 80 : i32
      %add3A_1532 = arith.addi %mul3A_1530, %add3A_1531 : i32
      %add3A_1533 = arith.constant 896 : i32
      %add3A_1534 = arith.addi %mul3A_543, %add3A_1533 : i32
      %add3A_1535 = arith.constant 80 : i32
      %add3A_1536 = arith.addi %add3A_1534, %add3A_1535 : i32
      %get3A_1537 = arith.index_cast %add3A_1536 : i32 to index
      %get3A_1538 = tpu.vector_load %arg6[%get3A_1537] {strides = array<i32>} : memref<40960xf32, #tpu.memory_space<vmem>>, vector<16xf32>,
      %get3A_1539 = vector.shape_cast %get3A_1538 : vector<16xf32> to vector<16xf32>
      %swap3A_1540 = arith.index_cast %add3A_1532 : i32 to index
      %swap3A_1541 = tpu.vector_load %arg8[%swap3A_1540] {strides = array<i32>} : memref<2048xf32, #tpu.memory_space<vmem>>, vector<16xf32>,
      %swap3A_1542 = vector.shape_cast %swap3A_1541 : vector<16xf32> to vector<16xf32>
      %swap3A_1543 = vector.shape_cast %get3A_1539 : vector<16xf32> to vector<16xf32>
      tpu.vector_store %arg8[%swap3A_1540], %swap3A_1543 {add = true, strides = array<i32>} : memref<2048xf32, #tpu.memory_space<vmem>>, vector<16xf32>,
      %mul3A_1544 = arith.constant 128 : i32
      %mul3A_1545 = arith.muli %squeeze3A_1453, %mul3A_1544 : i32
      %add3A_1546 = arith.constant 96 : i32
      %add3A_1547 = arith.addi %mul3A_1545, %add3A_1546 : i32
      %add3A_1548 = arith.constant 896 : i32
      %add3A_1549 = arith.addi %mul3A_543, %add3A_1548 : i32
      %add3A_1550 = arith.constant 96 : i32
      %add3A_1551 = arith.addi %add3A_1549, %add3A_1550 : i32
      %get3A_1552 = arith.index_cast %add3A_1551 : i32 to index
      %get3A_1553 = tpu.vector_load %arg6[%get3A_1552] {strides = array<i32>} : memref<40960xf32, #tpu.memory_space<vmem>>, vector<16xf32>,
      %get3A_1554 = vector.shape_cast %get3A_1553 : vector<16xf32> to vector<16xf32>
      %swap3A_1555 = arith.index_cast %add3A_1547 : i32 to index
      %swap3A_1556 = tpu.vector_load %arg8[%swap3A_1555] {strides = array<i32>} : memref<2048xf32, #tpu.memory_space<vmem>>, vector<16xf32>,
      %swap3A_1557 = vector.shape_cast %swap3A_1556 : vector<16xf32> to vector<16xf32>
      %swap3A_1558 = vector.shape_cast %get3A_1554 : vector<16xf32> to vector<16xf32>
      tpu.vector_store %arg8[%swap3A_1555], %swap3A_1558 {add = true, strides = array<i32>} : memref<2048xf32, #tpu.memory_space<vmem>>, vector<16xf32>,
      %mul3A_1559 = arith.constant 128 : i32
      %mul3A_1560 = arith.muli %squeeze3A_1453, %mul3A_1559 : i32
      %add3A_1561 = arith.constant 112 : i32
      %add3A_1562 = arith.addi %mul3A_1560, %add3A_1561 : i32
      %add3A_1563 = arith.constant 896 : i32
      %add3A_1564 = arith.addi %mul3A_543, %add3A_1563 : i32
      %add3A_1565 = arith.constant 112 : i32
      %add3A_1566 = arith.addi %add3A_1564, %add3A_1565 : i32
      %get3A_1567 = arith.index_cast %add3A_1566 : i32 to index
      %get3A_1568 = tpu.vector_load %arg6[%get3A_1567] {strides = array<i32>} : memref<40960xf32, #tpu.memory_space<vmem>>, vector<16xf32>,
      %get3A_1569 = vector.shape_cast %get3A_1568 : vector<16xf32> to vector<16xf32>
      %swap3A_1570 = arith.index_cast %add3A_1562 : i32 to index
      %swap3A_1571 = tpu.vector_load %arg8[%swap3A_1570] {strides = array<i32>} : memref<2048xf32, #tpu.memory_space<vmem>>, vector<16xf32>,
      %swap3A_1572 = vector.shape_cast %swap3A_1571 : vector<16xf32> to vector<16xf32>
      %swap3A_1573 = vector.shape_cast %get3A_1569 : vector<16xf32> to vector<16xf32>
      tpu.vector_store %arg8[%swap3A_1570], %swap3A_1573 {add = true, strides = array<i32>} : memref<2048xf32, #tpu.memory_space<vmem>>, vector<16xf32>,
      %eq3A_1574 = vector.broadcast %squeeze3A_1453 : i32 to vector<16xi32>
      %eq3A_1575 = arith.cmpi eq, %iota3A, %eq3A_1574 : vector<16xi32>
      %jit3A_1576 = arith.constant 1.000000e+00 : f32
      %jit3A_1577 = arith.constant 0.000000e+00 : f32
      %broadcast_in_dim3A_1578 = vector.broadcast %jit3A_1576 : f32 to vector<16xf32>
      %broadcast_in_dim3A_1579 = vector.broadcast %jit3A_1577 : f32 to vector<16xf32>
      %select_n3A_1580 = arith.select %eq3A_1575, %broadcast_in_dim3A_1578, %broadcast_in_dim3A_1579 : vector<16xi1>, vector<16xf32>
      %add3A_1581 = arith.addf %add3A_1451, %select_n3A_1580 : vector<16xf32>
      %slice3A_1582 = vector.extract_strided_slice %get3A_541 {offsets = [8], sizes = [1], strides = [1]} : vector<16xi32> to vector<1xi32>
      %squeeze3A_1583 = vector.extract %slice3A_1582[0] : i32 from vector<1xi32>
      %mul3A_1584 = arith.constant 128 : i32
      %mul3A_1585 = arith.muli %squeeze3A_1583, %mul3A_1584 : i32
      %add3A_1586 = arith.constant 0 : i32
      %add3A_1587 = arith.addi %mul3A_1585, %add3A_1586 : i32
      %add3A_1588 = arith.constant 1024 : i32
      %add3A_1589 = arith.addi %mul3A_543, %add3A_1588 : i32
      %add3A_1590 = arith.constant 0 : i32
      %add3A_1591 = arith.addi %add3A_1589, %add3A_1590 : i32
      %get3A_1592 = arith.index_cast %add3A_1591 : i32 to index
      %get3A_1593 = tpu.vector_load %arg6[%get3A_1592] {strides = array<i32>} : memref<40960xf32, #tpu.memory_space<vmem>>, vector<16xf32>,
      %get3A_1594 = vector.shape_cast %get3A_1593 : vector<16xf32> to vector<16xf32>
      %swap3A_1595 = arith.index_cast %add3A_1587 : i32 to index
      %swap3A_1596 = tpu.vector_load %arg8[%swap3A_1595] {strides = array<i32>} : memref<2048xf32, #tpu.memory_space<vmem>>, vector<16xf32>,
      %swap3A_1597 = vector.shape_cast %swap3A_1596 : vector<16xf32> to vector<16xf32>
      %swap3A_1598 = vector.shape_cast %get3A_1594 : vector<16xf32> to vector<16xf32>
      tpu.vector_store %arg8[%swap3A_1595], %swap3A_1598 {add = true, strides = array<i32>} : memref<2048xf32, #tpu.memory_space<vmem>>, vector<16xf32>,
      %mul3A_1599 = arith.constant 128 : i32
      %mul3A_1600 = arith.muli %squeeze3A_1583, %mul3A_1599 : i32
      %add3A_1601 = arith.constant 16 : i32
      %add3A_1602 = arith.addi %mul3A_1600, %add3A_1601 : i32
      %add3A_1603 = arith.constant 1024 : i32
      %add3A_1604 = arith.addi %mul3A_543, %add3A_1603 : i32
      %add3A_1605 = arith.constant 16 : i32
      %add3A_1606 = arith.addi %add3A_1604, %add3A_1605 : i32
      %get3A_1607 = arith.index_cast %add3A_1606 : i32 to index
      %get3A_1608 = tpu.vector_load %arg6[%get3A_1607] {strides = array<i32>} : memref<40960xf32, #tpu.memory_space<vmem>>, vector<16xf32>,
      %get3A_1609 = vector.shape_cast %get3A_1608 : vector<16xf32> to vector<16xf32>
      %swap3A_1610 = arith.index_cast %add3A_1602 : i32 to index
      %swap3A_1611 = tpu.vector_load %arg8[%swap3A_1610] {strides = array<i32>} : memref<2048xf32, #tpu.memory_space<vmem>>, vector<16xf32>,
      %swap3A_1612 = vector.shape_cast %swap3A_1611 : vector<16xf32> to vector<16xf32>
      %swap3A_1613 = vector.shape_cast %get3A_1609 : vector<16xf32> to vector<16xf32>
      tpu.vector_store %arg8[%swap3A_1610], %swap3A_1613 {add = true, strides = array<i32>} : memref<2048xf32, #tpu.memory_space<vmem>>, vector<16xf32>,
      %mul3A_1614 = arith.constant 128 : i32
      %mul3A_1615 = arith.muli %squeeze3A_1583, %mul3A_1614 : i32
      %add3A_1616 = arith.constant 32 : i32
      %add3A_1617 = arith.addi %mul3A_1615, %add3A_1616 : i32
      %add3A_1618 = arith.constant 1024 : i32
      %add3A_1619 = arith.addi %mul3A_543, %add3A_1618 : i32
      %add3A_1620 = arith.constant 32 : i32
      %add3A_1621 = arith.addi %add3A_1619, %add3A_1620 : i32
      %get3A_1622 = arith.index_cast %add3A_1621 : i32 to index
      %get3A_1623 = tpu.vector_load %arg6[%get3A_1622] {strides = array<i32>} : memref<40960xf32, #tpu.memory_space<vmem>>, vector<16xf32>,
      %get3A_1624 = vector.shape_cast %get3A_1623 : vector<16xf32> to vector<16xf32>
      %swap3A_1625 = arith.index_cast %add3A_1617 : i32 to index
      %swap3A_1626 = tpu.vector_load %arg8[%swap3A_1625] {strides = array<i32>} : memref<2048xf32, #tpu.memory_space<vmem>>, vector<16xf32>,
      %swap3A_1627 = vector.shape_cast %swap3A_1626 : vector<16xf32> to vector<16xf32>
      %swap3A_1628 = vector.shape_cast %get3A_1624 : vector<16xf32> to vector<16xf32>
      tpu.vector_store %arg8[%swap3A_1625], %swap3A_1628 {add = true, strides = array<i32>} : memref<2048xf32, #tpu.memory_space<vmem>>, vector<16xf32>,
      %mul3A_1629 = arith.constant 128 : i32
      %mul3A_1630 = arith.muli %squeeze3A_1583, %mul3A_1629 : i32
      %add3A_1631 = arith.constant 48 : i32
      %add3A_1632 = arith.addi %mul3A_1630, %add3A_1631 : i32
      %add3A_1633 = arith.constant 1024 : i32
      %add3A_1634 = arith.addi %mul3A_543, %add3A_1633 : i32
      %add3A_1635 = arith.constant 48 : i32
      %add3A_1636 = arith.addi %add3A_1634, %add3A_1635 : i32
      %get3A_1637 = arith.index_cast %add3A_1636 : i32 to index
      %get3A_1638 = tpu.vector_load %arg6[%get3A_1637] {strides = array<i32>} : memref<40960xf32, #tpu.memory_space<vmem>>, vector<16xf32>,
      %get3A_1639 = vector.shape_cast %get3A_1638 : vector<16xf32> to vector<16xf32>
      %swap3A_1640 = arith.index_cast %add3A_1632 : i32 to index
      %swap3A_1641 = tpu.vector_load %arg8[%swap3A_1640] {strides = array<i32>} : memref<2048xf32, #tpu.memory_space<vmem>>, vector<16xf32>,
      %swap3A_1642 = vector.shape_cast %swap3A_1641 : vector<16xf32> to vector<16xf32>
      %swap3A_1643 = vector.shape_cast %get3A_1639 : vector<16xf32> to vector<16xf32>
      tpu.vector_store %arg8[%swap3A_1640], %swap3A_1643 {add = true, strides = array<i32>} : memref<2048xf32, #tpu.memory_space<vmem>>, vector<16xf32>,
      %mul3A_1644 = arith.constant 128 : i32
      %mul3A_1645 = arith.muli %squeeze3A_1583, %mul3A_1644 : i32
      %add3A_1646 = arith.constant 64 : i32
      %add3A_1647 = arith.addi %mul3A_1645, %add3A_1646 : i32
      %add3A_1648 = arith.constant 1024 : i32
      %add3A_1649 = arith.addi %mul3A_543, %add3A_1648 : i32
      %add3A_1650 = arith.constant 64 : i32
      %add3A_1651 = arith.addi %add3A_1649, %add3A_1650 : i32
      %get3A_1652 = arith.index_cast %add3A_1651 : i32 to index
      %get3A_1653 = tpu.vector_load %arg6[%get3A_1652] {strides = array<i32>} : memref<40960xf32, #tpu.memory_space<vmem>>, vector<16xf32>,
      %get3A_1654 = vector.shape_cast %get3A_1653 : vector<16xf32> to vector<16xf32>
      %swap3A_1655 = arith.index_cast %add3A_1647 : i32 to index
      %swap3A_1656 = tpu.vector_load %arg8[%swap3A_1655] {strides = array<i32>} : memref<2048xf32, #tpu.memory_space<vmem>>, vector<16xf32>,
      %swap3A_1657 = vector.shape_cast %swap3A_1656 : vector<16xf32> to vector<16xf32>
      %swap3A_1658 = vector.shape_cast %get3A_1654 : vector<16xf32> to vector<16xf32>
      tpu.vector_store %arg8[%swap3A_1655], %swap3A_1658 {add = true, strides = array<i32>} : memref<2048xf32, #tpu.memory_space<vmem>>, vector<16xf32>,
      %mul3A_1659 = arith.constant 128 : i32
      %mul3A_1660 = arith.muli %squeeze3A_1583, %mul3A_1659 : i32
      %add3A_1661 = arith.constant 80 : i32
      %add3A_1662 = arith.addi %mul3A_1660, %add3A_1661 : i32
      %add3A_1663 = arith.constant 1024 : i32
      %add3A_1664 = arith.addi %mul3A_543, %add3A_1663 : i32
      %add3A_1665 = arith.constant 80 : i32
      %add3A_1666 = arith.addi %add3A_1664, %add3A_1665 : i32
      %get3A_1667 = arith.index_cast %add3A_1666 : i32 to index
      %get3A_1668 = tpu.vector_load %arg6[%get3A_1667] {strides = array<i32>} : memref<40960xf32, #tpu.memory_space<vmem>>, vector<16xf32>,
      %get3A_1669 = vector.shape_cast %get3A_1668 : vector<16xf32> to vector<16xf32>
      %swap3A_1670 = arith.index_cast %add3A_1662 : i32 to index
      %swap3A_1671 = tpu.vector_load %arg8[%swap3A_1670] {strides = array<i32>} : memref<2048xf32, #tpu.memory_space<vmem>>, vector<16xf32>,
      %swap3A_1672 = vector.shape_cast %swap3A_1671 : vector<16xf32> to vector<16xf32>
      %swap3A_1673 = vector.shape_cast %get3A_1669 : vector<16xf32> to vector<16xf32>
      tpu.vector_store %arg8[%swap3A_1670], %swap3A_1673 {add = true, strides = array<i32>} : memref<2048xf32, #tpu.memory_space<vmem>>, vector<16xf32>,
      %mul3A_1674 = arith.constant 128 : i32
      %mul3A_1675 = arith.muli %squeeze3A_1583, %mul3A_1674 : i32
      %add3A_1676 = arith.constant 96 : i32
      %add3A_1677 = arith.addi %mul3A_1675, %add3A_1676 : i32
      %add3A_1678 = arith.constant 1024 : i32
      %add3A_1679 = arith.addi %mul3A_543, %add3A_1678 : i32
      %add3A_1680 = arith.constant 96 : i32
      %add3A_1681 = arith.addi %add3A_1679, %add3A_1680 : i32
      %get3A_1682 = arith.index_cast %add3A_1681 : i32 to index
      %get3A_1683 = tpu.vector_load %arg6[%get3A_1682] {strides = array<i32>} : memref<40960xf32, #tpu.memory_space<vmem>>, vector<16xf32>,
      %get3A_1684 = vector.shape_cast %get3A_1683 : vector<16xf32> to vector<16xf32>
      %swap3A_1685 = arith.index_cast %add3A_1677 : i32 to index
      %swap3A_1686 = tpu.vector_load %arg8[%swap3A_1685] {strides = array<i32>} : memref<2048xf32, #tpu.memory_space<vmem>>, vector<16xf32>,
      %swap3A_1687 = vector.shape_cast %swap3A_1686 : vector<16xf32> to vector<16xf32>
      %swap3A_1688 = vector.shape_cast %get3A_1684 : vector<16xf32> to vector<16xf32>
      tpu.vector_store %arg8[%swap3A_1685], %swap3A_1688 {add = true, strides = array<i32>} : memref<2048xf32, #tpu.memory_space<vmem>>, vector<16xf32>,
      %mul3A_1689 = arith.constant 128 : i32
      %mul3A_1690 = arith.muli %squeeze3A_1583, %mul3A_1689 : i32
      %add3A_1691 = arith.constant 112 : i32
      %add3A_1692 = arith.addi %mul3A_1690, %add3A_1691 : i32
      %add3A_1693 = arith.constant 1024 : i32
      %add3A_1694 = arith.addi %mul3A_543, %add3A_1693 : i32
      %add3A_1695 = arith.constant 112 : i32
      %add3A_1696 = arith.addi %add3A_1694, %add3A_1695 : i32
      %get3A_1697 = arith.index_cast %add3A_1696 : i32 to index
      %get3A_1698 = tpu.vector_load %arg6[%get3A_1697] {strides = array<i32>} : memref<40960xf32, #tpu.memory_space<vmem>>, vector<16xf32>,
      %get3A_1699 = vector.shape_cast %get3A_1698 : vector<16xf32> to vector<16xf32>
      %swap3A_1700 = arith.index_cast %add3A_1692 : i32 to index
      %swap3A_1701 = tpu.vector_load %arg8[%swap3A_1700] {strides = array<i32>} : memref<2048xf32, #tpu.memory_space<vmem>>, vector<16xf32>,
      %swap3A_1702 = vector.shape_cast %swap3A_1701 : vector<16xf32> to vector<16xf32>
      %swap3A_1703 = vector.shape_cast %get3A_1699 : vector<16xf32> to vector<16xf32>
      tpu.vector_store %arg8[%swap3A_1700], %swap3A_1703 {add = true, strides = array<i32>} : memref<2048xf32, #tpu.memory_space<vmem>>, vector<16xf32>,
      %eq3A_1704 = vector.broadcast %squeeze3A_1583 : i32 to vector<16xi32>
      %eq3A_1705 = arith.cmpi eq, %iota3A, %eq3A_1704 : vector<16xi32>
      %jit3A_1706 = arith.constant 1.000000e+00 : f32
      %jit3A_1707 = arith.constant 0.000000e+00 : f32
      %broadcast_in_dim3A_1708 = vector.broadcast %jit3A_1706 : f32 to vector<16xf32>
      %broadcast_in_dim3A_1709 = vector.broadcast %jit3A_1707 : f32 to vector<16xf32>
      %select_n3A_1710 = arith.select %eq3A_1705, %broadcast_in_dim3A_1708, %broadcast_in_dim3A_1709 : vector<16xi1>, vector<16xf32>
      %add3A_1711 = arith.addf %add3A_1581, %select_n3A_1710 : vector<16xf32>
      %slice3A_1712 = vector.extract_strided_slice %get3A_541 {offsets = [9], sizes = [1], strides = [1]} : vector<16xi32> to vector<1xi32>
      %squeeze3A_1713 = vector.extract %slice3A_1712[0] : i32 from vector<1xi32>
      %mul3A_1714 = arith.constant 128 : i32
      %mul3A_1715 = arith.muli %squeeze3A_1713, %mul3A_1714 : i32
      %add3A_1716 = arith.constant 0 : i32
      %add3A_1717 = arith.addi %mul3A_1715, %add3A_1716 : i32
      %add3A_1718 = arith.constant 1152 : i32
      %add3A_1719 = arith.addi %mul3A_543, %add3A_1718 : i32
      %add3A_1720 = arith.constant 0 : i32
      %add3A_1721 = arith.addi %add3A_1719, %add3A_1720 : i32
      %get3A_1722 = arith.index_cast %add3A_1721 : i32 to index
      %get3A_1723 = tpu.vector_load %arg6[%get3A_1722] {strides = array<i32>} : memref<40960xf32, #tpu.memory_space<vmem>>, vector<16xf32>,
      %get3A_1724 = vector.shape_cast %get3A_1723 : vector<16xf32> to vector<16xf32>
      %swap3A_1725 = arith.index_cast %add3A_1717 : i32 to index
      %swap3A_1726 = tpu.vector_load %arg8[%swap3A_1725] {strides = array<i32>} : memref<2048xf32, #tpu.memory_space<vmem>>, vector<16xf32>,
      %swap3A_1727 = vector.shape_cast %swap3A_1726 : vector<16xf32> to vector<16xf32>
      %swap3A_1728 = vector.shape_cast %get3A_1724 : vector<16xf32> to vector<16xf32>
      tpu.vector_store %arg8[%swap3A_1725], %swap3A_1728 {add = true, strides = array<i32>} : memref<2048xf32, #tpu.memory_space<vmem>>, vector<16xf32>,
      %mul3A_1729 = arith.constant 128 : i32
      %mul3A_1730 = arith.muli %squeeze3A_1713, %mul3A_1729 : i32
      %add3A_1731 = arith.constant 16 : i32
      %add3A_1732 = arith.addi %mul3A_1730, %add3A_1731 : i32
      %add3A_1733 = arith.constant 1152 : i32
      %add3A_1734 = arith.addi %mul3A_543, %add3A_1733 : i32
      %add3A_1735 = arith.constant 16 : i32
      %add3A_1736 = arith.addi %add3A_1734, %add3A_1735 : i32
      %get3A_1737 = arith.index_cast %add3A_1736 : i32 to index
      %get3A_1738 = tpu.vector_load %arg6[%get3A_1737] {strides = array<i32>} : memref<40960xf32, #tpu.memory_space<vmem>>, vector<16xf32>,
      %get3A_1739 = vector.shape_cast %get3A_1738 : vector<16xf32> to vector<16xf32>
      %swap3A_1740 = arith.index_cast %add3A_1732 : i32 to index
      %swap3A_1741 = tpu.vector_load %arg8[%swap3A_1740] {strides = array<i32>} : memref<2048xf32, #tpu.memory_space<vmem>>, vector<16xf32>,
      %swap3A_1742 = vector.shape_cast %swap3A_1741 : vector<16xf32> to vector<16xf32>
      %swap3A_1743 = vector.shape_cast %get3A_1739 : vector<16xf32> to vector<16xf32>
      tpu.vector_store %arg8[%swap3A_1740], %swap3A_1743 {add = true, strides = array<i32>} : memref<2048xf32, #tpu.memory_space<vmem>>, vector<16xf32>,
      %mul3A_1744 = arith.constant 128 : i32
      %mul3A_1745 = arith.muli %squeeze3A_1713, %mul3A_1744 : i32
      %add3A_1746 = arith.constant 32 : i32
      %add3A_1747 = arith.addi %mul3A_1745, %add3A_1746 : i32
      %add3A_1748 = arith.constant 1152 : i32
      %add3A_1749 = arith.addi %mul3A_543, %add3A_1748 : i32
      %add3A_1750 = arith.constant 32 : i32
      %add3A_1751 = arith.addi %add3A_1749, %add3A_1750 : i32
      %get3A_1752 = arith.index_cast %add3A_1751 : i32 to index
      %get3A_1753 = tpu.vector_load %arg6[%get3A_1752] {strides = array<i32>} : memref<40960xf32, #tpu.memory_space<vmem>>, vector<16xf32>,
      %get3A_1754 = vector.shape_cast %get3A_1753 : vector<16xf32> to vector<16xf32>
      %swap3A_1755 = arith.index_cast %add3A_1747 : i32 to index
      %swap3A_1756 = tpu.vector_load %arg8[%swap3A_1755] {strides = array<i32>} : memref<2048xf32, #tpu.memory_space<vmem>>, vector<16xf32>,
      %swap3A_1757 = vector.shape_cast %swap3A_1756 : vector<16xf32> to vector<16xf32>
      %swap3A_1758 = vector.shape_cast %get3A_1754 : vector<16xf32> to vector<16xf32>
      tpu.vector_store %arg8[%swap3A_1755], %swap3A_1758 {add = true, strides = array<i32>} : memref<2048xf32, #tpu.memory_space<vmem>>, vector<16xf32>,
      %mul3A_1759 = arith.constant 128 : i32
      %mul3A_1760 = arith.muli %squeeze3A_1713, %mul3A_1759 : i32
      %add3A_1761 = arith.constant 48 : i32
      %add3A_1762 = arith.addi %mul3A_1760, %add3A_1761 : i32
      %add3A_1763 = arith.constant 1152 : i32
      %add3A_1764 = arith.addi %mul3A_543, %add3A_1763 : i32
      %add3A_1765 = arith.constant 48 : i32
      %add3A_1766 = arith.addi %add3A_1764, %add3A_1765 : i32
      %get3A_1767 = arith.index_cast %add3A_1766 : i32 to index
      %get3A_1768 = tpu.vector_load %arg6[%get3A_1767] {strides = array<i32>} : memref<40960xf32, #tpu.memory_space<vmem>>, vector<16xf32>,
      %get3A_1769 = vector.shape_cast %get3A_1768 : vector<16xf32> to vector<16xf32>
      %swap3A_1770 = arith.index_cast %add3A_1762 : i32 to index
      %swap3A_1771 = tpu.vector_load %arg8[%swap3A_1770] {strides = array<i32>} : memref<2048xf32, #tpu.memory_space<vmem>>, vector<16xf32>,
      %swap3A_1772 = vector.shape_cast %swap3A_1771 : vector<16xf32> to vector<16xf32>
      %swap3A_1773 = vector.shape_cast %get3A_1769 : vector<16xf32> to vector<16xf32>
      tpu.vector_store %arg8[%swap3A_1770], %swap3A_1773 {add = true, strides = array<i32>} : memref<2048xf32, #tpu.memory_space<vmem>>, vector<16xf32>,
      %mul3A_1774 = arith.constant 128 : i32
      %mul3A_1775 = arith.muli %squeeze3A_1713, %mul3A_1774 : i32
      %add3A_1776 = arith.constant 64 : i32
      %add3A_1777 = arith.addi %mul3A_1775, %add3A_1776 : i32
      %add3A_1778 = arith.constant 1152 : i32
      %add3A_1779 = arith.addi %mul3A_543, %add3A_1778 : i32
      %add3A_1780 = arith.constant 64 : i32
      %add3A_1781 = arith.addi %add3A_1779, %add3A_1780 : i32
      %get3A_1782 = arith.index_cast %add3A_1781 : i32 to index
      %get3A_1783 = tpu.vector_load %arg6[%get3A_1782] {strides = array<i32>} : memref<40960xf32, #tpu.memory_space<vmem>>, vector<16xf32>,
      %get3A_1784 = vector.shape_cast %get3A_1783 : vector<16xf32> to vector<16xf32>
      %swap3A_1785 = arith.index_cast %add3A_1777 : i32 to index
      %swap3A_1786 = tpu.vector_load %arg8[%swap3A_1785] {strides = array<i32>} : memref<2048xf32, #tpu.memory_space<vmem>>, vector<16xf32>,
      %swap3A_1787 = vector.shape_cast %swap3A_1786 : vector<16xf32> to vector<16xf32>
      %swap3A_1788 = vector.shape_cast %get3A_1784 : vector<16xf32> to vector<16xf32>
      tpu.vector_store %arg8[%swap3A_1785], %swap3A_1788 {add = true, strides = array<i32>} : memref<2048xf32, #tpu.memory_space<vmem>>, vector<16xf32>,
      %mul3A_1789 = arith.constant 128 : i32
      %mul3A_1790 = arith.muli %squeeze3A_1713, %mul3A_1789 : i32
      %add3A_1791 = arith.constant 80 : i32
      %add3A_1792 = arith.addi %mul3A_1790, %add3A_1791 : i32
      %add3A_1793 = arith.constant 1152 : i32
      %add3A_1794 = arith.addi %mul3A_543, %add3A_1793 : i32
      %add3A_1795 = arith.constant 80 : i32
      %add3A_1796 = arith.addi %add3A_1794, %add3A_1795 : i32
      %get3A_1797 = arith.index_cast %add3A_1796 : i32 to index
      %get3A_1798 = tpu.vector_load %arg6[%get3A_1797] {strides = array<i32>} : memref<40960xf32, #tpu.memory_space<vmem>>, vector<16xf32>,
      %get3A_1799 = vector.shape_cast %get3A_1798 : vector<16xf32> to vector<16xf32>
      %swap3A_1800 = arith.index_cast %add3A_1792 : i32 to index
      %swap3A_1801 = tpu.vector_load %arg8[%swap3A_1800] {strides = array<i32>} : memref<2048xf32, #tpu.memory_space<vmem>>, vector<16xf32>,
      %swap3A_1802 = vector.shape_cast %swap3A_1801 : vector<16xf32> to vector<16xf32>
      %swap3A_1803 = vector.shape_cast %get3A_1799 : vector<16xf32> to vector<16xf32>
      tpu.vector_store %arg8[%swap3A_1800], %swap3A_1803 {add = true, strides = array<i32>} : memref<2048xf32, #tpu.memory_space<vmem>>, vector<16xf32>,
      %mul3A_1804 = arith.constant 128 : i32
      %mul3A_1805 = arith.muli %squeeze3A_1713, %mul3A_1804 : i32
      %add3A_1806 = arith.constant 96 : i32
      %add3A_1807 = arith.addi %mul3A_1805, %add3A_1806 : i32
      %add3A_1808 = arith.constant 1152 : i32
      %add3A_1809 = arith.addi %mul3A_543, %add3A_1808 : i32
      %add3A_1810 = arith.constant 96 : i32
      %add3A_1811 = arith.addi %add3A_1809, %add3A_1810 : i32
      %get3A_1812 = arith.index_cast %add3A_1811 : i32 to index
      %get3A_1813 = tpu.vector_load %arg6[%get3A_1812] {strides = array<i32>} : memref<40960xf32, #tpu.memory_space<vmem>>, vector<16xf32>,
      %get3A_1814 = vector.shape_cast %get3A_1813 : vector<16xf32> to vector<16xf32>
      %swap3A_1815 = arith.index_cast %add3A_1807 : i32 to index
      %swap3A_1816 = tpu.vector_load %arg8[%swap3A_1815] {strides = array<i32>} : memref<2048xf32, #tpu.memory_space<vmem>>, vector<16xf32>,
      %swap3A_1817 = vector.shape_cast %swap3A_1816 : vector<16xf32> to vector<16xf32>
      %swap3A_1818 = vector.shape_cast %get3A_1814 : vector<16xf32> to vector<16xf32>
      tpu.vector_store %arg8[%swap3A_1815], %swap3A_1818 {add = true, strides = array<i32>} : memref<2048xf32, #tpu.memory_space<vmem>>, vector<16xf32>,
      %mul3A_1819 = arith.constant 128 : i32
      %mul3A_1820 = arith.muli %squeeze3A_1713, %mul3A_1819 : i32
      %add3A_1821 = arith.constant 112 : i32
      %add3A_1822 = arith.addi %mul3A_1820, %add3A_1821 : i32
      %add3A_1823 = arith.constant 1152 : i32
      %add3A_1824 = arith.addi %mul3A_543, %add3A_1823 : i32
      %add3A_1825 = arith.constant 112 : i32
      %add3A_1826 = arith.addi %add3A_1824, %add3A_1825 : i32
      %get3A_1827 = arith.index_cast %add3A_1826 : i32 to index
      %get3A_1828 = tpu.vector_load %arg6[%get3A_1827] {strides = array<i32>} : memref<40960xf32, #tpu.memory_space<vmem>>, vector<16xf32>,
      %get3A_1829 = vector.shape_cast %get3A_1828 : vector<16xf32> to vector<16xf32>
      %swap3A_1830 = arith.index_cast %add3A_1822 : i32 to index
      %swap3A_1831 = tpu.vector_load %arg8[%swap3A_1830] {strides = array<i32>} : memref<2048xf32, #tpu.memory_space<vmem>>, vector<16xf32>,
      %swap3A_1832 = vector.shape_cast %swap3A_1831 : vector<16xf32> to vector<16xf32>
      %swap3A_1833 = vector.shape_cast %get3A_1829 : vector<16xf32> to vector<16xf32>
      tpu.vector_store %arg8[%swap3A_1830], %swap3A_1833 {add = true, strides = array<i32>} : memref<2048xf32, #tpu.memory_space<vmem>>, vector<16xf32>,
      %eq3A_1834 = vector.broadcast %squeeze3A_1713 : i32 to vector<16xi32>
      %eq3A_1835 = arith.cmpi eq, %iota3A, %eq3A_1834 : vector<16xi32>
      %jit3A_1836 = arith.constant 1.000000e+00 : f32
      %jit3A_1837 = arith.constant 0.000000e+00 : f32
      %broadcast_in_dim3A_1838 = vector.broadcast %jit3A_1836 : f32 to vector<16xf32>
      %broadcast_in_dim3A_1839 = vector.broadcast %jit3A_1837 : f32 to vector<16xf32>
      %select_n3A_1840 = arith.select %eq3A_1835, %broadcast_in_dim3A_1838, %broadcast_in_dim3A_1839 : vector<16xi1>, vector<16xf32>
      %add3A_1841 = arith.addf %add3A_1711, %select_n3A_1840 : vector<16xf32>
      %slice3A_1842 = vector.extract_strided_slice %get3A_541 {offsets = [10], sizes = [1], strides = [1]} : vector<16xi32> to vector<1xi32>
      %squeeze3A_1843 = vector.extract %slice3A_1842[0] : i32 from vector<1xi32>
      %mul3A_1844 = arith.constant 128 : i32
      %mul3A_1845 = arith.muli %squeeze3A_1843, %mul3A_1844 : i32
      %add3A_1846 = arith.constant 0 : i32
      %add3A_1847 = arith.addi %mul3A_1845, %add3A_1846 : i32
      %add3A_1848 = arith.constant 1280 : i32
      %add3A_1849 = arith.addi %mul3A_543, %add3A_1848 : i32
      %add3A_1850 = arith.constant 0 : i32
      %add3A_1851 = arith.addi %add3A_1849, %add3A_1850 : i32
      %get3A_1852 = arith.index_cast %add3A_1851 : i32 to index
      %get3A_1853 = tpu.vector_load %arg6[%get3A_1852] {strides = array<i32>} : memref<40960xf32, #tpu.memory_space<vmem>>, vector<16xf32>,
      %get3A_1854 = vector.shape_cast %get3A_1853 : vector<16xf32> to vector<16xf32>
      %swap3A_1855 = arith.index_cast %add3A_1847 : i32 to index
      %swap3A_1856 = tpu.vector_load %arg8[%swap3A_1855] {strides = array<i32>} : memref<2048xf32, #tpu.memory_space<vmem>>, vector<16xf32>,
      %swap3A_1857 = vector.shape_cast %swap3A_1856 : vector<16xf32> to vector<16xf32>
      %swap3A_1858 = vector.shape_cast %get3A_1854 : vector<16xf32> to vector<16xf32>
      tpu.vector_store %arg8[%swap3A_1855], %swap3A_1858 {add = true, strides = array<i32>} : memref<2048xf32, #tpu.memory_space<vmem>>, vector<16xf32>,
      %mul3A_1859 = arith.constant 128 : i32
      %mul3A_1860 = arith.muli %squeeze3A_1843, %mul3A_1859 : i32
      %add3A_1861 = arith.constant 16 : i32
      %add3A_1862 = arith.addi %mul3A_1860, %add3A_1861 : i32
      %add3A_1863 = arith.constant 1280 : i32
      %add3A_1864 = arith.addi %mul3A_543, %add3A_1863 : i32
      %add3A_1865 = arith.constant 16 : i32
      %add3A_1866 = arith.addi %add3A_1864, %add3A_1865 : i32
      %get3A_1867 = arith.index_cast %add3A_1866 : i32 to index
      %get3A_1868 = tpu.vector_load %arg6[%get3A_1867] {strides = array<i32>} : memref<40960xf32, #tpu.memory_space<vmem>>, vector<16xf32>,
      %get3A_1869 = vector.shape_cast %get3A_1868 : vector<16xf32> to vector<16xf32>
      %swap3A_1870 = arith.index_cast %add3A_1862 : i32 to index
      %swap3A_1871 = tpu.vector_load %arg8[%swap3A_1870] {strides = array<i32>} : memref<2048xf32, #tpu.memory_space<vmem>>, vector<16xf32>,
      %swap3A_1872 = vector.shape_cast %swap3A_1871 : vector<16xf32> to vector<16xf32>
      %swap3A_1873 = vector.shape_cast %get3A_1869 : vector<16xf32> to vector<16xf32>
      tpu.vector_store %arg8[%swap3A_1870], %swap3A_1873 {add = true, strides = array<i32>} : memref<2048xf32, #tpu.memory_space<vmem>>, vector<16xf32>,
      %mul3A_1874 = arith.constant 128 : i32
      %mul3A_1875 = arith.muli %squeeze3A_1843, %mul3A_1874 : i32
      %add3A_1876 = arith.constant 32 : i32
      %add3A_1877 = arith.addi %mul3A_1875, %add3A_1876 : i32
      %add3A_1878 = arith.constant 1280 : i32
      %add3A_1879 = arith.addi %mul3A_543, %add3A_1878 : i32
      %add3A_1880 = arith.constant 32 : i32
      %add3A_1881 = arith.addi %add3A_1879, %add3A_1880 : i32
      %get3A_1882 = arith.index_cast %add3A_1881 : i32 to index
      %get3A_1883 = tpu.vector_load %arg6[%get3A_1882] {strides = array<i32>} : memref<40960xf32, #tpu.memory_space<vmem>>, vector<16xf32>,
      %get3A_1884 = vector.shape_cast %get3A_1883 : vector<16xf32> to vector<16xf32>
      %swap3A_1885 = arith.index_cast %add3A_1877 : i32 to index
      %swap3A_1886 = tpu.vector_load %arg8[%swap3A_1885] {strides = array<i32>} : memref<2048xf32, #tpu.memory_space<vmem>>, vector<16xf32>,
      %swap3A_1887 = vector.shape_cast %swap3A_1886 : vector<16xf32> to vector<16xf32>
      %swap3A_1888 = vector.shape_cast %get3A_1884 : vector<16xf32> to vector<16xf32>
      tpu.vector_store %arg8[%swap3A_1885], %swap3A_1888 {add = true, strides = array<i32>} : memref<2048xf32, #tpu.memory_space<vmem>>, vector<16xf32>,
      %mul3A_1889 = arith.constant 128 : i32
      %mul3A_1890 = arith.muli %squeeze3A_1843, %mul3A_1889 : i32
      %add3A_1891 = arith.constant 48 : i32
      %add3A_1892 = arith.addi %mul3A_1890, %add3A_1891 : i32
      %add3A_1893 = arith.constant 1280 : i32
      %add3A_1894 = arith.addi %mul3A_543, %add3A_1893 : i32
      %add3A_1895 = arith.constant 48 : i32
      %add3A_1896 = arith.addi %add3A_1894, %add3A_1895 : i32
      %get3A_1897 = arith.index_cast %add3A_1896 : i32 to index
      %get3A_1898 = tpu.vector_load %arg6[%get3A_1897] {strides = array<i32>} : memref<40960xf32, #tpu.memory_space<vmem>>, vector<16xf32>,
      %get3A_1899 = vector.shape_cast %get3A_1898 : vector<16xf32> to vector<16xf32>
      %swap3A_1900 = arith.index_cast %add3A_1892 : i32 to index
      %swap3A_1901 = tpu.vector_load %arg8[%swap3A_1900] {strides = array<i32>} : memref<2048xf32, #tpu.memory_space<vmem>>, vector<16xf32>,
      %swap3A_1902 = vector.shape_cast %swap3A_1901 : vector<16xf32> to vector<16xf32>
      %swap3A_1903 = vector.shape_cast %get3A_1899 : vector<16xf32> to vector<16xf32>
      tpu.vector_store %arg8[%swap3A_1900], %swap3A_1903 {add = true, strides = array<i32>} : memref<2048xf32, #tpu.memory_space<vmem>>, vector<16xf32>,
      %mul3A_1904 = arith.constant 128 : i32
      %mul3A_1905 = arith.muli %squeeze3A_1843, %mul3A_1904 : i32
      %add3A_1906 = arith.constant 64 : i32
      %add3A_1907 = arith.addi %mul3A_1905, %add3A_1906 : i32
      %add3A_1908 = arith.constant 1280 : i32
      %add3A_1909 = arith.addi %mul3A_543, %add3A_1908 : i32
      %add3A_1910 = arith.constant 64 : i32
      %add3A_1911 = arith.addi %add3A_1909, %add3A_1910 : i32
      %get3A_1912 = arith.index_cast %add3A_1911 : i32 to index
      %get3A_1913 = tpu.vector_load %arg6[%get3A_1912] {strides = array<i32>} : memref<40960xf32, #tpu.memory_space<vmem>>, vector<16xf32>,
      %get3A_1914 = vector.shape_cast %get3A_1913 : vector<16xf32> to vector<16xf32>
      %swap3A_1915 = arith.index_cast %add3A_1907 : i32 to index
      %swap3A_1916 = tpu.vector_load %arg8[%swap3A_1915] {strides = array<i32>} : memref<2048xf32, #tpu.memory_space<vmem>>, vector<16xf32>,
      %swap3A_1917 = vector.shape_cast %swap3A_1916 : vector<16xf32> to vector<16xf32>
      %swap3A_1918 = vector.shape_cast %get3A_1914 : vector<16xf32> to vector<16xf32>
      tpu.vector_store %arg8[%swap3A_1915], %swap3A_1918 {add = true, strides = array<i32>} : memref<2048xf32, #tpu.memory_space<vmem>>, vector<16xf32>,
      %mul3A_1919 = arith.constant 128 : i32
      %mul3A_1920 = arith.muli %squeeze3A_1843, %mul3A_1919 : i32
      %add3A_1921 = arith.constant 80 : i32
      %add3A_1922 = arith.addi %mul3A_1920, %add3A_1921 : i32
      %add3A_1923 = arith.constant 1280 : i32
      %add3A_1924 = arith.addi %mul3A_543, %add3A_1923 : i32
      %add3A_1925 = arith.constant 80 : i32
      %add3A_1926 = arith.addi %add3A_1924, %add3A_1925 : i32
      %get3A_1927 = arith.index_cast %add3A_1926 : i32 to index
      %get3A_1928 = tpu.vector_load %arg6[%get3A_1927] {strides = array<i32>} : memref<40960xf32, #tpu.memory_space<vmem>>, vector<16xf32>,
      %get3A_1929 = vector.shape_cast %get3A_1928 : vector<16xf32> to vector<16xf32>
      %swap3A_1930 = arith.index_cast %add3A_1922 : i32 to index
      %swap3A_1931 = tpu.vector_load %arg8[%swap3A_1930] {strides = array<i32>} : memref<2048xf32, #tpu.memory_space<vmem>>, vector<16xf32>,
      %swap3A_1932 = vector.shape_cast %swap3A_1931 : vector<16xf32> to vector<16xf32>
      %swap3A_1933 = vector.shape_cast %get3A_1929 : vector<16xf32> to vector<16xf32>
      tpu.vector_store %arg8[%swap3A_1930], %swap3A_1933 {add = true, strides = array<i32>} : memref<2048xf32, #tpu.memory_space<vmem>>, vector<16xf32>,
      %mul3A_1934 = arith.constant 128 : i32
      %mul3A_1935 = arith.muli %squeeze3A_1843, %mul3A_1934 : i32
      %add3A_1936 = arith.constant 96 : i32
      %add3A_1937 = arith.addi %mul3A_1935, %add3A_1936 : i32
      %add3A_1938 = arith.constant 1280 : i32
      %add3A_1939 = arith.addi %mul3A_543, %add3A_1938 : i32
      %add3A_1940 = arith.constant 96 : i32
      %add3A_1941 = arith.addi %add3A_1939, %add3A_1940 : i32
      %get3A_1942 = arith.index_cast %add3A_1941 : i32 to index
      %get3A_1943 = tpu.vector_load %arg6[%get3A_1942] {strides = array<i32>} : memref<40960xf32, #tpu.memory_space<vmem>>, vector<16xf32>,
      %get3A_1944 = vector.shape_cast %get3A_1943 : vector<16xf32> to vector<16xf32>
      %swap3A_1945 = arith.index_cast %add3A_1937 : i32 to index
      %swap3A_1946 = tpu.vector_load %arg8[%swap3A_1945] {strides = array<i32>} : memref<2048xf32, #tpu.memory_space<vmem>>, vector<16xf32>,
      %swap3A_1947 = vector.shape_cast %swap3A_1946 : vector<16xf32> to vector<16xf32>
      %swap3A_1948 = vector.shape_cast %get3A_1944 : vector<16xf32> to vector<16xf32>
      tpu.vector_store %arg8[%swap3A_1945], %swap3A_1948 {add = true, strides = array<i32>} : memref<2048xf32, #tpu.memory_space<vmem>>, vector<16xf32>,
      %mul3A_1949 = arith.constant 128 : i32
      %mul3A_1950 = arith.muli %squeeze3A_1843, %mul3A_1949 : i32
      %add3A_1951 = arith.constant 112 : i32
      %add3A_1952 = arith.addi %mul3A_1950, %add3A_1951 : i32
      %add3A_1953 = arith.constant 1280 : i32
      %add3A_1954 = arith.addi %mul3A_543, %add3A_1953 : i32
      %add3A_1955 = arith.constant 112 : i32
      %add3A_1956 = arith.addi %add3A_1954, %add3A_1955 : i32
      %get3A_1957 = arith.index_cast %add3A_1956 : i32 to index
      %get3A_1958 = tpu.vector_load %arg6[%get3A_1957] {strides = array<i32>} : memref<40960xf32, #tpu.memory_space<vmem>>, vector<16xf32>,
      %get3A_1959 = vector.shape_cast %get3A_1958 : vector<16xf32> to vector<16xf32>
      %swap3A_1960 = arith.index_cast %add3A_1952 : i32 to index
      %swap3A_1961 = tpu.vector_load %arg8[%swap3A_1960] {strides = array<i32>} : memref<2048xf32, #tpu.memory_space<vmem>>, vector<16xf32>,
      %swap3A_1962 = vector.shape_cast %swap3A_1961 : vector<16xf32> to vector<16xf32>
      %swap3A_1963 = vector.shape_cast %get3A_1959 : vector<16xf32> to vector<16xf32>
      tpu.vector_store %arg8[%swap3A_1960], %swap3A_1963 {add = true, strides = array<i32>} : memref<2048xf32, #tpu.memory_space<vmem>>, vector<16xf32>,
      %eq3A_1964 = vector.broadcast %squeeze3A_1843 : i32 to vector<16xi32>
      %eq3A_1965 = arith.cmpi eq, %iota3A, %eq3A_1964 : vector<16xi32>
      %jit3A_1966 = arith.constant 1.000000e+00 : f32
      %jit3A_1967 = arith.constant 0.000000e+00 : f32
      %broadcast_in_dim3A_1968 = vector.broadcast %jit3A_1966 : f32 to vector<16xf32>
      %broadcast_in_dim3A_1969 = vector.broadcast %jit3A_1967 : f32 to vector<16xf32>
      %select_n3A_1970 = arith.select %eq3A_1965, %broadcast_in_dim3A_1968, %broadcast_in_dim3A_1969 : vector<16xi1>, vector<16xf32>
      %add3A_1971 = arith.addf %add3A_1841, %select_n3A_1970 : vector<16xf32>
      %slice3A_1972 = vector.extract_strided_slice %get3A_541 {offsets = [11], sizes = [1], strides = [1]} : vector<16xi32> to vector<1xi32>
      %squeeze3A_1973 = vector.extract %slice3A_1972[0] : i32 from vector<1xi32>
      %mul3A_1974 = arith.constant 128 : i32
      %mul3A_1975 = arith.muli %squeeze3A_1973, %mul3A_1974 : i32
      %add3A_1976 = arith.constant 0 : i32
      %add3A_1977 = arith.addi %mul3A_1975, %add3A_1976 : i32
      %add3A_1978 = arith.constant 1408 : i32
      %add3A_1979 = arith.addi %mul3A_543, %add3A_1978 : i32
      %add3A_1980 = arith.constant 0 : i32
      %add3A_1981 = arith.addi %add3A_1979, %add3A_1980 : i32
      %get3A_1982 = arith.index_cast %add3A_1981 : i32 to index
      %get3A_1983 = tpu.vector_load %arg6[%get3A_1982] {strides = array<i32>} : memref<40960xf32, #tpu.memory_space<vmem>>, vector<16xf32>,
      %get3A_1984 = vector.shape_cast %get3A_1983 : vector<16xf32> to vector<16xf32>
      %swap3A_1985 = arith.index_cast %add3A_1977 : i32 to index
      %swap3A_1986 = tpu.vector_load %arg8[%swap3A_1985] {strides = array<i32>} : memref<2048xf32, #tpu.memory_space<vmem>>, vector<16xf32>,
      %swap3A_1987 = vector.shape_cast %swap3A_1986 : vector<16xf32> to vector<16xf32>
      %swap3A_1988 = vector.shape_cast %get3A_1984 : vector<16xf32> to vector<16xf32>
      tpu.vector_store %arg8[%swap3A_1985], %swap3A_1988 {add = true, strides = array<i32>} : memref<2048xf32, #tpu.memory_space<vmem>>, vector<16xf32>,
      %mul3A_1989 = arith.constant 128 : i32
      %mul3A_1990 = arith.muli %squeeze3A_1973, %mul3A_1989 : i32
      %add3A_1991 = arith.constant 16 : i32
      %add3A_1992 = arith.addi %mul3A_1990, %add3A_1991 : i32
      %add3A_1993 = arith.constant 1408 : i32
      %add3A_1994 = arith.addi %mul3A_543, %add3A_1993 : i32
      %add3A_1995 = arith.constant 16 : i32
      %add3A_1996 = arith.addi %add3A_1994, %add3A_1995 : i32
      %get3A_1997 = arith.index_cast %add3A_1996 : i32 to index
      %get3A_1998 = tpu.vector_load %arg6[%get3A_1997] {strides = array<i32>} : memref<40960xf32, #tpu.memory_space<vmem>>, vector<16xf32>,
      %get3A_1999 = vector.shape_cast %get3A_1998 : vector<16xf32> to vector<16xf32>
      %swap3A_2000 = arith.index_cast %add3A_1992 : i32 to index
      %swap3A_2001 = tpu.vector_load %arg8[%swap3A_2000] {strides = array<i32>} : memref<2048xf32, #tpu.memory_space<vmem>>, vector<16xf32>,
      %swap3A_2002 = vector.shape_cast %swap3A_2001 : vector<16xf32> to vector<16xf32>
      %swap3A_2003 = vector.shape_cast %get3A_1999 : vector<16xf32> to vector<16xf32>
      tpu.vector_store %arg8[%swap3A_2000], %swap3A_2003 {add = true, strides = array<i32>} : memref<2048xf32, #tpu.memory_space<vmem>>, vector<16xf32>,
      %mul3A_2004 = arith.constant 128 : i32
      %mul3A_2005 = arith.muli %squeeze3A_1973, %mul3A_2004 : i32
      %add3A_2006 = arith.constant 32 : i32
      %add3A_2007 = arith.addi %mul3A_2005, %add3A_2006 : i32
      %add3A_2008 = arith.constant 1408 : i32
      %add3A_2009 = arith.addi %mul3A_543, %add3A_2008 : i32
      %add3A_2010 = arith.constant 32 : i32
      %add3A_2011 = arith.addi %add3A_2009, %add3A_2010 : i32
      %get3A_2012 = arith.index_cast %add3A_2011 : i32 to index
      %get3A_2013 = tpu.vector_load %arg6[%get3A_2012] {strides = array<i32>} : memref<40960xf32, #tpu.memory_space<vmem>>, vector<16xf32>,
      %get3A_2014 = vector.shape_cast %get3A_2013 : vector<16xf32> to vector<16xf32>
      %swap3A_2015 = arith.index_cast %add3A_2007 : i32 to index
      %swap3A_2016 = tpu.vector_load %arg8[%swap3A_2015] {strides = array<i32>} : memref<2048xf32, #tpu.memory_space<vmem>>, vector<16xf32>,
      %swap3A_2017 = vector.shape_cast %swap3A_2016 : vector<16xf32> to vector<16xf32>
      %swap3A_2018 = vector.shape_cast %get3A_2014 : vector<16xf32> to vector<16xf32>
      tpu.vector_store %arg8[%swap3A_2015], %swap3A_2018 {add = true, strides = array<i32>} : memref<2048xf32, #tpu.memory_space<vmem>>, vector<16xf32>,
      %mul3A_2019 = arith.constant 128 : i32
      %mul3A_2020 = arith.muli %squeeze3A_1973, %mul3A_2019 : i32
      %add3A_2021 = arith.constant 48 : i32
      %add3A_2022 = arith.addi %mul3A_2020, %add3A_2021 : i32
      %add3A_2023 = arith.constant 1408 : i32
      %add3A_2024 = arith.addi %mul3A_543, %add3A_2023 : i32
      %add3A_2025 = arith.constant 48 : i32
      %add3A_2026 = arith.addi %add3A_2024, %add3A_2025 : i32
      %get3A_2027 = arith.index_cast %add3A_2026 : i32 to index
      %get3A_2028 = tpu.vector_load %arg6[%get3A_2027] {strides = array<i32>} : memref<40960xf32, #tpu.memory_space<vmem>>, vector<16xf32>,
      %get3A_2029 = vector.shape_cast %get3A_2028 : vector<16xf32> to vector<16xf32>
      %swap3A_2030 = arith.index_cast %add3A_2022 : i32 to index
      %swap3A_2031 = tpu.vector_load %arg8[%swap3A_2030] {strides = array<i32>} : memref<2048xf32, #tpu.memory_space<vmem>>, vector<16xf32>,
      %swap3A_2032 = vector.shape_cast %swap3A_2031 : vector<16xf32> to vector<16xf32>
      %swap3A_2033 = vector.shape_cast %get3A_2029 : vector<16xf32> to vector<16xf32>
      tpu.vector_store %arg8[%swap3A_2030], %swap3A_2033 {add = true, strides = array<i32>} : memref<2048xf32, #tpu.memory_space<vmem>>, vector<16xf32>,
      %mul3A_2034 = arith.constant 128 : i32
      %mul3A_2035 = arith.muli %squeeze3A_1973, %mul3A_2034 : i32
      %add3A_2036 = arith.constant 64 : i32
      %add3A_2037 = arith.addi %mul3A_2035, %add3A_2036 : i32
      %add3A_2038 = arith.constant 1408 : i32
      %add3A_2039 = arith.addi %mul3A_543, %add3A_2038 : i32
      %add3A_2040 = arith.constant 64 : i32
      %add3A_2041 = arith.addi %add3A_2039, %add3A_2040 : i32
      %get3A_2042 = arith.index_cast %add3A_2041 : i32 to index
      %get3A_2043 = tpu.vector_load %arg6[%get3A_2042] {strides = array<i32>} : memref<40960xf32, #tpu.memory_space<vmem>>, vector<16xf32>,
      %get3A_2044 = vector.shape_cast %get3A_2043 : vector<16xf32> to vector<16xf32>
      %swap3A_2045 = arith.index_cast %add3A_2037 : i32 to index
      %swap3A_2046 = tpu.vector_load %arg8[%swap3A_2045] {strides = array<i32>} : memref<2048xf32, #tpu.memory_space<vmem>>, vector<16xf32>,
      %swap3A_2047 = vector.shape_cast %swap3A_2046 : vector<16xf32> to vector<16xf32>
      %swap3A_2048 = vector.shape_cast %get3A_2044 : vector<16xf32> to vector<16xf32>
      tpu.vector_store %arg8[%swap3A_2045], %swap3A_2048 {add = true, strides = array<i32>} : memref<2048xf32, #tpu.memory_space<vmem>>, vector<16xf32>,
      %mul3A_2049 = arith.constant 128 : i32
      %mul3A_2050 = arith.muli %squeeze3A_1973, %mul3A_2049 : i32
      %add3A_2051 = arith.constant 80 : i32
      %add3A_2052 = arith.addi %mul3A_2050, %add3A_2051 : i32
      %add3A_2053 = arith.constant 1408 : i32
      %add3A_2054 = arith.addi %mul3A_543, %add3A_2053 : i32
      %add3A_2055 = arith.constant 80 : i32
      %add3A_2056 = arith.addi %add3A_2054, %add3A_2055 : i32
      %get3A_2057 = arith.index_cast %add3A_2056 : i32 to index
      %get3A_2058 = tpu.vector_load %arg6[%get3A_2057] {strides = array<i32>} : memref<40960xf32, #tpu.memory_space<vmem>>, vector<16xf32>,
      %get3A_2059 = vector.shape_cast %get3A_2058 : vector<16xf32> to vector<16xf32>
      %swap3A_2060 = arith.index_cast %add3A_2052 : i32 to index
      %swap3A_2061 = tpu.vector_load %arg8[%swap3A_2060] {strides = array<i32>} : memref<2048xf32, #tpu.memory_space<vmem>>, vector<16xf32>,
      %swap3A_2062 = vector.shape_cast %swap3A_2061 : vector<16xf32> to vector<16xf32>
      %swap3A_2063 = vector.shape_cast %get3A_2059 : vector<16xf32> to vector<16xf32>
      tpu.vector_store %arg8[%swap3A_2060], %swap3A_2063 {add = true, strides = array<i32>} : memref<2048xf32, #tpu.memory_space<vmem>>, vector<16xf32>,
      %mul3A_2064 = arith.constant 128 : i32
      %mul3A_2065 = arith.muli %squeeze3A_1973, %mul3A_2064 : i32
      %add3A_2066 = arith.constant 96 : i32
      %add3A_2067 = arith.addi %mul3A_2065, %add3A_2066 : i32
      %add3A_2068 = arith.constant 1408 : i32
      %add3A_2069 = arith.addi %mul3A_543, %add3A_2068 : i32
      %add3A_2070 = arith.constant 96 : i32
      %add3A_2071 = arith.addi %add3A_2069, %add3A_2070 : i32
      %get3A_2072 = arith.index_cast %add3A_2071 : i32 to index
      %get3A_2073 = tpu.vector_load %arg6[%get3A_2072] {strides = array<i32>} : memref<40960xf32, #tpu.memory_space<vmem>>, vector<16xf32>,
      %get3A_2074 = vector.shape_cast %get3A_2073 : vector<16xf32> to vector<16xf32>
      %swap3A_2075 = arith.index_cast %add3A_2067 : i32 to index
      %swap3A_2076 = tpu.vector_load %arg8[%swap3A_2075] {strides = array<i32>} : memref<2048xf32, #tpu.memory_space<vmem>>, vector<16xf32>,
      %swap3A_2077 = vector.shape_cast %swap3A_2076 : vector<16xf32> to vector<16xf32>
      %swap3A_2078 = vector.shape_cast %get3A_2074 : vector<16xf32> to vector<16xf32>
      tpu.vector_store %arg8[%swap3A_2075], %swap3A_2078 {add = true, strides = array<i32>} : memref<2048xf32, #tpu.memory_space<vmem>>, vector<16xf32>,
      %mul3A_2079 = arith.constant 128 : i32
      %mul3A_2080 = arith.muli %squeeze3A_1973, %mul3A_2079 : i32
      %add3A_2081 = arith.constant 112 : i32
      %add3A_2082 = arith.addi %mul3A_2080, %add3A_2081 : i32
      %add3A_2083 = arith.constant 1408 : i32
      %add3A_2084 = arith.addi %mul3A_543, %add3A_2083 : i32
      %add3A_2085 = arith.constant 112 : i32
      %add3A_2086 = arith.addi %add3A_2084, %add3A_2085 : i32
      %get3A_2087 = arith.index_cast %add3A_2086 : i32 to index
      %get3A_2088 = tpu.vector_load %arg6[%get3A_2087] {strides = array<i32>} : memref<40960xf32, #tpu.memory_space<vmem>>, vector<16xf32>,
      %get3A_2089 = vector.shape_cast %get3A_2088 : vector<16xf32> to vector<16xf32>
      %swap3A_2090 = arith.index_cast %add3A_2082 : i32 to index
      %swap3A_2091 = tpu.vector_load %arg8[%swap3A_2090] {strides = array<i32>} : memref<2048xf32, #tpu.memory_space<vmem>>, vector<16xf32>,
      %swap3A_2092 = vector.shape_cast %swap3A_2091 : vector<16xf32> to vector<16xf32>
      %swap3A_2093 = vector.shape_cast %get3A_2089 : vector<16xf32> to vector<16xf32>
      tpu.vector_store %arg8[%swap3A_2090], %swap3A_2093 {add = true, strides = array<i32>} : memref<2048xf32, #tpu.memory_space<vmem>>, vector<16xf32>,
      %eq3A_2094 = vector.broadcast %squeeze3A_1973 : i32 to vector<16xi32>
      %eq3A_2095 = arith.cmpi eq, %iota3A, %eq3A_2094 : vector<16xi32>
      %jit3A_2096 = arith.constant 1.000000e+00 : f32
      %jit3A_2097 = arith.constant 0.000000e+00 : f32
      %broadcast_in_dim3A_2098 = vector.broadcast %jit3A_2096 : f32 to vector<16xf32>
      %broadcast_in_dim3A_2099 = vector.broadcast %jit3A_2097 : f32 to vector<16xf32>
      %select_n3A_2100 = arith.select %eq3A_2095, %broadcast_in_dim3A_2098, %broadcast_in_dim3A_2099 : vector<16xi1>, vector<16xf32>
      %add3A_2101 = arith.addf %add3A_1971, %select_n3A_2100 : vector<16xf32>
      %slice3A_2102 = vector.extract_strided_slice %get3A_541 {offsets = [12], sizes = [1], strides = [1]} : vector<16xi32> to vector<1xi32>
      %squeeze3A_2103 = vector.extract %slice3A_2102[0] : i32 from vector<1xi32>
      %mul3A_2104 = arith.constant 128 : i32
      %mul3A_2105 = arith.muli %squeeze3A_2103, %mul3A_2104 : i32
      %add3A_2106 = arith.constant 0 : i32
      %add3A_2107 = arith.addi %mul3A_2105, %add3A_2106 : i32
      %add3A_2108 = arith.constant 1536 : i32
      %add3A_2109 = arith.addi %mul3A_543, %add3A_2108 : i32
      %add3A_2110 = arith.constant 0 : i32
      %add3A_2111 = arith.addi %add3A_2109, %add3A_2110 : i32
      %get3A_2112 = arith.index_cast %add3A_2111 : i32 to index
      %get3A_2113 = tpu.vector_load %arg6[%get3A_2112] {strides = array<i32>} : memref<40960xf32, #tpu.memory_space<vmem>>, vector<16xf32>,
      %get3A_2114 = vector.shape_cast %get3A_2113 : vector<16xf32> to vector<16xf32>
      %swap3A_2115 = arith.index_cast %add3A_2107 : i32 to index
      %swap3A_2116 = tpu.vector_load %arg8[%swap3A_2115] {strides = array<i32>} : memref<2048xf32, #tpu.memory_space<vmem>>, vector<16xf32>,
      %swap3A_2117 = vector.shape_cast %swap3A_2116 : vector<16xf32> to vector<16xf32>
      %swap3A_2118 = vector.shape_cast %get3A_2114 : vector<16xf32> to vector<16xf32>
      tpu.vector_store %arg8[%swap3A_2115], %swap3A_2118 {add = true, strides = array<i32>} : memref<2048xf32, #tpu.memory_space<vmem>>, vector<16xf32>,
      %mul3A_2119 = arith.constant 128 : i32
      %mul3A_2120 = arith.muli %squeeze3A_2103, %mul3A_2119 : i32
      %add3A_2121 = arith.constant 16 : i32
      %add3A_2122 = arith.addi %mul3A_2120, %add3A_2121 : i32
      %add3A_2123 = arith.constant 1536 : i32
      %add3A_2124 = arith.addi %mul3A_543, %add3A_2123 : i32
      %add3A_2125 = arith.constant 16 : i32
      %add3A_2126 = arith.addi %add3A_2124, %add3A_2125 : i32
      %get3A_2127 = arith.index_cast %add3A_2126 : i32 to index
      %get3A_2128 = tpu.vector_load %arg6[%get3A_2127] {strides = array<i32>} : memref<40960xf32, #tpu.memory_space<vmem>>, vector<16xf32>,
      %get3A_2129 = vector.shape_cast %get3A_2128 : vector<16xf32> to vector<16xf32>
      %swap3A_2130 = arith.index_cast %add3A_2122 : i32 to index
      %swap3A_2131 = tpu.vector_load %arg8[%swap3A_2130] {strides = array<i32>} : memref<2048xf32, #tpu.memory_space<vmem>>, vector<16xf32>,
      %swap3A_2132 = vector.shape_cast %swap3A_2131 : vector<16xf32> to vector<16xf32>
      %swap3A_2133 = vector.shape_cast %get3A_2129 : vector<16xf32> to vector<16xf32>
      tpu.vector_store %arg8[%swap3A_2130], %swap3A_2133 {add = true, strides = array<i32>} : memref<2048xf32, #tpu.memory_space<vmem>>, vector<16xf32>,
      %mul3A_2134 = arith.constant 128 : i32
      %mul3A_2135 = arith.muli %squeeze3A_2103, %mul3A_2134 : i32
      %add3A_2136 = arith.constant 32 : i32
      %add3A_2137 = arith.addi %mul3A_2135, %add3A_2136 : i32
      %add3A_2138 = arith.constant 1536 : i32
      %add3A_2139 = arith.addi %mul3A_543, %add3A_2138 : i32
      %add3A_2140 = arith.constant 32 : i32
      %add3A_2141 = arith.addi %add3A_2139, %add3A_2140 : i32
      %get3A_2142 = arith.index_cast %add3A_2141 : i32 to index
      %get3A_2143 = tpu.vector_load %arg6[%get3A_2142] {strides = array<i32>} : memref<40960xf32, #tpu.memory_space<vmem>>, vector<16xf32>,
      %get3A_2144 = vector.shape_cast %get3A_2143 : vector<16xf32> to vector<16xf32>
      %swap3A_2145 = arith.index_cast %add3A_2137 : i32 to index
      %swap3A_2146 = tpu.vector_load %arg8[%swap3A_2145] {strides = array<i32>} : memref<2048xf32, #tpu.memory_space<vmem>>, vector<16xf32>,
      %swap3A_2147 = vector.shape_cast %swap3A_2146 : vector<16xf32> to vector<16xf32>
      %swap3A_2148 = vector.shape_cast %get3A_2144 : vector<16xf32> to vector<16xf32>
      tpu.vector_store %arg8[%swap3A_2145], %swap3A_2148 {add = true, strides = array<i32>} : memref<2048xf32, #tpu.memory_space<vmem>>, vector<16xf32>,
      %mul3A_2149 = arith.constant 128 : i32
      %mul3A_2150 = arith.muli %squeeze3A_2103, %mul3A_2149 : i32
      %add3A_2151 = arith.constant 48 : i32
      %add3A_2152 = arith.addi %mul3A_2150, %add3A_2151 : i32
      %add3A_2153 = arith.constant 1536 : i32
      %add3A_2154 = arith.addi %mul3A_543, %add3A_2153 : i32
      %add3A_2155 = arith.constant 48 : i32
      %add3A_2156 = arith.addi %add3A_2154, %add3A_2155 : i32
      %get3A_2157 = arith.index_cast %add3A_2156 : i32 to index
      %get3A_2158 = tpu.vector_load %arg6[%get3A_2157] {strides = array<i32>} : memref<40960xf32, #tpu.memory_space<vmem>>, vector<16xf32>,
      %get3A_2159 = vector.shape_cast %get3A_2158 : vector<16xf32> to vector<16xf32>
      %swap3A_2160 = arith.index_cast %add3A_2152 : i32 to index
      %swap3A_2161 = tpu.vector_load %arg8[%swap3A_2160] {strides = array<i32>} : memref<2048xf32, #tpu.memory_space<vmem>>, vector<16xf32>,
      %swap3A_2162 = vector.shape_cast %swap3A_2161 : vector<16xf32> to vector<16xf32>
      %swap3A_2163 = vector.shape_cast %get3A_2159 : vector<16xf32> to vector<16xf32>
      tpu.vector_store %arg8[%swap3A_2160], %swap3A_2163 {add = true, strides = array<i32>} : memref<2048xf32, #tpu.memory_space<vmem>>, vector<16xf32>,
      %mul3A_2164 = arith.constant 128 : i32
      %mul3A_2165 = arith.muli %squeeze3A_2103, %mul3A_2164 : i32
      %add3A_2166 = arith.constant 64 : i32
      %add3A_2167 = arith.addi %mul3A_2165, %add3A_2166 : i32
      %add3A_2168 = arith.constant 1536 : i32
      %add3A_2169 = arith.addi %mul3A_543, %add3A_2168 : i32
      %add3A_2170 = arith.constant 64 : i32
      %add3A_2171 = arith.addi %add3A_2169, %add3A_2170 : i32
      %get3A_2172 = arith.index_cast %add3A_2171 : i32 to index
      %get3A_2173 = tpu.vector_load %arg6[%get3A_2172] {strides = array<i32>} : memref<40960xf32, #tpu.memory_space<vmem>>, vector<16xf32>,
      %get3A_2174 = vector.shape_cast %get3A_2173 : vector<16xf32> to vector<16xf32>
      %swap3A_2175 = arith.index_cast %add3A_2167 : i32 to index
      %swap3A_2176 = tpu.vector_load %arg8[%swap3A_2175] {strides = array<i32>} : memref<2048xf32, #tpu.memory_space<vmem>>, vector<16xf32>,
      %swap3A_2177 = vector.shape_cast %swap3A_2176 : vector<16xf32> to vector<16xf32>
      %swap3A_2178 = vector.shape_cast %get3A_2174 : vector<16xf32> to vector<16xf32>
      tpu.vector_store %arg8[%swap3A_2175], %swap3A_2178 {add = true, strides = array<i32>} : memref<2048xf32, #tpu.memory_space<vmem>>, vector<16xf32>,
      %mul3A_2179 = arith.constant 128 : i32
      %mul3A_2180 = arith.muli %squeeze3A_2103, %mul3A_2179 : i32
      %add3A_2181 = arith.constant 80 : i32
      %add3A_2182 = arith.addi %mul3A_2180, %add3A_2181 : i32
      %add3A_2183 = arith.constant 1536 : i32
      %add3A_2184 = arith.addi %mul3A_543, %add3A_2183 : i32
      %add3A_2185 = arith.constant 80 : i32
      %add3A_2186 = arith.addi %add3A_2184, %add3A_2185 : i32
      %get3A_2187 = arith.index_cast %add3A_2186 : i32 to index
      %get3A_2188 = tpu.vector_load %arg6[%get3A_2187] {strides = array<i32>} : memref<40960xf32, #tpu.memory_space<vmem>>, vector<16xf32>,
      %get3A_2189 = vector.shape_cast %get3A_2188 : vector<16xf32> to vector<16xf32>
      %swap3A_2190 = arith.index_cast %add3A_2182 : i32 to index
      %swap3A_2191 = tpu.vector_load %arg8[%swap3A_2190] {strides = array<i32>} : memref<2048xf32, #tpu.memory_space<vmem>>, vector<16xf32>,
      %swap3A_2192 = vector.shape_cast %swap3A_2191 : vector<16xf32> to vector<16xf32>
      %swap3A_2193 = vector.shape_cast %get3A_2189 : vector<16xf32> to vector<16xf32>
      tpu.vector_store %arg8[%swap3A_2190], %swap3A_2193 {add = true, strides = array<i32>} : memref<2048xf32, #tpu.memory_space<vmem>>, vector<16xf32>,
      %mul3A_2194 = arith.constant 128 : i32
      %mul3A_2195 = arith.muli %squeeze3A_2103, %mul3A_2194 : i32
      %add3A_2196 = arith.constant 96 : i32
      %add3A_2197 = arith.addi %mul3A_2195, %add3A_2196 : i32
      %add3A_2198 = arith.constant 1536 : i32
      %add3A_2199 = arith.addi %mul3A_543, %add3A_2198 : i32
      %add3A_2200 = arith.constant 96 : i32
      %add3A_2201 = arith.addi %add3A_2199, %add3A_2200 : i32
      %get3A_2202 = arith.index_cast %add3A_2201 : i32 to index
      %get3A_2203 = tpu.vector_load %arg6[%get3A_2202] {strides = array<i32>} : memref<40960xf32, #tpu.memory_space<vmem>>, vector<16xf32>,
      %get3A_2204 = vector.shape_cast %get3A_2203 : vector<16xf32> to vector<16xf32>
      %swap3A_2205 = arith.index_cast %add3A_2197 : i32 to index
      %swap3A_2206 = tpu.vector_load %arg8[%swap3A_2205] {strides = array<i32>} : memref<2048xf32, #tpu.memory_space<vmem>>, vector<16xf32>,
      %swap3A_2207 = vector.shape_cast %swap3A_2206 : vector<16xf32> to vector<16xf32>
      %swap3A_2208 = vector.shape_cast %get3A_2204 : vector<16xf32> to vector<16xf32>
      tpu.vector_store %arg8[%swap3A_2205], %swap3A_2208 {add = true, strides = array<i32>} : memref<2048xf32, #tpu.memory_space<vmem>>, vector<16xf32>,
      %mul3A_2209 = arith.constant 128 : i32
      %mul3A_2210 = arith.muli %squeeze3A_2103, %mul3A_2209 : i32
      %add3A_2211 = arith.constant 112 : i32
      %add3A_2212 = arith.addi %mul3A_2210, %add3A_2211 : i32
      %add3A_2213 = arith.constant 1536 : i32
      %add3A_2214 = arith.addi %mul3A_543, %add3A_2213 : i32
      %add3A_2215 = arith.constant 112 : i32
      %add3A_2216 = arith.addi %add3A_2214, %add3A_2215 : i32
      %get3A_2217 = arith.index_cast %add3A_2216 : i32 to index
      %get3A_2218 = tpu.vector_load %arg6[%get3A_2217] {strides = array<i32>} : memref<40960xf32, #tpu.memory_space<vmem>>, vector<16xf32>,
      %get3A_2219 = vector.shape_cast %get3A_2218 : vector<16xf32> to vector<16xf32>
      %swap3A_2220 = arith.index_cast %add3A_2212 : i32 to index
      %swap3A_2221 = tpu.vector_load %arg8[%swap3A_2220] {strides = array<i32>} : memref<2048xf32, #tpu.memory_space<vmem>>, vector<16xf32>,
      %swap3A_2222 = vector.shape_cast %swap3A_2221 : vector<16xf32> to vector<16xf32>
      %swap3A_2223 = vector.shape_cast %get3A_2219 : vector<16xf32> to vector<16xf32>
      tpu.vector_store %arg8[%swap3A_2220], %swap3A_2223 {add = true, strides = array<i32>} : memref<2048xf32, #tpu.memory_space<vmem>>, vector<16xf32>,
      %eq3A_2224 = vector.broadcast %squeeze3A_2103 : i32 to vector<16xi32>
      %eq3A_2225 = arith.cmpi eq, %iota3A, %eq3A_2224 : vector<16xi32>
      %jit3A_2226 = arith.constant 1.000000e+00 : f32
      %jit3A_2227 = arith.constant 0.000000e+00 : f32
      %broadcast_in_dim3A_2228 = vector.broadcast %jit3A_2226 : f32 to vector<16xf32>
      %broadcast_in_dim3A_2229 = vector.broadcast %jit3A_2227 : f32 to vector<16xf32>
      %select_n3A_2230 = arith.select %eq3A_2225, %broadcast_in_dim3A_2228, %broadcast_in_dim3A_2229 : vector<16xi1>, vector<16xf32>
      %add3A_2231 = arith.addf %add3A_2101, %select_n3A_2230 : vector<16xf32>
      %slice3A_2232 = vector.extract_strided_slice %get3A_541 {offsets = [13], sizes = [1], strides = [1]} : vector<16xi32> to vector<1xi32>
      %squeeze3A_2233 = vector.extract %slice3A_2232[0] : i32 from vector<1xi32>
      %mul3A_2234 = arith.constant 128 : i32
      %mul3A_2235 = arith.muli %squeeze3A_2233, %mul3A_2234 : i32
      %add3A_2236 = arith.constant 0 : i32
      %add3A_2237 = arith.addi %mul3A_2235, %add3A_2236 : i32
      %add3A_2238 = arith.constant 1664 : i32
      %add3A_2239 = arith.addi %mul3A_543, %add3A_2238 : i32
      %add3A_2240 = arith.constant 0 : i32
      %add3A_2241 = arith.addi %add3A_2239, %add3A_2240 : i32
      %get3A_2242 = arith.index_cast %add3A_2241 : i32 to index
      %get3A_2243 = tpu.vector_load %arg6[%get3A_2242] {strides = array<i32>} : memref<40960xf32, #tpu.memory_space<vmem>>, vector<16xf32>,
      %get3A_2244 = vector.shape_cast %get3A_2243 : vector<16xf32> to vector<16xf32>
      %swap3A_2245 = arith.index_cast %add3A_2237 : i32 to index
      %swap3A_2246 = tpu.vector_load %arg8[%swap3A_2245] {strides = array<i32>} : memref<2048xf32, #tpu.memory_space<vmem>>, vector<16xf32>,
      %swap3A_2247 = vector.shape_cast %swap3A_2246 : vector<16xf32> to vector<16xf32>
      %swap3A_2248 = vector.shape_cast %get3A_2244 : vector<16xf32> to vector<16xf32>
      tpu.vector_store %arg8[%swap3A_2245], %swap3A_2248 {add = true, strides = array<i32>} : memref<2048xf32, #tpu.memory_space<vmem>>, vector<16xf32>,
      %mul3A_2249 = arith.constant 128 : i32
      %mul3A_2250 = arith.muli %squeeze3A_2233, %mul3A_2249 : i32
      %add3A_2251 = arith.constant 16 : i32
      %add3A_2252 = arith.addi %mul3A_2250, %add3A_2251 : i32
      %add3A_2253 = arith.constant 1664 : i32
      %add3A_2254 = arith.addi %mul3A_543, %add3A_2253 : i32
      %add3A_2255 = arith.constant 16 : i32
      %add3A_2256 = arith.addi %add3A_2254, %add3A_2255 : i32
      %get3A_2257 = arith.index_cast %add3A_2256 : i32 to index
      %get3A_2258 = tpu.vector_load %arg6[%get3A_2257] {strides = array<i32>} : memref<40960xf32, #tpu.memory_space<vmem>>, vector<16xf32>,
      %get3A_2259 = vector.shape_cast %get3A_2258 : vector<16xf32> to vector<16xf32>
      %swap3A_2260 = arith.index_cast %add3A_2252 : i32 to index
      %swap3A_2261 = tpu.vector_load %arg8[%swap3A_2260] {strides = array<i32>} : memref<2048xf32, #tpu.memory_space<vmem>>, vector<16xf32>,
      %swap3A_2262 = vector.shape_cast %swap3A_2261 : vector<16xf32> to vector<16xf32>
      %swap3A_2263 = vector.shape_cast %get3A_2259 : vector<16xf32> to vector<16xf32>
      tpu.vector_store %arg8[%swap3A_2260], %swap3A_2263 {add = true, strides = array<i32>} : memref<2048xf32, #tpu.memory_space<vmem>>, vector<16xf32>,
      %mul3A_2264 = arith.constant 128 : i32
      %mul3A_2265 = arith.muli %squeeze3A_2233, %mul3A_2264 : i32
      %add3A_2266 = arith.constant 32 : i32
      %add3A_2267 = arith.addi %mul3A_2265, %add3A_2266 : i32
      %add3A_2268 = arith.constant 1664 : i32
      %add3A_2269 = arith.addi %mul3A_543, %add3A_2268 : i32
      %add3A_2270 = arith.constant 32 : i32
      %add3A_2271 = arith.addi %add3A_2269, %add3A_2270 : i32
      %get3A_2272 = arith.index_cast %add3A_2271 : i32 to index
      %get3A_2273 = tpu.vector_load %arg6[%get3A_2272] {strides = array<i32>} : memref<40960xf32, #tpu.memory_space<vmem>>, vector<16xf32>,
      %get3A_2274 = vector.shape_cast %get3A_2273 : vector<16xf32> to vector<16xf32>
      %swap3A_2275 = arith.index_cast %add3A_2267 : i32 to index
      %swap3A_2276 = tpu.vector_load %arg8[%swap3A_2275] {strides = array<i32>} : memref<2048xf32, #tpu.memory_space<vmem>>, vector<16xf32>,
      %swap3A_2277 = vector.shape_cast %swap3A_2276 : vector<16xf32> to vector<16xf32>
      %swap3A_2278 = vector.shape_cast %get3A_2274 : vector<16xf32> to vector<16xf32>
      tpu.vector_store %arg8[%swap3A_2275], %swap3A_2278 {add = true, strides = array<i32>} : memref<2048xf32, #tpu.memory_space<vmem>>, vector<16xf32>,
      %mul3A_2279 = arith.constant 128 : i32
      %mul3A_2280 = arith.muli %squeeze3A_2233, %mul3A_2279 : i32
      %add3A_2281 = arith.constant 48 : i32
      %add3A_2282 = arith.addi %mul3A_2280, %add3A_2281 : i32
      %add3A_2283 = arith.constant 1664 : i32
      %add3A_2284 = arith.addi %mul3A_543, %add3A_2283 : i32
      %add3A_2285 = arith.constant 48 : i32
      %add3A_2286 = arith.addi %add3A_2284, %add3A_2285 : i32
      %get3A_2287 = arith.index_cast %add3A_2286 : i32 to index
      %get3A_2288 = tpu.vector_load %arg6[%get3A_2287] {strides = array<i32>} : memref<40960xf32, #tpu.memory_space<vmem>>, vector<16xf32>,
      %get3A_2289 = vector.shape_cast %get3A_2288 : vector<16xf32> to vector<16xf32>
      %swap3A_2290 = arith.index_cast %add3A_2282 : i32 to index
      %swap3A_2291 = tpu.vector_load %arg8[%swap3A_2290] {strides = array<i32>} : memref<2048xf32, #tpu.memory_space<vmem>>, vector<16xf32>,
      %swap3A_2292 = vector.shape_cast %swap3A_2291 : vector<16xf32> to vector<16xf32>
      %swap3A_2293 = vector.shape_cast %get3A_2289 : vector<16xf32> to vector<16xf32>
      tpu.vector_store %arg8[%swap3A_2290], %swap3A_2293 {add = true, strides = array<i32>} : memref<2048xf32, #tpu.memory_space<vmem>>, vector<16xf32>,
      %mul3A_2294 = arith.constant 128 : i32
      %mul3A_2295 = arith.muli %squeeze3A_2233, %mul3A_2294 : i32
      %add3A_2296 = arith.constant 64 : i32
      %add3A_2297 = arith.addi %mul3A_2295, %add3A_2296 : i32
      %add3A_2298 = arith.constant 1664 : i32
      %add3A_2299 = arith.addi %mul3A_543, %add3A_2298 : i32
      %add3A_2300 = arith.constant 64 : i32
      %add3A_2301 = arith.addi %add3A_2299, %add3A_2300 : i32
      %get3A_2302 = arith.index_cast %add3A_2301 : i32 to index
      %get3A_2303 = tpu.vector_load %arg6[%get3A_2302] {strides = array<i32>} : memref<40960xf32, #tpu.memory_space<vmem>>, vector<16xf32>,
      %get3A_2304 = vector.shape_cast %get3A_2303 : vector<16xf32> to vector<16xf32>
      %swap3A_2305 = arith.index_cast %add3A_2297 : i32 to index
      %swap3A_2306 = tpu.vector_load %arg8[%swap3A_2305] {strides = array<i32>} : memref<2048xf32, #tpu.memory_space<vmem>>, vector<16xf32>,
      %swap3A_2307 = vector.shape_cast %swap3A_2306 : vector<16xf32> to vector<16xf32>
      %swap3A_2308 = vector.shape_cast %get3A_2304 : vector<16xf32> to vector<16xf32>
      tpu.vector_store %arg8[%swap3A_2305], %swap3A_2308 {add = true, strides = array<i32>} : memref<2048xf32, #tpu.memory_space<vmem>>, vector<16xf32>,
      %mul3A_2309 = arith.constant 128 : i32
      %mul3A_2310 = arith.muli %squeeze3A_2233, %mul3A_2309 : i32
      %add3A_2311 = arith.constant 80 : i32
      %add3A_2312 = arith.addi %mul3A_2310, %add3A_2311 : i32
      %add3A_2313 = arith.constant 1664 : i32
      %add3A_2314 = arith.addi %mul3A_543, %add3A_2313 : i32
      %add3A_2315 = arith.constant 80 : i32
      %add3A_2316 = arith.addi %add3A_2314, %add3A_2315 : i32
      %get3A_2317 = arith.index_cast %add3A_2316 : i32 to index
      %get3A_2318 = tpu.vector_load %arg6[%get3A_2317] {strides = array<i32>} : memref<40960xf32, #tpu.memory_space<vmem>>, vector<16xf32>,
      %get3A_2319 = vector.shape_cast %get3A_2318 : vector<16xf32> to vector<16xf32>
      %swap3A_2320 = arith.index_cast %add3A_2312 : i32 to index
      %swap3A_2321 = tpu.vector_load %arg8[%swap3A_2320] {strides = array<i32>} : memref<2048xf32, #tpu.memory_space<vmem>>, vector<16xf32>,
      %swap3A_2322 = vector.shape_cast %swap3A_2321 : vector<16xf32> to vector<16xf32>
      %swap3A_2323 = vector.shape_cast %get3A_2319 : vector<16xf32> to vector<16xf32>
      tpu.vector_store %arg8[%swap3A_2320], %swap3A_2323 {add = true, strides = array<i32>} : memref<2048xf32, #tpu.memory_space<vmem>>, vector<16xf32>,
      %mul3A_2324 = arith.constant 128 : i32
      %mul3A_2325 = arith.muli %squeeze3A_2233, %mul3A_2324 : i32
      %add3A_2326 = arith.constant 96 : i32
      %add3A_2327 = arith.addi %mul3A_2325, %add3A_2326 : i32
      %add3A_2328 = arith.constant 1664 : i32
      %add3A_2329 = arith.addi %mul3A_543, %add3A_2328 : i32
      %add3A_2330 = arith.constant 96 : i32
      %add3A_2331 = arith.addi %add3A_2329, %add3A_2330 : i32
      %get3A_2332 = arith.index_cast %add3A_2331 : i32 to index
      %get3A_2333 = tpu.vector_load %arg6[%get3A_2332] {strides = array<i32>} : memref<40960xf32, #tpu.memory_space<vmem>>, vector<16xf32>,
      %get3A_2334 = vector.shape_cast %get3A_2333 : vector<16xf32> to vector<16xf32>
      %swap3A_2335 = arith.index_cast %add3A_2327 : i32 to index
      %swap3A_2336 = tpu.vector_load %arg8[%swap3A_2335] {strides = array<i32>} : memref<2048xf32, #tpu.memory_space<vmem>>, vector<16xf32>,
      %swap3A_2337 = vector.shape_cast %swap3A_2336 : vector<16xf32> to vector<16xf32>
      %swap3A_2338 = vector.shape_cast %get3A_2334 : vector<16xf32> to vector<16xf32>
      tpu.vector_store %arg8[%swap3A_2335], %swap3A_2338 {add = true, strides = array<i32>} : memref<2048xf32, #tpu.memory_space<vmem>>, vector<16xf32>,
      %mul3A_2339 = arith.constant 128 : i32
      %mul3A_2340 = arith.muli %squeeze3A_2233, %mul3A_2339 : i32
      %add3A_2341 = arith.constant 112 : i32
      %add3A_2342 = arith.addi %mul3A_2340, %add3A_2341 : i32
      %add3A_2343 = arith.constant 1664 : i32
      %add3A_2344 = arith.addi %mul3A_543, %add3A_2343 : i32
      %add3A_2345 = arith.constant 112 : i32
      %add3A_2346 = arith.addi %add3A_2344, %add3A_2345 : i32
      %get3A_2347 = arith.index_cast %add3A_2346 : i32 to index
      %get3A_2348 = tpu.vector_load %arg6[%get3A_2347] {strides = array<i32>} : memref<40960xf32, #tpu.memory_space<vmem>>, vector<16xf32>,
      %get3A_2349 = vector.shape_cast %get3A_2348 : vector<16xf32> to vector<16xf32>
      %swap3A_2350 = arith.index_cast %add3A_2342 : i32 to index
      %swap3A_2351 = tpu.vector_load %arg8[%swap3A_2350] {strides = array<i32>} : memref<2048xf32, #tpu.memory_space<vmem>>, vector<16xf32>,
      %swap3A_2352 = vector.shape_cast %swap3A_2351 : vector<16xf32> to vector<16xf32>
      %swap3A_2353 = vector.shape_cast %get3A_2349 : vector<16xf32> to vector<16xf32>
      tpu.vector_store %arg8[%swap3A_2350], %swap3A_2353 {add = true, strides = array<i32>} : memref<2048xf32, #tpu.memory_space<vmem>>, vector<16xf32>,
      %eq3A_2354 = vector.broadcast %squeeze3A_2233 : i32 to vector<16xi32>
      %eq3A_2355 = arith.cmpi eq, %iota3A, %eq3A_2354 : vector<16xi32>
      %jit3A_2356 = arith.constant 1.000000e+00 : f32
      %jit3A_2357 = arith.constant 0.000000e+00 : f32
      %broadcast_in_dim3A_2358 = vector.broadcast %jit3A_2356 : f32 to vector<16xf32>
      %broadcast_in_dim3A_2359 = vector.broadcast %jit3A_2357 : f32 to vector<16xf32>
      %select_n3A_2360 = arith.select %eq3A_2355, %broadcast_in_dim3A_2358, %broadcast_in_dim3A_2359 : vector<16xi1>, vector<16xf32>
      %add3A_2361 = arith.addf %add3A_2231, %select_n3A_2360 : vector<16xf32>
      %slice3A_2362 = vector.extract_strided_slice %get3A_541 {offsets = [14], sizes = [1], strides = [1]} : vector<16xi32> to vector<1xi32>
      %squeeze3A_2363 = vector.extract %slice3A_2362[0] : i32 from vector<1xi32>
      %mul3A_2364 = arith.constant 128 : i32
      %mul3A_2365 = arith.muli %squeeze3A_2363, %mul3A_2364 : i32
      %add3A_2366 = arith.constant 0 : i32
      %add3A_2367 = arith.addi %mul3A_2365, %add3A_2366 : i32
      %add3A_2368 = arith.constant 1792 : i32
      %add3A_2369 = arith.addi %mul3A_543, %add3A_2368 : i32
      %add3A_2370 = arith.constant 0 : i32
      %add3A_2371 = arith.addi %add3A_2369, %add3A_2370 : i32
      %get3A_2372 = arith.index_cast %add3A_2371 : i32 to index
      %get3A_2373 = tpu.vector_load %arg6[%get3A_2372] {strides = array<i32>} : memref<40960xf32, #tpu.memory_space<vmem>>, vector<16xf32>,
      %get3A_2374 = vector.shape_cast %get3A_2373 : vector<16xf32> to vector<16xf32>
      %swap3A_2375 = arith.index_cast %add3A_2367 : i32 to index
      %swap3A_2376 = tpu.vector_load %arg8[%swap3A_2375] {strides = array<i32>} : memref<2048xf32, #tpu.memory_space<vmem>>, vector<16xf32>,
      %swap3A_2377 = vector.shape_cast %swap3A_2376 : vector<16xf32> to vector<16xf32>
      %swap3A_2378 = vector.shape_cast %get3A_2374 : vector<16xf32> to vector<16xf32>
      tpu.vector_store %arg8[%swap3A_2375], %swap3A_2378 {add = true, strides = array<i32>} : memref<2048xf32, #tpu.memory_space<vmem>>, vector<16xf32>,
      %mul3A_2379 = arith.constant 128 : i32
      %mul3A_2380 = arith.muli %squeeze3A_2363, %mul3A_2379 : i32
      %add3A_2381 = arith.constant 16 : i32
      %add3A_2382 = arith.addi %mul3A_2380, %add3A_2381 : i32
      %add3A_2383 = arith.constant 1792 : i32
      %add3A_2384 = arith.addi %mul3A_543, %add3A_2383 : i32
      %add3A_2385 = arith.constant 16 : i32
      %add3A_2386 = arith.addi %add3A_2384, %add3A_2385 : i32
      %get3A_2387 = arith.index_cast %add3A_2386 : i32 to index
      %get3A_2388 = tpu.vector_load %arg6[%get3A_2387] {strides = array<i32>} : memref<40960xf32, #tpu.memory_space<vmem>>, vector<16xf32>,
      %get3A_2389 = vector.shape_cast %get3A_2388 : vector<16xf32> to vector<16xf32>
      %swap3A_2390 = arith.index_cast %add3A_2382 : i32 to index
      %swap3A_2391 = tpu.vector_load %arg8[%swap3A_2390] {strides = array<i32>} : memref<2048xf32, #tpu.memory_space<vmem>>, vector<16xf32>,
      %swap3A_2392 = vector.shape_cast %swap3A_2391 : vector<16xf32> to vector<16xf32>
      %swap3A_2393 = vector.shape_cast %get3A_2389 : vector<16xf32> to vector<16xf32>
      tpu.vector_store %arg8[%swap3A_2390], %swap3A_2393 {add = true, strides = array<i32>} : memref<2048xf32, #tpu.memory_space<vmem>>, vector<16xf32>,
      %mul3A_2394 = arith.constant 128 : i32
      %mul3A_2395 = arith.muli %squeeze3A_2363, %mul3A_2394 : i32
      %add3A_2396 = arith.constant 32 : i32
      %add3A_2397 = arith.addi %mul3A_2395, %add3A_2396 : i32
      %add3A_2398 = arith.constant 1792 : i32
      %add3A_2399 = arith.addi %mul3A_543, %add3A_2398 : i32
      %add3A_2400 = arith.constant 32 : i32
      %add3A_2401 = arith.addi %add3A_2399, %add3A_2400 : i32
      %get3A_2402 = arith.index_cast %add3A_2401 : i32 to index
      %get3A_2403 = tpu.vector_load %arg6[%get3A_2402] {strides = array<i32>} : memref<40960xf32, #tpu.memory_space<vmem>>, vector<16xf32>,
      %get3A_2404 = vector.shape_cast %get3A_2403 : vector<16xf32> to vector<16xf32>
      %swap3A_2405 = arith.index_cast %add3A_2397 : i32 to index
      %swap3A_2406 = tpu.vector_load %arg8[%swap3A_2405] {strides = array<i32>} : memref<2048xf32, #tpu.memory_space<vmem>>, vector<16xf32>,
      %swap3A_2407 = vector.shape_cast %swap3A_2406 : vector<16xf32> to vector<16xf32>
      %swap3A_2408 = vector.shape_cast %get3A_2404 : vector<16xf32> to vector<16xf32>
      tpu.vector_store %arg8[%swap3A_2405], %swap3A_2408 {add = true, strides = array<i32>} : memref<2048xf32, #tpu.memory_space<vmem>>, vector<16xf32>,
      %mul3A_2409 = arith.constant 128 : i32
      %mul3A_2410 = arith.muli %squeeze3A_2363, %mul3A_2409 : i32
      %add3A_2411 = arith.constant 48 : i32
      %add3A_2412 = arith.addi %mul3A_2410, %add3A_2411 : i32
      %add3A_2413 = arith.constant 1792 : i32
      %add3A_2414 = arith.addi %mul3A_543, %add3A_2413 : i32
      %add3A_2415 = arith.constant 48 : i32
      %add3A_2416 = arith.addi %add3A_2414, %add3A_2415 : i32
      %get3A_2417 = arith.index_cast %add3A_2416 : i32 to index
      %get3A_2418 = tpu.vector_load %arg6[%get3A_2417] {strides = array<i32>} : memref<40960xf32, #tpu.memory_space<vmem>>, vector<16xf32>,
      %get3A_2419 = vector.shape_cast %get3A_2418 : vector<16xf32> to vector<16xf32>
      %swap3A_2420 = arith.index_cast %add3A_2412 : i32 to index
      %swap3A_2421 = tpu.vector_load %arg8[%swap3A_2420] {strides = array<i32>} : memref<2048xf32, #tpu.memory_space<vmem>>, vector<16xf32>,
      %swap3A_2422 = vector.shape_cast %swap3A_2421 : vector<16xf32> to vector<16xf32>
      %swap3A_2423 = vector.shape_cast %get3A_2419 : vector<16xf32> to vector<16xf32>
      tpu.vector_store %arg8[%swap3A_2420], %swap3A_2423 {add = true, strides = array<i32>} : memref<2048xf32, #tpu.memory_space<vmem>>, vector<16xf32>,
      %mul3A_2424 = arith.constant 128 : i32
      %mul3A_2425 = arith.muli %squeeze3A_2363, %mul3A_2424 : i32
      %add3A_2426 = arith.constant 64 : i32
      %add3A_2427 = arith.addi %mul3A_2425, %add3A_2426 : i32
      %add3A_2428 = arith.constant 1792 : i32
      %add3A_2429 = arith.addi %mul3A_543, %add3A_2428 : i32
      %add3A_2430 = arith.constant 64 : i32
      %add3A_2431 = arith.addi %add3A_2429, %add3A_2430 : i32
      %get3A_2432 = arith.index_cast %add3A_2431 : i32 to index
      %get3A_2433 = tpu.vector_load %arg6[%get3A_2432] {strides = array<i32>} : memref<40960xf32, #tpu.memory_space<vmem>>, vector<16xf32>,
      %get3A_2434 = vector.shape_cast %get3A_2433 : vector<16xf32> to vector<16xf32>
      %swap3A_2435 = arith.index_cast %add3A_2427 : i32 to index
      %swap3A_2436 = tpu.vector_load %arg8[%swap3A_2435] {strides = array<i32>} : memref<2048xf32, #tpu.memory_space<vmem>>, vector<16xf32>,
      %swap3A_2437 = vector.shape_cast %swap3A_2436 : vector<16xf32> to vector<16xf32>
      %swap3A_2438 = vector.shape_cast %get3A_2434 : vector<16xf32> to vector<16xf32>
      tpu.vector_store %arg8[%swap3A_2435], %swap3A_2438 {add = true, strides = array<i32>} : memref<2048xf32, #tpu.memory_space<vmem>>, vector<16xf32>,
      %mul3A_2439 = arith.constant 128 : i32
      %mul3A_2440 = arith.muli %squeeze3A_2363, %mul3A_2439 : i32
      %add3A_2441 = arith.constant 80 : i32
      %add3A_2442 = arith.addi %mul3A_2440, %add3A_2441 : i32
      %add3A_2443 = arith.constant 1792 : i32
      %add3A_2444 = arith.addi %mul3A_543, %add3A_2443 : i32
      %add3A_2445 = arith.constant 80 : i32
      %add3A_2446 = arith.addi %add3A_2444, %add3A_2445 : i32
      %get3A_2447 = arith.index_cast %add3A_2446 : i32 to index
      %get3A_2448 = tpu.vector_load %arg6[%get3A_2447] {strides = array<i32>} : memref<40960xf32, #tpu.memory_space<vmem>>, vector<16xf32>,
      %get3A_2449 = vector.shape_cast %get3A_2448 : vector<16xf32> to vector<16xf32>
      %swap3A_2450 = arith.index_cast %add3A_2442 : i32 to index
      %swap3A_2451 = tpu.vector_load %arg8[%swap3A_2450] {strides = array<i32>} : memref<2048xf32, #tpu.memory_space<vmem>>, vector<16xf32>,
      %swap3A_2452 = vector.shape_cast %swap3A_2451 : vector<16xf32> to vector<16xf32>
      %swap3A_2453 = vector.shape_cast %get3A_2449 : vector<16xf32> to vector<16xf32>
      tpu.vector_store %arg8[%swap3A_2450], %swap3A_2453 {add = true, strides = array<i32>} : memref<2048xf32, #tpu.memory_space<vmem>>, vector<16xf32>,
      %mul3A_2454 = arith.constant 128 : i32
      %mul3A_2455 = arith.muli %squeeze3A_2363, %mul3A_2454 : i32
      %add3A_2456 = arith.constant 96 : i32
      %add3A_2457 = arith.addi %mul3A_2455, %add3A_2456 : i32
      %add3A_2458 = arith.constant 1792 : i32
      %add3A_2459 = arith.addi %mul3A_543, %add3A_2458 : i32
      %add3A_2460 = arith.constant 96 : i32
      %add3A_2461 = arith.addi %add3A_2459, %add3A_2460 : i32
      %get3A_2462 = arith.index_cast %add3A_2461 : i32 to index
      %get3A_2463 = tpu.vector_load %arg6[%get3A_2462] {strides = array<i32>} : memref<40960xf32, #tpu.memory_space<vmem>>, vector<16xf32>,
      %get3A_2464 = vector.shape_cast %get3A_2463 : vector<16xf32> to vector<16xf32>
      %swap3A_2465 = arith.index_cast %add3A_2457 : i32 to index
      %swap3A_2466 = tpu.vector_load %arg8[%swap3A_2465] {strides = array<i32>} : memref<2048xf32, #tpu.memory_space<vmem>>, vector<16xf32>,
      %swap3A_2467 = vector.shape_cast %swap3A_2466 : vector<16xf32> to vector<16xf32>
      %swap3A_2468 = vector.shape_cast %get3A_2464 : vector<16xf32> to vector<16xf32>
      tpu.vector_store %arg8[%swap3A_2465], %swap3A_2468 {add = true, strides = array<i32>} : memref<2048xf32, #tpu.memory_space<vmem>>, vector<16xf32>,
      %mul3A_2469 = arith.constant 128 : i32
      %mul3A_2470 = arith.muli %squeeze3A_2363, %mul3A_2469 : i32
      %add3A_2471 = arith.constant 112 : i32
      %add3A_2472 = arith.addi %mul3A_2470, %add3A_2471 : i32
      %add3A_2473 = arith.constant 1792 : i32
      %add3A_2474 = arith.addi %mul3A_543, %add3A_2473 : i32
      %add3A_2475 = arith.constant 112 : i32
      %add3A_2476 = arith.addi %add3A_2474, %add3A_2475 : i32
      %get3A_2477 = arith.index_cast %add3A_2476 : i32 to index
      %get3A_2478 = tpu.vector_load %arg6[%get3A_2477] {strides = array<i32>} : memref<40960xf32, #tpu.memory_space<vmem>>, vector<16xf32>,
      %get3A_2479 = vector.shape_cast %get3A_2478 : vector<16xf32> to vector<16xf32>
      %swap3A_2480 = arith.index_cast %add3A_2472 : i32 to index
      %swap3A_2481 = tpu.vector_load %arg8[%swap3A_2480] {strides = array<i32>} : memref<2048xf32, #tpu.memory_space<vmem>>, vector<16xf32>,
      %swap3A_2482 = vector.shape_cast %swap3A_2481 : vector<16xf32> to vector<16xf32>
      %swap3A_2483 = vector.shape_cast %get3A_2479 : vector<16xf32> to vector<16xf32>
      tpu.vector_store %arg8[%swap3A_2480], %swap3A_2483 {add = true, strides = array<i32>} : memref<2048xf32, #tpu.memory_space<vmem>>, vector<16xf32>,
      %eq3A_2484 = vector.broadcast %squeeze3A_2363 : i32 to vector<16xi32>
      %eq3A_2485 = arith.cmpi eq, %iota3A, %eq3A_2484 : vector<16xi32>
      %jit3A_2486 = arith.constant 1.000000e+00 : f32
      %jit3A_2487 = arith.constant 0.000000e+00 : f32
      %broadcast_in_dim3A_2488 = vector.broadcast %jit3A_2486 : f32 to vector<16xf32>
      %broadcast_in_dim3A_2489 = vector.broadcast %jit3A_2487 : f32 to vector<16xf32>
      %select_n3A_2490 = arith.select %eq3A_2485, %broadcast_in_dim3A_2488, %broadcast_in_dim3A_2489 : vector<16xi1>, vector<16xf32>
      %add3A_2491 = arith.addf %add3A_2361, %select_n3A_2490 : vector<16xf32>
      %slice3A_2492 = vector.extract_strided_slice %get3A_541 {offsets = [15], sizes = [1], strides = [1]} : vector<16xi32> to vector<1xi32>
      %squeeze3A_2493 = vector.extract %slice3A_2492[0] : i32 from vector<1xi32>
      %mul3A_2494 = arith.constant 128 : i32
      %mul3A_2495 = arith.muli %squeeze3A_2493, %mul3A_2494 : i32
      %add3A_2496 = arith.constant 0 : i32
      %add3A_2497 = arith.addi %mul3A_2495, %add3A_2496 : i32
      %add3A_2498 = arith.constant 1920 : i32
      %add3A_2499 = arith.addi %mul3A_543, %add3A_2498 : i32
      %add3A_2500 = arith.constant 0 : i32
      %add3A_2501 = arith.addi %add3A_2499, %add3A_2500 : i32
      %get3A_2502 = arith.index_cast %add3A_2501 : i32 to index
      %get3A_2503 = tpu.vector_load %arg6[%get3A_2502] {strides = array<i32>} : memref<40960xf32, #tpu.memory_space<vmem>>, vector<16xf32>,
      %get3A_2504 = vector.shape_cast %get3A_2503 : vector<16xf32> to vector<16xf32>
      %swap3A_2505 = arith.index_cast %add3A_2497 : i32 to index
      %swap3A_2506 = tpu.vector_load %arg8[%swap3A_2505] {strides = array<i32>} : memref<2048xf32, #tpu.memory_space<vmem>>, vector<16xf32>,
      %swap3A_2507 = vector.shape_cast %swap3A_2506 : vector<16xf32> to vector<16xf32>
      %swap3A_2508 = vector.shape_cast %get3A_2504 : vector<16xf32> to vector<16xf32>
      tpu.vector_store %arg8[%swap3A_2505], %swap3A_2508 {add = true, strides = array<i32>} : memref<2048xf32, #tpu.memory_space<vmem>>, vector<16xf32>,
      %mul3A_2509 = arith.constant 128 : i32
      %mul3A_2510 = arith.muli %squeeze3A_2493, %mul3A_2509 : i32
      %add3A_2511 = arith.constant 16 : i32
      %add3A_2512 = arith.addi %mul3A_2510, %add3A_2511 : i32
      %add3A_2513 = arith.constant 1920 : i32
      %add3A_2514 = arith.addi %mul3A_543, %add3A_2513 : i32
      %add3A_2515 = arith.constant 16 : i32
      %add3A_2516 = arith.addi %add3A_2514, %add3A_2515 : i32
      %get3A_2517 = arith.index_cast %add3A_2516 : i32 to index
      %get3A_2518 = tpu.vector_load %arg6[%get3A_2517] {strides = array<i32>} : memref<40960xf32, #tpu.memory_space<vmem>>, vector<16xf32>,
      %get3A_2519 = vector.shape_cast %get3A_2518 : vector<16xf32> to vector<16xf32>
      %swap3A_2520 = arith.index_cast %add3A_2512 : i32 to index
      %swap3A_2521 = tpu.vector_load %arg8[%swap3A_2520] {strides = array<i32>} : memref<2048xf32, #tpu.memory_space<vmem>>, vector<16xf32>,
      %swap3A_2522 = vector.shape_cast %swap3A_2521 : vector<16xf32> to vector<16xf32>
      %swap3A_2523 = vector.shape_cast %get3A_2519 : vector<16xf32> to vector<16xf32>
      tpu.vector_store %arg8[%swap3A_2520], %swap3A_2523 {add = true, strides = array<i32>} : memref<2048xf32, #tpu.memory_space<vmem>>, vector<16xf32>,
      %mul3A_2524 = arith.constant 128 : i32
      %mul3A_2525 = arith.muli %squeeze3A_2493, %mul3A_2524 : i32
      %add3A_2526 = arith.constant 32 : i32
      %add3A_2527 = arith.addi %mul3A_2525, %add3A_2526 : i32
      %add3A_2528 = arith.constant 1920 : i32
      %add3A_2529 = arith.addi %mul3A_543, %add3A_2528 : i32
      %add3A_2530 = arith.constant 32 : i32
      %add3A_2531 = arith.addi %add3A_2529, %add3A_2530 : i32
      %get3A_2532 = arith.index_cast %add3A_2531 : i32 to index
      %get3A_2533 = tpu.vector_load %arg6[%get3A_2532] {strides = array<i32>} : memref<40960xf32, #tpu.memory_space<vmem>>, vector<16xf32>,
      %get3A_2534 = vector.shape_cast %get3A_2533 : vector<16xf32> to vector<16xf32>
      %swap3A_2535 = arith.index_cast %add3A_2527 : i32 to index
      %swap3A_2536 = tpu.vector_load %arg8[%swap3A_2535] {strides = array<i32>} : memref<2048xf32, #tpu.memory_space<vmem>>, vector<16xf32>,
      %swap3A_2537 = vector.shape_cast %swap3A_2536 : vector<16xf32> to vector<16xf32>
      %swap3A_2538 = vector.shape_cast %get3A_2534 : vector<16xf32> to vector<16xf32>
      tpu.vector_store %arg8[%swap3A_2535], %swap3A_2538 {add = true, strides = array<i32>} : memref<2048xf32, #tpu.memory_space<vmem>>, vector<16xf32>,
      %mul3A_2539 = arith.constant 128 : i32
      %mul3A_2540 = arith.muli %squeeze3A_2493, %mul3A_2539 : i32
      %add3A_2541 = arith.constant 48 : i32
      %add3A_2542 = arith.addi %mul3A_2540, %add3A_2541 : i32
      %add3A_2543 = arith.constant 1920 : i32
      %add3A_2544 = arith.addi %mul3A_543, %add3A_2543 : i32
      %add3A_2545 = arith.constant 48 : i32
      %add3A_2546 = arith.addi %add3A_2544, %add3A_2545 : i32
      %get3A_2547 = arith.index_cast %add3A_2546 : i32 to index
      %get3A_2548 = tpu.vector_load %arg6[%get3A_2547] {strides = array<i32>} : memref<40960xf32, #tpu.memory_space<vmem>>, vector<16xf32>,
      %get3A_2549 = vector.shape_cast %get3A_2548 : vector<16xf32> to vector<16xf32>
      %swap3A_2550 = arith.index_cast %add3A_2542 : i32 to index
      %swap3A_2551 = tpu.vector_load %arg8[%swap3A_2550] {strides = array<i32>} : memref<2048xf32, #tpu.memory_space<vmem>>, vector<16xf32>,
      %swap3A_2552 = vector.shape_cast %swap3A_2551 : vector<16xf32> to vector<16xf32>
      %swap3A_2553 = vector.shape_cast %get3A_2549 : vector<16xf32> to vector<16xf32>
      tpu.vector_store %arg8[%swap3A_2550], %swap3A_2553 {add = true, strides = array<i32>} : memref<2048xf32, #tpu.memory_space<vmem>>, vector<16xf32>,
      %mul3A_2554 = arith.constant 128 : i32
      %mul3A_2555 = arith.muli %squeeze3A_2493, %mul3A_2554 : i32
      %add3A_2556 = arith.constant 64 : i32
      %add3A_2557 = arith.addi %mul3A_2555, %add3A_2556 : i32
      %add3A_2558 = arith.constant 1920 : i32
      %add3A_2559 = arith.addi %mul3A_543, %add3A_2558 : i32
      %add3A_2560 = arith.constant 64 : i32
      %add3A_2561 = arith.addi %add3A_2559, %add3A_2560 : i32
      %get3A_2562 = arith.index_cast %add3A_2561 : i32 to index
      %get3A_2563 = tpu.vector_load %arg6[%get3A_2562] {strides = array<i32>} : memref<40960xf32, #tpu.memory_space<vmem>>, vector<16xf32>,
      %get3A_2564 = vector.shape_cast %get3A_2563 : vector<16xf32> to vector<16xf32>
      %swap3A_2565 = arith.index_cast %add3A_2557 : i32 to index
      %swap3A_2566 = tpu.vector_load %arg8[%swap3A_2565] {strides = array<i32>} : memref<2048xf32, #tpu.memory_space<vmem>>, vector<16xf32>,
      %swap3A_2567 = vector.shape_cast %swap3A_2566 : vector<16xf32> to vector<16xf32>
      %swap3A_2568 = vector.shape_cast %get3A_2564 : vector<16xf32> to vector<16xf32>
      tpu.vector_store %arg8[%swap3A_2565], %swap3A_2568 {add = true, strides = array<i32>} : memref<2048xf32, #tpu.memory_space<vmem>>, vector<16xf32>,
      %mul3A_2569 = arith.constant 128 : i32
      %mul3A_2570 = arith.muli %squeeze3A_2493, %mul3A_2569 : i32
      %add3A_2571 = arith.constant 80 : i32
      %add3A_2572 = arith.addi %mul3A_2570, %add3A_2571 : i32
      %add3A_2573 = arith.constant 1920 : i32
      %add3A_2574 = arith.addi %mul3A_543, %add3A_2573 : i32
      %add3A_2575 = arith.constant 80 : i32
      %add3A_2576 = arith.addi %add3A_2574, %add3A_2575 : i32
      %get3A_2577 = arith.index_cast %add3A_2576 : i32 to index
      %get3A_2578 = tpu.vector_load %arg6[%get3A_2577] {strides = array<i32>} : memref<40960xf32, #tpu.memory_space<vmem>>, vector<16xf32>,
      %get3A_2579 = vector.shape_cast %get3A_2578 : vector<16xf32> to vector<16xf32>
      %swap3A_2580 = arith.index_cast %add3A_2572 : i32 to index
      %swap3A_2581 = tpu.vector_load %arg8[%swap3A_2580] {strides = array<i32>} : memref<2048xf32, #tpu.memory_space<vmem>>, vector<16xf32>,
      %swap3A_2582 = vector.shape_cast %swap3A_2581 : vector<16xf32> to vector<16xf32>
      %swap3A_2583 = vector.shape_cast %get3A_2579 : vector<16xf32> to vector<16xf32>
      tpu.vector_store %arg8[%swap3A_2580], %swap3A_2583 {add = true, strides = array<i32>} : memref<2048xf32, #tpu.memory_space<vmem>>, vector<16xf32>,
      %mul3A_2584 = arith.constant 128 : i32
      %mul3A_2585 = arith.muli %squeeze3A_2493, %mul3A_2584 : i32
      %add3A_2586 = arith.constant 96 : i32
      %add3A_2587 = arith.addi %mul3A_2585, %add3A_2586 : i32
      %add3A_2588 = arith.constant 1920 : i32
      %add3A_2589 = arith.addi %mul3A_543, %add3A_2588 : i32
      %add3A_2590 = arith.constant 96 : i32
      %add3A_2591 = arith.addi %add3A_2589, %add3A_2590 : i32
      %get3A_2592 = arith.index_cast %add3A_2591 : i32 to index
      %get3A_2593 = tpu.vector_load %arg6[%get3A_2592] {strides = array<i32>} : memref<40960xf32, #tpu.memory_space<vmem>>, vector<16xf32>,
      %get3A_2594 = vector.shape_cast %get3A_2593 : vector<16xf32> to vector<16xf32>
      %swap3A_2595 = arith.index_cast %add3A_2587 : i32 to index
      %swap3A_2596 = tpu.vector_load %arg8[%swap3A_2595] {strides = array<i32>} : memref<2048xf32, #tpu.memory_space<vmem>>, vector<16xf32>,
      %swap3A_2597 = vector.shape_cast %swap3A_2596 : vector<16xf32> to vector<16xf32>
      %swap3A_2598 = vector.shape_cast %get3A_2594 : vector<16xf32> to vector<16xf32>
      tpu.vector_store %arg8[%swap3A_2595], %swap3A_2598 {add = true, strides = array<i32>} : memref<2048xf32, #tpu.memory_space<vmem>>, vector<16xf32>,
      %mul3A_2599 = arith.constant 128 : i32
      %mul3A_2600 = arith.muli %squeeze3A_2493, %mul3A_2599 : i32
      %add3A_2601 = arith.constant 112 : i32
      %add3A_2602 = arith.addi %mul3A_2600, %add3A_2601 : i32
      %add3A_2603 = arith.constant 1920 : i32
      %add3A_2604 = arith.addi %mul3A_543, %add3A_2603 : i32
      %add3A_2605 = arith.constant 112 : i32
      %add3A_2606 = arith.addi %add3A_2604, %add3A_2605 : i32
      %get3A_2607 = arith.index_cast %add3A_2606 : i32 to index
      %get3A_2608 = tpu.vector_load %arg6[%get3A_2607] {strides = array<i32>} : memref<40960xf32, #tpu.memory_space<vmem>>, vector<16xf32>,
      %get3A_2609 = vector.shape_cast %get3A_2608 : vector<16xf32> to vector<16xf32>
      %swap3A_2610 = arith.index_cast %add3A_2602 : i32 to index
      %swap3A_2611 = tpu.vector_load %arg8[%swap3A_2610] {strides = array<i32>} : memref<2048xf32, #tpu.memory_space<vmem>>, vector<16xf32>,
      %swap3A_2612 = vector.shape_cast %swap3A_2611 : vector<16xf32> to vector<16xf32>
      %swap3A_2613 = vector.shape_cast %get3A_2609 : vector<16xf32> to vector<16xf32>
      tpu.vector_store %arg8[%swap3A_2610], %swap3A_2613 {add = true, strides = array<i32>} : memref<2048xf32, #tpu.memory_space<vmem>>, vector<16xf32>,
      %eq3A_2614 = vector.broadcast %squeeze3A_2493 : i32 to vector<16xi32>
      %eq3A_2615 = arith.cmpi eq, %iota3A, %eq3A_2614 : vector<16xi32>
      %jit3A_2616 = arith.constant 1.000000e+00 : f32
      %jit3A_2617 = arith.constant 0.000000e+00 : f32
      %broadcast_in_dim3A_2618 = vector.broadcast %jit3A_2616 : f32 to vector<16xf32>
      %broadcast_in_dim3A_2619 = vector.broadcast %jit3A_2617 : f32 to vector<16xf32>
      %select_n3A_2620 = arith.select %eq3A_2615, %broadcast_in_dim3A_2618, %broadcast_in_dim3A_2619 : vector<16xi1>, vector<16xf32>
      %add3A_2621 = arith.addf %add3A_2491, %select_n3A_2620 : vector<16xf32>
      scf.yield %add3A_2621 : vector<16xf32>
    }
    %swap3A_532 = arith.constant 0 : index
    %swap3A_533 = tpu.vector_load %arg9[%swap3A_532] {strides = array<i32>} : memref<16xf32, #tpu.memory_space<vmem>>, vector<16xf32>,
    %swap3A_534 = vector.shape_cast %swap3A_533 : vector<16xf32> to vector<16xf32>
    %swap3A_535 = vector.shape_cast %while3A_531 : vector<16xf32> to vector<16xf32>
    tpu.vector_store %arg9[%swap3A_532], %swap3A_535 {strides = array<i32>} : memref<16xf32, #tpu.memory_space<vmem>>, vector<16xf32>,
    "tpu.region"() ({
      %run_scoped3A = tpu.sem_alloc : memref<!tpu.dma_semaphore, #tpu.memory_space<semaphore_mem>>
      %dma_start3A = arith.constant 0 : i32
      %dma_start3A_536 = tpu.memref_slice %arg4[%add3A, %dma_start3A] : memref<32x2048xf32, #tpu.memory_space<hbm>> -> memref<1x2048xf32, #tpu.memory_space<hbm>>
      %dma_start3A_537 = tpu.memref_squeeze %dma_start3A_536 : memref<1x2048xf32, #tpu.memory_space<hbm>> -> memref<2048xf32, #tpu.memory_space<hbm>>
      %dma_start3A_538 = arith.constant 0 : i32
      %dma_start3A_539 = tpu.memref_slice %arg4[%add3A, %dma_start3A_538] : memref<32x2048xf32, #tpu.memory_space<hbm>> -> memref<1x2048xf32, #tpu.memory_space<hbm>>
      %dma_start3A_540 = tpu.memref_squeeze %dma_start3A_539 : memref<1x2048xf32, #tpu.memory_space<hbm>> -> memref<2048xf32, #tpu.memory_space<hbm>>
      tpu.enqueue_dma source(%arg8 : memref<2048xf32, #tpu.memory_space<vmem>>) target(%dma_start3A_540 : memref<2048xf32, #tpu.memory_space<hbm>>) target_semaphore(%run_scoped3A : memref<!tpu.dma_semaphore, #tpu.memory_space<semaphore_mem>>)
      %dma_wait3A = arith.constant 0 : i32
      %dma_wait3A_541 = tpu.memref_slice %arg4[%add3A, %dma_wait3A] : memref<32x2048xf32, #tpu.memory_space<hbm>> -> memref<1x2048xf32, #tpu.memory_space<hbm>>
      %dma_wait3A_542 = tpu.memref_squeeze %dma_wait3A_541 : memref<1x2048xf32, #tpu.memory_space<hbm>> -> memref<2048xf32, #tpu.memory_space<hbm>>
      %dma_wait3A_543 = arith.constant 0 : i32
      %dma_wait3A_544 = tpu.memref_slice %arg4[%add3A, %dma_wait3A_543] : memref<32x2048xf32, #tpu.memory_space<hbm>> -> memref<1x2048xf32, #tpu.memory_space<hbm>>
      %dma_wait3A_545 = tpu.memref_squeeze %dma_wait3A_544 : memref<1x2048xf32, #tpu.memory_space<hbm>> -> memref<2048xf32, #tpu.memory_space<hbm>>
      tpu.wait_dma2 semaphore(%run_scoped3A : memref<!tpu.dma_semaphore, #tpu.memory_space<semaphore_mem>>) src(%arg8 : memref<2048xf32, #tpu.memory_space<vmem>>) dst(%dma_wait3A_545 : memref<2048xf32, #tpu.memory_space<hbm>>)
      tpu.yield
    }) : () -> ()
    "tpu.region"() ({
      %run_scoped3A = tpu.sem_alloc : memref<!tpu.dma_semaphore, #tpu.memory_space<semaphore_mem>>
      %dma_start3A = arith.constant 0 : i32
      %dma_start3A_536 = tpu.memref_slice %arg5[%add3A, %dma_start3A] : memref<32x16xf32, #tpu.memory_space<hbm>> -> memref<1x16xf32, #tpu.memory_space<hbm>>
      %dma_start3A_537 = tpu.memref_squeeze %dma_start3A_536 : memref<1x16xf32, #tpu.memory_space<hbm>> -> memref<16xf32, #tpu.memory_space<hbm>>
      %dma_start3A_538 = arith.constant 0 : i32
      %dma_start3A_539 = tpu.memref_slice %arg5[%add3A, %dma_start3A_538] : memref<32x16xf32, #tpu.memory_space<hbm>> -> memref<1x16xf32, #tpu.memory_space<hbm>>
      %dma_start3A_540 = tpu.memref_squeeze %dma_start3A_539 : memref<1x16xf32, #tpu.memory_space<hbm>> -> memref<16xf32, #tpu.memory_space<hbm>>
      tpu.enqueue_dma source(%arg9 : memref<16xf32, #tpu.memory_space<vmem>>) target(%dma_start3A_540 : memref<16xf32, #tpu.memory_space<hbm>>) target_semaphore(%run_scoped3A : memref<!tpu.dma_semaphore, #tpu.memory_space<semaphore_mem>>)
      %dma_wait3A = arith.constant 0 : i32
      %dma_wait3A_541 = tpu.memref_slice %arg5[%add3A, %dma_wait3A] : memref<32x16xf32, #tpu.memory_space<hbm>> -> memref<1x16xf32, #tpu.memory_space<hbm>>
      %dma_wait3A_542 = tpu.memref_squeeze %dma_wait3A_541 : memref<1x16xf32, #tpu.memory_space<hbm>> -> memref<16xf32, #tpu.memory_space<hbm>>
      %dma_wait3A_543 = arith.constant 0 : i32
      %dma_wait3A_544 = tpu.memref_slice %arg5[%add3A, %dma_wait3A_543] : memref<32x16xf32, #tpu.memory_space<hbm>> -> memref<1x16xf32, #tpu.memory_space<hbm>>
      %dma_wait3A_545 = tpu.memref_squeeze %dma_wait3A_544 : memref<1x16xf32, #tpu.memory_space<hbm>> -> memref<16xf32, #tpu.memory_space<hbm>>
      tpu.wait_dma2 semaphore(%run_scoped3A : memref<!tpu.dma_semaphore, #tpu.memory_space<semaphore_mem>>) src(%arg9 : memref<16xf32, #tpu.memory_space<vmem>>) dst(%dma_wait3A_545 : memref<16xf32, #tpu.memory_space<hbm>>)
      tpu.yield
    }) : () -> ()
    return
  }
}

module attributes {stable_mosaic.version = 14 : i64} {
  func.func @k(%arg0: memref<32x16x128xf32, #tpu.memory_space<vmem>>, %arg1: memref<32x16xf32, #tpu.memory_space<vmem>>, %arg2: memref<128x7xf32, #tpu.memory_space<vmem>>, %arg3: memref<1x7xf32, #tpu.memory_space<vmem>>, %arg4: memref<16x7xf32, #tpu.memory_space<vmem>>) attributes {dimension_semantics = [], scalar_prefetch = 0 : i64, scratch_operands = 0 : i64, tpu.core_type = #tpu.core_type<tc>} {
    %get3A = arith.constant 0 : index
    %get3A_0 = arith.constant 0 : index
    %get3A_1 = arith.constant 0 : index
    %get3A_2 = vector.load %arg0[%get3A, %get3A_0, %get3A_1] : memref<32x16x128xf32, #tpu.memory_space<vmem>>, vector<1x16x128xf32>
    %get3A_3 = vector.shape_cast %get3A_2 : vector<1x16x128xf32> to vector<16x128xf32>
    %get3A_4 = arith.constant 1 : index
    %get3A_5 = arith.constant 0 : index
    %get3A_6 = arith.constant 0 : index
    %get3A_7 = vector.load %arg0[%get3A_4, %get3A_5, %get3A_6] : memref<32x16x128xf32, #tpu.memory_space<vmem>>, vector<1x16x128xf32>
    %get3A_8 = vector.shape_cast %get3A_7 : vector<1x16x128xf32> to vector<16x128xf32>
    %add3A = arith.addf %get3A_3, %get3A_8 : vector<16x128xf32>
    %get3A_9 = arith.constant 2 : index
    %get3A_10 = arith.constant 0 : index
    %get3A_11 = arith.constant 0 : index
    %get3A_12 = vector.load %arg0[%get3A_9, %get3A_10, %get3A_11] : memref<32x16x128xf32, #tpu.memory_space<vmem>>, vector<1x16x128xf32>
    %get3A_13 = vector.shape_cast %get3A_12 : vector<1x16x128xf32> to vector<16x128xf32>
    %add3A_14 = arith.addf %add3A, %get3A_13 : vector<16x128xf32>
    %get3A_15 = arith.constant 3 : index
    %get3A_16 = arith.constant 0 : index
    %get3A_17 = arith.constant 0 : index
    %get3A_18 = vector.load %arg0[%get3A_15, %get3A_16, %get3A_17] : memref<32x16x128xf32, #tpu.memory_space<vmem>>, vector<1x16x128xf32>
    %get3A_19 = vector.shape_cast %get3A_18 : vector<1x16x128xf32> to vector<16x128xf32>
    %add3A_20 = arith.addf %add3A_14, %get3A_19 : vector<16x128xf32>
    %get3A_21 = arith.constant 4 : index
    %get3A_22 = arith.constant 0 : index
    %get3A_23 = arith.constant 0 : index
    %get3A_24 = vector.load %arg0[%get3A_21, %get3A_22, %get3A_23] : memref<32x16x128xf32, #tpu.memory_space<vmem>>, vector<1x16x128xf32>
    %get3A_25 = vector.shape_cast %get3A_24 : vector<1x16x128xf32> to vector<16x128xf32>
    %add3A_26 = arith.addf %add3A_20, %get3A_25 : vector<16x128xf32>
    %get3A_27 = arith.constant 5 : index
    %get3A_28 = arith.constant 0 : index
    %get3A_29 = arith.constant 0 : index
    %get3A_30 = vector.load %arg0[%get3A_27, %get3A_28, %get3A_29] : memref<32x16x128xf32, #tpu.memory_space<vmem>>, vector<1x16x128xf32>
    %get3A_31 = vector.shape_cast %get3A_30 : vector<1x16x128xf32> to vector<16x128xf32>
    %add3A_32 = arith.addf %add3A_26, %get3A_31 : vector<16x128xf32>
    %get3A_33 = arith.constant 6 : index
    %get3A_34 = arith.constant 0 : index
    %get3A_35 = arith.constant 0 : index
    %get3A_36 = vector.load %arg0[%get3A_33, %get3A_34, %get3A_35] : memref<32x16x128xf32, #tpu.memory_space<vmem>>, vector<1x16x128xf32>
    %get3A_37 = vector.shape_cast %get3A_36 : vector<1x16x128xf32> to vector<16x128xf32>
    %add3A_38 = arith.addf %add3A_32, %get3A_37 : vector<16x128xf32>
    %get3A_39 = arith.constant 7 : index
    %get3A_40 = arith.constant 0 : index
    %get3A_41 = arith.constant 0 : index
    %get3A_42 = vector.load %arg0[%get3A_39, %get3A_40, %get3A_41] : memref<32x16x128xf32, #tpu.memory_space<vmem>>, vector<1x16x128xf32>
    %get3A_43 = vector.shape_cast %get3A_42 : vector<1x16x128xf32> to vector<16x128xf32>
    %add3A_44 = arith.addf %add3A_38, %get3A_43 : vector<16x128xf32>
    %get3A_45 = arith.constant 8 : index
    %get3A_46 = arith.constant 0 : index
    %get3A_47 = arith.constant 0 : index
    %get3A_48 = vector.load %arg0[%get3A_45, %get3A_46, %get3A_47] : memref<32x16x128xf32, #tpu.memory_space<vmem>>, vector<1x16x128xf32>
    %get3A_49 = vector.shape_cast %get3A_48 : vector<1x16x128xf32> to vector<16x128xf32>
    %add3A_50 = arith.addf %add3A_44, %get3A_49 : vector<16x128xf32>
    %get3A_51 = arith.constant 9 : index
    %get3A_52 = arith.constant 0 : index
    %get3A_53 = arith.constant 0 : index
    %get3A_54 = vector.load %arg0[%get3A_51, %get3A_52, %get3A_53] : memref<32x16x128xf32, #tpu.memory_space<vmem>>, vector<1x16x128xf32>
    %get3A_55 = vector.shape_cast %get3A_54 : vector<1x16x128xf32> to vector<16x128xf32>
    %add3A_56 = arith.addf %add3A_50, %get3A_55 : vector<16x128xf32>
    %get3A_57 = arith.constant 10 : index
    %get3A_58 = arith.constant 0 : index
    %get3A_59 = arith.constant 0 : index
    %get3A_60 = vector.load %arg0[%get3A_57, %get3A_58, %get3A_59] : memref<32x16x128xf32, #tpu.memory_space<vmem>>, vector<1x16x128xf32>
    %get3A_61 = vector.shape_cast %get3A_60 : vector<1x16x128xf32> to vector<16x128xf32>
    %add3A_62 = arith.addf %add3A_56, %get3A_61 : vector<16x128xf32>
    %get3A_63 = arith.constant 11 : index
    %get3A_64 = arith.constant 0 : index
    %get3A_65 = arith.constant 0 : index
    %get3A_66 = vector.load %arg0[%get3A_63, %get3A_64, %get3A_65] : memref<32x16x128xf32, #tpu.memory_space<vmem>>, vector<1x16x128xf32>
    %get3A_67 = vector.shape_cast %get3A_66 : vector<1x16x128xf32> to vector<16x128xf32>
    %add3A_68 = arith.addf %add3A_62, %get3A_67 : vector<16x128xf32>
    %get3A_69 = arith.constant 12 : index
    %get3A_70 = arith.constant 0 : index
    %get3A_71 = arith.constant 0 : index
    %get3A_72 = vector.load %arg0[%get3A_69, %get3A_70, %get3A_71] : memref<32x16x128xf32, #tpu.memory_space<vmem>>, vector<1x16x128xf32>
    %get3A_73 = vector.shape_cast %get3A_72 : vector<1x16x128xf32> to vector<16x128xf32>
    %add3A_74 = arith.addf %add3A_68, %get3A_73 : vector<16x128xf32>
    %get3A_75 = arith.constant 13 : index
    %get3A_76 = arith.constant 0 : index
    %get3A_77 = arith.constant 0 : index
    %get3A_78 = vector.load %arg0[%get3A_75, %get3A_76, %get3A_77] : memref<32x16x128xf32, #tpu.memory_space<vmem>>, vector<1x16x128xf32>
    %get3A_79 = vector.shape_cast %get3A_78 : vector<1x16x128xf32> to vector<16x128xf32>
    %add3A_80 = arith.addf %add3A_74, %get3A_79 : vector<16x128xf32>
    %get3A_81 = arith.constant 14 : index
    %get3A_82 = arith.constant 0 : index
    %get3A_83 = arith.constant 0 : index
    %get3A_84 = vector.load %arg0[%get3A_81, %get3A_82, %get3A_83] : memref<32x16x128xf32, #tpu.memory_space<vmem>>, vector<1x16x128xf32>
    %get3A_85 = vector.shape_cast %get3A_84 : vector<1x16x128xf32> to vector<16x128xf32>
    %add3A_86 = arith.addf %add3A_80, %get3A_85 : vector<16x128xf32>
    %get3A_87 = arith.constant 15 : index
    %get3A_88 = arith.constant 0 : index
    %get3A_89 = arith.constant 0 : index
    %get3A_90 = vector.load %arg0[%get3A_87, %get3A_88, %get3A_89] : memref<32x16x128xf32, #tpu.memory_space<vmem>>, vector<1x16x128xf32>
    %get3A_91 = vector.shape_cast %get3A_90 : vector<1x16x128xf32> to vector<16x128xf32>
    %add3A_92 = arith.addf %add3A_86, %get3A_91 : vector<16x128xf32>
    %get3A_93 = arith.constant 16 : index
    %get3A_94 = arith.constant 0 : index
    %get3A_95 = arith.constant 0 : index
    %get3A_96 = vector.load %arg0[%get3A_93, %get3A_94, %get3A_95] : memref<32x16x128xf32, #tpu.memory_space<vmem>>, vector<1x16x128xf32>
    %get3A_97 = vector.shape_cast %get3A_96 : vector<1x16x128xf32> to vector<16x128xf32>
    %add3A_98 = arith.addf %add3A_92, %get3A_97 : vector<16x128xf32>
    %get3A_99 = arith.constant 17 : index
    %get3A_100 = arith.constant 0 : index
    %get3A_101 = arith.constant 0 : index
    %get3A_102 = vector.load %arg0[%get3A_99, %get3A_100, %get3A_101] : memref<32x16x128xf32, #tpu.memory_space<vmem>>, vector<1x16x128xf32>
    %get3A_103 = vector.shape_cast %get3A_102 : vector<1x16x128xf32> to vector<16x128xf32>
    %add3A_104 = arith.addf %add3A_98, %get3A_103 : vector<16x128xf32>
    %get3A_105 = arith.constant 18 : index
    %get3A_106 = arith.constant 0 : index
    %get3A_107 = arith.constant 0 : index
    %get3A_108 = vector.load %arg0[%get3A_105, %get3A_106, %get3A_107] : memref<32x16x128xf32, #tpu.memory_space<vmem>>, vector<1x16x128xf32>
    %get3A_109 = vector.shape_cast %get3A_108 : vector<1x16x128xf32> to vector<16x128xf32>
    %add3A_110 = arith.addf %add3A_104, %get3A_109 : vector<16x128xf32>
    %get3A_111 = arith.constant 19 : index
    %get3A_112 = arith.constant 0 : index
    %get3A_113 = arith.constant 0 : index
    %get3A_114 = vector.load %arg0[%get3A_111, %get3A_112, %get3A_113] : memref<32x16x128xf32, #tpu.memory_space<vmem>>, vector<1x16x128xf32>
    %get3A_115 = vector.shape_cast %get3A_114 : vector<1x16x128xf32> to vector<16x128xf32>
    %add3A_116 = arith.addf %add3A_110, %get3A_115 : vector<16x128xf32>
    %get3A_117 = arith.constant 20 : index
    %get3A_118 = arith.constant 0 : index
    %get3A_119 = arith.constant 0 : index
    %get3A_120 = vector.load %arg0[%get3A_117, %get3A_118, %get3A_119] : memref<32x16x128xf32, #tpu.memory_space<vmem>>, vector<1x16x128xf32>
    %get3A_121 = vector.shape_cast %get3A_120 : vector<1x16x128xf32> to vector<16x128xf32>
    %add3A_122 = arith.addf %add3A_116, %get3A_121 : vector<16x128xf32>
    %get3A_123 = arith.constant 21 : index
    %get3A_124 = arith.constant 0 : index
    %get3A_125 = arith.constant 0 : index
    %get3A_126 = vector.load %arg0[%get3A_123, %get3A_124, %get3A_125] : memref<32x16x128xf32, #tpu.memory_space<vmem>>, vector<1x16x128xf32>
    %get3A_127 = vector.shape_cast %get3A_126 : vector<1x16x128xf32> to vector<16x128xf32>
    %add3A_128 = arith.addf %add3A_122, %get3A_127 : vector<16x128xf32>
    %get3A_129 = arith.constant 22 : index
    %get3A_130 = arith.constant 0 : index
    %get3A_131 = arith.constant 0 : index
    %get3A_132 = vector.load %arg0[%get3A_129, %get3A_130, %get3A_131] : memref<32x16x128xf32, #tpu.memory_space<vmem>>, vector<1x16x128xf32>
    %get3A_133 = vector.shape_cast %get3A_132 : vector<1x16x128xf32> to vector<16x128xf32>
    %add3A_134 = arith.addf %add3A_128, %get3A_133 : vector<16x128xf32>
    %get3A_135 = arith.constant 23 : index
    %get3A_136 = arith.constant 0 : index
    %get3A_137 = arith.constant 0 : index
    %get3A_138 = vector.load %arg0[%get3A_135, %get3A_136, %get3A_137] : memref<32x16x128xf32, #tpu.memory_space<vmem>>, vector<1x16x128xf32>
    %get3A_139 = vector.shape_cast %get3A_138 : vector<1x16x128xf32> to vector<16x128xf32>
    %add3A_140 = arith.addf %add3A_134, %get3A_139 : vector<16x128xf32>
    %get3A_141 = arith.constant 24 : index
    %get3A_142 = arith.constant 0 : index
    %get3A_143 = arith.constant 0 : index
    %get3A_144 = vector.load %arg0[%get3A_141, %get3A_142, %get3A_143] : memref<32x16x128xf32, #tpu.memory_space<vmem>>, vector<1x16x128xf32>
    %get3A_145 = vector.shape_cast %get3A_144 : vector<1x16x128xf32> to vector<16x128xf32>
    %add3A_146 = arith.addf %add3A_140, %get3A_145 : vector<16x128xf32>
    %get3A_147 = arith.constant 25 : index
    %get3A_148 = arith.constant 0 : index
    %get3A_149 = arith.constant 0 : index
    %get3A_150 = vector.load %arg0[%get3A_147, %get3A_148, %get3A_149] : memref<32x16x128xf32, #tpu.memory_space<vmem>>, vector<1x16x128xf32>
    %get3A_151 = vector.shape_cast %get3A_150 : vector<1x16x128xf32> to vector<16x128xf32>
    %add3A_152 = arith.addf %add3A_146, %get3A_151 : vector<16x128xf32>
    %get3A_153 = arith.constant 26 : index
    %get3A_154 = arith.constant 0 : index
    %get3A_155 = arith.constant 0 : index
    %get3A_156 = vector.load %arg0[%get3A_153, %get3A_154, %get3A_155] : memref<32x16x128xf32, #tpu.memory_space<vmem>>, vector<1x16x128xf32>
    %get3A_157 = vector.shape_cast %get3A_156 : vector<1x16x128xf32> to vector<16x128xf32>
    %add3A_158 = arith.addf %add3A_152, %get3A_157 : vector<16x128xf32>
    %get3A_159 = arith.constant 27 : index
    %get3A_160 = arith.constant 0 : index
    %get3A_161 = arith.constant 0 : index
    %get3A_162 = vector.load %arg0[%get3A_159, %get3A_160, %get3A_161] : memref<32x16x128xf32, #tpu.memory_space<vmem>>, vector<1x16x128xf32>
    %get3A_163 = vector.shape_cast %get3A_162 : vector<1x16x128xf32> to vector<16x128xf32>
    %add3A_164 = arith.addf %add3A_158, %get3A_163 : vector<16x128xf32>
    %get3A_165 = arith.constant 28 : index
    %get3A_166 = arith.constant 0 : index
    %get3A_167 = arith.constant 0 : index
    %get3A_168 = vector.load %arg0[%get3A_165, %get3A_166, %get3A_167] : memref<32x16x128xf32, #tpu.memory_space<vmem>>, vector<1x16x128xf32>
    %get3A_169 = vector.shape_cast %get3A_168 : vector<1x16x128xf32> to vector<16x128xf32>
    %add3A_170 = arith.addf %add3A_164, %get3A_169 : vector<16x128xf32>
    %get3A_171 = arith.constant 29 : index
    %get3A_172 = arith.constant 0 : index
    %get3A_173 = arith.constant 0 : index
    %get3A_174 = vector.load %arg0[%get3A_171, %get3A_172, %get3A_173] : memref<32x16x128xf32, #tpu.memory_space<vmem>>, vector<1x16x128xf32>
    %get3A_175 = vector.shape_cast %get3A_174 : vector<1x16x128xf32> to vector<16x128xf32>
    %add3A_176 = arith.addf %add3A_170, %get3A_175 : vector<16x128xf32>
    %get3A_177 = arith.constant 30 : index
    %get3A_178 = arith.constant 0 : index
    %get3A_179 = arith.constant 0 : index
    %get3A_180 = vector.load %arg0[%get3A_177, %get3A_178, %get3A_179] : memref<32x16x128xf32, #tpu.memory_space<vmem>>, vector<1x16x128xf32>
    %get3A_181 = vector.shape_cast %get3A_180 : vector<1x16x128xf32> to vector<16x128xf32>
    %add3A_182 = arith.addf %add3A_176, %get3A_181 : vector<16x128xf32>
    %get3A_183 = arith.constant 31 : index
    %get3A_184 = arith.constant 0 : index
    %get3A_185 = arith.constant 0 : index
    %get3A_186 = vector.load %arg0[%get3A_183, %get3A_184, %get3A_185] : memref<32x16x128xf32, #tpu.memory_space<vmem>>, vector<1x16x128xf32>
    %get3A_187 = vector.shape_cast %get3A_186 : vector<1x16x128xf32> to vector<16x128xf32>
    %add3A_188 = arith.addf %add3A_182, %get3A_187 : vector<16x128xf32>
    %broadcast_in_dim3A = arith.constant 1.000000e+00 : f32
    %broadcast_in_dim3A_189 = vector.broadcast %broadcast_in_dim3A : f32 to vector<32x1xf32>
    %get3A_190 = arith.constant 0 : index
    %get3A_191 = arith.constant 0 : index
    %get3A_192 = vector.load %arg1[%get3A_190, %get3A_191] : memref<32x16xf32, #tpu.memory_space<vmem>>, vector<32x16xf32>
    %dot_general3A = arith.constant dense<0.000000e+00> : vector<16x1xf32>
    %dot_general3A_193 = tpu.matmul %get3A_192, %broadcast_in_dim3A_189, %dot_general3A {dimension_numbers = #tpu.dot_dimension_numbers<[0], [0], [1], [1], [0, 1, 1, 1], [], []>, transpose_lhs_hint = false} : vector<32x16xf32>, vector<32x1xf32>, vector<16x1xf32> -> vector<16x1xf32>
    %max3A = arith.constant 1.000000e+00 : f32
    %max3A_194 = vector.broadcast %max3A : f32 to vector<16x1xf32>
    %max3A_195 = arith.maximumf %dot_general3A_193, %max3A_194 : vector<16x1xf32>
    %div3A = vector.broadcast %max3A_195 : vector<16x1xf32> to vector<16x128xf32>
    %div3A_196 = arith.divf %add3A_188, %div3A : vector<16x128xf32>
    %get3A_197 = arith.constant 0 : index
    %get3A_198 = arith.constant 0 : index
    %get3A_199 = vector.load %arg2[%get3A_197, %get3A_198] : memref<128x7xf32, #tpu.memory_space<vmem>>, vector<128x7xf32>
    %dot_general3A_200 = arith.constant dense<0.000000e+00> : vector<16x7xf32>
    %dot_general3A_201 = tpu.matmul %div3A_196, %get3A_199, %dot_general3A_200 {dimension_numbers = #tpu.dot_dimension_numbers<[1], [0], [0], [1], [0, 0, 1, 1], [], []>, transpose_lhs_hint = false} : vector<16x128xf32>, vector<128x7xf32>, vector<16x7xf32> -> vector<16x7xf32>
    %get3A_202 = arith.constant 0 : index
    %get3A_203 = arith.constant 0 : index
    %get3A_204 = vector.load %arg3[%get3A_202, %get3A_203] : memref<1x7xf32, #tpu.memory_space<vmem>>, vector<1x7xf32>
    %add3A_205 = vector.broadcast %get3A_204 : vector<1x7xf32> to vector<16x7xf32>
    %add3A_206 = arith.addf %dot_general3A_201, %add3A_205 : vector<16x7xf32>
    %swap3A = arith.constant 0 : index
    %swap3A_207 = arith.constant 0 : index
    %swap3A_208 = vector.load %arg4[%swap3A, %swap3A_207] : memref<16x7xf32, #tpu.memory_space<vmem>>, vector<16x7xf32>
    tpu.vector_store %arg4[%swap3A, %swap3A_207], %add3A_206 {strides = array<i32>} : memref<16x7xf32, #tpu.memory_space<vmem>>, vector<16x7xf32>,
    return
  }
}

</mosaic_0001>

<sc_bundles>
// kernel: kernel.4.cloned.1.call-start
scs
__scs_entry_jumppad:
0x0: {  	(pc) =	sbr.rel $0x88, $3  }
0x1: {  	(tag) =	ssettag $0x0;
	lr =	simm.s32 $0x1  }
0x2: {  	[smem:$0x3F9D] =	sst lr;
	_ =	strace $0xD0000000  }
0x3: {  	_ = 	snop  }
0x4: {  	_ = 	snop  }
0x5: {  	_ = 	snop  }
0x6: {  	_ = 	snop  }
0x7: {  	_ = 	snop  }
__scs_overlays_trampoline_lowered:
0x8: {  	[smem:$0x3FAC] =	sst s0  }
0x9: {  	[smem:$0x3FAD] =	sst s1  }
0xa: {  	[smem:$0x3FAE] =	sst s2  }
0xb: {  	[smem:$0x3FAF] =	sst s3  }
0xc: {  	[smem:$0x3FB0] =	sst s4  }
0xd: {  	[smem:$0x3FB1] =	sst s5  }
0xe: {  	[smem:$0x3FB2] =	sst s6  }
0xf: {  	[smem:$0x3FB3] =	sst s7  }
0x10: {  	[smem:$0x3FB4] =	sst s8  }
0x11: {  	[smem:$0x3FB5] =	sst s9;
	s0 =	simm.s32 @!p0 $0x0  }
0x12: {  	s1 =	sld [smem:$0x3F9B];
	s0 =	simm.s32 @p0 $0x1  }
0x13: {  	[smem:$0x3FB6] =	sst s0;
	s0 =	simm.s32 @!p1 $0x0  }
0x14: {  	s2 =	sld [smem:$0x3F9A];
	s0 =	simm.s32 @p1 $0x1  }
0x15: {  	[smem:$0x3FB7] =	sst s0;
	s0 =	simm.s32 @!p2 $0x0  }
0x16: {  	s3 =	sld [smem:$0x3FDB];
	s0 =	simm.s32 @p2 $0x1  }
0x17: {  	s4 =	simm.s32 $0x1BF5;
	[smem:$0x3FB9] =	sst s0  }
0x18: {  	s0 =	sld [smem:$0x3F9C];
	_ =	swait.ge [sflag:s4], $0x0  }
0x19: {  	s7 =	sld [smem:$0x3F9D]  }
0x1a: {  	s8 =	sadd.s32 $0xFFFFE003, lr  }
0x1b: {  	s9 =	sadd.s32 $0xFFFFFEF7, lr;
	s5 =	simm.s32 $0xFFFFFFFF;
	p2 =	slt.u32 s8, $0xFFFFF086  }
0x1c: {  	p1 =	slt.u32 s9, $0xF7A;
	s5 =	simm.s32 @!p2 $0x0  }
0x1d: {  	s5 =	simm.s32 @p1 $0x1;
	p0 =	seq.s32 s7, s2  }
0x1e: {  	s7 =	smul.u32 @!p0 $0xF7A, s2;
	p2 =	seq.s32 @!p0 s5, $0x0  }
0x1f: {  	s9 =	smul.u32 $0xF7A, s1;
	s8 =	simm.s32 @!p0 $0x1BF5;
	p2 =	por !p2, p0  }
0x20: {  	[sflag:s8] =	ssyncset.s32 @!p0 $0xFFFFF086;
	s6 =	sadd.s32 @!p0 s3, s7;
	s7 =	simm.s32 @!p0 $0x108  }
0x21: {  	s3 =	sadd.s32 s3, s9;
	s6 =	sadd.s32 @!p0 $0x88, s6;
	s7 =	simm.s32 @p2 $0x1082  }
0x22: {  	[simem:s7], [sflag:s8] =	dma.local @!p0 [hbm:s6], $0xF7A  }
0x23: {  	s9 =	sor.u32 $0xD0000000, s2;
	s6 =	simm.s32 $0x108;
	_ =	swait.ge @!p0 [sflag:s8], $0x0  }
0x24: {  	s3 =	sadd.s32 $0x88, s3;
	s6 =	simm.s32 @!p1 $0x1082;
	[sflag:s4] =	ssyncset.s32 $0xFFFFF086  }
0x25: {  	[simem:s6], [sflag:s4] =	dma.local [hbm:s3], $0xF7A  }
0x26: {  	[smem:$0x3F9D] =	sst s1;
	(tag) =	ssettag s2;
	_ =	strace s9  }
0x27: {  	s1 =	sld [smem:$0x3FAD]  }
0x28: {  	s2 =	sld [smem:$0x3FAE]  }
0x29: {  	s4 =	sld [smem:$0x3FB0]  }
0x2a: {  	p0 =	seq.s32 s5, $0x0;
	s5 =	sld [smem:$0x3FB1]  }
0x2b: {  	s6 =	sld [smem:$0x3FB2]  }
0x2c: {  	s7 =	sld [smem:$0x3FB3]  }
0x2d: {  	s3 =	simm.s32 $0x108;
	s8 =	sld [smem:$0x3FB4]  }
0x2e: {  	s3 =	simm.s32 @!p0 $0x1082;
	s9 =	sld [smem:$0x3FB5]  }
0x2f: {  	lr =	sadd.s32 s0, s3;
	s0 =	sld [smem:$0x3FAC]  }
0x30: {  	s3 =	sld [smem:$0x3FAF]  }
0x31: {  	[smem:$0x3FB8] =	sst s10  }
0x32: {  	s10 =	sld [smem:$0x3FB6];
	_ =	sdelay $0x3  }
0x33: {  	p0 =	seq.s32 s10, $0x1;
	s10 =	sld [smem:$0x3FB8];
	_ =	sdelay $0x3  }
0x34: {  	[smem:$0x3FB8] =	sst s10  }
0x35: {  	s10 =	sld [smem:$0x3FB7];
	_ =	sdelay $0x3  }
0x36: {  	p1 =	seq.s32 s10, $0x1;
	s10 =	sld [smem:$0x3FB8];
	_ =	sdelay $0x3  }
0x37: {  	[smem:$0x3FB8] =	sst s10  }
0x38: {  	s10 =	sld [smem:$0x3FB9]  }
0x39: {  	_ = 	snop;
	(pc) =	sbr.ind lr, $3  }
0x3a: {  	_ = 	snop  }
0x3b: {  	_ = 	snop  }
0x3c: {  	p2 =	seq.s32 s10, $0x1;
	s10 =	sld [smem:$0x3FB8]  }
0x3d: {  	_ =	shalt  }
0x3e: {  	_ =	shalt  }
0x3f: {  	_ =	shalt  }
0x40: {  	_ =	shalt  }
0x41: {  	_ =	shalt  }
0x42: {  	_ =	shalt  }
0x43: {  	_ =	shalt  }
0x44: {  	_ =	shalt  }
0x45: {  	_ =	shalt  }
0x46: {  	_ =	shalt  }
0x47: {  	_ =	shalt  }
0x48: {  	_ =	shalt  }
0x49: {  	_ =	shalt  }
0x4a: {  	_ =	shalt  }
0x4b: {  	_ =	shalt  }
0x4c: {  	_ =	shalt  }
0x4d: {  	_ =	shalt  }
0x4e: {  	_ =	shalt  }
0x4f: {  	_ =	shalt  }
0x50: {  	_ =	shalt  }
0x51: {  	_ =	shalt  }
0x52: {  	_ =	shalt  }
0x53: {  	_ =	shalt  }
0x54: {  	_ =	shalt  }
0x55: {  	_ =	shalt  }
0x56: {  	_ =	shalt  }
0x57: {  	_ =	shalt  }
0x58: {  	_ =	shalt  }
0x59: {  	_ =	shalt  }
0x5a: {  	_ =	shalt  }
0x5b: {  	_ =	shalt  }
0x5c: {  	_ =	shalt  }
0x5d: {  	_ =	shalt  }
0x5e: {  	_ =	shalt  }
0x5f: {  	_ =	shalt  }
0x60: {  	_ =	shalt  }
0x61: {  	_ =	shalt  }
0x62: {  	_ =	shalt  }
0x63: {  	_ =	shalt  }
0x64: {  	_ =	shalt  }
0x65: {  	_ =	shalt  }
0x66: {  	_ =	shalt  }
0x67: {  	_ =	shalt  }
0x68: {  	_ =	shalt  }
0x69: {  	_ =	shalt  }
0x6a: {  	_ =	shalt  }
0x6b: {  	_ =	shalt  }
0x6c: {  	_ =	shalt  }
0x6d: {  	_ =	shalt  }
0x6e: {  	_ =	shalt  }
0x6f: {  	_ =	shalt  }
0x70: {  	_ =	shalt  }
0x71: {  	_ =	shalt  }
0x72: {  	_ =	shalt  }
0x73: {  	_ =	shalt  }
0x74: {  	_ =	shalt  }
0x75: {  	_ =	shalt  }
0x76: {  	_ =	shalt  }
0x77: {  	_ =	shalt  }
0x78: {  	_ =	shalt  }
0x79: {  	_ =	shalt  }
0x7a: {  	_ =	shalt  }
0x7b: {  	_ =	shalt  }
0x7c: {  	_ =	shalt  }
0x7d: {  	_ =	shalt  }
0x7e: {  	_ =	shalt  }
0x7f: {  	_ =	shalt  }
0x80: {  	_ =	shalt  }
0x81: {  	_ =	shalt  }
0x82: {  	_ =	shalt  }
0x83: {  	_ =	shalt  }
0x84: {  	_ =	shalt  }
0x85: {  	_ =	shalt  }
0x86: {  	_ =	shalt  }
0x87: {  	_ =	shalt  }
.Lfunc_end0:
.L_simem_size_0:
called_computation_lowered:
.L_overlay_start_0:
0x88: {  	s2 =	sld [smem:$0x3FD9]  }
0x89: {  	s3 =	sld [smem:$0x3FFE];
	_ =	sdelay $0x1  }
0x8a: {  	s1 =	srdreg.scid  }
0x8b: {  	s0 =	sand.u32 $0x1, s1  }
0x8c: {  	s17 =	sshll.u32 s0, $0xA;
	s2 =	sadd.s32 s3, s2  }
0x8d: {  	s2 =	sadd.s32 s2, s17  }
0x8e: {  	[smem:$0x3FC4] =	sst s2  }
0x8f: {  	_ = 	snop  }
0x90: {  	s2 =	sld [smem:$0x3FC9]  }
0x91: {  	s18 =	sld [smem:$0x3FC8];
	(tm) =	ssettm $0x1  }
0x92: {  	s4 =	sld [smem:$0x3FFB];
	_ =	sdelay $0x3  }
0x93: {  	_ =	strace s4  }
0x94: {  	s4 =	sld [smem:$0x3FFC];
	_ =	sdelay $0x3  }
0x95: {  	_ =	strace s4  }
0x96: {  	s4 =	sld [smem:$0x3FFD];
	_ =	sdelay $0x3  }
0x97: {  	_ =	strace s4  }
0x98: {  	_ =	strace $0x8FFFFFFF  }
0x99: {  	s19 =	sld [smem:$0x3FDB];
	_ =	sdelay $0x1  }
0x9a: {  	s5 =	simm.s32 $_scs_section_size  }
0x9b: {  	s6 =	simm.s32 $_size__tile_overlayer_lowered;
	s7 =	simm.s32 $_tile_overlayer_lowered  }
0x9c: {  	s22 =	simm.s32 $0x1BFF;
	s21 =	sshll.u32 s7, $0x1;
	s4 =	sadd.s32 s5, s19  }
0x9d: {  	s8 =	simm.s32 $0x0;
	s20 =	sshll.u32 s6, $0x1;
	s6 =	sadd.s32 s21, s4  }
0x9e: {  	[timem:s8], [sflag:s22] =	dma.local [hbm:s6], s20  }
0x9f: {  	_ =	swait.ge [sflag:s22], s20  }
0xa0: {  	s5 =	ssub.s32 $0x0, s20;
	[sflag:s22] =	ssyncset.done $0x0  }
0xa1: {  	[sflag:s22] =	ssyncadd.s32 s5;
	_ =	sdelay $0x1  }
0xa2: {  	s23 =	simm.s32 $0x1B8B  }
0xa3: {  	_ =	swait.ge [sflag:s23], $0x1  }
0xa4: {  	[sflag:s23] =	ssyncset.done $0x0  }
0xa5: {  	s25 =	simm.s32 $0x1B8E;
	s24 =	sld [smem:$0x3FFE];
	[sflag:s23] =	ssyncadd.s32 $0xFFFFFFFF  }
0xa6: {  	s26 =	simm.s32 $execute0_lowered;
	[smem:$0x3FD2] =	sst s25  }
0xa7: {  	s6 =	sshll.u32 s26, $0x1;
	_ =	strace $0x80000046;
	[dreg:$0x1] =	wrdreg $0xFFFFFFFF  }
0xa8: {  	s28 =	simm.s32 $_size_execute0_lowered;
	s4 =	sadd.s32 s4, s6;
	[dreg:$0x0] =	wrdreg $0x0  }
0xa9: {  	s6 =	sshll.u32 s28, $0x1;
	[dreg:$0x2] =	wrdreg s4  }
0xaa: {  	[dreg:$0x3] =	wrdreg s6  }
0xab: {  	[dreg:$0x4] =	wrdreg $0xC0  }
0xac: {  	_ =	task [dreg:s8], $0x5FFFF  }
0xad: {  	[dreg:$0x1] =	wrdreg $0xFFFFFFFF  }
0xae: {  	[dreg:$0x0] =	wrdreg $0x60  }
0xaf: {  	[dreg:$0x2] =	wrdreg s2  }
0xb0: {  	[dreg:$0x3] =	wrdreg s18  }
0xb1: {  	[dreg:$0x4] =	wrdreg s24  }
0xb2: {  	[dreg:$0x5] =	wrdreg $0x9  }
0xb3: {  	_ =	task.clear_ibuf [dreg:s8], $0x6FFFF;
	_ =	strace $0x90000046  }
0xb4: {  	s29 =	simm.s32 $0x9;
	_ =	strace $0x80000048  }
0xb5: {  	_ =	swait.ge [sflag:s29], $0x1  }
0xb6: {  	[sflag:s29] =	ssyncadd.s32 $0xFFFFFFFF  }
0xb7: {  	_ =	strace $0x90000048  }
0xb8: {  	_ =	sfence  }
0xb9: {  	s30 =	sld [smem:$0x0];
	_ =	sdelay $0x2  }
0xba: {  	s31 =	sshll.u32 s1, $0xD;
	s1 =	sshrl.u32 s1, $0x2  }
0xbb: {  	s3 =	sand.u32 $0x4000, s31;
	s1 =	sadd.s32 s1, s30  }
0xbc: {  	s0 =	sor.u32 s3, s0;
	s1 =	sshll.u32 s1, $0x11  }
0xbd: {  	s0 =	sor.u32 s1, s0  }
0xbe: {  	s0 =	sadd.s32 $0x8F2B, s0  }
0xbf: {  	[sflag:s0] =	ssyncadd.remote.s32 $0x1  }
0xc0: {  	_ =	sfence.sel $0xFFFF  }
0xc1: {  	[dreg:$0x0] =	wrdreg $0xFFFFFFFF;
	(pc) =	sbr.abs _section_cstart, $3  }
0xc2: {  	[dreg:$0x1] =	wrdreg $0xFFFFFFFF  }
0xc3: {  	_ =	task.clear_ibuf [dreg:s8], $0x2FFFF;
	_ =	strace $0x9FFFFFFF  }
0xc4: {  	(tm) =	ssettm $0x7FFFFFFF  }
0xc5: {  	_ =	shalt  }
tec
execute0_lowered:
.L_overlay_start_1:
0x0: {  	(tag) =	ssettag $0x1  }
0x1: {  	s5 =	rddreg [dreg:$0x0]  }
0x2: {  	s6 =	rddreg [dreg:$0x1];
	s1 =	srdreg.scid  }
0x3: {  	s0 =	stileid.u32;
	s3 =	rddreg [dreg:$0x2];
	s14 =	simm.s32 $0xA980  }
0x4: {  	s15 =	simm.s32 $0x0;
	s4 =	sand.u32 $0x1, s1;
	s2 =	sshll.u32 s0, $0x1  }
0x5: {  	s1 =	rddreg [dreg:$0x3];
	s7 =	sshrl.u32 s0, $0x2;
	s10 =	sor.u32 s4, s2  }
0x6: {  	s2 =	simm.s32 $0x0;
	s9 =	sshll.u32 s7, $0xE;
	s7 =	sshll.u32 s7, $0xA  }
0x7: {  	s4 =	ssub.s32 $0x2, s4;
	s8 =	sshll.u32 s10, $0x7;
	s30 =	smul.u32 $0x1400, s10  }
0x8: {  	[smem:$0x7FF] =	sst s2;
	s11 =	smul.u32 $0x28, s10;
	s31 =	sshrl.u32 s4, $0x1  }
0x9: {  	p0 =	seq.s32 s10, $0x1F;
	s10 =	simm.s32 $0x80;
	s8 =	sand.u32 $0x380, s8  }
0xa: {  	_ =	strace $0x80000047;
	s13 =	ssub.s32 s4, s31;
	s9 =	sor.u32 s9, s8  }
0xb: {  	s7 =	sor.u32 s7, s8;
	s4 =	sadd.s32 s6, s11;
	s6 =	sadd.s32 $0x4D8, s6  }
0xc: {  	s11 =	simm.s32 $0x400;
	s9 =	sshrl.u32 s9, $0x3;
	s7 =	sshrl.u32 s7, $0x3  }
0xd: {  	s9 =	sadd.s32 s9, s3;
	s12 =	sadd.s32 s7, s3;
	s3 =	sadd.s32 s5, s30  }
0xe: {  	s5 =	sadd.s32 $0x26C00, s5;
	s7 =	sadd.s32 $0xE00, s9;
	s8 =	sadd.s32 $0x2E00, s12  }
0xf: {  	v0 =	vlaneseq.u32;
	v1 =	vimm.f32 $0.0e+00;
	s9 =	smax.u32 s13, $0x1;
	s12 =	simm.s32 $0xA180;
	s13 =	simm.s32 $0x1  }
.LBB2_1:
0x10: {  	s16 =	simm.s32 @p0 $0x0;
	s17 =	simm.s32 @p0 $0x1  }
0x11: {  	[tilespmem:s16], [sflag:$0x1] =	stream.linear.gather @p0 [hbm4b:s5+s16], $0x2800, $0x38;
	[tilespmem:$0xAA00] =	vst v63  }
0x12: {  	_ =	swait.ge @p0 [sflag:s17], $0x2800  }
0x13: {  	[sflag:s17] =	ssyncset.done @p0 $0x0  }
0x14: {  	s18 =	simm.s32 @p0 $0xA000;
	[sflag:s17] =	ssyncadd.s32 @p0 $0xFFFFD800  }
0x15: {  	[tilespmem:s18], [sflag:$0x1] =	stream.linear.gather @p0 [hbm4b:s6+s16], $0x50, $0x38;
	[tilespmem:$0xAA00] =	vst v63  }
0x16: {  	_ =	swait.ge @p0 [sflag:s17], $0x50  }
0x17: {  	[sflag:s17] =	ssyncset.done @p0 $0x0  }
0x18: {  	s16 =	simm.s32 @!p0 $0x0;
	[sflag:s17] =	ssyncadd.s32 @p0 $0xFFFFFFB0;
	s17 =	simm.s32 @!p0 $0x1  }
0x19: {  	[tilespmem:s16], [sflag:$0x1] =	stream.linear.gather @!p0 [hbm4b:s3+s16], $0xA000, $0x38;
	[tilespmem:$0xAA00] =	vst v63  }
0x1a: {  	_ =	swait.ge @!p0 [sflag:s17], $0xA000  }
0x1b: {  	[sflag:s17] =	ssyncset.done @!p0 $0x0  }
0x1c: {  	s18 =	simm.s32 @!p0 $0xA000;
	[sflag:s17] =	ssyncadd.s32 @!p0 $0xFFFF6000  }
0x1d: {  	[tilespmem:s18], [sflag:$0x1] =	stream.linear.gather @!p0 [hbm4b:s4+s16], $0x140, $0x38;
	[tilespmem:$0xAA00] =	vst v63  }
0x1e: {  	_ =	swait.ge @!p0 [sflag:s17], $0x140  }
0x1f: {  	[sflag:s17] =	ssyncset.done @!p0 $0x0  }
0x20: {  	[sflag:s17] =	ssyncadd.s32 @!p0 $0xFFFFFEC0  }
0x21: {  	[tilespmem:$0xA180] =	vst v1  }
0x22: {  	[tilespmem:$0xA190] =	vst v1  }
0x23: {  	[tilespmem:$0xA1A0] =	vst v1  }
0x24: {  	[tilespmem:$0xA1B0] =	vst v1  }
0x25: {  	[tilespmem:$0xA1C0] =	vst v1  }
0x26: {  	[tilespmem:$0xA1D0] =	vst v1  }
0x27: {  	[tilespmem:$0xA1E0] =	vst v1  }
0x28: {  	[tilespmem:$0xA1F0] =	vst v1  }
0x29: {  	[tilespmem:$0xA200] =	vst v1  }
0x2a: {  	[tilespmem:$0xA210] =	vst v1  }
0x2b: {  	[tilespmem:$0xA220] =	vst v1  }
0x2c: {  	[tilespmem:$0xA230] =	vst v1  }
0x2d: {  	[tilespmem:$0xA240] =	vst v1  }
0x2e: {  	[tilespmem:$0xA250] =	vst v1  }
0x2f: {  	[tilespmem:$0xA260] =	vst v1  }
0x30: {  	[tilespmem:$0xA270] =	vst v1  }
0x31: {  	[tilespmem:$0xA280] =	vst v1  }
0x32: {  	[tilespmem:$0xA290] =	vst v1  }
0x33: {  	[tilespmem:$0xA2A0] =	vst v1  }
0x34: {  	[tilespmem:$0xA2B0] =	vst v1  }
0x35: {  	[tilespmem:$0xA2C0] =	vst v1  }
0x36: {  	[tilespmem:$0xA2D0] =	vst v1  }
0x37: {  	[tilespmem:$0xA2E0] =	vst v1  }
0x38: {  	[tilespmem:$0xA2F0] =	vst v1  }
0x39: {  	[tilespmem:$0xA300] =	vst v1  }
0x3a: {  	[tilespmem:$0xA310] =	vst v1  }
0x3b: {  	[tilespmem:$0xA320] =	vst v1  }
0x3c: {  	[tilespmem:$0xA330] =	vst v1  }
0x3d: {  	[tilespmem:$0xA340] =	vst v1  }
0x3e: {  	[tilespmem:$0xA350] =	vst v1  }
0x3f: {  	[tilespmem:$0xA360] =	vst v1  }
0x40: {  	[tilespmem:$0xA370] =	vst v1  }
0x41: {  	[tilespmem:$0xA380] =	vst v1  }
0x42: {  	[tilespmem:$0xA390] =	vst v1  }
0x43: {  	[tilespmem:$0xA3A0] =	vst v1  }
0x44: {  	[tilespmem:$0xA3B0] =	vst v1  }
0x45: {  	[tilespmem:$0xA3C0] =	vst v1  }
0x46: {  	[tilespmem:$0xA3D0] =	vst v1  }
0x47: {  	[tilespmem:$0xA3E0] =	vst v1  }
0x48: {  	[tilespmem:$0xA3F0] =	vst v1  }
0x49: {  	[tilespmem:$0xA400] =	vst v1  }
0x4a: {  	[tilespmem:$0xA410] =	vst v1  }
0x4b: {  	[tilespmem:$0xA420] =	vst v1  }
0x4c: {  	[tilespmem:$0xA430] =	vst v1  }
0x4d: {  	[tilespmem:$0xA440] =	vst v1  }
0x4e: {  	[tilespmem:$0xA450] =	vst v1  }
0x4f: {  	[tilespmem:$0xA460] =	vst v1  }
0x50: {  	[tilespmem:$0xA470] =	vst v1  }
0x51: {  	[tilespmem:$0xA480] =	vst v1  }
0x52: {  	[tilespmem:$0xA490] =	vst v1  }
0x53: {  	[tilespmem:$0xA4A0] =	vst v1  }
0x54: {  	[tilespmem:$0xA4B0] =	vst v1  }
0x55: {  	[tilespmem:$0xA4C0] =	vst v1  }
0x56: {  	[tilespmem:$0xA4D0] =	vst v1  }
0x57: {  	[tilespmem:$0xA4E0] =	vst v1  }
0x58: {  	[tilespmem:$0xA4F0] =	vst v1  }
0x59: {  	[tilespmem:$0xA500] =	vst v1  }
0x5a: {  	[tilespmem:$0xA510] =	vst v1  }
0x5b: {  	[tilespmem:$0xA520] =	vst v1  }
0x5c: {  	[tilespmem:$0xA530] =	vst v1  }
0x5d: {  	[tilespmem:$0xA540] =	vst v1  }
0x5e: {  	[tilespmem:$0xA550] =	vst v1  }
0x5f: {  	[tilespmem:$0xA560] =	vst v1  }
0x60: {  	[tilespmem:$0xA570] =	vst v1  }
0x61: {  	[tilespmem:$0xA580] =	vst v1  }
0x62: {  	[tilespmem:$0xA590] =	vst v1  }
0x63: {  	[tilespmem:$0xA5A0] =	vst v1  }
0x64: {  	[tilespmem:$0xA5B0] =	vst v1  }
0x65: {  	[tilespmem:$0xA5C0] =	vst v1  }
0x66: {  	[tilespmem:$0xA5D0] =	vst v1  }
0x67: {  	[tilespmem:$0xA5E0] =	vst v1  }
0x68: {  	[tilespmem:$0xA5F0] =	vst v1  }
0x69: {  	[tilespmem:$0xA600] =	vst v1  }
0x6a: {  	[tilespmem:$0xA610] =	vst v1  }
0x6b: {  	[tilespmem:$0xA620] =	vst v1  }
0x6c: {  	[tilespmem:$0xA630] =	vst v1  }
0x6d: {  	[tilespmem:$0xA640] =	vst v1  }
0x6e: {  	[tilespmem:$0xA650] =	vst v1  }
0x6f: {  	[tilespmem:$0xA660] =	vst v1  }
0x70: {  	[tilespmem:$0xA670] =	vst v1  }
0x71: {  	[tilespmem:$0xA680] =	vst v1  }
0x72: {  	[tilespmem:$0xA690] =	vst v1  }
0x73: {  	[tilespmem:$0xA6A0] =	vst v1  }
0x74: {  	[tilespmem:$0xA6B0] =	vst v1  }
0x75: {  	[tilespmem:$0xA6C0] =	vst v1  }
0x76: {  	[tilespmem:$0xA6D0] =	vst v1  }
0x77: {  	[tilespmem:$0xA6E0] =	vst v1  }
0x78: {  	[tilespmem:$0xA6F0] =	vst v1  }
0x79: {  	[tilespmem:$0xA700] =	vst v1  }
0x7a: {  	[tilespmem:$0xA710] =	vst v1  }
0x7b: {  	[tilespmem:$0xA720] =	vst v1  }
0x7c: {  	[tilespmem:$0xA730] =	vst v1  }
0x7d: {  	[tilespmem:$0xA740] =	vst v1  }
0x7e: {  	[tilespmem:$0xA750] =	vst v1  }
0x7f: {  	[tilespmem:$0xA760] =	vst v1  }
0x80: {  	[tilespmem:$0xA770] =	vst v1  }
0x81: {  	[tilespmem:$0xA780] =	vst v1  }
0x82: {  	[tilespmem:$0xA790] =	vst v1  }
0x83: {  	[tilespmem:$0xA7A0] =	vst v1  }
0x84: {  	[tilespmem:$0xA7B0] =	vst v1  }
0x85: {  	[tilespmem:$0xA7C0] =	vst v1  }
0x86: {  	[tilespmem:$0xA7D0] =	vst v1  }
0x87: {  	[tilespmem:$0xA7E0] =	vst v1  }
0x88: {  	[tilespmem:$0xA7F0] =	vst v1  }
0x89: {  	[tilespmem:$0xA800] =	vst v1  }
0x8a: {  	[tilespmem:$0xA810] =	vst v1  }
0x8b: {  	[tilespmem:$0xA820] =	vst v1  }
0x8c: {  	[tilespmem:$0xA830] =	vst v1  }
0x8d: {  	[tilespmem:$0xA840] =	vst v1  }
0x8e: {  	[tilespmem:$0xA850] =	vst v1  }
0x8f: {  	[tilespmem:$0xA860] =	vst v1  }
0x90: {  	[tilespmem:$0xA870] =	vst v1  }
0x91: {  	[tilespmem:$0xA880] =	vst v1  }
0x92: {  	[tilespmem:$0xA890] =	vst v1  }
0x93: {  	[tilespmem:$0xA8A0] =	vst v1  }
0x94: {  	[tilespmem:$0xA8B0] =	vst v1  }
0x95: {  	[tilespmem:$0xA8C0] =	vst v1  }
0x96: {  	[tilespmem:$0xA8D0] =	vst v1  }
0x97: {  	[tilespmem:$0xA8E0] =	vst v1  }
0x98: {  	[tilespmem:$0xA8F0] =	vst v1  }
0x99: {  	[tilespmem:$0xA900] =	vst v1  }
0x9a: {  	[tilespmem:$0xA910] =	vst v1  }
0x9b: {  	[tilespmem:$0xA920] =	vst v1  }
0x9c: {  	[tilespmem:$0xA930] =	vst v1  }
0x9d: {  	[tilespmem:$0xA940] =	vst v1  }
0x9e: {  	[tilespmem:$0xA950] =	vst v1  }
0x9f: {  	s16 =	simm.s32 @!p0 $0x14;
	[tilespmem:$0xA960] =	vst v1  }
0xa0: {  	v3 =	vimm.f32 $0.0e+00;
	s18 =	simm.s32 $0x400;
	s16 =	simm.s32 @p0 $0x5;
	s17 =	simm.s32 $0xA000;
	[tilespmem:$0xA970] =	vst v1  }
.LBB2_2:
0xa1: {  	v2 =	vld [tilespmem:s17+$0x0];
	_ =	sdelay $0x4  }
0xa2: {  	v4 =	vshll.u32 v2, $0x9  }
0xa3: {  	v4 =	vshra.s32 v4, $0x2  }
0xa4: {  	(v2sf) =	vpush v4, $0x0;
	_ =	sdelay $0xa  }
0xa5: {  	v5 =	vld [tilespmem:s18+$0xFFFFFC00];
	_ =	sdelay $0x3  }
0xa6: {  	s19 =	spop (v2sf)  }
0xa7: {  	[tilespmem:s19+$0xA180] =	vst.add.f32.msk $0xffff, v5  }
0xa8: {  	v5 =	vld [tilespmem:s18+$0xFFFFFC10];
	_ =	sdelay $0x4  }
0xa9: {  	[tilespmem:s19+$0xA190] =	vst.add.f32.msk $0xffff, v5  }
0xaa: {  	v5 =	vld [tilespmem:s18+$0xFFFFFC20];
	_ =	sdelay $0x4  }
0xab: {  	[tilespmem:s19+$0xA1A0] =	vst.add.f32.msk $0xffff, v5  }
0xac: {  	v5 =	vld [tilespmem:s18+$0xFFFFFC30];
	_ =	sdelay $0x4  }
0xad: {  	[tilespmem:s19+$0xA1B0] =	vst.add.f32.msk $0xffff, v5  }
0xae: {  	v5 =	vld [tilespmem:s18+$0xFFFFFC40];
	_ =	sdelay $0x4  }
0xaf: {  	[tilespmem:s19+$0xA1C0] =	vst.add.f32.msk $0xffff, v5  }
0xb0: {  	v5 =	vld [tilespmem:s18+$0xFFFFFC50];
	_ =	sdelay $0x4  }
0xb1: {  	[tilespmem:s19+$0xA1D0] =	vst.add.f32.msk $0xffff, v5  }
0xb2: {  	v5 =	vld [tilespmem:s18+$0xFFFFFC60]  }
0xb3: {  	(v2sf) =	vpush v4, $0x1;
	_ =	sdelay $0x3  }
0xb4: {  	[tilespmem:s19+$0xA1E0] =	vst.add.f32.msk $0xffff, v5  }
0xb5: {  	v5 =	vld [tilespmem:s18+$0xFFFFFC70];
	_ =	sdelay $0x4  }
0xb6: {  	[tilespmem:s19+$0xA1F0] =	vst.add.f32.msk $0xffff, v5  }
0xb7: {  	v5 =	vld [tilespmem:s18+$0xFFFFFC80];
	_ =	sdelay $0x3  }
0xb8: {  	s28 =	spop (v2sf)  }
0xb9: {  	[tilespmem:s28+$0xA180] =	vst.add.f32.msk $0xffff, v5  }
0xba: {  	v5 =	vld [tilespmem:s18+$0xFFFFFC90];
	_ =	sdelay $0x4  }
0xbb: {  	[tilespmem:s28+$0xA190] =	vst.add.f32.msk $0xffff, v5  }
0xbc: {  	v5 =	vld [tilespmem:s18+$0xFFFFFCA0];
	_ =	sdelay $0x4  }
0xbd: {  	[tilespmem:s28+$0xA1A0] =	vst.add.f32.msk $0xffff, v5  }
0xbe: {  	v5 =	vld [tilespmem:s18+$0xFFFFFCB0];
	_ =	sdelay $0x4  }
0xbf: {  	[tilespmem:s28+$0xA1B0] =	vst.add.f32.msk $0xffff, v5  }
0xc0: {  	v5 =	vld [tilespmem:s18+$0xFFFFFCC0];
	_ =	sdelay $0x4  }
0xc1: {  	[tilespmem:s28+$0xA1C0] =	vst.add.f32.msk $0xffff, v5  }
0xc2: {  	v5 =	vld [tilespmem:s18+$0xFFFFFCD0];
	_ =	sdelay $0x4  }
0xc3: {  	[tilespmem:s28+$0xA1D0] =	vst.add.f32.msk $0xffff, v5  }
0xc4: {  	v5 =	vld [tilespmem:s18+$0xFFFFFCE0]  }
0xc5: {  	(v2sf) =	vpush v4, $0x2;
	_ =	sdelay $0x3  }
0xc6: {  	[tilespmem:s28+$0xA1E0] =	vst.add.f32.msk $0xffff, v5  }
0xc7: {  	v5 =	vld [tilespmem:s18+$0xFFFFFCF0];
	_ =	sdelay $0x4  }
0xc8: {  	[tilespmem:s28+$0xA1F0] =	vst.add.f32.msk $0xffff, v5  }
0xc9: {  	v5 =	vld [tilespmem:s18+$0xFFFFFD00];
	_ =	sdelay $0x3  }
0xca: {  	s29 =	spop (v2sf)  }
0xcb: {  	[tilespmem:s29+$0xA180] =	vst.add.f32.msk $0xffff, v5  }
0xcc: {  	v5 =	vld [tilespmem:s18+$0xFFFFFD10];
	_ =	sdelay $0x4  }
0xcd: {  	[tilespmem:s29+$0xA190] =	vst.add.f32.msk $0xffff, v5  }
0xce: {  	v5 =	vld [tilespmem:s18+$0xFFFFFD20];
	_ =	sdelay $0x4  }
0xcf: {  	[tilespmem:s29+$0xA1A0] =	vst.add.f32.msk $0xffff, v5  }
0xd0: {  	v5 =	vld [tilespmem:s18+$0xFFFFFD30];
	_ =	sdelay $0x4  }
0xd1: {  	[tilespmem:s29+$0xA1B0] =	vst.add.f32.msk $0xffff, v5  }
0xd2: {  	v5 =	vld [tilespmem:s18+$0xFFFFFD40];
	_ =	sdelay $0x4  }
0xd3: {  	[tilespmem:s29+$0xA1C0] =	vst.add.f32.msk $0xffff, v5  }
0xd4: {  	v5 =	vld [tilespmem:s18+$0xFFFFFD50];
	_ =	sdelay $0x4  }
0xd5: {  	[tilespmem:s29+$0xA1D0] =	vst.add.f32.msk $0xffff, v5  }
0xd6: {  	v5 =	vld [tilespmem:s18+$0xFFFFFD60]  }
0xd7: {  	(v2sf) =	vpush v4, $0x3;
	_ =	sdelay $0x3  }
0xd8: {  	[tilespmem:s29+$0xA1E0] =	vst.add.f32.msk $0xffff, v5  }
0xd9: {  	v5 =	vld [tilespmem:s18+$0xFFFFFD70];
	_ =	sdelay $0x4  }
0xda: {  	[tilespmem:s29+$0xA1F0] =	vst.add.f32.msk $0xffff, v5  }
0xdb: {  	v5 =	vld [tilespmem:s18+$0xFFFFFD80];
	_ =	sdelay $0x3  }
0xdc: {  	s30 =	spop (v2sf)  }
0xdd: {  	[tilespmem:s30+$0xA180] =	vst.add.f32.msk $0xffff, v5  }
0xde: {  	v5 =	vld [tilespmem:s18+$0xFFFFFD90];
	_ =	sdelay $0x4  }
0xdf: {  	[tilespmem:s30+$0xA190] =	vst.add.f32.msk $0xffff, v5  }
0xe0: {  	v5 =	vld [tilespmem:s18+$0xFFFFFDA0];
	_ =	sdelay $0x4  }
0xe1: {  	[tilespmem:s30+$0xA1A0] =	vst.add.f32.msk $0xffff, v5  }
0xe2: {  	v5 =	vld [tilespmem:s18+$0xFFFFFDB0];
	_ =	sdelay $0x4  }
0xe3: {  	[tilespmem:s30+$0xA1B0] =	vst.add.f32.msk $0xffff, v5  }
0xe4: {  	v5 =	vld [tilespmem:s18+$0xFFFFFDC0];
	_ =	sdelay $0x4  }
0xe5: {  	[tilespmem:s30+$0xA1C0] =	vst.add.f32.msk $0xffff, v5  }
0xe6: {  	v5 =	vld [tilespmem:s18+$0xFFFFFDD0];
	_ =	sdelay $0x4  }
0xe7: {  	[tilespmem:s30+$0xA1D0] =	vst.add.f32.msk $0xffff, v5  }
0xe8: {  	v5 =	vld [tilespmem:s18+$0xFFFFFDE0]  }
0xe9: {  	(v2sf) =	vpush v4, $0x4;
	_ =	sdelay $0x3  }
0xea: {  	[tilespmem:s30+$0xA1E0] =	vst.add.f32.msk $0xffff, v5  }
0xeb: {  	v5 =	vld [tilespmem:s18+$0xFFFFFDF0];
	_ =	sdelay $0x4  }
0xec: {  	[tilespmem:s30+$0xA1F0] =	vst.add.f32.msk $0xffff, v5  }
0xed: {  	v5 =	vld [tilespmem:s18+$0xFFFFFE00];
	_ =	sdelay $0x3  }
0xee: {  	s31 =	spop (v2sf)  }
0xef: {  	[tilespmem:s31+$0xA180] =	vst.add.f32.msk $0xffff, v5  }
0xf0: {  	v5 =	vld [tilespmem:s18+$0xFFFFFE10];
	_ =	sdelay $0x4  }
0xf1: {  	[tilespmem:s31+$0xA190] =	vst.add.f32.msk $0xffff, v5  }
0xf2: {  	v5 =	vld [tilespmem:s18+$0xFFFFFE20];
	_ =	sdelay $0x4  }
0xf3: {  	[tilespmem:s31+$0xA1A0] =	vst.add.f32.msk $0xffff, v5  }
0xf4: {  	v5 =	vld [tilespmem:s18+$0xFFFFFE30];
	_ =	sdelay $0x4  }
0xf5: {  	[tilespmem:s31+$0xA1B0] =	vst.add.f32.msk $0xffff, v5  }
0xf6: {  	v5 =	vld [tilespmem:s18+$0xFFFFFE40];
	_ =	sdelay $0x4  }
0xf7: {  	[tilespmem:s31+$0xA1C0] =	vst.add.f32.msk $0xffff, v5  }
0xf8: {  	v5 =	vld [tilespmem:s18+$0xFFFFFE50];
	_ =	sdelay $0x4  }
0xf9: {  	[tilespmem:s31+$0xA1D0] =	vst.add.f32.msk $0xffff, v5  }
0xfa: {  	v5 =	vld [tilespmem:s18+$0xFFFFFE60]  }
0xfb: {  	(v2sf) =	vpush v4, $0x5;
	_ =	sdelay $0x3  }
0xfc: {  	[tilespmem:s31+$0xA1E0] =	vst.add.f32.msk $0xffff, v5  }
0xfd: {  	v5 =	vld [tilespmem:s18+$0xFFFFFE70];
	_ =	sdelay $0x4  }
0xfe: {  	[tilespmem:s31+$0xA1F0] =	vst.add.f32.msk $0xffff, v5  }
0xff: {  	v5 =	vld [tilespmem:s18+$0xFFFFFE80];
	_ =	sdelay $0x3  }
0x100: {  	s20 =	spop (v2sf)  }
0x101: {  	[tilespmem:s20+$0xA180] =	vst.add.f32.msk $0xffff, v5  }
0x102: {  	v5 =	vld [tilespmem:s18+$0xFFFFFE90];
	_ =	sdelay $0x4  }
0x103: {  	[tilespmem:s20+$0xA190] =	vst.add.f32.msk $0xffff, v5  }
0x104: {  	v5 =	vld [tilespmem:s18+$0xFFFFFEA0];
	_ =	sdelay $0x4  }
0x105: {  	[tilespmem:s20+$0xA1A0] =	vst.add.f32.msk $0xffff, v5  }
0x106: {  	v5 =	vld [tilespmem:s18+$0xFFFFFEB0];
	_ =	sdelay $0x4  }
0x107: {  	[tilespmem:s20+$0xA1B0] =	vst.add.f32.msk $0xffff, v5  }
0x108: {  	v5 =	vld [tilespmem:s18+$0xFFFFFEC0];
	_ =	sdelay $0x4  }
0x109: {  	[tilespmem:s20+$0xA1C0] =	vst.add.f32.msk $0xffff, v5  }
0x10a: {  	v5 =	vld [tilespmem:s18+$0xFFFFFED0];
	_ =	sdelay $0x4  }
0x10b: {  	[tilespmem:s20+$0xA1D0] =	vst.add.f32.msk $0xffff, v5  }
0x10c: {  	v5 =	vld [tilespmem:s18+$0xFFFFFEE0]  }
0x10d: {  	(v2sf) =	vpush v4, $0x6;
	_ =	sdelay $0x3  }
0x10e: {  	[tilespmem:s20+$0xA1E0] =	vst.add.f32.msk $0xffff, v5  }
0x10f: {  	v5 =	vld [tilespmem:s18+$0xFFFFFEF0];
	_ =	sdelay $0x4  }
0x110: {  	[tilespmem:s20+$0xA1F0] =	vst.add.f32.msk $0xffff, v5  }
0x111: {  	v5 =	vld [tilespmem:s18+$0xFFFFFF00];
	_ =	sdelay $0x3  }
0x112: {  	s21 =	spop (v2sf)  }
0x113: {  	[tilespmem:s21+$0xA180] =	vst.add.f32.msk $0xffff, v5  }
0x114: {  	v5 =	vld [tilespmem:s18+$0xFFFFFF10];
	_ =	sdelay $0x4  }
0x115: {  	[tilespmem:s21+$0xA190] =	vst.add.f32.msk $0xffff, v5  }
0x116: {  	v5 =	vld [tilespmem:s18+$0xFFFFFF20];
	_ =	sdelay $0x4  }
0x117: {  	[tilespmem:s21+$0xA1A0] =	vst.add.f32.msk $0xffff, v5  }
0x118: {  	v5 =	vld [tilespmem:s18+$0xFFFFFF30];
	_ =	sdelay $0x4  }
0x119: {  	[tilespmem:s21+$0xA1B0] =	vst.add.f32.msk $0xffff, v5  }
0x11a: {  	v5 =	vld [tilespmem:s18+$0xFFFFFF40];
	_ =	sdelay $0x4  }
0x11b: {  	[tilespmem:s21+$0xA1C0] =	vst.add.f32.msk $0xffff, v5  }
0x11c: {  	v5 =	vld [tilespmem:s18+$0xFFFFFF50];
	_ =	sdelay $0x4  }
0x11d: {  	[tilespmem:s21+$0xA1D0] =	vst.add.f32.msk $0xffff, v5  }
0x11e: {  	v5 =	vld [tilespmem:s18+$0xFFFFFF60]  }
0x11f: {  	(v2sf) =	vpush v4, $0x7;
	_ =	sdelay $0x3  }
0x120: {  	[tilespmem:s21+$0xA1E0] =	vst.add.f32.msk $0xffff, v5  }
0x121: {  	v5 =	vld [tilespmem:s18+$0xFFFFFF70];
	_ =	sdelay $0x4  }
0x122: {  	[tilespmem:s21+$0xA1F0] =	vst.add.f32.msk $0xffff, v5  }
0x123: {  	v5 =	vld [tilespmem:s18+$0xFFFFFF80];
	_ =	sdelay $0x3  }
0x124: {  	s22 =	spop (v2sf)  }
0x125: {  	[tilespmem:s22+$0xA180] =	vst.add.f32.msk $0xffff, v5  }
0x126: {  	v5 =	vld [tilespmem:s18+$0xFFFFFF90];
	_ =	sdelay $0x4  }
0x127: {  	[tilespmem:s22+$0xA190] =	vst.add.f32.msk $0xffff, v5  }
0x128: {  	v5 =	vld [tilespmem:s18+$0xFFFFFFA0];
	_ =	sdelay $0x4  }
0x129: {  	[tilespmem:s22+$0xA1A0] =	vst.add.f32.msk $0xffff, v5  }
0x12a: {  	v5 =	vld [tilespmem:s18+$0xFFFFFFB0];
	_ =	sdelay $0x4  }
0x12b: {  	[tilespmem:s22+$0xA1B0] =	vst.add.f32.msk $0xffff, v5  }
0x12c: {  	v5 =	vld [tilespmem:s18+$0xFFFFFFC0];
	_ =	sdelay $0x4  }
0x12d: {  	[tilespmem:s22+$0xA1C0] =	vst.add.f32.msk $0xffff, v5  }
0x12e: {  	v5 =	vld [tilespmem:s18+$0xFFFFFFD0];
	_ =	sdelay $0x4  }
0x12f: {  	[tilespmem:s22+$0xA1D0] =	vst.add.f32.msk $0xffff, v5  }
0x130: {  	v5 =	vld [tilespmem:s18+$0xFFFFFFE0]  }
0x131: {  	(v2sf) =	vpush v4, $0x8;
	_ =	sdelay $0x3  }
0x132: {  	[tilespmem:s22+$0xA1E0] =	vst.add.f32.msk $0xffff, v5  }
0x133: {  	v5 =	vld [tilespmem:s18+$0xFFFFFFF0];
	_ =	sdelay $0x4  }
0x134: {  	[tilespmem:s22+$0xA1F0] =	vst.add.f32.msk $0xffff, v5  }
0x135: {  	v5 =	vld [tilespmem:s18+$0x0];
	_ =	sdelay $0x3  }
0x136: {  	s23 =	spop (v2sf)  }
0x137: {  	[tilespmem:s23+$0xA180] =	vst.add.f32.msk $0xffff, v5  }
0x138: {  	v5 =	vld [tilespmem:s18+$0x10];
	_ =	sdelay $0x4  }
0x139: {  	[tilespmem:s23+$0xA190] =	vst.add.f32.msk $0xffff, v5  }
0x13a: {  	v5 =	vld [tilespmem:s18+$0x20];
	_ =	sdelay $0x4  }
0x13b: {  	[tilespmem:s23+$0xA1A0] =	vst.add.f32.msk $0xffff, v5  }
0x13c: {  	v5 =	vld [tilespmem:s18+$0x30];
	_ =	sdelay $0x4  }
0x13d: {  	[tilespmem:s23+$0xA1B0] =	vst.add.f32.msk $0xffff, v5  }
0x13e: {  	v5 =	vld [tilespmem:s18+$0x40];
	_ =	sdelay $0x4  }
0x13f: {  	[tilespmem:s23+$0xA1C0] =	vst.add.f32.msk $0xffff, v5  }
0x140: {  	v5 =	vld [tilespmem:s18+$0x50];
	_ =	sdelay $0x4  }
0x141: {  	[tilespmem:s23+$0xA1D0] =	vst.add.f32.msk $0xffff, v5  }
0x142: {  	v5 =	vld [tilespmem:s18+$0x60]  }
0x143: {  	(v2sf) =	vpush v4, $0x9;
	_ =	sdelay $0x3  }
0x144: {  	[tilespmem:s23+$0xA1E0] =	vst.add.f32.msk $0xffff, v5  }
0x145: {  	v5 =	vld [tilespmem:s18+$0x70];
	_ =	sdelay $0x4  }
0x146: {  	[tilespmem:s23+$0xA1F0] =	vst.add.f32.msk $0xffff, v5  }
0x147: {  	v5 =	vld [tilespmem:s18+$0x80];
	_ =	sdelay $0x3  }
0x148: {  	s24 =	spop (v2sf)  }
0x149: {  	[tilespmem:s24+$0xA180] =	vst.add.f32.msk $0xffff, v5  }
0x14a: {  	v5 =	vld [tilespmem:s18+$0x90];
	_ =	sdelay $0x4  }
0x14b: {  	[tilespmem:s24+$0xA190] =	vst.add.f32.msk $0xffff, v5  }
0x14c: {  	v5 =	vld [tilespmem:s18+$0xA0];
	_ =	sdelay $0x4  }
0x14d: {  	[tilespmem:s24+$0xA1A0] =	vst.add.f32.msk $0xffff, v5  }
0x14e: {  	v5 =	vld [tilespmem:s18+$0xB0];
	_ =	sdelay $0x4  }
0x14f: {  	[tilespmem:s24+$0xA1B0] =	vst.add.f32.msk $0xffff, v5  }
0x150: {  	v5 =	vld [tilespmem:s18+$0xC0];
	_ =	sdelay $0x4  }
0x151: {  	[tilespmem:s24+$0xA1C0] =	vst.add.f32.msk $0xffff, v5  }
0x152: {  	v5 =	vld [tilespmem:s18+$0xD0];
	_ =	sdelay $0x4  }
0x153: {  	[tilespmem:s24+$0xA1D0] =	vst.add.f32.msk $0xffff, v5  }
0x154: {  	v5 =	vld [tilespmem:s18+$0xE0]  }
0x155: {  	(v2sf) =	vpush v4, $0xA;
	_ =	sdelay $0x3  }
0x156: {  	[tilespmem:s24+$0xA1E0] =	vst.add.f32.msk $0xffff, v5  }
0x157: {  	v5 =	vld [tilespmem:s18+$0xF0];
	_ =	sdelay $0x4  }
0x158: {  	[tilespmem:s24+$0xA1F0] =	vst.add.f32.msk $0xffff, v5  }
0x159: {  	v5 =	vld [tilespmem:s18+$0x100];
	_ =	sdelay $0x3  }
0x15a: {  	s25 =	spop (v2sf)  }
0x15b: {  	[tilespmem:s25+$0xA180] =	vst.add.f32.msk $0xffff, v5  }
0x15c: {  	v5 =	vld [tilespmem:s18+$0x110];
	_ =	sdelay $0x4  }
0x15d: {  	[tilespmem:s25+$0xA190] =	vst.add.f32.msk $0xffff, v5  }
0x15e: {  	v5 =	vld [tilespmem:s18+$0x120];
	_ =	sdelay $0x4  }
0x15f: {  	[tilespmem:s25+$0xA1A0] =	vst.add.f32.msk $0xffff, v5  }
0x160: {  	v5 =	vld [tilespmem:s18+$0x130];
	_ =	sdelay $0x4  }
0x161: {  	[tilespmem:s25+$0xA1B0] =	vst.add.f32.msk $0xffff, v5  }
0x162: {  	v5 =	vld [tilespmem:s18+$0x140];
	_ =	sdelay $0x4  }
0x163: {  	[tilespmem:s25+$0xA1C0] =	vst.add.f32.msk $0xffff, v5  }
0x164: {  	v5 =	vld [tilespmem:s18+$0x150];
	_ =	sdelay $0x4  }
0x165: {  	[tilespmem:s25+$0xA1D0] =	vst.add.f32.msk $0xffff, v5  }
0x166: {  	v5 =	vld [tilespmem:s18+$0x160]  }
0x167: {  	(v2sf) =	vpush v4, $0xB;
	_ =	sdelay $0x3  }
0x168: {  	[tilespmem:s25+$0xA1E0] =	vst.add.f32.msk $0xffff, v5  }
0x169: {  	v5 =	vld [tilespmem:s18+$0x170];
	_ =	sdelay $0x4  }
0x16a: {  	[tilespmem:s25+$0xA1F0] =	vst.add.f32.msk $0xffff, v5  }
0x16b: {  	v5 =	vld [tilespmem:s18+$0x180];
	_ =	sdelay $0x3  }
0x16c: {  	s26 =	spop (v2sf)  }
0x16d: {  	[tilespmem:s26+$0xA180] =	vst.add.f32.msk $0xffff, v5  }
0x16e: {  	v5 =	vld [tilespmem:s18+$0x190];
	_ =	sdelay $0x4  }
0x16f: {  	[tilespmem:s26+$0xA190] =	vst.add.f32.msk $0xffff, v5  }
0x170: {  	v5 =	vld [tilespmem:s18+$0x1A0];
	_ =	sdelay $0x4  }
0x171: {  	[tilespmem:s26+$0xA1A0] =	vst.add.f32.msk $0xffff, v5  }
0x172: {  	v5 =	vld [tilespmem:s18+$0x1B0];
	_ =	sdelay $0x4  }
0x173: {  	[tilespmem:s26+$0xA1B0] =	vst.add.f32.msk $0xffff, v5  }
0x174: {  	v5 =	vld [tilespmem:s18+$0x1C0];
	_ =	sdelay $0x4  }
0x175: {  	[tilespmem:s26+$0xA1C0] =	vst.add.f32.msk $0xffff, v5  }
0x176: {  	v5 =	vld [tilespmem:s18+$0x1D0];
	_ =	sdelay $0x4  }
0x177: {  	[tilespmem:s26+$0xA1D0] =	vst.add.f32.msk $0xffff, v5  }
0x178: {  	v5 =	vld [tilespmem:s18+$0x1E0]  }
0x179: {  	(v2sf) =	vpush v4, $0xC;
	_ =	sdelay $0x3  }
0x17a: {  	[tilespmem:s26+$0xA1E0] =	vst.add.f32.msk $0xffff, v5  }
0x17b: {  	v5 =	vld [tilespmem:s18+$0x1F0];
	_ =	sdelay $0x4  }
0x17c: {  	[tilespmem:s26+$0xA1F0] =	vst.add.f32.msk $0xffff, v5  }
0x17d: {  	v5 =	vld [tilespmem:s18+$0x200];
	_ =	sdelay $0x3  }
0x17e: {  	s28 =	spop (v2sf)  }
0x17f: {  	[tilespmem:s28+$0xA180] =	vst.add.f32.msk $0xffff, v5  }
0x180: {  	v5 =	vld [tilespmem:s18+$0x210];
	_ =	sdelay $0x4  }
0x181: {  	[tilespmem:s28+$0xA190] =	vst.add.f32.msk $0xffff, v5  }
0x182: {  	v5 =	vld [tilespmem:s18+$0x220];
	_ =	sdelay $0x4  }
0x183: {  	[tilespmem:s28+$0xA1A0] =	vst.add.f32.msk $0xffff, v5  }
0x184: {  	v5 =	vld [tilespmem:s18+$0x230];
	_ =	sdelay $0x4  }
0x185: {  	[tilespmem:s28+$0xA1B0] =	vst.add.f32.msk $0xffff, v5  }
0x186: {  	v5 =	vld [tilespmem:s18+$0x240];
	_ =	sdelay $0x4  }
0x187: {  	[tilespmem:s28+$0xA1C0] =	vst.add.f32.msk $0xffff, v5  }
0x188: {  	v5 =	vld [tilespmem:s18+$0x250];
	_ =	sdelay $0x4  }
0x189: {  	[tilespmem:s28+$0xA1D0] =	vst.add.f32.msk $0xffff, v5  }
0x18a: {  	v5 =	vld [tilespmem:s18+$0x260]  }
0x18b: {  	(v2sf) =	vpush v4, $0xD;
	_ =	sdelay $0x3  }
0x18c: {  	[tilespmem:s28+$0xA1E0] =	vst.add.f32.msk $0xffff, v5  }
0x18d: {  	v5 =	vld [tilespmem:s18+$0x270];
	_ =	sdelay $0x4  }
0x18e: {  	[tilespmem:s28+$0xA1F0] =	vst.add.f32.msk $0xffff, v5  }
0x18f: {  	v5 =	vld [tilespmem:s18+$0x280];
	_ =	sdelay $0x3  }
0x190: {  	s29 =	spop (v2sf)  }
0x191: {  	[tilespmem:s29+$0xA180] =	vst.add.f32.msk $0xffff, v5  }
0x192: {  	v5 =	vld [tilespmem:s18+$0x290];
	_ =	sdelay $0x4  }
0x193: {  	[tilespmem:s29+$0xA190] =	vst.add.f32.msk $0xffff, v5  }
0x194: {  	v5 =	vld [tilespmem:s18+$0x2A0];
	_ =	sdelay $0x4  }
0x195: {  	[tilespmem:s29+$0xA1A0] =	vst.add.f32.msk $0xffff, v5  }
0x196: {  	v5 =	vld [tilespmem:s18+$0x2B0];
	_ =	sdelay $0x4  }
0x197: {  	[tilespmem:s29+$0xA1B0] =	vst.add.f32.msk $0xffff, v5  }
0x198: {  	v5 =	vld [tilespmem:s18+$0x2C0];
	_ =	sdelay $0x4  }
0x199: {  	[tilespmem:s29+$0xA1C0] =	vst.add.f32.msk $0xffff, v5  }
0x19a: {  	v5 =	vld [tilespmem:s18+$0x2D0];
	_ =	sdelay $0x4  }
0x19b: {  	[tilespmem:s29+$0xA1D0] =	vst.add.f32.msk $0xffff, v5  }
0x19c: {  	v5 =	vld [tilespmem:s18+$0x2E0]  }
0x19d: {  	(v2sf) =	vpush v4, $0xE;
	_ =	sdelay $0x3  }
0x19e: {  	[tilespmem:s29+$0xA1E0] =	vst.add.f32.msk $0xffff, v5  }
0x19f: {  	v5 =	vld [tilespmem:s18+$0x2F0];
	_ =	sdelay $0x4  }
0x1a0: {  	[tilespmem:s29+$0xA1F0] =	vst.add.f32.msk $0xffff, v5  }
0x1a1: {  	v5 =	vld [tilespmem:s18+$0x300];
	_ =	sdelay $0x3  }
0x1a2: {  	s30 =	spop (v2sf)  }
0x1a3: {  	[tilespmem:s30+$0xA180] =	vst.add.f32.msk $0xffff, v5  }
0x1a4: {  	v5 =	vld [tilespmem:s18+$0x310];
	_ =	sdelay $0x4  }
0x1a5: {  	[tilespmem:s30+$0xA190] =	vst.add.f32.msk $0xffff, v5  }
0x1a6: {  	v5 =	vld [tilespmem:s18+$0x320];
	_ =	sdelay $0x4  }
0x1a7: {  	[tilespmem:s30+$0xA1A0] =	vst.add.f32.msk $0xffff, v5  }
0x1a8: {  	v5 =	vld [tilespmem:s18+$0x330];
	_ =	sdelay $0x4  }
0x1a9: {  	[tilespmem:s30+$0xA1B0] =	vst.add.f32.msk $0xffff, v5  }
0x1aa: {  	v5 =	vld [tilespmem:s18+$0x340];
	_ =	sdelay $0x4  }
0x1ab: {  	[tilespmem:s30+$0xA1C0] =	vst.add.f32.msk $0xffff, v5  }
0x1ac: {  	v5 =	vld [tilespmem:s18+$0x350];
	_ =	sdelay $0x4  }
0x1ad: {  	[tilespmem:s30+$0xA1D0] =	vst.add.f32.msk $0xffff, v5  }
0x1ae: {  	v5 =	vld [tilespmem:s18+$0x360]  }
0x1af: {  	(v2sf) =	vpush v4, $0xF;
	_ =	sdelay $0x3  }
0x1b0: {  	[tilespmem:s30+$0xA1E0] =	vst.add.f32.msk $0xffff, v5  }
0x1b1: {  	v4 =	vld [tilespmem:s18+$0x370];
	_ =	sdelay $0x4  }
0x1b2: {  	[tilespmem:s30+$0xA1F0] =	vst.add.f32.msk $0xffff, v4  }
0x1b3: {  	v4 =	vld [tilespmem:s18+$0x380];
	_ =	sdelay $0x3  }
0x1b4: {  	s31 =	spop (v2sf)  }
0x1b5: {  	[tilespmem:s31+$0xA180] =	vst.add.f32.msk $0xffff, v4  }
0x1b6: {  	v4 =	vld [tilespmem:s18+$0x390];
	_ =	sdelay $0x4  }
0x1b7: {  	[tilespmem:s31+$0xA190] =	vst.add.f32.msk $0xffff, v4  }
0x1b8: {  	v4 =	vld [tilespmem:s18+$0x3A0]  }
0x1b9: {  	v5 =	vbroadcast v2, $0x0;
	_ =	sdelay $0x1  }
0x1ba: {  	vm0 =	veq.s32 v5, v0;
	v5 =	vbroadcast v2, $0x1  }
0x1bb: {  	v6 =	vsel vm0, $0x3F800000, v1  }
0x1bc: {  	v3 =	vadd.f32 v6, v3;
	vm13 =	veq.s32 v5, v0;
	v5 =	vbroadcast v2, $0x2;
	[tilespmem:s31+$0xA1A0] =	vst.add.f32.msk $0xffff, v4  }
0x1bd: {  	v4 =	vsel vm13, $0x3F800000, v1;
	v63 =	vld [tilespmem:s18+$0x3B0]  }
0x1be: {  	vm14 =	veq.s32 v5, v0;
	v3 =	vadd.f32 v3, v4;
	v4 =	vbroadcast v2, $0x3  }
0x1bf: {  	v5 =	vsel vm14, $0x3F800000, v1  }
0x1c0: {  	v3 =	vadd.f32 v3, v5;
	vm15 =	veq.s32 v4, v0;
	v4 =	vbroadcast v2, $0x4  }
0x1c1: {  	v5 =	vsel vm15, $0x3F800000, v1  }
0x1c2: {  	v3 =	vadd.f32 v3, v5;
	vm4 =	veq.s32 v4, v0;
	v4 =	vbroadcast v2, $0x5;
	[tilespmem:s31+$0xA1B0] =	vst.add.f32.msk $0xffff, v63  }
0x1c3: {  	v5 =	vsel vm4, $0x3F800000, v1;
	v6 =	vld [tilespmem:s18+$0x3C0]  }
0x1c4: {  	v3 =	vadd.f32 v3, v5;
	vm5 =	veq.s32 v4, v0;
	v4 =	vbroadcast v2, $0x6  }
0x1c5: {  	v5 =	vsel vm5, $0x3F800000, v1  }
0x1c6: {  	v3 =	vadd.f32 v3, v5;
	vm6 =	veq.s32 v4, v0;
	v4 =	vbroadcast v2, $0x7  }
0x1c7: {  	v5 =	vsel vm6, $0x3F800000, v1  }
0x1c8: {  	v3 =	vadd.f32 v3, v5;
	vm7 =	veq.s32 v4, v0;
	v4 =	vbroadcast v2, $0x8;
	[tilespmem:s31+$0xA1C0] =	vst.add.f32.msk $0xffff, v6  }
0x1c9: {  	v5 =	vsel vm7, $0x3F800000, v1;
	v6 =	vld [tilespmem:s18+$0x3D0]  }
0x1ca: {  	v3 =	vadd.f32 v3, v5;
	vm8 =	veq.s32 v4, v0;
	v4 =	vbroadcast v2, $0x9  }
0x1cb: {  	v5 =	vsel vm8, $0x3F800000, v1  }
0x1cc: {  	v3 =	vadd.f32 v3, v5;
	vm9 =	veq.s32 v4, v0;
	v4 =	vbroadcast v2, $0xA  }
0x1cd: {  	v5 =	vsel vm9, $0x3F800000, v1  }
0x1ce: {  	v3 =	vadd.f32 v3, v5;
	vm10 =	veq.s32 v4, v0;
	v4 =	vbroadcast v2, $0xB;
	[tilespmem:s31+$0xA1D0] =	vst.add.f32.msk $0xffff, v6  }
0x1cf: {  	v5 =	vsel vm10, $0x3F800000, v1;
	v6 =	vld [tilespmem:s18+$0x3E0]  }
0x1d0: {  	v3 =	vadd.f32 v3, v5;
	vm11 =	veq.s32 v4, v0;
	v4 =	vbroadcast v2, $0xC  }
0x1d1: {  	v5 =	vsel vm11, $0x3F800000, v1  }
0x1d2: {  	v3 =	vadd.f32 v3, v5;
	vm12 =	veq.s32 v4, v0;
	v4 =	vbroadcast v2, $0xD  }
0x1d3: {  	v5 =	vsel vm12, $0x3F800000, v1  }
0x1d4: {  	v3 =	vadd.f32 v3, v5;
	vm13 =	veq.s32 v4, v0;
	v4 =	vbroadcast v2, $0xE;
	[tilespmem:s31+$0xA1E0] =	vst.add.f32.msk $0xffff, v6  }
0x1d5: {  	p1 =	sne.s32 s16, $0x1;
	v5 =	vsel vm13, $0x3F800000, v1;
	v6 =	vld [tilespmem:s18+$0x3F0]  }
.Ltmp0:
0x1d6: {  	v2 =	vbroadcast v2, $0xF;
	v3 =	vadd.f32 v3, v5;
	vm14 =	veq.s32 v4, v0;
	(pc) =	sbr.rel @p1 .LBB2_2-.Ltmp0, $4  }
0x1d7: {  	v4 =	vsel vm14, $0x3F800000, v1  }
0x1d8: {  	vm15 =	veq.s32 v2, v0;
	v3 =	vadd.f32 v3, v4  }
0x1d9: {  	v2 =	vsel vm15, $0x3F800000, v1  }
0x1da: {  	s17 =	sadd.s32 $0x10, s17;
	s16 =	sadd.s32 $0xFFFFFFFF, s16;
	s18 =	sadd.s32 $0x800, s18;
	v3 =	vadd.f32 v3, v2;
	[tilespmem:s31+$0xA1F0] =	vst.add.f32.msk $0xffff, v6  }
0x1db: {  	_ = 	snop  }
0x1dc: {  	[tilespmem:$0xA980] =	vst v3  }
0x1dd: {  	[hbm4b:s7+s10] =	stream.strided.scatter [tilespmem:s12], [sflag:$0x1], $0x800, s11, s10, $0x38;
	[tilespmem:$0xAA00] =	vst v63  }
0x1de: {  	s15 =	sadd.s32 $0x1, s15;
	_ =	swait.ge [sflag:s13], $0x800  }
0x1df: {  	p1 =	sne.s32 s15, s9;
	[sflag:s13] =	ssyncset.done $0x0  }
.Ltmp1:
0x1e0: {  	[sflag:s13] =	ssyncadd.s32 $0xFFFFF800;
	(pc) =	sbr.rel @p1 .LBB2_1-.Ltmp1, $4  }
0x1e1: {  	[hbm4b:s8+s2] =	stream.linear.scatter [tilespmem:s14], [sflag:$0x1], $0x80, $0x38;
	[tilespmem:$0xAA00] =	vst v63  }
0x1e2: {  	_ =	swait.ge [sflag:s13], $0x80  }
0x1e3: {  	[sflag:s13] =	ssyncset.done $0x0  }
0x1e4: {  	[sflag:s13] =	ssyncadd.s32 $0xFFFFFF80  }
0x1e5: {  	_ =	sfence.sel $0x180000  }
0x1e6: {  	[bflag:$0x0] =	sbarrier.arrive $0xFFFF  }
0x1e7: {  	p0 =	sne.s32 s0, $0x0;
	_ =	strace $0x90000047  }
0x1e8: {  	s0 =	sadd.s32 @!p0 $0x100000, s1;
	[bflag:$0x2] =	sbarrier.arrive $0xFFFF  }
0x1e9: {  	[sflag:s0] =	ssyncadd.tile.s32 @!p0 $0x1;
	_ =	shalt  }
.Lfunc_end2:
_tile_overlayer_lowered:
.L_overlay_start_2:
0x1ea: {  	(tag) =	ssettag $0x2  }
0x1eb: {  	s0 =	rddreg [dreg:$0x0];
	s2 =	stileid.u32  }
0x1ec: {  	s1 =	rddreg [dreg:$0x1];
	p0 =	sne.s32 s2, $0x0  }
0x1ed: {  	s3 =	rddreg [dreg:$0x2];
	[bflag:$0x3] =	sbarrier.arrive $0xFFFF;
	s2 =	simm.s32 @!p0 $0x1C01  }
0x1ee: {  	[timem:s3], [sflag:s2] =	dma.local @!p0 [hbm:s0], s1  }
0x1ef: {  	s0 =	simm.s32 @!p0 $0x1  }
0x1f0: {  	_ =	swait.ge @!p0 [sflag:s0], s1  }
0x1f1: {  	s1 =	ssub.s32 @!p0 $0x0, s1;
	[sflag:s0] =	ssyncset.done @!p0 $0x0  }
0x1f2: {  	[sflag:s0] =	ssyncadd.s32 @!p0 s1  }
0x1f3: {  	[bflag:$0x3] =	sbarrier.arrive $0xFFFF  }
0x1f4: {  	_ =	shalt  }

</sc_bundles>
